<compile_context>
chip_gen: v7x
topology: tpu7x:2x2x1
jax: 0.10.2.dev20260603
libtpu: 0.0.44.dev20260713+nightly
codegen_flags: <defaults>
</compile_context>

<pallas_src>
import jax
import jax.numpy as jnp
from jax import lax
from jax.experimental import pallas as pl
from jax.experimental.pallas import tpu as pltpu
from jax.experimental.pallas import tpu_sc as plsc

N = 10000
E = 320000
D = 128
NC = 2
NS = 16
NW = NC * NS
CHUNK = 96
GK = 6
NCHUNK = 108
NGRP = NCHUNK // GK
EPT = NCHUNK * CHUNK
EPAD = EPT * NW
NPAD = 10240
SLAB = NPAD // NS

_MESH = plsc.VectorSubcoreMesh(
    core_axis_name="c", subcore_axis_name="s", num_cores=NC, num_subcores=NS
)


def _agg_body(t_hbm, srcg_hbm, dstg_hbm, zD_hbm, out_hbm,
              acc, srcg, dstg, rows, rsem0, rsem1, rsem2, isem):
    c = lax.axis_index("c")
    s = lax.axis_index("s")
    r0 = s * SLAB
    pltpu.sync_copy(zD_hbm, acc.at[pl.ds(r0, SLAB)])
    pltpu.sync_copy(srcg_hbm.at[c, s, 0], srcg.at[0])
    pltpu.sync_copy(dstg_hbm.at[c, s, 0], dstg.at[0])
    pltpu.async_copy(srcg_hbm.at[c, s, 1], srcg.at[1], isem)
    pltpu.async_copy(dstg_hbm.at[c, s, 1], dstg.at[1], isem)
    plsc.subcore_barrier()

    rsems = (rsem0, rsem1, rsem2)
    for b in range(3):
        pltpu.async_copy(t_hbm.at[srcg.at[0, b]], rows.at[b], rsems[b])

    def group(g, carry):
        gp = lax.rem(g, 2)
        gp1 = 1 - gp

        @pl.when(g < NGRP - 1)
        def _():
            pltpu.make_async_copy(srcg_hbm.at[c, s, g + 1], srcg.at[gp1], isem).wait()
            pltpu.make_async_copy(dstg_hbm.at[c, s, g + 1], dstg.at[gp1], isem).wait()

        for jj in range(GK):
            b = jj % 3
            pltpu.make_async_copy(
                t_hbm.at[srcg.at[gp, jj]], rows.at[b], rsems[b]).wait()
            pltpu.sync_copy(rows.at[b], acc.at[dstg.at[gp, jj]], add=True)
            if jj <= GK - 4:
                pltpu.async_copy(t_hbm.at[srcg.at[gp, jj + 3]], rows.at[b], rsems[b])
            else:
                @pl.when(g < NGRP - 1)
                def _():
                    pltpu.async_copy(
                        t_hbm.at[srcg.at[gp1, jj + 3 - GK]], rows.at[b], rsems[b])

        @pl.when(g < NGRP - 2)
        def _():
            pltpu.async_copy(srcg_hbm.at[c, s, g + 2], srcg.at[gp], isem)
            pltpu.async_copy(dstg_hbm.at[c, s, g + 2], dstg.at[gp], isem)

        return carry

    lax.fori_loop(0, NGRP, group, 0)
    plsc.subcore_barrier()
    pltpu.sync_copy(acc.at[pl.ds(r0, SLAB)], out_hbm.at[c, pl.ds(r0, SLAB)])


_agg_call = pl.kernel(
    _agg_body,
    out_type=jax.ShapeDtypeStruct((NC, NPAD, D), jnp.float32),
    mesh=_MESH,
    scratch_types=[
        pltpu.VMEM_SHARED((NPAD, D), jnp.float32),
        pltpu.VMEM((2, GK, CHUNK), jnp.int32),
        pltpu.VMEM((2, GK, CHUNK), jnp.int32),
        pltpu.VMEM((3, CHUNK, D), jnp.float32),
        pltpu.SemaphoreType.DMA,
        pltpu.SemaphoreType.DMA,
        pltpu.SemaphoreType.DMA,
        pltpu.SemaphoreType.DMA,
    ],
)


def _deg_body(dst_hbm, ones_hbm, z16_hbm, out_hbm, acc, dstv, onesv):
    c = lax.axis_index("c")
    s = lax.axis_index("s")
    r0 = s * SLAB
    pltpu.sync_copy(z16_hbm, acc.at[pl.ds(r0, SLAB)])
    pltpu.sync_copy(dst_hbm.at[c, s], dstv)
    pltpu.sync_copy(ones_hbm, onesv)
    plsc.subcore_barrier()

    def step(j, carry):
        pltpu.sync_copy(onesv, acc.at[dstv.at[j]], add=True)
        return carry

    lax.fori_loop(0, NCHUNK, step, 0)
    plsc.subcore_barrier()
    pltpu.sync_copy(acc.at[pl.ds(r0, SLAB)], out_hbm.at[c, pl.ds(r0, SLAB)])


_deg_call = pl.kernel(
    _deg_body,
    out_type=jax.ShapeDtypeStruct((NC, NPAD, 16), jnp.float32),
    mesh=_MESH,
    compiler_params=pltpu.CompilerParams(use_tc_tiling_on_sc=False),
    scratch_types=[
        pltpu.VMEM_SHARED((NPAD, 16), jnp.float32),
        pltpu.VMEM((NCHUNK, CHUNK), jnp.int32),
        pltpu.VMEM((CHUNK, 16), jnp.float32),
    ],
)


_RB = 1024


def _row_mask(i):
    rid = lax.broadcasted_iota(jnp.int32, (_RB, 1), 0) + i * _RB
    return rid < N


def _tc0_body(degp_ref, x_ref, dinv_ref, t0_ref):
    deg = degp_ref[0, :, 0:1] + degp_ref[1, :, 0:1] + 1.0
    di = lax.rsqrt(deg)
    dinv_ref[...] = di
    t0_ref[...] = jnp.where(_row_mask(pl.program_id(0)), x_ref[...] * di, 0.0)


def _tc0(degp, x):
    return pl.pallas_call(
        _tc0_body,
        grid=(NPAD // _RB,),
        in_specs=[
            pl.BlockSpec((NC, _RB, 16), lambda i: (0, i, 0)),
            pl.BlockSpec((_RB, D), lambda i: (i, 0)),
        ],
        out_specs=[
            pl.BlockSpec((_RB, 1), lambda i: (i, 0)),
            pl.BlockSpec((_RB, D), lambda i: (i, 0)),
        ],
        out_shape=[
            jax.ShapeDtypeStruct((N, 1), jnp.float32),
            jax.ShapeDtypeStruct((NPAD, D), jnp.float32),
        ],
    )(degp, x)


def _layer_body(s_ref, t_ref, h_ref, dinv_ref, w_ref, b_ref, g_ref, lb_ref,
                h_out, t_out):
    di = dinv_ref[...]
    agg = (s_ref[0] + s_ref[1] + t_ref[...]) * di
    conv = jnp.dot(agg, w_ref[...], preferred_element_type=jnp.float32)
    a = jnp.maximum(conv + b_ref[...], 0.0)
    mu = jnp.mean(a, axis=1, keepdims=True)
    var = jnp.mean((a - mu) ** 2, axis=1, keepdims=True)
    h = (a - mu) * lax.rsqrt(var + 1e-5) * g_ref[...] + lb_ref[...] + h_ref[...]
    h_out[...] = h
    t_out[...] = jnp.where(_row_mask(pl.program_id(0)), h * di, 0.0)


def _layer(s2, t, h, dinv, w, b, g, lb):
    return pl.pallas_call(
        _layer_body,
        grid=(NPAD // _RB,),
        in_specs=[
            pl.BlockSpec((NC, _RB, D), lambda i: (0, i, 0)),
            pl.BlockSpec((_RB, D), lambda i: (i, 0)),
            pl.BlockSpec((_RB, D), lambda i: (i, 0)),
            pl.BlockSpec((_RB, 1), lambda i: (i, 0)),
            pl.BlockSpec((D, D), lambda i: (0, 0)),
            pl.BlockSpec((1, D), lambda i: (0, 0)),
            pl.BlockSpec((1, D), lambda i: (0, 0)),
            pl.BlockSpec((1, D), lambda i: (0, 0)),
        ],
        out_specs=[
            pl.BlockSpec((_RB, D), lambda i: (i, 0)),
            pl.BlockSpec((_RB, D), lambda i: (i, 0)),
        ],
        out_shape=[
            jax.ShapeDtypeStruct((N, D), jnp.float32),
            jax.ShapeDtypeStruct((NPAD, D), jnp.float32),
        ],
    )(s2, t, h, dinv, w, b, g, lb)


def _final_body(s_ref, t_ref, dinv_ref, w_ref, b_ref, out_ref):
    agg = (s_ref[0] + s_ref[1] + t_ref[...]) * dinv_ref[...]
    out_ref[...] = jnp.dot(agg, w_ref[...], preferred_element_type=jnp.float32) + b_ref[...]


def _final(s2, t, dinv, w, b):
    return pl.pallas_call(
        _final_body,
        grid=(NPAD // _RB,),
        in_specs=[
            pl.BlockSpec((NC, _RB, D), lambda i: (0, i, 0)),
            pl.BlockSpec((_RB, D), lambda i: (i, 0)),
            pl.BlockSpec((_RB, 1), lambda i: (i, 0)),
            pl.BlockSpec((D, 1), lambda i: (0, 0)),
            pl.BlockSpec((1, 1), lambda i: (0, 0)),
        ],
        out_specs=pl.BlockSpec((_RB, 1), lambda i: (i, 0)),
        out_shape=jax.ShapeDtypeStruct((N, 1), jnp.float32),
    )(s2, t, dinv, w, b)


@jax.jit
def kernel(x, edge_index, W0, b0, W1, b1, W2, b2, ln0_g, ln0_b, ln1_g, ln1_b):
    pad = N + (jnp.arange(EPAD - E, dtype=jnp.int32) % (NPAD - N))
    srcp = jnp.concatenate([edge_index[0], pad])
    dstp = jnp.concatenate([edge_index[1], pad])
    src = srcp.reshape(NC, NS, NGRP, GK, CHUNK)
    dst = dstp.reshape(NC, NS, NGRP, GK, CHUNK)
    dst4 = dstp.reshape(NC, NS, NCHUNK, CHUNK)
    zD = jnp.zeros((SLAB, D), jnp.float32)
    ones16 = jnp.ones((CHUNK, 16), jnp.float32)
    z16 = jnp.zeros((SLAB, 16), jnp.float32)

    degp = _deg_call(dst4, ones16, z16)
    dinv, t0 = _tc0(degp, x)
    s0 = _agg_call(t0, src, dst, zD)
    h1, t1 = _layer(s0, t0, x, dinv, W0, b0.reshape(1, D),
                    ln0_g.reshape(1, D), ln0_b.reshape(1, D))
    s1 = _agg_call(t1, src, dst, zD)
    h2, t2 = _layer(s1, t1, h1, dinv, W1, b1.reshape(1, D),
                    ln1_g.reshape(1, D), ln1_b.reshape(1, D))
    s2 = _agg_call(t2, src, dst, zD)
    return _final(s2, t2, dinv, W2, b2.reshape(1, 1))

# --- scband reference (transcript-rebuilt; emitter-appended) ---
"""Pipeline reference for scband-gcntraffic-predictor-27513560498858 (READ-ONLY COPY).

The authoritative reference and input builder live on the scoring server;
editing this copy changes nothing except your own understanding.
"""

import jax, jax.numpy as jnp
import numpy as np

N_NODES = 10000
N_EDGES = 320000
D_IN = 128
D_HID = 128
D_OUT = 1


def _glorot(key, shape):
    fan_in, fan_out = shape[0], shape[1]
    limit = jnp.sqrt(6.0 / (fan_in + fan_out))
    return jax.random.uniform(key, shape, dtype=jnp.float32, minval=-limit, maxval=limit)


def setup_inputs(seed: int = 0) -> dict:
    key = jax.random.key(seed)
    ks = jax.random.split(key, 8)
    x = jax.random.normal(ks[0], (N_NODES, D_IN), dtype=jnp.float32)
    edge_index = jax.random.randint(ks[1], (2, N_EDGES), 0, N_NODES, dtype=jnp.int32)
    W0 = _glorot(ks[2], (D_IN, D_HID))
    b0 = jnp.zeros((D_HID,), dtype=jnp.float32)
    W1 = _glorot(ks[3], (D_HID, D_HID))
    b1 = jnp.zeros((D_HID,), dtype=jnp.float32)
    W2 = _glorot(ks[4], (D_HID, D_OUT))
    b2 = jnp.zeros((D_OUT,), dtype=jnp.float32)
    ln0_g = jnp.ones((D_HID,), dtype=jnp.float32)
    ln0_b = jnp.zeros((D_HID,), dtype=jnp.float32)
    ln1_g = jnp.ones((D_HID,), dtype=jnp.float32)
    ln1_b = jnp.zeros((D_HID,), dtype=jnp.float32)
    return {"x": x, "edge_index": edge_index, "W0": W0, "b0": b0, "W1": W1, "b1": b1, "W2": W2, "b2": b2, "ln0_g": ln0_g, "ln0_b": ln0_b, "ln1_g": ln1_g, "ln1_b": ln1_b}


def _layer_norm(h, g, b):
    mu = jnp.mean(h, axis=-1, keepdims=True)
    var = jnp.mean((h - mu) ** 2, axis=-1, keepdims=True)
    return (h - mu) / jnp.sqrt(var + 1e-5) * g + b


def _gcn_conv(h, src, dst, W, b, n):
    # PyG GCNConv: add self-loops, symmetric normalization, linear, scatter-add, bias
    loop = jnp.arange(n, dtype=src.dtype)
    s = jnp.concatenate([src, loop])
    d = jnp.concatenate([dst, loop])
    deg = jax.ops.segment_sum(jnp.ones(s.shape[0], dtype=h.dtype), d, num_segments=n)
    dinv = jnp.where(deg > 0, 1.0 / jnp.sqrt(deg), 0.0)
    norm = dinv[s] * dinv[d]
    ht = h @ W
    msgs = ht[s] * norm[:, None]
    out = jax.ops.segment_sum(msgs, d, num_segments=n)
    return out + b


def reference(x, edge_index, W0, b0, W1, b1, W2, b2, ln0_g, ln0_b, ln1_g, ln1_b):
    src, dst = edge_index[0], edge_index[1]
    n = x.shape[0]
    # Layer 0 (with relu, layernorm, skip); dropout is identity in eval mode
    r = x
    h = _gcn_conv(x, src, dst, W0, b0, n)
    h = jax.nn.relu(h)
    h = _layer_norm(h, ln0_g, ln0_b)
    h = h + r
    # Layer 1
    r = h
    h = _gcn_conv(h, src, dst, W1, b1, n)
    h = jax.nn.relu(h)
    h = _layer_norm(h, ln1_g, ln1_b)
    h = h + r
    # Layer 2 (output layer, no activation/norm/skip)
    h = _gcn_conv(h, src, dst, W2, b2, n)
    return h

if __name__ == "__main__":
    import jax
    _d = setup_inputs()
    print(jax.jit(kernel)(*tuple(_d.values())))

</pallas_src>

<mosaic_0001>
#map = affine_map<(d0, d1) -> (0, 0)>
#map1 = affine_map<(d0, d1) -> (0, 0, 0, 0, 0)>
#map2 = affine_map<(d0, d1) -> (0, 0, 0)>
module attributes {stable_mosaic.version = 14 : i64} {
  func.func @_agg_body(%arg0: i32, %arg1: i32, %arg2: memref<10240x128xf32, #tpu.memory_space<hbm>>, %arg3: memref<2x16x18x6x96xi32, #tpu.memory_space<hbm>>, %arg4: memref<2x16x18x6x96xi32, #tpu.memory_space<hbm>>, %arg5: memref<640x128xf32, #tpu.memory_space<hbm>>, %arg6: memref<2x10240x128xf32, #tpu.memory_space<hbm>>, %arg7: memref<10240x128xf32, #tpu.memory_space<vmem_shared>>, %arg8: memref<2x6x96xi32, #tpu.memory_space<vmem>>, %arg9: memref<2x6x96xi32, #tpu.memory_space<vmem>>, %arg10: memref<3x96x128xf32, #tpu.memory_space<vmem>>, %arg11: memref<!tpu.dma_semaphore, #tpu.memory_space<semaphore_mem>>, %arg12: memref<!tpu.dma_semaphore, #tpu.memory_space<semaphore_mem>>, %arg13: memref<!tpu.dma_semaphore, #tpu.memory_space<semaphore_mem>>, %arg14: memref<!tpu.dma_semaphore, #tpu.memory_space<semaphore_mem>>) attributes {dimension_semantics = [#tpu.dimension_semantics<core_parallel>, #tpu.dimension_semantics<subcore_parallel>], iteration_bounds = array<i64: 2, 16>, scalar_prefetch = 0 : i64, scratch_operands = 8 : i64, tpu.core_type = #tpu.core_type<sc_vector_subcore>, window_params = [{transform_indices = #map}, {transform_indices = #map1}, {transform_indices = #map1}, {transform_indices = #map}, {transform_indices = #map2}]} {
    %mul3A = arith.constant 640 : i32
    %mul3A_0 = arith.muli %arg1, %mul3A : i32
    "tpu.region"() ({
      %run_scoped3A_84 = tpu.sem_alloc : memref<!tpu.dma_semaphore, #tpu.memory_space<semaphore_mem>>
      %dma_start3A_85 = arith.constant 0 : i32
      %dma_start3A_86 = tpu.memref_slice %arg7[%mul3A_0, %dma_start3A_85] : memref<10240x128xf32, #tpu.memory_space<vmem_shared>> -> memref<640x128xf32, #tpu.memory_space<vmem_shared>>
      tpu.enqueue_dma source(%arg5 : memref<640x128xf32, #tpu.memory_space<hbm>>) target(%dma_start3A_86 : memref<640x128xf32, #tpu.memory_space<vmem_shared>>) target_semaphore(%run_scoped3A_84 : memref<!tpu.dma_semaphore, #tpu.memory_space<semaphore_mem>>)
      %dma_wait3A = arith.constant 0 : i32
      %dma_wait3A_87 = tpu.memref_slice %arg7[%mul3A_0, %dma_wait3A] : memref<10240x128xf32, #tpu.memory_space<vmem_shared>> -> memref<640x128xf32, #tpu.memory_space<vmem_shared>>
      tpu.wait_dma2 semaphore(%run_scoped3A_84 : memref<!tpu.dma_semaphore, #tpu.memory_space<semaphore_mem>>) src(%arg5 : memref<640x128xf32, #tpu.memory_space<hbm>>) dst(%dma_wait3A_87 : memref<640x128xf32, #tpu.memory_space<vmem_shared>>)
      tpu.yield
    }) : () -> ()
    %run_scoped3A = arith.constant 0 : i32
    %run_scoped3A_1 = arith.constant 0 : i32
    "tpu.region"() ({
      %run_scoped3A_84 = tpu.sem_alloc : memref<!tpu.dma_semaphore, #tpu.memory_space<semaphore_mem>>
      %dma_start3A_85 = arith.constant 0 : i32
      %dma_start3A_86 = arith.constant 0 : i32
      %dma_start3A_87 = tpu.memref_slice %arg8[%run_scoped3A_1, %dma_start3A_85, %dma_start3A_86] : memref<2x6x96xi32, #tpu.memory_space<vmem>> -> memref<1x6x96xi32, #tpu.memory_space<vmem>>
      %dma_start3A_88 = tpu.memref_squeeze %dma_start3A_87 : memref<1x6x96xi32, #tpu.memory_space<vmem>> -> memref<6x96xi32, #tpu.memory_space<vmem>>
      %dma_start3A_89 = arith.constant 0 : i32
      %dma_start3A_90 = arith.constant 0 : i32
      %dma_start3A_91 = tpu.memref_slice %arg3[%arg0, %arg1, %run_scoped3A, %dma_start3A_89, %dma_start3A_90] : memref<2x16x18x6x96xi32, #tpu.memory_space<hbm>> -> memref<1x1x1x6x96xi32, #tpu.memory_space<hbm>>
      %dma_start3A_92 = tpu.memref_squeeze %dma_start3A_91 : memref<1x1x1x6x96xi32, #tpu.memory_space<hbm>> -> memref<6x96xi32, #tpu.memory_space<hbm>>
      %dma_start3A_93 = arith.constant 0 : i32
      %dma_start3A_94 = arith.constant 0 : i32
      %dma_start3A_95 = tpu.memref_slice %arg8[%run_scoped3A_1, %dma_start3A_93, %dma_start3A_94] : memref<2x6x96xi32, #tpu.memory_space<vmem>> -> memref<1x6x96xi32, #tpu.memory_space<vmem>>
      %dma_start3A_96 = tpu.memref_squeeze %dma_start3A_95 : memref<1x6x96xi32, #tpu.memory_space<vmem>> -> memref<6x96xi32, #tpu.memory_space<vmem>>
      %dma_start3A_97 = arith.constant 0 : i32
      %dma_start3A_98 = arith.constant 0 : i32
      %dma_start3A_99 = tpu.memref_slice %arg3[%arg0, %arg1, %run_scoped3A, %dma_start3A_97, %dma_start3A_98] : memref<2x16x18x6x96xi32, #tpu.memory_space<hbm>> -> memref<1x1x1x6x96xi32, #tpu.memory_space<hbm>>
      %dma_start3A_100 = tpu.memref_squeeze %dma_start3A_99 : memref<1x1x1x6x96xi32, #tpu.memory_space<hbm>> -> memref<6x96xi32, #tpu.memory_space<hbm>>
      tpu.enqueue_dma source(%dma_start3A_100 : memref<6x96xi32, #tpu.memory_space<hbm>>) target(%dma_start3A_96 : memref<6x96xi32, #tpu.memory_space<vmem>>) target_semaphore(%run_scoped3A_84 : memref<!tpu.dma_semaphore, #tpu.memory_space<semaphore_mem>>)
      %dma_wait3A = arith.constant 0 : i32
      %dma_wait3A_101 = arith.constant 0 : i32
      %dma_wait3A_102 = tpu.memref_slice %arg8[%run_scoped3A_1, %dma_wait3A, %dma_wait3A_101] : memref<2x6x96xi32, #tpu.memory_space<vmem>> -> memref<1x6x96xi32, #tpu.memory_space<vmem>>
      %dma_wait3A_103 = tpu.memref_squeeze %dma_wait3A_102 : memref<1x6x96xi32, #tpu.memory_space<vmem>> -> memref<6x96xi32, #tpu.memory_space<vmem>>
      %dma_wait3A_104 = arith.constant 0 : i32
      %dma_wait3A_105 = arith.constant 0 : i32
      %dma_wait3A_106 = tpu.memref_slice %arg3[%arg0, %arg1, %run_scoped3A, %dma_wait3A_104, %dma_wait3A_105] : memref<2x16x18x6x96xi32, #tpu.memory_space<hbm>> -> memref<1x1x1x6x96xi32, #tpu.memory_space<hbm>>
      %dma_wait3A_107 = tpu.memref_squeeze %dma_wait3A_106 : memref<1x1x1x6x96xi32, #tpu.memory_space<hbm>> -> memref<6x96xi32, #tpu.memory_space<hbm>>
      %dma_wait3A_108 = arith.constant 0 : i32
      %dma_wait3A_109 = arith.constant 0 : i32
      %dma_wait3A_110 = tpu.memref_slice %arg8[%run_scoped3A_1, %dma_wait3A_108, %dma_wait3A_109] : memref<2x6x96xi32, #tpu.memory_space<vmem>> -> memref<1x6x96xi32, #tpu.memory_space<vmem>>
      %dma_wait3A_111 = tpu.memref_squeeze %dma_wait3A_110 : memref<1x6x96xi32, #tpu.memory_space<vmem>> -> memref<6x96xi32, #tpu.memory_space<vmem>>
      %dma_wait3A_112 = arith.constant 0 : i32
      %dma_wait3A_113 = arith.constant 0 : i32
      %dma_wait3A_114 = tpu.memref_slice %arg3[%arg0, %arg1, %run_scoped3A, %dma_wait3A_112, %dma_wait3A_113] : memref<2x16x18x6x96xi32, #tpu.memory_space<hbm>> -> memref<1x1x1x6x96xi32, #tpu.memory_space<hbm>>
      %dma_wait3A_115 = tpu.memref_squeeze %dma_wait3A_114 : memref<1x1x1x6x96xi32, #tpu.memory_space<hbm>> -> memref<6x96xi32, #tpu.memory_space<hbm>>
      tpu.wait_dma2 semaphore(%run_scoped3A_84 : memref<!tpu.dma_semaphore, #tpu.memory_space<semaphore_mem>>) src(%dma_wait3A_115 : memref<6x96xi32, #tpu.memory_space<hbm>>) dst(%dma_wait3A_111 : memref<6x96xi32, #tpu.memory_space<vmem>>)
      tpu.yield
    }) : () -> ()
    %run_scoped3A_2 = arith.constant 0 : i32
    %run_scoped3A_3 = arith.constant 0 : i32
    "tpu.region"() ({
      %run_scoped3A_84 = tpu.sem_alloc : memref<!tpu.dma_semaphore, #tpu.memory_space<semaphore_mem>>
      %dma_start3A_85 = arith.constant 0 : i32
      %dma_start3A_86 = arith.constant 0 : i32
      %dma_start3A_87 = tpu.memref_slice %arg9[%run_scoped3A_3, %dma_start3A_85, %dma_start3A_86] : memref<2x6x96xi32, #tpu.memory_space<vmem>> -> memref<1x6x96xi32, #tpu.memory_space<vmem>>
      %dma_start3A_88 = tpu.memref_squeeze %dma_start3A_87 : memref<1x6x96xi32, #tpu.memory_space<vmem>> -> memref<6x96xi32, #tpu.memory_space<vmem>>
      %dma_start3A_89 = arith.constant 0 : i32
      %dma_start3A_90 = arith.constant 0 : i32
      %dma_start3A_91 = tpu.memref_slice %arg4[%arg0, %arg1, %run_scoped3A_2, %dma_start3A_89, %dma_start3A_90] : memref<2x16x18x6x96xi32, #tpu.memory_space<hbm>> -> memref<1x1x1x6x96xi32, #tpu.memory_space<hbm>>
      %dma_start3A_92 = tpu.memref_squeeze %dma_start3A_91 : memref<1x1x1x6x96xi32, #tpu.memory_space<hbm>> -> memref<6x96xi32, #tpu.memory_space<hbm>>
      %dma_start3A_93 = arith.constant 0 : i32
      %dma_start3A_94 = arith.constant 0 : i32
      %dma_start3A_95 = tpu.memref_slice %arg9[%run_scoped3A_3, %dma_start3A_93, %dma_start3A_94] : memref<2x6x96xi32, #tpu.memory_space<vmem>> -> memref<1x6x96xi32, #tpu.memory_space<vmem>>
      %dma_start3A_96 = tpu.memref_squeeze %dma_start3A_95 : memref<1x6x96xi32, #tpu.memory_space<vmem>> -> memref<6x96xi32, #tpu.memory_space<vmem>>
      %dma_start3A_97 = arith.constant 0 : i32
      %dma_start3A_98 = arith.constant 0 : i32
      %dma_start3A_99 = tpu.memref_slice %arg4[%arg0, %arg1, %run_scoped3A_2, %dma_start3A_97, %dma_start3A_98] : memref<2x16x18x6x96xi32, #tpu.memory_space<hbm>> -> memref<1x1x1x6x96xi32, #tpu.memory_space<hbm>>
      %dma_start3A_100 = tpu.memref_squeeze %dma_start3A_99 : memref<1x1x1x6x96xi32, #tpu.memory_space<hbm>> -> memref<6x96xi32, #tpu.memory_space<hbm>>
      tpu.enqueue_dma source(%dma_start3A_100 : memref<6x96xi32, #tpu.memory_space<hbm>>) target(%dma_start3A_96 : memref<6x96xi32, #tpu.memory_space<vmem>>) target_semaphore(%run_scoped3A_84 : memref<!tpu.dma_semaphore, #tpu.memory_space<semaphore_mem>>)
      %dma_wait3A = arith.constant 0 : i32
      %dma_wait3A_101 = arith.constant 0 : i32
      %dma_wait3A_102 = tpu.memref_slice %arg9[%run_scoped3A_3, %dma_wait3A, %dma_wait3A_101] : memref<2x6x96xi32, #tpu.memory_space<vmem>> -> memref<1x6x96xi32, #tpu.memory_space<vmem>>
      %dma_wait3A_103 = tpu.memref_squeeze %dma_wait3A_102 : memref<1x6x96xi32, #tpu.memory_space<vmem>> -> memref<6x96xi32, #tpu.memory_space<vmem>>
      %dma_wait3A_104 = arith.constant 0 : i32
      %dma_wait3A_105 = arith.constant 0 : i32
      %dma_wait3A_106 = tpu.memref_slice %arg4[%arg0, %arg1, %run_scoped3A_2, %dma_wait3A_104, %dma_wait3A_105] : memref<2x16x18x6x96xi32, #tpu.memory_space<hbm>> -> memref<1x1x1x6x96xi32, #tpu.memory_space<hbm>>
      %dma_wait3A_107 = tpu.memref_squeeze %dma_wait3A_106 : memref<1x1x1x6x96xi32, #tpu.memory_space<hbm>> -> memref<6x96xi32, #tpu.memory_space<hbm>>
      %dma_wait3A_108 = arith.constant 0 : i32
      %dma_wait3A_109 = arith.constant 0 : i32
      %dma_wait3A_110 = tpu.memref_slice %arg9[%run_scoped3A_3, %dma_wait3A_108, %dma_wait3A_109] : memref<2x6x96xi32, #tpu.memory_space<vmem>> -> memref<1x6x96xi32, #tpu.memory_space<vmem>>
      %dma_wait3A_111 = tpu.memref_squeeze %dma_wait3A_110 : memref<1x6x96xi32, #tpu.memory_space<vmem>> -> memref<6x96xi32, #tpu.memory_space<vmem>>
      %dma_wait3A_112 = arith.constant 0 : i32
      %dma_wait3A_113 = arith.constant 0 : i32
      %dma_wait3A_114 = tpu.memref_slice %arg4[%arg0, %arg1, %run_scoped3A_2, %dma_wait3A_112, %dma_wait3A_113] : memref<2x16x18x6x96xi32, #tpu.memory_space<hbm>> -> memref<1x1x1x6x96xi32, #tpu.memory_space<hbm>>
      %dma_wait3A_115 = tpu.memref_squeeze %dma_wait3A_114 : memref<1x1x1x6x96xi32, #tpu.memory_space<hbm>> -> memref<6x96xi32, #tpu.memory_space<hbm>>
      tpu.wait_dma2 semaphore(%run_scoped3A_84 : memref<!tpu.dma_semaphore, #tpu.memory_space<semaphore_mem>>) src(%dma_wait3A_115 : memref<6x96xi32, #tpu.memory_space<hbm>>) dst(%dma_wait3A_111 : memref<6x96xi32, #tpu.memory_space<vmem>>)
      tpu.yield
    }) : () -> ()
    %dma_start3A = arith.constant 1 : i32
    %dma_start3A_4 = arith.constant 1 : i32
    %dma_start3A_5 = arith.constant 0 : i32
    %dma_start3A_6 = arith.constant 0 : i32
    %dma_start3A_7 = tpu.memref_slice %arg8[%dma_start3A_4, %dma_start3A_5, %dma_start3A_6] : memref<2x6x96xi32, #tpu.memory_space<vmem>> -> memref<1x6x96xi32, #tpu.memory_space<vmem>>
    %dma_start3A_8 = tpu.memref_squeeze %dma_start3A_7 : memref<1x6x96xi32, #tpu.memory_space<vmem>> -> memref<6x96xi32, #tpu.memory_space<vmem>>
    %dma_start3A_9 = arith.constant 0 : i32
    %dma_start3A_10 = arith.constant 0 : i32
    %dma_start3A_11 = tpu.memref_slice %arg3[%arg0, %arg1, %dma_start3A, %dma_start3A_9, %dma_start3A_10] : memref<2x16x18x6x96xi32, #tpu.memory_space<hbm>> -> memref<1x1x1x6x96xi32, #tpu.memory_space<hbm>>
    %dma_start3A_12 = tpu.memref_squeeze %dma_start3A_11 : memref<1x1x1x6x96xi32, #tpu.memory_space<hbm>> -> memref<6x96xi32, #tpu.memory_space<hbm>>
    %dma_start3A_13 = arith.constant 0 : i32
    %dma_start3A_14 = arith.constant 0 : i32
    %dma_start3A_15 = tpu.memref_slice %arg8[%dma_start3A_4, %dma_start3A_13, %dma_start3A_14] : memref<2x6x96xi32, #tpu.memory_space<vmem>> -> memref<1x6x96xi32, #tpu.memory_space<vmem>>
    %dma_start3A_16 = tpu.memref_squeeze %dma_start3A_15 : memref<1x6x96xi32, #tpu.memory_space<vmem>> -> memref<6x96xi32, #tpu.memory_space<vmem>>
    %dma_start3A_17 = arith.constant 0 : i32
    %dma_start3A_18 = arith.constant 0 : i32
    %dma_start3A_19 = tpu.memref_slice %arg3[%arg0, %arg1, %dma_start3A, %dma_start3A_17, %dma_start3A_18] : memref<2x16x18x6x96xi32, #tpu.memory_space<hbm>> -> memref<1x1x1x6x96xi32, #tpu.memory_space<hbm>>
    %dma_start3A_20 = tpu.memref_squeeze %dma_start3A_19 : memref<1x1x1x6x96xi32, #tpu.memory_space<hbm>> -> memref<6x96xi32, #tpu.memory_space<hbm>>
    tpu.enqueue_dma source(%dma_start3A_20 : memref<6x96xi32, #tpu.memory_space<hbm>>) target(%dma_start3A_16 : memref<6x96xi32, #tpu.memory_space<vmem>>) target_semaphore(%arg14 : memref<!tpu.dma_semaphore, #tpu.memory_space<semaphore_mem>>)
    %dma_start3A_21 = arith.constant 1 : i32
    %dma_start3A_22 = arith.constant 1 : i32
    %dma_start3A_23 = arith.constant 0 : i32
    %dma_start3A_24 = arith.constant 0 : i32
    %dma_start3A_25 = tpu.memref_slice %arg9[%dma_start3A_22, %dma_start3A_23, %dma_start3A_24] : memref<2x6x96xi32, #tpu.memory_space<vmem>> -> memref<1x6x96xi32, #tpu.memory_space<vmem>>
    %dma_start3A_26 = tpu.memref_squeeze %dma_start3A_25 : memref<1x6x96xi32, #tpu.memory_space<vmem>> -> memref<6x96xi32, #tpu.memory_space<vmem>>
    %dma_start3A_27 = arith.constant 0 : i32
    %dma_start3A_28 = arith.constant 0 : i32
    %dma_start3A_29 = tpu.memref_slice %arg4[%arg0, %arg1, %dma_start3A_21, %dma_start3A_27, %dma_start3A_28] : memref<2x16x18x6x96xi32, #tpu.memory_space<hbm>> -> memref<1x1x1x6x96xi32, #tpu.memory_space<hbm>>
    %dma_start3A_30 = tpu.memref_squeeze %dma_start3A_29 : memref<1x1x1x6x96xi32, #tpu.memory_space<hbm>> -> memref<6x96xi32, #tpu.memory_space<hbm>>
    %dma_start3A_31 = arith.constant 0 : i32
    %dma_start3A_32 = arith.constant 0 : i32
    %dma_start3A_33 = tpu.memref_slice %arg9[%dma_start3A_22, %dma_start3A_31, %dma_start3A_32] : memref<2x6x96xi32, #tpu.memory_space<vmem>> -> memref<1x6x96xi32, #tpu.memory_space<vmem>>
    %dma_start3A_34 = tpu.memref_squeeze %dma_start3A_33 : memref<1x6x96xi32, #tpu.memory_space<vmem>> -> memref<6x96xi32, #tpu.memory_space<vmem>>
    %dma_start3A_35 = arith.constant 0 : i32
    %dma_start3A_36 = arith.constant 0 : i32
    %dma_start3A_37 = tpu.memref_slice %arg4[%arg0, %arg1, %dma_start3A_21, %dma_start3A_35, %dma_start3A_36] : memref<2x16x18x6x96xi32, #tpu.memory_space<hbm>> -> memref<1x1x1x6x96xi32, #tpu.memory_space<hbm>>
    %dma_start3A_38 = tpu.memref_squeeze %dma_start3A_37 : memref<1x1x1x6x96xi32, #tpu.memory_space<hbm>> -> memref<6x96xi32, #tpu.memory_space<hbm>>
    tpu.enqueue_dma source(%dma_start3A_38 : memref<6x96xi32, #tpu.memory_space<hbm>>) target(%dma_start3A_34 : memref<6x96xi32, #tpu.memory_space<vmem>>) target_semaphore(%arg14 : memref<!tpu.dma_semaphore, #tpu.memory_space<semaphore_mem>>)
    %barrier3A = arith.constant 0 : index
    tpu.barrier barrier_id(%barrier3A)
    %dma_start3A_39 = arith.constant 0 : i32
    %dma_start3A_40 = arith.constant 0 : i32
    %dma_start3A_41 = arith.constant 0 : i32
    %dma_start3A_42 = arith.constant 0 : i32
    %dma_start3A_43 = arith.constant 0 : i32
    %dma_start3A_44 = tpu.memref_slice %arg10[%dma_start3A_41, %dma_start3A_42, %dma_start3A_43] : memref<3x96x128xf32, #tpu.memory_space<vmem>> -> memref<1x96x128xf32, #tpu.memory_space<vmem>>
    %dma_start3A_45 = tpu.memref_squeeze %dma_start3A_44 : memref<1x96x128xf32, #tpu.memory_space<vmem>> -> memref<96x128xf32, #tpu.memory_space<vmem>>
    %dma_start3A_46 = arith.constant 0 : i32
    %dma_start3A_47 = tpu.memref_slice %arg8[%dma_start3A_39, %dma_start3A_40, %dma_start3A_46] : memref<2x6x96xi32, #tpu.memory_space<vmem>> -> memref<1x1x96xi32, #tpu.memory_space<vmem>>
    %dma_start3A_48 = tpu.memref_squeeze %dma_start3A_47 : memref<1x1x96xi32, #tpu.memory_space<vmem>> -> memref<96xi32, #tpu.memory_space<vmem>>
    %dma_start3A_49 = arith.constant 0 : i32
    %dma_start3A_50 = arith.constant 0 : i32
    %dma_start3A_51 = tpu.memref_slice %arg2[%dma_start3A_49, %dma_start3A_50] : memref<10240x128xf32, #tpu.memory_space<hbm>> -> memref<10240x128xf32, #tpu.memory_space<hbm>>
    tpu.enqueue_indirect_dma source(%dma_start3A_51 : memref<10240x128xf32, #tpu.memory_space<hbm>>) target(%dma_start3A_45 : memref<96x128xf32, #tpu.memory_space<vmem>>) offsets(%dma_start3A_48 : memref<96xi32, #tpu.memory_space<vmem>>) semaphore(%arg11 : memref<!tpu.dma_semaphore, #tpu.memory_space<semaphore_mem>>)
    %dma_start3A_52 = arith.constant 0 : i32
    %dma_start3A_53 = arith.constant 1 : i32
    %dma_start3A_54 = arith.constant 1 : i32
    %dma_start3A_55 = arith.constant 0 : i32
    %dma_start3A_56 = arith.constant 0 : i32
    %dma_start3A_57 = tpu.memref_slice %arg10[%dma_start3A_54, %dma_start3A_55, %dma_start3A_56] : memref<3x96x128xf32, #tpu.memory_space<vmem>> -> memref<1x96x128xf32, #tpu.memory_space<vmem>>
    %dma_start3A_58 = tpu.memref_squeeze %dma_start3A_57 : memref<1x96x128xf32, #tpu.memory_space<vmem>> -> memref<96x128xf32, #tpu.memory_space<vmem>>
    %dma_start3A_59 = arith.constant 0 : i32
    %dma_start3A_60 = tpu.memref_slice %arg8[%dma_start3A_52, %dma_start3A_53, %dma_start3A_59] : memref<2x6x96xi32, #tpu.memory_space<vmem>> -> memref<1x1x96xi32, #tpu.memory_space<vmem>>
    %dma_start3A_61 = tpu.memref_squeeze %dma_start3A_60 : memref<1x1x96xi32, #tpu.memory_space<vmem>> -> memref<96xi32, #tpu.memory_space<vmem>>
    %dma_start3A_62 = arith.constant 0 : i32
    %dma_start3A_63 = arith.constant 0 : i32
    %dma_start3A_64 = tpu.memref_slice %arg2[%dma_start3A_62, %dma_start3A_63] : memref<10240x128xf32, #tpu.memory_space<hbm>> -> memref<10240x128xf32, #tpu.memory_space<hbm>>
    tpu.enqueue_indirect_dma source(%dma_start3A_64 : memref<10240x128xf32, #tpu.memory_space<hbm>>) target(%dma_start3A_58 : memref<96x128xf32, #tpu.memory_space<vmem>>) offsets(%dma_start3A_61 : memref<96xi32, #tpu.memory_space<vmem>>) semaphore(%arg12 : memref<!tpu.dma_semaphore, #tpu.memory_space<semaphore_mem>>)
    %dma_start3A_65 = arith.constant 0 : i32
    %dma_start3A_66 = arith.constant 2 : i32
    %dma_start3A_67 = arith.constant 2 : i32
    %dma_start3A_68 = arith.constant 0 : i32
    %dma_start3A_69 = arith.constant 0 : i32
    %dma_start3A_70 = tpu.memref_slice %arg10[%dma_start3A_67, %dma_start3A_68, %dma_start3A_69] : memref<3x96x128xf32, #tpu.memory_space<vmem>> -> memref<1x96x128xf32, #tpu.memory_space<vmem>>
    %dma_start3A_71 = tpu.memref_squeeze %dma_start3A_70 : memref<1x96x128xf32, #tpu.memory_space<vmem>> -> memref<96x128xf32, #tpu.memory_space<vmem>>
    %dma_start3A_72 = arith.constant 0 : i32
    %dma_start3A_73 = tpu.memref_slice %arg8[%dma_start3A_65, %dma_start3A_66, %dma_start3A_72] : memref<2x6x96xi32, #tpu.memory_space<vmem>> -> memref<1x1x96xi32, #tpu.memory_space<vmem>>
    %dma_start3A_74 = tpu.memref_squeeze %dma_start3A_73 : memref<1x1x96xi32, #tpu.memory_space<vmem>> -> memref<96xi32, #tpu.memory_space<vmem>>
    %dma_start3A_75 = arith.constant 0 : i32
    %dma_start3A_76 = arith.constant 0 : i32
    %dma_start3A_77 = tpu.memref_slice %arg2[%dma_start3A_75, %dma_start3A_76] : memref<10240x128xf32, #tpu.memory_space<hbm>> -> memref<10240x128xf32, #tpu.memory_space<hbm>>
    tpu.enqueue_indirect_dma source(%dma_start3A_77 : memref<10240x128xf32, #tpu.memory_space<hbm>>) target(%dma_start3A_71 : memref<96x128xf32, #tpu.memory_space<vmem>>) offsets(%dma_start3A_74 : memref<96xi32, #tpu.memory_space<vmem>>) semaphore(%arg13 : memref<!tpu.dma_semaphore, #tpu.memory_space<semaphore_mem>>)
    %scan3A = arith.constant 0 : i32
    %scan3A_78 = arith.constant 0 : i32
    %scan3A_79 = arith.constant 18 : i32
    %scan3A_80 = arith.addi %scan3A_78, %scan3A_79 : i32
    %scan3A_81 = arith.constant 1 : i32
    scf.for %scan3A_84 = %scan3A_78 to %scan3A_80 step %scan3A_81  : i32 {
      %rem3A = arith.constant 2 : i32
      %rem3A_85 = arith.remsi %scan3A_84, %rem3A : i32
      %sub3A = arith.constant 1 : i32
      %sub3A_86 = arith.subi %sub3A, %rem3A_85 : i32
      %lt3A = arith.constant 17 : i32
      %lt3A_87 = arith.cmpi slt, %scan3A_84, %lt3A : i32
      %convert_element_type3A = arith.extui %lt3A_87 : i1 to i32
      %cond3A = arith.constant 0 : i32
      %cond3A_88 = arith.cmpi ne, %convert_element_type3A, %cond3A : i32
      scf.if %cond3A_88 {
        %add3A = arith.constant 1 : i32
        %add3A_228 = arith.addi %scan3A_84, %add3A : i32
        %dma_wait3A_229 = arith.constant 0 : i32
        %dma_wait3A_230 = arith.constant 0 : i32
        %dma_wait3A_231 = tpu.memref_slice %arg8[%sub3A_86, %dma_wait3A_229, %dma_wait3A_230] : memref<2x6x96xi32, #tpu.memory_space<vmem>> -> memref<1x6x96xi32, #tpu.memory_space<vmem>>
        %dma_wait3A_232 = tpu.memref_squeeze %dma_wait3A_231 : memref<1x6x96xi32, #tpu.memory_space<vmem>> -> memref<6x96xi32, #tpu.memory_space<vmem>>
        %dma_wait3A_233 = arith.constant 0 : i32
        %dma_wait3A_234 = arith.constant 0 : i32
        %dma_wait3A_235 = tpu.memref_slice %arg3[%arg0, %arg1, %add3A_228, %dma_wait3A_233, %dma_wait3A_234] : memref<2x16x18x6x96xi32, #tpu.memory_space<hbm>> -> memref<1x1x1x6x96xi32, #tpu.memory_space<hbm>>
        %dma_wait3A_236 = tpu.memref_squeeze %dma_wait3A_235 : memref<1x1x1x6x96xi32, #tpu.memory_space<hbm>> -> memref<6x96xi32, #tpu.memory_space<hbm>>
        %dma_wait3A_237 = arith.constant 0 : i32
        %dma_wait3A_238 = arith.constant 0 : i32
        %dma_wait3A_239 = tpu.memref_slice %arg8[%sub3A_86, %dma_wait3A_237, %dma_wait3A_238] : memref<2x6x96xi32, #tpu.memory_space<vmem>> -> memref<1x6x96xi32, #tpu.memory_space<vmem>>
        %dma_wait3A_240 = tpu.memref_squeeze %dma_wait3A_239 : memref<1x6x96xi32, #tpu.memory_space<vmem>> -> memref<6x96xi32, #tpu.memory_space<vmem>>
        %dma_wait3A_241 = arith.constant 0 : i32
        %dma_wait3A_242 = arith.constant 0 : i32
        %dma_wait3A_243 = tpu.memref_slice %arg3[%arg0, %arg1, %add3A_228, %dma_wait3A_241, %dma_wait3A_242] : memref<2x16x18x6x96xi32, #tpu.memory_space<hbm>> -> memref<1x1x1x6x96xi32, #tpu.memory_space<hbm>>
        %dma_wait3A_244 = tpu.memref_squeeze %dma_wait3A_243 : memref<1x1x1x6x96xi32, #tpu.memory_space<hbm>> -> memref<6x96xi32, #tpu.memory_space<hbm>>
        tpu.wait_dma2 semaphore(%arg14 : memref<!tpu.dma_semaphore, #tpu.memory_space<semaphore_mem>>) src(%dma_wait3A_244 : memref<6x96xi32, #tpu.memory_space<hbm>>) dst(%dma_wait3A_240 : memref<6x96xi32, #tpu.memory_space<vmem>>)
        %add3A_245 = arith.constant 1 : i32
        %add3A_246 = arith.addi %scan3A_84, %add3A_245 : i32
        %dma_wait3A_247 = arith.constant 0 : i32
        %dma_wait3A_248 = arith.constant 0 : i32
        %dma_wait3A_249 = tpu.memref_slice %arg9[%sub3A_86, %dma_wait3A_247, %dma_wait3A_248] : memref<2x6x96xi32, #tpu.memory_space<vmem>> -> memref<1x6x96xi32, #tpu.memory_space<vmem>>
        %dma_wait3A_250 = tpu.memref_squeeze %dma_wait3A_249 : memref<1x6x96xi32, #tpu.memory_space<vmem>> -> memref<6x96xi32, #tpu.memory_space<vmem>>
        %dma_wait3A_251 = arith.constant 0 : i32
        %dma_wait3A_252 = arith.constant 0 : i32
        %dma_wait3A_253 = tpu.memref_slice %arg4[%arg0, %arg1, %add3A_246, %dma_wait3A_251, %dma_wait3A_252] : memref<2x16x18x6x96xi32, #tpu.memory_space<hbm>> -> memref<1x1x1x6x96xi32, #tpu.memory_space<hbm>>
        %dma_wait3A_254 = tpu.memref_squeeze %dma_wait3A_253 : memref<1x1x1x6x96xi32, #tpu.memory_space<hbm>> -> memref<6x96xi32, #tpu.memory_space<hbm>>
        %dma_wait3A_255 = arith.constant 0 : i32
        %dma_wait3A_256 = arith.constant 0 : i32
        %dma_wait3A_257 = tpu.memref_slice %arg9[%sub3A_86, %dma_wait3A_255, %dma_wait3A_256] : memref<2x6x96xi32, #tpu.memory_space<vmem>> -> memref<1x6x96xi32, #tpu.memory_space<vmem>>
        %dma_wait3A_258 = tpu.memref_squeeze %dma_wait3A_257 : memref<1x6x96xi32, #tpu.memory_space<vmem>> -> memref<6x96xi32, #tpu.memory_space<vmem>>
        %dma_wait3A_259 = arith.constant 0 : i32
        %dma_wait3A_260 = arith.constant 0 : i32
        %dma_wait3A_261 = tpu.memref_slice %arg4[%arg0, %arg1, %add3A_246, %dma_wait3A_259, %dma_wait3A_260] : memref<2x16x18x6x96xi32, #tpu.memory_space<hbm>> -> memref<1x1x1x6x96xi32, #tpu.memory_space<hbm>>
        %dma_wait3A_262 = tpu.memref_squeeze %dma_wait3A_261 : memref<1x1x1x6x96xi32, #tpu.memory_space<hbm>> -> memref<6x96xi32, #tpu.memory_space<hbm>>
        tpu.wait_dma2 semaphore(%arg14 : memref<!tpu.dma_semaphore, #tpu.memory_space<semaphore_mem>>) src(%dma_wait3A_262 : memref<6x96xi32, #tpu.memory_space<hbm>>) dst(%dma_wait3A_258 : memref<6x96xi32, #tpu.memory_space<vmem>>)
      } else {
      }
      %dma_wait3A = arith.constant 0 : i32
      %dma_wait3A_89 = arith.constant 0 : i32
      %dma_wait3A_90 = arith.constant 0 : i32
      %dma_wait3A_91 = arith.constant 0 : i32
      %dma_wait3A_92 = tpu.memref_slice %arg10[%dma_wait3A_89, %dma_wait3A_90, %dma_wait3A_91] : memref<3x96x128xf32, #tpu.memory_space<vmem>> -> memref<1x96x128xf32, #tpu.memory_space<vmem>>
      %dma_wait3A_93 = tpu.memref_squeeze %dma_wait3A_92 : memref<1x96x128xf32, #tpu.memory_space<vmem>> -> memref<96x128xf32, #tpu.memory_space<vmem>>
      %dma_wait3A_94 = arith.constant 0 : i32
      %dma_wait3A_95 = tpu.memref_slice %arg8[%rem3A_85, %dma_wait3A, %dma_wait3A_94] : memref<2x6x96xi32, #tpu.memory_space<vmem>> -> memref<1x1x96xi32, #tpu.memory_space<vmem>>
      %dma_wait3A_96 = tpu.memref_squeeze %dma_wait3A_95 : memref<1x1x96xi32, #tpu.memory_space<vmem>> -> memref<96xi32, #tpu.memory_space<vmem>>
      %dma_wait3A_97 = arith.constant 0 : i32
      %dma_wait3A_98 = arith.constant 0 : i32
      %dma_wait3A_99 = tpu.memref_slice %arg2[%dma_wait3A_97, %dma_wait3A_98] : memref<10240x128xf32, #tpu.memory_space<hbm>> -> memref<10240x128xf32, #tpu.memory_space<hbm>>
      tpu.wait_indirect_dma semaphore(%arg11 : memref<!tpu.dma_semaphore, #tpu.memory_space<semaphore_mem>>) src(%dma_wait3A_99 : memref<10240x128xf32, #tpu.memory_space<hbm>>) dst(%dma_wait3A_93 : memref<96x128xf32, #tpu.memory_space<vmem>>)
      %run_scoped3A_100 = arith.constant 0 : i32
      %run_scoped3A_101 = arith.constant 0 : i32
      "tpu.region"() ({
        %run_scoped3A_228 = tpu.sem_alloc : memref<!tpu.dma_semaphore, #tpu.memory_space<semaphore_mem>>
        %dma_start3A_229 = arith.constant 0 : i32
        %dma_start3A_230 = arith.constant 0 : i32
        %dma_start3A_231 = tpu.memref_slice %arg10[%run_scoped3A_100, %dma_start3A_229, %dma_start3A_230] : memref<3x96x128xf32, #tpu.memory_space<vmem>> -> memref<1x96x128xf32, #tpu.memory_space<vmem>>
        %dma_start3A_232 = tpu.memref_squeeze %dma_start3A_231 : memref<1x96x128xf32, #tpu.memory_space<vmem>> -> memref<96x128xf32, #tpu.memory_space<vmem>>
        %dma_start3A_233 = arith.constant 0 : i32
        %dma_start3A_234 = tpu.memref_slice %arg9[%rem3A_85, %run_scoped3A_101, %dma_start3A_233] : memref<2x6x96xi32, #tpu.memory_space<vmem>> -> memref<1x1x96xi32, #tpu.memory_space<vmem>>
        %dma_start3A_235 = tpu.memref_squeeze %dma_start3A_234 : memref<1x1x96xi32, #tpu.memory_space<vmem>> -> memref<96xi32, #tpu.memory_space<vmem>>
        %dma_start3A_236 = arith.constant 0 : i32
        %dma_start3A_237 = arith.constant 0 : i32
        %dma_start3A_238 = tpu.memref_slice %arg7[%dma_start3A_236, %dma_start3A_237] : memref<10240x128xf32, #tpu.memory_space<vmem_shared>> -> memref<10240x128xf32, #tpu.memory_space<vmem_shared>>
        tpu.enqueue_indirect_dma source(%dma_start3A_232 : memref<96x128xf32, #tpu.memory_space<vmem>>) target(%dma_start3A_238 : memref<10240x128xf32, #tpu.memory_space<vmem_shared>>) offsets(%dma_start3A_235 : memref<96xi32, #tpu.memory_space<vmem>>) semaphore(%run_scoped3A_228 : memref<!tpu.dma_semaphore, #tpu.memory_space<semaphore_mem>>) {add = true}
        %dma_wait3A_239 = arith.constant 0 : i32
        %dma_wait3A_240 = arith.constant 0 : i32
        %dma_wait3A_241 = tpu.memref_slice %arg10[%run_scoped3A_100, %dma_wait3A_239, %dma_wait3A_240] : memref<3x96x128xf32, #tpu.memory_space<vmem>> -> memref<1x96x128xf32, #tpu.memory_space<vmem>>
        %dma_wait3A_242 = tpu.memref_squeeze %dma_wait3A_241 : memref<1x96x128xf32, #tpu.memory_space<vmem>> -> memref<96x128xf32, #tpu.memory_space<vmem>>
        %dma_wait3A_243 = arith.constant 0 : i32
        %dma_wait3A_244 = tpu.memref_slice %arg9[%rem3A_85, %run_scoped3A_101, %dma_wait3A_243] : memref<2x6x96xi32, #tpu.memory_space<vmem>> -> memref<1x1x96xi32, #tpu.memory_space<vmem>>
        %dma_wait3A_245 = tpu.memref_squeeze %dma_wait3A_244 : memref<1x1x96xi32, #tpu.memory_space<vmem>> -> memref<96xi32, #tpu.memory_space<vmem>>
        %dma_wait3A_246 = arith.constant 0 : i32
        %dma_wait3A_247 = arith.constant 0 : i32
        %dma_wait3A_248 = tpu.memref_slice %arg7[%dma_wait3A_246, %dma_wait3A_247] : memref<10240x128xf32, #tpu.memory_space<vmem_shared>> -> memref<10240x128xf32, #tpu.memory_space<vmem_shared>>
        tpu.wait_indirect_dma semaphore(%run_scoped3A_228 : memref<!tpu.dma_semaphore, #tpu.memory_space<semaphore_mem>>) src(%dma_wait3A_242 : memref<96x128xf32, #tpu.memory_space<vmem>>) dst(%dma_wait3A_248 : memref<10240x128xf32, #tpu.memory_space<vmem_shared>>)
        tpu.yield
      }) : () -> ()
      %dma_start3A_102 = arith.constant 3 : i32
      %dma_start3A_103 = arith.constant 0 : i32
      %dma_start3A_104 = arith.constant 0 : i32
      %dma_start3A_105 = arith.constant 0 : i32
      %dma_start3A_106 = tpu.memref_slice %arg10[%dma_start3A_103, %dma_start3A_104, %dma_start3A_105] : memref<3x96x128xf32, #tpu.memory_space<vmem>> -> memref<1x96x128xf32, #tpu.memory_space<vmem>>
      %dma_start3A_107 = tpu.memref_squeeze %dma_start3A_106 : memref<1x96x128xf32, #tpu.memory_space<vmem>> -> memref<96x128xf32, #tpu.memory_space<vmem>>
      %dma_start3A_108 = arith.constant 0 : i32
      %dma_start3A_109 = tpu.memref_slice %arg8[%rem3A_85, %dma_start3A_102, %dma_start3A_108] : memref<2x6x96xi32, #tpu.memory_space<vmem>> -> memref<1x1x96xi32, #tpu.memory_space<vmem>>
      %dma_start3A_110 = tpu.memref_squeeze %dma_start3A_109 : memref<1x1x96xi32, #tpu.memory_space<vmem>> -> memref<96xi32, #tpu.memory_space<vmem>>
      %dma_start3A_111 = arith.constant 0 : i32
      %dma_start3A_112 = arith.constant 0 : i32
      %dma_start3A_113 = tpu.memref_slice %arg2[%dma_start3A_111, %dma_start3A_112] : memref<10240x128xf32, #tpu.memory_space<hbm>> -> memref<10240x128xf32, #tpu.memory_space<hbm>>
      tpu.enqueue_indirect_dma source(%dma_start3A_113 : memref<10240x128xf32, #tpu.memory_space<hbm>>) target(%dma_start3A_107 : memref<96x128xf32, #tpu.memory_space<vmem>>) offsets(%dma_start3A_110 : memref<96xi32, #tpu.memory_space<vmem>>) semaphore(%arg11 : memref<!tpu.dma_semaphore, #tpu.memory_space<semaphore_mem>>)
      %dma_wait3A_114 = arith.constant 1 : i32
      %dma_wait3A_115 = arith.constant 1 : i32
      %dma_wait3A_116 = arith.constant 0 : i32
      %dma_wait3A_117 = arith.constant 0 : i32
      %dma_wait3A_118 = tpu.memref_slice %arg10[%dma_wait3A_115, %dma_wait3A_116, %dma_wait3A_117] : memref<3x96x128xf32, #tpu.memory_space<vmem>> -> memref<1x96x128xf32, #tpu.memory_space<vmem>>
      %dma_wait3A_119 = tpu.memref_squeeze %dma_wait3A_118 : memref<1x96x128xf32, #tpu.memory_space<vmem>> -> memref<96x128xf32, #tpu.memory_space<vmem>>
      %dma_wait3A_120 = arith.constant 0 : i32
      %dma_wait3A_121 = tpu.memref_slice %arg8[%rem3A_85, %dma_wait3A_114, %dma_wait3A_120] : memref<2x6x96xi32, #tpu.memory_space<vmem>> -> memref<1x1x96xi32, #tpu.memory_space<vmem>>
      %dma_wait3A_122 = tpu.memref_squeeze %dma_wait3A_121 : memref<1x1x96xi32, #tpu.memory_space<vmem>> -> memref<96xi32, #tpu.memory_space<vmem>>
      %dma_wait3A_123 = arith.constant 0 : i32
      %dma_wait3A_124 = arith.constant 0 : i32
      %dma_wait3A_125 = tpu.memref_slice %arg2[%dma_wait3A_123, %dma_wait3A_124] : memref<10240x128xf32, #tpu.memory_space<hbm>> -> memref<10240x128xf32, #tpu.memory_space<hbm>>
      tpu.wait_indirect_dma semaphore(%arg12 : memref<!tpu.dma_semaphore, #tpu.memory_space<semaphore_mem>>) src(%dma_wait3A_125 : memref<10240x128xf32, #tpu.memory_space<hbm>>) dst(%dma_wait3A_119 : memref<96x128xf32, #tpu.memory_space<vmem>>)
      %run_scoped3A_126 = arith.constant 1 : i32
      %run_scoped3A_127 = arith.constant 1 : i32
      "tpu.region"() ({
        %run_scoped3A_228 = tpu.sem_alloc : memref<!tpu.dma_semaphore, #tpu.memory_space<semaphore_mem>>
        %dma_start3A_229 = arith.constant 0 : i32
        %dma_start3A_230 = arith.constant 0 : i32
        %dma_start3A_231 = tpu.memref_slice %arg10[%run_scoped3A_126, %dma_start3A_229, %dma_start3A_230] : memref<3x96x128xf32, #tpu.memory_space<vmem>> -> memref<1x96x128xf32, #tpu.memory_space<vmem>>
        %dma_start3A_232 = tpu.memref_squeeze %dma_start3A_231 : memref<1x96x128xf32, #tpu.memory_space<vmem>> -> memref<96x128xf32, #tpu.memory_space<vmem>>
        %dma_start3A_233 = arith.constant 0 : i32
        %dma_start3A_234 = tpu.memref_slice %arg9[%rem3A_85, %run_scoped3A_127, %dma_start3A_233] : memref<2x6x96xi32, #tpu.memory_space<vmem>> -> memref<1x1x96xi32, #tpu.memory_space<vmem>>
        %dma_start3A_235 = tpu.memref_squeeze %dma_start3A_234 : memref<1x1x96xi32, #tpu.memory_space<vmem>> -> memref<96xi32, #tpu.memory_space<vmem>>
        %dma_start3A_236 = arith.constant 0 : i32
        %dma_start3A_237 = arith.constant 0 : i32
        %dma_start3A_238 = tpu.memref_slice %arg7[%dma_start3A_236, %dma_start3A_237] : memref<10240x128xf32, #tpu.memory_space<vmem_shared>> -> memref<10240x128xf32, #tpu.memory_space<vmem_shared>>
        tpu.enqueue_indirect_dma source(%dma_start3A_232 : memref<96x128xf32, #tpu.memory_space<vmem>>) target(%dma_start3A_238 : memref<10240x128xf32, #tpu.memory_space<vmem_shared>>) offsets(%dma_start3A_235 : memref<96xi32, #tpu.memory_space<vmem>>) semaphore(%run_scoped3A_228 : memref<!tpu.dma_semaphore, #tpu.memory_space<semaphore_mem>>) {add = true}
        %dma_wait3A_239 = arith.constant 0 : i32
        %dma_wait3A_240 = arith.constant 0 : i32
        %dma_wait3A_241 = tpu.memref_slice %arg10[%run_scoped3A_126, %dma_wait3A_239, %dma_wait3A_240] : memref<3x96x128xf32, #tpu.memory_space<vmem>> -> memref<1x96x128xf32, #tpu.memory_space<vmem>>
        %dma_wait3A_242 = tpu.memref_squeeze %dma_wait3A_241 : memref<1x96x128xf32, #tpu.memory_space<vmem>> -> memref<96x128xf32, #tpu.memory_space<vmem>>
        %dma_wait3A_243 = arith.constant 0 : i32
        %dma_wait3A_244 = tpu.memref_slice %arg9[%rem3A_85, %run_scoped3A_127, %dma_wait3A_243] : memref<2x6x96xi32, #tpu.memory_space<vmem>> -> memref<1x1x96xi32, #tpu.memory_space<vmem>>
        %dma_wait3A_245 = tpu.memref_squeeze %dma_wait3A_244 : memref<1x1x96xi32, #tpu.memory_space<vmem>> -> memref<96xi32, #tpu.memory_space<vmem>>
        %dma_wait3A_246 = arith.constant 0 : i32
        %dma_wait3A_247 = arith.constant 0 : i32
        %dma_wait3A_248 = tpu.memref_slice %arg7[%dma_wait3A_246, %dma_wait3A_247] : memref<10240x128xf32, #tpu.memory_space<vmem_shared>> -> memref<10240x128xf32, #tpu.memory_space<vmem_shared>>
        tpu.wait_indirect_dma semaphore(%run_scoped3A_228 : memref<!tpu.dma_semaphore, #tpu.memory_space<semaphore_mem>>) src(%dma_wait3A_242 : memref<96x128xf32, #tpu.memory_space<vmem>>) dst(%dma_wait3A_248 : memref<10240x128xf32, #tpu.memory_space<vmem_shared>>)
        tpu.yield
      }) : () -> ()
      %dma_start3A_128 = arith.constant 4 : i32
      %dma_start3A_129 = arith.constant 1 : i32
      %dma_start3A_130 = arith.constant 0 : i32
      %dma_start3A_131 = arith.constant 0 : i32
      %dma_start3A_132 = tpu.memref_slice %arg10[%dma_start3A_129, %dma_start3A_130, %dma_start3A_131] : memref<3x96x128xf32, #tpu.memory_space<vmem>> -> memref<1x96x128xf32, #tpu.memory_space<vmem>>
      %dma_start3A_133 = tpu.memref_squeeze %dma_start3A_132 : memref<1x96x128xf32, #tpu.memory_space<vmem>> -> memref<96x128xf32, #tpu.memory_space<vmem>>
      %dma_start3A_134 = arith.constant 0 : i32
      %dma_start3A_135 = tpu.memref_slice %arg8[%rem3A_85, %dma_start3A_128, %dma_start3A_134] : memref<2x6x96xi32, #tpu.memory_space<vmem>> -> memref<1x1x96xi32, #tpu.memory_space<vmem>>
      %dma_start3A_136 = tpu.memref_squeeze %dma_start3A_135 : memref<1x1x96xi32, #tpu.memory_space<vmem>> -> memref<96xi32, #tpu.memory_space<vmem>>
      %dma_start3A_137 = arith.constant 0 : i32
      %dma_start3A_138 = arith.constant 0 : i32
      %dma_start3A_139 = tpu.memref_slice %arg2[%dma_start3A_137, %dma_start3A_138] : memref<10240x128xf32, #tpu.memory_space<hbm>> -> memref<10240x128xf32, #tpu.memory_space<hbm>>
      tpu.enqueue_indirect_dma source(%dma_start3A_139 : memref<10240x128xf32, #tpu.memory_space<hbm>>) target(%dma_start3A_133 : memref<96x128xf32, #tpu.memory_space<vmem>>) offsets(%dma_start3A_136 : memref<96xi32, #tpu.memory_space<vmem>>) semaphore(%arg12 : memref<!tpu.dma_semaphore, #tpu.memory_space<semaphore_mem>>)
      %dma_wait3A_140 = arith.constant 2 : i32
      %dma_wait3A_141 = arith.constant 2 : i32
      %dma_wait3A_142 = arith.constant 0 : i32
      %dma_wait3A_143 = arith.constant 0 : i32
      %dma_wait3A_144 = tpu.memref_slice %arg10[%dma_wait3A_141, %dma_wait3A_142, %dma_wait3A_143] : memref<3x96x128xf32, #tpu.memory_space<vmem>> -> memref<1x96x128xf32, #tpu.memory_space<vmem>>
      %dma_wait3A_145 = tpu.memref_squeeze %dma_wait3A_144 : memref<1x96x128xf32, #tpu.memory_space<vmem>> -> memref<96x128xf32, #tpu.memory_space<vmem>>
      %dma_wait3A_146 = arith.constant 0 : i32
      %dma_wait3A_147 = tpu.memref_slice %arg8[%rem3A_85, %dma_wait3A_140, %dma_wait3A_146] : memref<2x6x96xi32, #tpu.memory_space<vmem>> -> memref<1x1x96xi32, #tpu.memory_space<vmem>>
      %dma_wait3A_148 = tpu.memref_squeeze %dma_wait3A_147 : memref<1x1x96xi32, #tpu.memory_space<vmem>> -> memref<96xi32, #tpu.memory_space<vmem>>
      %dma_wait3A_149 = arith.constant 0 : i32
      %dma_wait3A_150 = arith.constant 0 : i32
      %dma_wait3A_151 = tpu.memref_slice %arg2[%dma_wait3A_149, %dma_wait3A_150] : memref<10240x128xf32, #tpu.memory_space<hbm>> -> memref<10240x128xf32, #tpu.memory_space<hbm>>
      tpu.wait_indirect_dma semaphore(%arg13 : memref<!tpu.dma_semaphore, #tpu.memory_space<semaphore_mem>>) src(%dma_wait3A_151 : memref<10240x128xf32, #tpu.memory_space<hbm>>) dst(%dma_wait3A_145 : memref<96x128xf32, #tpu.memory_space<vmem>>)
      %run_scoped3A_152 = arith.constant 2 : i32
      %run_scoped3A_153 = arith.constant 2 : i32
      "tpu.region"() ({
        %run_scoped3A_228 = tpu.sem_alloc : memref<!tpu.dma_semaphore, #tpu.memory_space<semaphore_mem>>
        %dma_start3A_229 = arith.constant 0 : i32
        %dma_start3A_230 = arith.constant 0 : i32
        %dma_start3A_231 = tpu.memref_slice %arg10[%run_scoped3A_152, %dma_start3A_229, %dma_start3A_230] : memref<3x96x128xf32, #tpu.memory_space<vmem>> -> memref<1x96x128xf32, #tpu.memory_space<vmem>>
        %dma_start3A_232 = tpu.memref_squeeze %dma_start3A_231 : memref<1x96x128xf32, #tpu.memory_space<vmem>> -> memref<96x128xf32, #tpu.memory_space<vmem>>
        %dma_start3A_233 = arith.constant 0 : i32
        %dma_start3A_234 = tpu.memref_slice %arg9[%rem3A_85, %run_scoped3A_153, %dma_start3A_233] : memref<2x6x96xi32, #tpu.memory_space<vmem>> -> memref<1x1x96xi32, #tpu.memory_space<vmem>>
        %dma_start3A_235 = tpu.memref_squeeze %dma_start3A_234 : memref<1x1x96xi32, #tpu.memory_space<vmem>> -> memref<96xi32, #tpu.memory_space<vmem>>
        %dma_start3A_236 = arith.constant 0 : i32
        %dma_start3A_237 = arith.constant 0 : i32
        %dma_start3A_238 = tpu.memref_slice %arg7[%dma_start3A_236, %dma_start3A_237] : memref<10240x128xf32, #tpu.memory_space<vmem_shared>> -> memref<10240x128xf32, #tpu.memory_space<vmem_shared>>
        tpu.enqueue_indirect_dma source(%dma_start3A_232 : memref<96x128xf32, #tpu.memory_space<vmem>>) target(%dma_start3A_238 : memref<10240x128xf32, #tpu.memory_space<vmem_shared>>) offsets(%dma_start3A_235 : memref<96xi32, #tpu.memory_space<vmem>>) semaphore(%run_scoped3A_228 : memref<!tpu.dma_semaphore, #tpu.memory_space<semaphore_mem>>) {add = true}
        %dma_wait3A_239 = arith.constant 0 : i32
        %dma_wait3A_240 = arith.constant 0 : i32
        %dma_wait3A_241 = tpu.memref_slice %arg10[%run_scoped3A_152, %dma_wait3A_239, %dma_wait3A_240] : memref<3x96x128xf32, #tpu.memory_space<vmem>> -> memref<1x96x128xf32, #tpu.memory_space<vmem>>
        %dma_wait3A_242 = tpu.memref_squeeze %dma_wait3A_241 : memref<1x96x128xf32, #tpu.memory_space<vmem>> -> memref<96x128xf32, #tpu.memory_space<vmem>>
        %dma_wait3A_243 = arith.constant 0 : i32
        %dma_wait3A_244 = tpu.memref_slice %arg9[%rem3A_85, %run_scoped3A_153, %dma_wait3A_243] : memref<2x6x96xi32, #tpu.memory_space<vmem>> -> memref<1x1x96xi32, #tpu.memory_space<vmem>>
        %dma_wait3A_245 = tpu.memref_squeeze %dma_wait3A_244 : memref<1x1x96xi32, #tpu.memory_space<vmem>> -> memref<96xi32, #tpu.memory_space<vmem>>
        %dma_wait3A_246 = arith.constant 0 : i32
        %dma_wait3A_247 = arith.constant 0 : i32
        %dma_wait3A_248 = tpu.memref_slice %arg7[%dma_wait3A_246, %dma_wait3A_247] : memref<10240x128xf32, #tpu.memory_space<vmem_shared>> -> memref<10240x128xf32, #tpu.memory_space<vmem_shared>>
        tpu.wait_indirect_dma semaphore(%run_scoped3A_228 : memref<!tpu.dma_semaphore, #tpu.memory_space<semaphore_mem>>) src(%dma_wait3A_242 : memref<96x128xf32, #tpu.memory_space<vmem>>) dst(%dma_wait3A_248 : memref<10240x128xf32, #tpu.memory_space<vmem_shared>>)
        tpu.yield
      }) : () -> ()
      %dma_start3A_154 = arith.constant 5 : i32
      %dma_start3A_155 = arith.constant 2 : i32
      %dma_start3A_156 = arith.constant 0 : i32
      %dma_start3A_157 = arith.constant 0 : i32
      %dma_start3A_158 = tpu.memref_slice %arg10[%dma_start3A_155, %dma_start3A_156, %dma_start3A_157] : memref<3x96x128xf32, #tpu.memory_space<vmem>> -> memref<1x96x128xf32, #tpu.memory_space<vmem>>
      %dma_start3A_159 = tpu.memref_squeeze %dma_start3A_158 : memref<1x96x128xf32, #tpu.memory_space<vmem>> -> memref<96x128xf32, #tpu.memory_space<vmem>>
      %dma_start3A_160 = arith.constant 0 : i32
      %dma_start3A_161 = tpu.memref_slice %arg8[%rem3A_85, %dma_start3A_154, %dma_start3A_160] : memref<2x6x96xi32, #tpu.memory_space<vmem>> -> memref<1x1x96xi32, #tpu.memory_space<vmem>>
      %dma_start3A_162 = tpu.memref_squeeze %dma_start3A_161 : memref<1x1x96xi32, #tpu.memory_space<vmem>> -> memref<96xi32, #tpu.memory_space<vmem>>
      %dma_start3A_163 = arith.constant 0 : i32
      %dma_start3A_164 = arith.constant 0 : i32
      %dma_start3A_165 = tpu.memref_slice %arg2[%dma_start3A_163, %dma_start3A_164] : memref<10240x128xf32, #tpu.memory_space<hbm>> -> memref<10240x128xf32, #tpu.memory_space<hbm>>
      tpu.enqueue_indirect_dma source(%dma_start3A_165 : memref<10240x128xf32, #tpu.memory_space<hbm>>) target(%dma_start3A_159 : memref<96x128xf32, #tpu.memory_space<vmem>>) offsets(%dma_start3A_162 : memref<96xi32, #tpu.memory_space<vmem>>) semaphore(%arg13 : memref<!tpu.dma_semaphore, #tpu.memory_space<semaphore_mem>>)
      %dma_wait3A_166 = arith.constant 3 : i32
      %dma_wait3A_167 = arith.constant 0 : i32
      %dma_wait3A_168 = arith.constant 0 : i32
      %dma_wait3A_169 = arith.constant 0 : i32
      %dma_wait3A_170 = tpu.memref_slice %arg10[%dma_wait3A_167, %dma_wait3A_168, %dma_wait3A_169] : memref<3x96x128xf32, #tpu.memory_space<vmem>> -> memref<1x96x128xf32, #tpu.memory_space<vmem>>
      %dma_wait3A_171 = tpu.memref_squeeze %dma_wait3A_170 : memref<1x96x128xf32, #tpu.memory_space<vmem>> -> memref<96x128xf32, #tpu.memory_space<vmem>>
      %dma_wait3A_172 = arith.constant 0 : i32
      %dma_wait3A_173 = tpu.memref_slice %arg8[%rem3A_85, %dma_wait3A_166, %dma_wait3A_172] : memref<2x6x96xi32, #tpu.memory_space<vmem>> -> memref<1x1x96xi32, #tpu.memory_space<vmem>>
      %dma_wait3A_174 = tpu.memref_squeeze %dma_wait3A_173 : memref<1x1x96xi32, #tpu.memory_space<vmem>> -> memref<96xi32, #tpu.memory_space<vmem>>
      %dma_wait3A_175 = arith.constant 0 : i32
      %dma_wait3A_176 = arith.constant 0 : i32
      %dma_wait3A_177 = tpu.memref_slice %arg2[%dma_wait3A_175, %dma_wait3A_176] : memref<10240x128xf32, #tpu.memory_space<hbm>> -> memref<10240x128xf32, #tpu.memory_space<hbm>>
      tpu.wait_indirect_dma semaphore(%arg11 : memref<!tpu.dma_semaphore, #tpu.memory_space<semaphore_mem>>) src(%dma_wait3A_177 : memref<10240x128xf32, #tpu.memory_space<hbm>>) dst(%dma_wait3A_171 : memref<96x128xf32, #tpu.memory_space<vmem>>)
      %run_scoped3A_178 = arith.constant 0 : i32
      %run_scoped3A_179 = arith.constant 3 : i32
      "tpu.region"() ({
        %run_scoped3A_228 = tpu.sem_alloc : memref<!tpu.dma_semaphore, #tpu.memory_space<semaphore_mem>>
        %dma_start3A_229 = arith.constant 0 : i32
        %dma_start3A_230 = arith.constant 0 : i32
        %dma_start3A_231 = tpu.memref_slice %arg10[%run_scoped3A_178, %dma_start3A_229, %dma_start3A_230] : memref<3x96x128xf32, #tpu.memory_space<vmem>> -> memref<1x96x128xf32, #tpu.memory_space<vmem>>
        %dma_start3A_232 = tpu.memref_squeeze %dma_start3A_231 : memref<1x96x128xf32, #tpu.memory_space<vmem>> -> memref<96x128xf32, #tpu.memory_space<vmem>>
        %dma_start3A_233 = arith.constant 0 : i32
        %dma_start3A_234 = tpu.memref_slice %arg9[%rem3A_85, %run_scoped3A_179, %dma_start3A_233] : memref<2x6x96xi32, #tpu.memory_space<vmem>> -> memref<1x1x96xi32, #tpu.memory_space<vmem>>
        %dma_start3A_235 = tpu.memref_squeeze %dma_start3A_234 : memref<1x1x96xi32, #tpu.memory_space<vmem>> -> memref<96xi32, #tpu.memory_space<vmem>>
        %dma_start3A_236 = arith.constant 0 : i32
        %dma_start3A_237 = arith.constant 0 : i32
        %dma_start3A_238 = tpu.memref_slice %arg7[%dma_start3A_236, %dma_start3A_237] : memref<10240x128xf32, #tpu.memory_space<vmem_shared>> -> memref<10240x128xf32, #tpu.memory_space<vmem_shared>>
        tpu.enqueue_indirect_dma source(%dma_start3A_232 : memref<96x128xf32, #tpu.memory_space<vmem>>) target(%dma_start3A_238 : memref<10240x128xf32, #tpu.memory_space<vmem_shared>>) offsets(%dma_start3A_235 : memref<96xi32, #tpu.memory_space<vmem>>) semaphore(%run_scoped3A_228 : memref<!tpu.dma_semaphore, #tpu.memory_space<semaphore_mem>>) {add = true}
        %dma_wait3A_239 = arith.constant 0 : i32
        %dma_wait3A_240 = arith.constant 0 : i32
        %dma_wait3A_241 = tpu.memref_slice %arg10[%run_scoped3A_178, %dma_wait3A_239, %dma_wait3A_240] : memref<3x96x128xf32, #tpu.memory_space<vmem>> -> memref<1x96x128xf32, #tpu.memory_space<vmem>>
        %dma_wait3A_242 = tpu.memref_squeeze %dma_wait3A_241 : memref<1x96x128xf32, #tpu.memory_space<vmem>> -> memref<96x128xf32, #tpu.memory_space<vmem>>
        %dma_wait3A_243 = arith.constant 0 : i32
        %dma_wait3A_244 = tpu.memref_slice %arg9[%rem3A_85, %run_scoped3A_179, %dma_wait3A_243] : memref<2x6x96xi32, #tpu.memory_space<vmem>> -> memref<1x1x96xi32, #tpu.memory_space<vmem>>
        %dma_wait3A_245 = tpu.memref_squeeze %dma_wait3A_244 : memref<1x1x96xi32, #tpu.memory_space<vmem>> -> memref<96xi32, #tpu.memory_space<vmem>>
        %dma_wait3A_246 = arith.constant 0 : i32
        %dma_wait3A_247 = arith.constant 0 : i32
        %dma_wait3A_248 = tpu.memref_slice %arg7[%dma_wait3A_246, %dma_wait3A_247] : memref<10240x128xf32, #tpu.memory_space<vmem_shared>> -> memref<10240x128xf32, #tpu.memory_space<vmem_shared>>
        tpu.wait_indirect_dma semaphore(%run_scoped3A_228 : memref<!tpu.dma_semaphore, #tpu.memory_space<semaphore_mem>>) src(%dma_wait3A_242 : memref<96x128xf32, #tpu.memory_space<vmem>>) dst(%dma_wait3A_248 : memref<10240x128xf32, #tpu.memory_space<vmem_shared>>)
        tpu.yield
      }) : () -> ()
      %lt3A_180 = arith.constant 17 : i32
      %lt3A_181 = arith.cmpi slt, %scan3A_84, %lt3A_180 : i32
      %convert_element_type3A_182 = arith.extui %lt3A_181 : i1 to i32
      %cond3A_183 = arith.constant 0 : i32
      %cond3A_184 = arith.cmpi ne, %convert_element_type3A_182, %cond3A_183 : i32
      scf.if %cond3A_184 {
        %dma_start3A_228 = arith.constant 0 : i32
        %dma_start3A_229 = arith.constant 0 : i32
        %dma_start3A_230 = arith.constant 0 : i32
        %dma_start3A_231 = arith.constant 0 : i32
        %dma_start3A_232 = tpu.memref_slice %arg10[%dma_start3A_229, %dma_start3A_230, %dma_start3A_231] : memref<3x96x128xf32, #tpu.memory_space<vmem>> -> memref<1x96x128xf32, #tpu.memory_space<vmem>>
        %dma_start3A_233 = tpu.memref_squeeze %dma_start3A_232 : memref<1x96x128xf32, #tpu.memory_space<vmem>> -> memref<96x128xf32, #tpu.memory_space<vmem>>
        %dma_start3A_234 = arith.constant 0 : i32
        %dma_start3A_235 = tpu.memref_slice %arg8[%sub3A_86, %dma_start3A_228, %dma_start3A_234] : memref<2x6x96xi32, #tpu.memory_space<vmem>> -> memref<1x1x96xi32, #tpu.memory_space<vmem>>
        %dma_start3A_236 = tpu.memref_squeeze %dma_start3A_235 : memref<1x1x96xi32, #tpu.memory_space<vmem>> -> memref<96xi32, #tpu.memory_space<vmem>>
        %dma_start3A_237 = arith.constant 0 : i32
        %dma_start3A_238 = arith.constant 0 : i32
        %dma_start3A_239 = tpu.memref_slice %arg2[%dma_start3A_237, %dma_start3A_238] : memref<10240x128xf32, #tpu.memory_space<hbm>> -> memref<10240x128xf32, #tpu.memory_space<hbm>>
        tpu.enqueue_indirect_dma source(%dma_start3A_239 : memref<10240x128xf32, #tpu.memory_space<hbm>>) target(%dma_start3A_233 : memref<96x128xf32, #tpu.memory_space<vmem>>) offsets(%dma_start3A_236 : memref<96xi32, #tpu.memory_space<vmem>>) semaphore(%arg11 : memref<!tpu.dma_semaphore, #tpu.memory_space<semaphore_mem>>)
      } else {
      }
      %dma_wait3A_185 = arith.constant 4 : i32
      %dma_wait3A_186 = arith.constant 1 : i32
      %dma_wait3A_187 = arith.constant 0 : i32
      %dma_wait3A_188 = arith.constant 0 : i32
      %dma_wait3A_189 = tpu.memref_slice %arg10[%dma_wait3A_186, %dma_wait3A_187, %dma_wait3A_188] : memref<3x96x128xf32, #tpu.memory_space<vmem>> -> memref<1x96x128xf32, #tpu.memory_space<vmem>>
      %dma_wait3A_190 = tpu.memref_squeeze %dma_wait3A_189 : memref<1x96x128xf32, #tpu.memory_space<vmem>> -> memref<96x128xf32, #tpu.memory_space<vmem>>
      %dma_wait3A_191 = arith.constant 0 : i32
      %dma_wait3A_192 = tpu.memref_slice %arg8[%rem3A_85, %dma_wait3A_185, %dma_wait3A_191] : memref<2x6x96xi32, #tpu.memory_space<vmem>> -> memref<1x1x96xi32, #tpu.memory_space<vmem>>
      %dma_wait3A_193 = tpu.memref_squeeze %dma_wait3A_192 : memref<1x1x96xi32, #tpu.memory_space<vmem>> -> memref<96xi32, #tpu.memory_space<vmem>>
      %dma_wait3A_194 = arith.constant 0 : i32
      %dma_wait3A_195 = arith.constant 0 : i32
      %dma_wait3A_196 = tpu.memref_slice %arg2[%dma_wait3A_194, %dma_wait3A_195] : memref<10240x128xf32, #tpu.memory_space<hbm>> -> memref<10240x128xf32, #tpu.memory_space<hbm>>
      tpu.wait_indirect_dma semaphore(%arg12 : memref<!tpu.dma_semaphore, #tpu.memory_space<semaphore_mem>>) src(%dma_wait3A_196 : memref<10240x128xf32, #tpu.memory_space<hbm>>) dst(%dma_wait3A_190 : memref<96x128xf32, #tpu.memory_space<vmem>>)
      %run_scoped3A_197 = arith.constant 1 : i32
      %run_scoped3A_198 = arith.constant 4 : i32
      "tpu.region"() ({
        %run_scoped3A_228 = tpu.sem_alloc : memref<!tpu.dma_semaphore, #tpu.memory_space<semaphore_mem>>
        %dma_start3A_229 = arith.constant 0 : i32
        %dma_start3A_230 = arith.constant 0 : i32
        %dma_start3A_231 = tpu.memref_slice %arg10[%run_scoped3A_197, %dma_start3A_229, %dma_start3A_230] : memref<3x96x128xf32, #tpu.memory_space<vmem>> -> memref<1x96x128xf32, #tpu.memory_space<vmem>>
        %dma_start3A_232 = tpu.memref_squeeze %dma_start3A_231 : memref<1x96x128xf32, #tpu.memory_space<vmem>> -> memref<96x128xf32, #tpu.memory_space<vmem>>
        %dma_start3A_233 = arith.constant 0 : i32
        %dma_start3A_234 = tpu.memref_slice %arg9[%rem3A_85, %run_scoped3A_198, %dma_start3A_233] : memref<2x6x96xi32, #tpu.memory_space<vmem>> -> memref<1x1x96xi32, #tpu.memory_space<vmem>>
        %dma_start3A_235 = tpu.memref_squeeze %dma_start3A_234 : memref<1x1x96xi32, #tpu.memory_space<vmem>> -> memref<96xi32, #tpu.memory_space<vmem>>
        %dma_start3A_236 = arith.constant 0 : i32
        %dma_start3A_237 = arith.constant 0 : i32
        %dma_start3A_238 = tpu.memref_slice %arg7[%dma_start3A_236, %dma_start3A_237] : memref<10240x128xf32, #tpu.memory_space<vmem_shared>> -> memref<10240x128xf32, #tpu.memory_space<vmem_shared>>
        tpu.enqueue_indirect_dma source(%dma_start3A_232 : memref<96x128xf32, #tpu.memory_space<vmem>>) target(%dma_start3A_238 : memref<10240x128xf32, #tpu.memory_space<vmem_shared>>) offsets(%dma_start3A_235 : memref<96xi32, #tpu.memory_space<vmem>>) semaphore(%run_scoped3A_228 : memref<!tpu.dma_semaphore, #tpu.memory_space<semaphore_mem>>) {add = true}
        %dma_wait3A_239 = arith.constant 0 : i32
        %dma_wait3A_240 = arith.constant 0 : i32
        %dma_wait3A_241 = tpu.memref_slice %arg10[%run_scoped3A_197, %dma_wait3A_239, %dma_wait3A_240] : memref<3x96x128xf32, #tpu.memory_space<vmem>> -> memref<1x96x128xf32, #tpu.memory_space<vmem>>
        %dma_wait3A_242 = tpu.memref_squeeze %dma_wait3A_241 : memref<1x96x128xf32, #tpu.memory_space<vmem>> -> memref<96x128xf32, #tpu.memory_space<vmem>>
        %dma_wait3A_243 = arith.constant 0 : i32
        %dma_wait3A_244 = tpu.memref_slice %arg9[%rem3A_85, %run_scoped3A_198, %dma_wait3A_243] : memref<2x6x96xi32, #tpu.memory_space<vmem>> -> memref<1x1x96xi32, #tpu.memory_space<vmem>>
        %dma_wait3A_245 = tpu.memref_squeeze %dma_wait3A_244 : memref<1x1x96xi32, #tpu.memory_space<vmem>> -> memref<96xi32, #tpu.memory_space<vmem>>
        %dma_wait3A_246 = arith.constant 0 : i32
        %dma_wait3A_247 = arith.constant 0 : i32
        %dma_wait3A_248 = tpu.memref_slice %arg7[%dma_wait3A_246, %dma_wait3A_247] : memref<10240x128xf32, #tpu.memory_space<vmem_shared>> -> memref<10240x128xf32, #tpu.memory_space<vmem_shared>>
        tpu.wait_indirect_dma semaphore(%run_scoped3A_228 : memref<!tpu.dma_semaphore, #tpu.memory_space<semaphore_mem>>) src(%dma_wait3A_242 : memref<96x128xf32, #tpu.memory_space<vmem>>) dst(%dma_wait3A_248 : memref<10240x128xf32, #tpu.memory_space<vmem_shared>>)
        tpu.yield
      }) : () -> ()
      %lt3A_199 = arith.constant 17 : i32
      %lt3A_200 = arith.cmpi slt, %scan3A_84, %lt3A_199 : i32
      %convert_element_type3A_201 = arith.extui %lt3A_200 : i1 to i32
      %cond3A_202 = arith.constant 0 : i32
      %cond3A_203 = arith.cmpi ne, %convert_element_type3A_201, %cond3A_202 : i32
      scf.if %cond3A_203 {
        %dma_start3A_228 = arith.constant 1 : i32
        %dma_start3A_229 = arith.constant 1 : i32
        %dma_start3A_230 = arith.constant 0 : i32
        %dma_start3A_231 = arith.constant 0 : i32
        %dma_start3A_232 = tpu.memref_slice %arg10[%dma_start3A_229, %dma_start3A_230, %dma_start3A_231] : memref<3x96x128xf32, #tpu.memory_space<vmem>> -> memref<1x96x128xf32, #tpu.memory_space<vmem>>
        %dma_start3A_233 = tpu.memref_squeeze %dma_start3A_232 : memref<1x96x128xf32, #tpu.memory_space<vmem>> -> memref<96x128xf32, #tpu.memory_space<vmem>>
        %dma_start3A_234 = arith.constant 0 : i32
        %dma_start3A_235 = tpu.memref_slice %arg8[%sub3A_86, %dma_start3A_228, %dma_start3A_234] : memref<2x6x96xi32, #tpu.memory_space<vmem>> -> memref<1x1x96xi32, #tpu.memory_space<vmem>>
        %dma_start3A_236 = tpu.memref_squeeze %dma_start3A_235 : memref<1x1x96xi32, #tpu.memory_space<vmem>> -> memref<96xi32, #tpu.memory_space<vmem>>
        %dma_start3A_237 = arith.constant 0 : i32
        %dma_start3A_238 = arith.constant 0 : i32
        %dma_start3A_239 = tpu.memref_slice %arg2[%dma_start3A_237, %dma_start3A_238] : memref<10240x128xf32, #tpu.memory_space<hbm>> -> memref<10240x128xf32, #tpu.memory_space<hbm>>
        tpu.enqueue_indirect_dma source(%dma_start3A_239 : memref<10240x128xf32, #tpu.memory_space<hbm>>) target(%dma_start3A_233 : memref<96x128xf32, #tpu.memory_space<vmem>>) offsets(%dma_start3A_236 : memref<96xi32, #tpu.memory_space<vmem>>) semaphore(%arg12 : memref<!tpu.dma_semaphore, #tpu.memory_space<semaphore_mem>>)
      } else {
      }
      %dma_wait3A_204 = arith.constant 5 : i32
      %dma_wait3A_205 = arith.constant 2 : i32
      %dma_wait3A_206 = arith.constant 0 : i32
      %dma_wait3A_207 = arith.constant 0 : i32
      %dma_wait3A_208 = tpu.memref_slice %arg10[%dma_wait3A_205, %dma_wait3A_206, %dma_wait3A_207] : memref<3x96x128xf32, #tpu.memory_space<vmem>> -> memref<1x96x128xf32, #tpu.memory_space<vmem>>
      %dma_wait3A_209 = tpu.memref_squeeze %dma_wait3A_208 : memref<1x96x128xf32, #tpu.memory_space<vmem>> -> memref<96x128xf32, #tpu.memory_space<vmem>>
      %dma_wait3A_210 = arith.constant 0 : i32
      %dma_wait3A_211 = tpu.memref_slice %arg8[%rem3A_85, %dma_wait3A_204, %dma_wait3A_210] : memref<2x6x96xi32, #tpu.memory_space<vmem>> -> memref<1x1x96xi32, #tpu.memory_space<vmem>>
      %dma_wait3A_212 = tpu.memref_squeeze %dma_wait3A_211 : memref<1x1x96xi32, #tpu.memory_space<vmem>> -> memref<96xi32, #tpu.memory_space<vmem>>
      %dma_wait3A_213 = arith.constant 0 : i32
      %dma_wait3A_214 = arith.constant 0 : i32
      %dma_wait3A_215 = tpu.memref_slice %arg2[%dma_wait3A_213, %dma_wait3A_214] : memref<10240x128xf32, #tpu.memory_space<hbm>> -> memref<10240x128xf32, #tpu.memory_space<hbm>>
      tpu.wait_indirect_dma semaphore(%arg13 : memref<!tpu.dma_semaphore, #tpu.memory_space<semaphore_mem>>) src(%dma_wait3A_215 : memref<10240x128xf32, #tpu.memory_space<hbm>>) dst(%dma_wait3A_209 : memref<96x128xf32, #tpu.memory_space<vmem>>)
      %run_scoped3A_216 = arith.constant 2 : i32
      %run_scoped3A_217 = arith.constant 5 : i32
      "tpu.region"() ({
        %run_scoped3A_228 = tpu.sem_alloc : memref<!tpu.dma_semaphore, #tpu.memory_space<semaphore_mem>>
        %dma_start3A_229 = arith.constant 0 : i32
        %dma_start3A_230 = arith.constant 0 : i32
        %dma_start3A_231 = tpu.memref_slice %arg10[%run_scoped3A_216, %dma_start3A_229, %dma_start3A_230] : memref<3x96x128xf32, #tpu.memory_space<vmem>> -> memref<1x96x128xf32, #tpu.memory_space<vmem>>
        %dma_start3A_232 = tpu.memref_squeeze %dma_start3A_231 : memref<1x96x128xf32, #tpu.memory_space<vmem>> -> memref<96x128xf32, #tpu.memory_space<vmem>>
        %dma_start3A_233 = arith.constant 0 : i32
        %dma_start3A_234 = tpu.memref_slice %arg9[%rem3A_85, %run_scoped3A_217, %dma_start3A_233] : memref<2x6x96xi32, #tpu.memory_space<vmem>> -> memref<1x1x96xi32, #tpu.memory_space<vmem>>
        %dma_start3A_235 = tpu.memref_squeeze %dma_start3A_234 : memref<1x1x96xi32, #tpu.memory_space<vmem>> -> memref<96xi32, #tpu.memory_space<vmem>>
        %dma_start3A_236 = arith.constant 0 : i32
        %dma_start3A_237 = arith.constant 0 : i32
        %dma_start3A_238 = tpu.memref_slice %arg7[%dma_start3A_236, %dma_start3A_237] : memref<10240x128xf32, #tpu.memory_space<vmem_shared>> -> memref<10240x128xf32, #tpu.memory_space<vmem_shared>>
        tpu.enqueue_indirect_dma source(%dma_start3A_232 : memref<96x128xf32, #tpu.memory_space<vmem>>) target(%dma_start3A_238 : memref<10240x128xf32, #tpu.memory_space<vmem_shared>>) offsets(%dma_start3A_235 : memref<96xi32, #tpu.memory_space<vmem>>) semaphore(%run_scoped3A_228 : memref<!tpu.dma_semaphore, #tpu.memory_space<semaphore_mem>>) {add = true}
        %dma_wait3A_239 = arith.constant 0 : i32
        %dma_wait3A_240 = arith.constant 0 : i32
        %dma_wait3A_241 = tpu.memref_slice %arg10[%run_scoped3A_216, %dma_wait3A_239, %dma_wait3A_240] : memref<3x96x128xf32, #tpu.memory_space<vmem>> -> memref<1x96x128xf32, #tpu.memory_space<vmem>>
        %dma_wait3A_242 = tpu.memref_squeeze %dma_wait3A_241 : memref<1x96x128xf32, #tpu.memory_space<vmem>> -> memref<96x128xf32, #tpu.memory_space<vmem>>
        %dma_wait3A_243 = arith.constant 0 : i32
        %dma_wait3A_244 = tpu.memref_slice %arg9[%rem3A_85, %run_scoped3A_217, %dma_wait3A_243] : memref<2x6x96xi32, #tpu.memory_space<vmem>> -> memref<1x1x96xi32, #tpu.memory_space<vmem>>
        %dma_wait3A_245 = tpu.memref_squeeze %dma_wait3A_244 : memref<1x1x96xi32, #tpu.memory_space<vmem>> -> memref<96xi32, #tpu.memory_space<vmem>>
        %dma_wait3A_246 = arith.constant 0 : i32
        %dma_wait3A_247 = arith.constant 0 : i32
        %dma_wait3A_248 = tpu.memref_slice %arg7[%dma_wait3A_246, %dma_wait3A_247] : memref<10240x128xf32, #tpu.memory_space<vmem_shared>> -> memref<10240x128xf32, #tpu.memory_space<vmem_shared>>
        tpu.wait_indirect_dma semaphore(%run_scoped3A_228 : memref<!tpu.dma_semaphore, #tpu.memory_space<semaphore_mem>>) src(%dma_wait3A_242 : memref<96x128xf32, #tpu.memory_space<vmem>>) dst(%dma_wait3A_248 : memref<10240x128xf32, #tpu.memory_space<vmem_shared>>)
        tpu.yield
      }) : () -> ()
      %lt3A_218 = arith.constant 17 : i32
      %lt3A_219 = arith.cmpi slt, %scan3A_84, %lt3A_218 : i32
      %convert_element_type3A_220 = arith.extui %lt3A_219 : i1 to i32
      %cond3A_221 = arith.constant 0 : i32
      %cond3A_222 = arith.cmpi ne, %convert_element_type3A_220, %cond3A_221 : i32
      scf.if %cond3A_222 {
        %dma_start3A_228 = arith.constant 2 : i32
        %dma_start3A_229 = arith.constant 2 : i32
        %dma_start3A_230 = arith.constant 0 : i32
        %dma_start3A_231 = arith.constant 0 : i32
        %dma_start3A_232 = tpu.memref_slice %arg10[%dma_start3A_229, %dma_start3A_230, %dma_start3A_231] : memref<3x96x128xf32, #tpu.memory_space<vmem>> -> memref<1x96x128xf32, #tpu.memory_space<vmem>>
        %dma_start3A_233 = tpu.memref_squeeze %dma_start3A_232 : memref<1x96x128xf32, #tpu.memory_space<vmem>> -> memref<96x128xf32, #tpu.memory_space<vmem>>
        %dma_start3A_234 = arith.constant 0 : i32
        %dma_start3A_235 = tpu.memref_slice %arg8[%sub3A_86, %dma_start3A_228, %dma_start3A_234] : memref<2x6x96xi32, #tpu.memory_space<vmem>> -> memref<1x1x96xi32, #tpu.memory_space<vmem>>
        %dma_start3A_236 = tpu.memref_squeeze %dma_start3A_235 : memref<1x1x96xi32, #tpu.memory_space<vmem>> -> memref<96xi32, #tpu.memory_space<vmem>>
        %dma_start3A_237 = arith.constant 0 : i32
        %dma_start3A_238 = arith.constant 0 : i32
        %dma_start3A_239 = tpu.memref_slice %arg2[%dma_start3A_237, %dma_start3A_238] : memref<10240x128xf32, #tpu.memory_space<hbm>> -> memref<10240x128xf32, #tpu.memory_space<hbm>>
        tpu.enqueue_indirect_dma source(%dma_start3A_239 : memref<10240x128xf32, #tpu.memory_space<hbm>>) target(%dma_start3A_233 : memref<96x128xf32, #tpu.memory_space<vmem>>) offsets(%dma_start3A_236 : memref<96xi32, #tpu.memory_space<vmem>>) semaphore(%arg13 : memref<!tpu.dma_semaphore, #tpu.memory_space<semaphore_mem>>)
      } else {
      }
      %lt3A_223 = arith.constant 16 : i32
      %lt3A_224 = arith.cmpi slt, %scan3A_84, %lt3A_223 : i32
      %convert_element_type3A_225 = arith.extui %lt3A_224 : i1 to i32
      %cond3A_226 = arith.constant 0 : i32
      %cond3A_227 = arith.cmpi ne, %convert_element_type3A_225, %cond3A_226 : i32
      scf.if %cond3A_227 {
        %add3A = arith.constant 2 : i32
        %add3A_228 = arith.addi %scan3A_84, %add3A : i32
        %dma_start3A_229 = arith.constant 0 : i32
        %dma_start3A_230 = arith.constant 0 : i32
        %dma_start3A_231 = tpu.memref_slice %arg8[%rem3A_85, %dma_start3A_229, %dma_start3A_230] : memref<2x6x96xi32, #tpu.memory_space<vmem>> -> memref<1x6x96xi32, #tpu.memory_space<vmem>>
        %dma_start3A_232 = tpu.memref_squeeze %dma_start3A_231 : memref<1x6x96xi32, #tpu.memory_space<vmem>> -> memref<6x96xi32, #tpu.memory_space<vmem>>
        %dma_start3A_233 = arith.constant 0 : i32
        %dma_start3A_234 = arith.constant 0 : i32
        %dma_start3A_235 = tpu.memref_slice %arg3[%arg0, %arg1, %add3A_228, %dma_start3A_233, %dma_start3A_234] : memref<2x16x18x6x96xi32, #tpu.memory_space<hbm>> -> memref<1x1x1x6x96xi32, #tpu.memory_space<hbm>>
        %dma_start3A_236 = tpu.memref_squeeze %dma_start3A_235 : memref<1x1x1x6x96xi32, #tpu.memory_space<hbm>> -> memref<6x96xi32, #tpu.memory_space<hbm>>
        %dma_start3A_237 = arith.constant 0 : i32
        %dma_start3A_238 = arith.constant 0 : i32
        %dma_start3A_239 = tpu.memref_slice %arg8[%rem3A_85, %dma_start3A_237, %dma_start3A_238] : memref<2x6x96xi32, #tpu.memory_space<vmem>> -> memref<1x6x96xi32, #tpu.memory_space<vmem>>
        %dma_start3A_240 = tpu.memref_squeeze %dma_start3A_239 : memref<1x6x96xi32, #tpu.memory_space<vmem>> -> memref<6x96xi32, #tpu.memory_space<vmem>>
        %dma_start3A_241 = arith.constant 0 : i32
        %dma_start3A_242 = arith.constant 0 : i32
        %dma_start3A_243 = tpu.memref_slice %arg3[%arg0, %arg1, %add3A_228, %dma_start3A_241, %dma_start3A_242] : memref<2x16x18x6x96xi32, #tpu.memory_space<hbm>> -> memref<1x1x1x6x96xi32, #tpu.memory_space<hbm>>
        %dma_start3A_244 = tpu.memref_squeeze %dma_start3A_243 : memref<1x1x1x6x96xi32, #tpu.memory_space<hbm>> -> memref<6x96xi32, #tpu.memory_space<hbm>>
        tpu.enqueue_dma source(%dma_start3A_244 : memref<6x96xi32, #tpu.memory_space<hbm>>) target(%dma_start3A_240 : memref<6x96xi32, #tpu.memory_space<vmem>>) target_semaphore(%arg14 : memref<!tpu.dma_semaphore, #tpu.memory_space<semaphore_mem>>)
        %add3A_245 = arith.constant 2 : i32
        %add3A_246 = arith.addi %scan3A_84, %add3A_245 : i32
        %dma_start3A_247 = arith.constant 0 : i32
        %dma_start3A_248 = arith.constant 0 : i32
        %dma_start3A_249 = tpu.memref_slice %arg9[%rem3A_85, %dma_start3A_247, %dma_start3A_248] : memref<2x6x96xi32, #tpu.memory_space<vmem>> -> memref<1x6x96xi32, #tpu.memory_space<vmem>>
        %dma_start3A_250 = tpu.memref_squeeze %dma_start3A_249 : memref<1x6x96xi32, #tpu.memory_space<vmem>> -> memref<6x96xi32, #tpu.memory_space<vmem>>
        %dma_start3A_251 = arith.constant 0 : i32
        %dma_start3A_252 = arith.constant 0 : i32
        %dma_start3A_253 = tpu.memref_slice %arg4[%arg0, %arg1, %add3A_246, %dma_start3A_251, %dma_start3A_252] : memref<2x16x18x6x96xi32, #tpu.memory_space<hbm>> -> memref<1x1x1x6x96xi32, #tpu.memory_space<hbm>>
        %dma_start3A_254 = tpu.memref_squeeze %dma_start3A_253 : memref<1x1x1x6x96xi32, #tpu.memory_space<hbm>> -> memref<6x96xi32, #tpu.memory_space<hbm>>
        %dma_start3A_255 = arith.constant 0 : i32
        %dma_start3A_256 = arith.constant 0 : i32
        %dma_start3A_257 = tpu.memref_slice %arg9[%rem3A_85, %dma_start3A_255, %dma_start3A_256] : memref<2x6x96xi32, #tpu.memory_space<vmem>> -> memref<1x6x96xi32, #tpu.memory_space<vmem>>
        %dma_start3A_258 = tpu.memref_squeeze %dma_start3A_257 : memref<1x6x96xi32, #tpu.memory_space<vmem>> -> memref<6x96xi32, #tpu.memory_space<vmem>>
        %dma_start3A_259 = arith.constant 0 : i32
        %dma_start3A_260 = arith.constant 0 : i32
        %dma_start3A_261 = tpu.memref_slice %arg4[%arg0, %arg1, %add3A_246, %dma_start3A_259, %dma_start3A_260] : memref<2x16x18x6x96xi32, #tpu.memory_space<hbm>> -> memref<1x1x1x6x96xi32, #tpu.memory_space<hbm>>
        %dma_start3A_262 = tpu.memref_squeeze %dma_start3A_261 : memref<1x1x1x6x96xi32, #tpu.memory_space<hbm>> -> memref<6x96xi32, #tpu.memory_space<hbm>>
        tpu.enqueue_dma source(%dma_start3A_262 : memref<6x96xi32, #tpu.memory_space<hbm>>) target(%dma_start3A_258 : memref<6x96xi32, #tpu.memory_space<vmem>>) target_semaphore(%arg14 : memref<!tpu.dma_semaphore, #tpu.memory_space<semaphore_mem>>)
      } else {
      }
    }
    %scan3A_82 = arith.constant 18 : i32
    %barrier3A_83 = arith.constant 0 : index
    tpu.barrier barrier_id(%barrier3A_83)
    "tpu.region"() ({
      %run_scoped3A_84 = tpu.sem_alloc : memref<!tpu.dma_semaphore, #tpu.memory_space<semaphore_mem>>
      %dma_start3A_85 = arith.constant 0 : i32
      %dma_start3A_86 = tpu.memref_slice %arg6[%arg0, %mul3A_0, %dma_start3A_85] : memref<2x10240x128xf32, #tpu.memory_space<hbm>> -> memref<1x640x128xf32, #tpu.memory_space<hbm>>
      %dma_start3A_87 = tpu.memref_squeeze %dma_start3A_86 : memref<1x640x128xf32, #tpu.memory_space<hbm>> -> memref<640x128xf32, #tpu.memory_space<hbm>>
      %dma_start3A_88 = arith.constant 0 : i32
      %dma_start3A_89 = tpu.memref_slice %arg7[%mul3A_0, %dma_start3A_88] : memref<10240x128xf32, #tpu.memory_space<vmem_shared>> -> memref<640x128xf32, #tpu.memory_space<vmem_shared>>
      tpu.enqueue_dma source(%dma_start3A_89 : memref<640x128xf32, #tpu.memory_space<vmem_shared>>) target(%dma_start3A_87 : memref<640x128xf32, #tpu.memory_space<hbm>>) target_semaphore(%run_scoped3A_84 : memref<!tpu.dma_semaphore, #tpu.memory_space<semaphore_mem>>)
      %dma_wait3A = arith.constant 0 : i32
      %dma_wait3A_90 = tpu.memref_slice %arg6[%arg0, %mul3A_0, %dma_wait3A] : memref<2x10240x128xf32, #tpu.memory_space<hbm>> -> memref<1x640x128xf32, #tpu.memory_space<hbm>>
      %dma_wait3A_91 = tpu.memref_squeeze %dma_wait3A_90 : memref<1x640x128xf32, #tpu.memory_space<hbm>> -> memref<640x128xf32, #tpu.memory_space<hbm>>
      %dma_wait3A_92 = arith.constant 0 : i32
      %dma_wait3A_93 = tpu.memref_slice %arg7[%mul3A_0, %dma_wait3A_92] : memref<10240x128xf32, #tpu.memory_space<vmem_shared>> -> memref<640x128xf32, #tpu.memory_space<vmem_shared>>
      tpu.wait_dma2 semaphore(%run_scoped3A_84 : memref<!tpu.dma_semaphore, #tpu.memory_space<semaphore_mem>>) src(%dma_wait3A_93 : memref<640x128xf32, #tpu.memory_space<vmem_shared>>) dst(%dma_wait3A_91 : memref<640x128xf32, #tpu.memory_space<hbm>>)
      tpu.yield
    }) : () -> ()
    return
  }
}

#map = affine_map<(d0, d1) -> (0, 0, 0, 0)>
#map1 = affine_map<(d0, d1) -> (0, 0)>
#map2 = affine_map<(d0, d1) -> (0, 0, 0)>
module attributes {stable_mosaic.version = 14 : i64} {
  func.func @_deg_body(%arg0: i32, %arg1: i32, %arg2: memref<2x16x108x96xi32, #tpu.memory_space<hbm>>, %arg3: memref<96x16xf32, #tpu.memory_space<hbm>>, %arg4: memref<640x16xf32, #tpu.memory_space<hbm>>, %arg5: memref<2x10240x16xf32, #tpu.memory_space<hbm>>, %arg6: memref<10240x16xf32, #tpu.memory_space<vmem_shared>>, %arg7: memref<108x96xi32, #tpu.memory_space<vmem>>, %arg8: memref<96x16xf32, #tpu.memory_space<vmem>>) attributes {dimension_semantics = [#tpu.dimension_semantics<core_parallel>, #tpu.dimension_semantics<subcore_parallel>], iteration_bounds = array<i64: 2, 16>, scalar_prefetch = 0 : i64, scratch_operands = 3 : i64, tpu.core_type = #tpu.core_type<sc_vector_subcore>, window_params = [{transform_indices = #map}, {transform_indices = #map1}, {transform_indices = #map1}, {transform_indices = #map2}]} {
    %mul3A = arith.constant 640 : i32
    %mul3A_0 = arith.muli %arg1, %mul3A : i32
    "tpu.region"() ({
      %run_scoped3A = tpu.sem_alloc : memref<!tpu.dma_semaphore, #tpu.memory_space<semaphore_mem>>
      %dma_start3A = arith.constant 0 : i32
      %dma_start3A_7 = tpu.memref_slice %arg6[%mul3A_0, %dma_start3A] : memref<10240x16xf32, #tpu.memory_space<vmem_shared>> -> memref<640x16xf32, #tpu.memory_space<vmem_shared>>
      tpu.enqueue_dma source(%arg4 : memref<640x16xf32, #tpu.memory_space<hbm>>) target(%dma_start3A_7 : memref<640x16xf32, #tpu.memory_space<vmem_shared>>) target_semaphore(%run_scoped3A : memref<!tpu.dma_semaphore, #tpu.memory_space<semaphore_mem>>)
      %dma_wait3A = arith.constant 0 : i32
      %dma_wait3A_8 = tpu.memref_slice %arg6[%mul3A_0, %dma_wait3A] : memref<10240x16xf32, #tpu.memory_space<vmem_shared>> -> memref<640x16xf32, #tpu.memory_space<vmem_shared>>
      tpu.wait_dma2 semaphore(%run_scoped3A : memref<!tpu.dma_semaphore, #tpu.memory_space<semaphore_mem>>) src(%arg4 : memref<640x16xf32, #tpu.memory_space<hbm>>) dst(%dma_wait3A_8 : memref<640x16xf32, #tpu.memory_space<vmem_shared>>)
      tpu.yield
    }) : () -> ()
    "tpu.region"() ({
      %run_scoped3A = tpu.sem_alloc : memref<!tpu.dma_semaphore, #tpu.memory_space<semaphore_mem>>
      %dma_start3A = arith.constant 0 : i32
      %dma_start3A_7 = arith.constant 0 : i32
      %dma_start3A_8 = tpu.memref_slice %arg2[%arg0, %arg1, %dma_start3A, %dma_start3A_7] : memref<2x16x108x96xi32, #tpu.memory_space<hbm>> -> memref<1x1x108x96xi32, #tpu.memory_space<hbm>>
      %dma_start3A_9 = tpu.memref_squeeze %dma_start3A_8 : memref<1x1x108x96xi32, #tpu.memory_space<hbm>> -> memref<108x96xi32, #tpu.memory_space<hbm>>
      %dma_start3A_10 = arith.constant 0 : i32
      %dma_start3A_11 = arith.constant 0 : i32
      %dma_start3A_12 = tpu.memref_slice %arg2[%arg0, %arg1, %dma_start3A_10, %dma_start3A_11] : memref<2x16x108x96xi32, #tpu.memory_space<hbm>> -> memref<1x1x108x96xi32, #tpu.memory_space<hbm>>
      %dma_start3A_13 = tpu.memref_squeeze %dma_start3A_12 : memref<1x1x108x96xi32, #tpu.memory_space<hbm>> -> memref<108x96xi32, #tpu.memory_space<hbm>>
      tpu.enqueue_dma source(%dma_start3A_13 : memref<108x96xi32, #tpu.memory_space<hbm>>) target(%arg7 : memref<108x96xi32, #tpu.memory_space<vmem>>) target_semaphore(%run_scoped3A : memref<!tpu.dma_semaphore, #tpu.memory_space<semaphore_mem>>)
      %dma_wait3A = arith.constant 0 : i32
      %dma_wait3A_14 = arith.constant 0 : i32
      %dma_wait3A_15 = tpu.memref_slice %arg2[%arg0, %arg1, %dma_wait3A, %dma_wait3A_14] : memref<2x16x108x96xi32, #tpu.memory_space<hbm>> -> memref<1x1x108x96xi32, #tpu.memory_space<hbm>>
      %dma_wait3A_16 = tpu.memref_squeeze %dma_wait3A_15 : memref<1x1x108x96xi32, #tpu.memory_space<hbm>> -> memref<108x96xi32, #tpu.memory_space<hbm>>
      %dma_wait3A_17 = arith.constant 0 : i32
      %dma_wait3A_18 = arith.constant 0 : i32
      %dma_wait3A_19 = tpu.memref_slice %arg2[%arg0, %arg1, %dma_wait3A_17, %dma_wait3A_18] : memref<2x16x108x96xi32, #tpu.memory_space<hbm>> -> memref<1x1x108x96xi32, #tpu.memory_space<hbm>>
      %dma_wait3A_20 = tpu.memref_squeeze %dma_wait3A_19 : memref<1x1x108x96xi32, #tpu.memory_space<hbm>> -> memref<108x96xi32, #tpu.memory_space<hbm>>
      tpu.wait_dma2 semaphore(%run_scoped3A : memref<!tpu.dma_semaphore, #tpu.memory_space<semaphore_mem>>) src(%dma_wait3A_20 : memref<108x96xi32, #tpu.memory_space<hbm>>) dst(%arg7 : memref<108x96xi32, #tpu.memory_space<vmem>>)
      tpu.yield
    }) : () -> ()
    "tpu.region"() ({
      %run_scoped3A = tpu.sem_alloc : memref<!tpu.dma_semaphore, #tpu.memory_space<semaphore_mem>>
      tpu.enqueue_dma source(%arg3 : memref<96x16xf32, #tpu.memory_space<hbm>>) target(%arg8 : memref<96x16xf32, #tpu.memory_space<vmem>>) target_semaphore(%run_scoped3A : memref<!tpu.dma_semaphore, #tpu.memory_space<semaphore_mem>>)
      tpu.wait_dma2 semaphore(%run_scoped3A : memref<!tpu.dma_semaphore, #tpu.memory_space<semaphore_mem>>) src(%arg3 : memref<96x16xf32, #tpu.memory_space<hbm>>) dst(%arg8 : memref<96x16xf32, #tpu.memory_space<vmem>>)
      tpu.yield
    }) : () -> ()
    %barrier3A = arith.constant 0 : index
    tpu.barrier barrier_id(%barrier3A)
    %scan3A = arith.constant 0 : i32
    %scan3A_1 = arith.constant 0 : i32
    %scan3A_2 = arith.constant 108 : i32
    %scan3A_3 = arith.addi %scan3A_1, %scan3A_2 : i32
    %scan3A_4 = arith.constant 1 : i32
    scf.for %scan3A_7 = %scan3A_1 to %scan3A_3 step %scan3A_4  : i32 {
      "tpu.region"() ({
        %run_scoped3A = tpu.sem_alloc : memref<!tpu.dma_semaphore, #tpu.memory_space<semaphore_mem>>
        %dma_start3A = arith.constant 0 : i32
        %dma_start3A_8 = tpu.memref_slice %arg7[%scan3A_7, %dma_start3A] : memref<108x96xi32, #tpu.memory_space<vmem>> -> memref<1x96xi32, #tpu.memory_space<vmem>>
        %dma_start3A_9 = tpu.memref_squeeze %dma_start3A_8 : memref<1x96xi32, #tpu.memory_space<vmem>> -> memref<96xi32, #tpu.memory_space<vmem>>
        %dma_start3A_10 = arith.constant 0 : i32
        %dma_start3A_11 = arith.constant 0 : i32
        %dma_start3A_12 = tpu.memref_slice %arg6[%dma_start3A_10, %dma_start3A_11] : memref<10240x16xf32, #tpu.memory_space<vmem_shared>> -> memref<10240x16xf32, #tpu.memory_space<vmem_shared>>
        tpu.enqueue_indirect_dma source(%arg8 : memref<96x16xf32, #tpu.memory_space<vmem>>) target(%dma_start3A_12 : memref<10240x16xf32, #tpu.memory_space<vmem_shared>>) offsets(%dma_start3A_9 : memref<96xi32, #tpu.memory_space<vmem>>) semaphore(%run_scoped3A : memref<!tpu.dma_semaphore, #tpu.memory_space<semaphore_mem>>) {add = true}
        %dma_wait3A = arith.constant 0 : i32
        %dma_wait3A_13 = tpu.memref_slice %arg7[%scan3A_7, %dma_wait3A] : memref<108x96xi32, #tpu.memory_space<vmem>> -> memref<1x96xi32, #tpu.memory_space<vmem>>
        %dma_wait3A_14 = tpu.memref_squeeze %dma_wait3A_13 : memref<1x96xi32, #tpu.memory_space<vmem>> -> memref<96xi32, #tpu.memory_space<vmem>>
        %dma_wait3A_15 = arith.constant 0 : i32
        %dma_wait3A_16 = arith.constant 0 : i32
        %dma_wait3A_17 = tpu.memref_slice %arg6[%dma_wait3A_15, %dma_wait3A_16] : memref<10240x16xf32, #tpu.memory_space<vmem_shared>> -> memref<10240x16xf32, #tpu.memory_space<vmem_shared>>
        tpu.wait_indirect_dma semaphore(%run_scoped3A : memref<!tpu.dma_semaphore, #tpu.memory_space<semaphore_mem>>) src(%arg8 : memref<96x16xf32, #tpu.memory_space<vmem>>) dst(%dma_wait3A_17 : memref<10240x16xf32, #tpu.memory_space<vmem_shared>>)
        tpu.yield
      }) : () -> ()
    }
    %scan3A_5 = arith.constant 108 : i32
    %barrier3A_6 = arith.constant 0 : index
    tpu.barrier barrier_id(%barrier3A_6)
    "tpu.region"() ({
      %run_scoped3A = tpu.sem_alloc : memref<!tpu.dma_semaphore, #tpu.memory_space<semaphore_mem>>
      %dma_start3A = arith.constant 0 : i32
      %dma_start3A_7 = tpu.memref_slice %arg5[%arg0, %mul3A_0, %dma_start3A] : memref<2x10240x16xf32, #tpu.memory_space<hbm>> -> memref<1x640x16xf32, #tpu.memory_space<hbm>>
      %dma_start3A_8 = tpu.memref_squeeze %dma_start3A_7 : memref<1x640x16xf32, #tpu.memory_space<hbm>> -> memref<640x16xf32, #tpu.memory_space<hbm>>
      %dma_start3A_9 = arith.constant 0 : i32
      %dma_start3A_10 = tpu.memref_slice %arg6[%mul3A_0, %dma_start3A_9] : memref<10240x16xf32, #tpu.memory_space<vmem_shared>> -> memref<640x16xf32, #tpu.memory_space<vmem_shared>>
      tpu.enqueue_dma source(%dma_start3A_10 : memref<640x16xf32, #tpu.memory_space<vmem_shared>>) target(%dma_start3A_8 : memref<640x16xf32, #tpu.memory_space<hbm>>) target_semaphore(%run_scoped3A : memref<!tpu.dma_semaphore, #tpu.memory_space<semaphore_mem>>)
      %dma_wait3A = arith.constant 0 : i32
      %dma_wait3A_11 = tpu.memref_slice %arg5[%arg0, %mul3A_0, %dma_wait3A] : memref<2x10240x16xf32, #tpu.memory_space<hbm>> -> memref<1x640x16xf32, #tpu.memory_space<hbm>>
      %dma_wait3A_12 = tpu.memref_squeeze %dma_wait3A_11 : memref<1x640x16xf32, #tpu.memory_space<hbm>> -> memref<640x16xf32, #tpu.memory_space<hbm>>
      %dma_wait3A_13 = arith.constant 0 : i32
      %dma_wait3A_14 = tpu.memref_slice %arg6[%mul3A_0, %dma_wait3A_13] : memref<10240x16xf32, #tpu.memory_space<vmem_shared>> -> memref<640x16xf32, #tpu.memory_space<vmem_shared>>
      tpu.wait_dma2 semaphore(%run_scoped3A : memref<!tpu.dma_semaphore, #tpu.memory_space<semaphore_mem>>) src(%dma_wait3A_14 : memref<640x16xf32, #tpu.memory_space<vmem_shared>>) dst(%dma_wait3A_12 : memref<640x16xf32, #tpu.memory_space<hbm>>)
      tpu.yield
    }) : () -> ()
    return
  }
}

#map = affine_map<(d0, d1) -> (0, 0)>
#map1 = affine_map<(d0, d1) -> (0, 0, 0, 0, 0)>
#map2 = affine_map<(d0, d1) -> (0, 0, 0)>
module attributes {stable_mosaic.version = 14 : i64} {
  func.func @_agg_body(%arg0: i32, %arg1: i32, %arg2: memref<10240x128xf32, #tpu.memory_space<hbm>>, %arg3: memref<2x16x18x6x96xi32, #tpu.memory_space<hbm>>, %arg4: memref<2x16x18x6x96xi32, #tpu.memory_space<hbm>>, %arg5: memref<640x128xf32, #tpu.memory_space<hbm>>, %arg6: memref<2x10240x128xf32, #tpu.memory_space<hbm>>, %arg7: memref<10240x128xf32, #tpu.memory_space<vmem_shared>>, %arg8: memref<2x6x96xi32, #tpu.memory_space<vmem>>, %arg9: memref<2x6x96xi32, #tpu.memory_space<vmem>>, %arg10: memref<3x96x128xf32, #tpu.memory_space<vmem>>, %arg11: memref<!tpu.dma_semaphore, #tpu.memory_space<semaphore_mem>>, %arg12: memref<!tpu.dma_semaphore, #tpu.memory_space<semaphore_mem>>, %arg13: memref<!tpu.dma_semaphore, #tpu.memory_space<semaphore_mem>>, %arg14: memref<!tpu.dma_semaphore, #tpu.memory_space<semaphore_mem>>) attributes {dimension_semantics = [#tpu.dimension_semantics<core_parallel>, #tpu.dimension_semantics<subcore_parallel>], iteration_bounds = array<i64: 2, 16>, scalar_prefetch = 0 : i64, scratch_operands = 8 : i64, tpu.core_type = #tpu.core_type<sc_vector_subcore>, window_params = [{transform_indices = #map}, {transform_indices = #map1}, {transform_indices = #map1}, {transform_indices = #map}, {transform_indices = #map2}]} {
    %mul3A = arith.constant 640 : i32
    %mul3A_0 = arith.muli %arg1, %mul3A : i32
    "tpu.region"() ({
      %run_scoped3A_84 = tpu.sem_alloc : memref<!tpu.dma_semaphore, #tpu.memory_space<semaphore_mem>>
      %dma_start3A_85 = arith.constant 0 : i32
      %dma_start3A_86 = tpu.memref_slice %arg7[%mul3A_0, %dma_start3A_85] : memref<10240x128xf32, #tpu.memory_space<vmem_shared>> -> memref<640x128xf32, #tpu.memory_space<vmem_shared>>
      tpu.enqueue_dma source(%arg5 : memref<640x128xf32, #tpu.memory_space<hbm>>) target(%dma_start3A_86 : memref<640x128xf32, #tpu.memory_space<vmem_shared>>) target_semaphore(%run_scoped3A_84 : memref<!tpu.dma_semaphore, #tpu.memory_space<semaphore_mem>>)
      %dma_wait3A = arith.constant 0 : i32
      %dma_wait3A_87 = tpu.memref_slice %arg7[%mul3A_0, %dma_wait3A] : memref<10240x128xf32, #tpu.memory_space<vmem_shared>> -> memref<640x128xf32, #tpu.memory_space<vmem_shared>>
      tpu.wait_dma2 semaphore(%run_scoped3A_84 : memref<!tpu.dma_semaphore, #tpu.memory_space<semaphore_mem>>) src(%arg5 : memref<640x128xf32, #tpu.memory_space<hbm>>) dst(%dma_wait3A_87 : memref<640x128xf32, #tpu.memory_space<vmem_shared>>)
      tpu.yield
    }) : () -> ()
    %run_scoped3A = arith.constant 0 : i32
    %run_scoped3A_1 = arith.constant 0 : i32
    "tpu.region"() ({
      %run_scoped3A_84 = tpu.sem_alloc : memref<!tpu.dma_semaphore, #tpu.memory_space<semaphore_mem>>
      %dma_start3A_85 = arith.constant 0 : i32
      %dma_start3A_86 = arith.constant 0 : i32
      %dma_start3A_87 = tpu.memref_slice %arg8[%run_scoped3A_1, %dma_start3A_85, %dma_start3A_86] : memref<2x6x96xi32, #tpu.memory_space<vmem>> -> memref<1x6x96xi32, #tpu.memory_space<vmem>>
      %dma_start3A_88 = tpu.memref_squeeze %dma_start3A_87 : memref<1x6x96xi32, #tpu.memory_space<vmem>> -> memref<6x96xi32, #tpu.memory_space<vmem>>
      %dma_start3A_89 = arith.constant 0 : i32
      %dma_start3A_90 = arith.constant 0 : i32
      %dma_start3A_91 = tpu.memref_slice %arg3[%arg0, %arg1, %run_scoped3A, %dma_start3A_89, %dma_start3A_90] : memref<2x16x18x6x96xi32, #tpu.memory_space<hbm>> -> memref<1x1x1x6x96xi32, #tpu.memory_space<hbm>>
      %dma_start3A_92 = tpu.memref_squeeze %dma_start3A_91 : memref<1x1x1x6x96xi32, #tpu.memory_space<hbm>> -> memref<6x96xi32, #tpu.memory_space<hbm>>
      %dma_start3A_93 = arith.constant 0 : i32
      %dma_start3A_94 = arith.constant 0 : i32
      %dma_start3A_95 = tpu.memref_slice %arg8[%run_scoped3A_1, %dma_start3A_93, %dma_start3A_94] : memref<2x6x96xi32, #tpu.memory_space<vmem>> -> memref<1x6x96xi32, #tpu.memory_space<vmem>>
      %dma_start3A_96 = tpu.memref_squeeze %dma_start3A_95 : memref<1x6x96xi32, #tpu.memory_space<vmem>> -> memref<6x96xi32, #tpu.memory_space<vmem>>
      %dma_start3A_97 = arith.constant 0 : i32
      %dma_start3A_98 = arith.constant 0 : i32
      %dma_start3A_99 = tpu.memref_slice %arg3[%arg0, %arg1, %run_scoped3A, %dma_start3A_97, %dma_start3A_98] : memref<2x16x18x6x96xi32, #tpu.memory_space<hbm>> -> memref<1x1x1x6x96xi32, #tpu.memory_space<hbm>>
      %dma_start3A_100 = tpu.memref_squeeze %dma_start3A_99 : memref<1x1x1x6x96xi32, #tpu.memory_space<hbm>> -> memref<6x96xi32, #tpu.memory_space<hbm>>
      tpu.enqueue_dma source(%dma_start3A_100 : memref<6x96xi32, #tpu.memory_space<hbm>>) target(%dma_start3A_96 : memref<6x96xi32, #tpu.memory_space<vmem>>) target_semaphore(%run_scoped3A_84 : memref<!tpu.dma_semaphore, #tpu.memory_space<semaphore_mem>>)
      %dma_wait3A = arith.constant 0 : i32
      %dma_wait3A_101 = arith.constant 0 : i32
      %dma_wait3A_102 = tpu.memref_slice %arg8[%run_scoped3A_1, %dma_wait3A, %dma_wait3A_101] : memref<2x6x96xi32, #tpu.memory_space<vmem>> -> memref<1x6x96xi32, #tpu.memory_space<vmem>>
      %dma_wait3A_103 = tpu.memref_squeeze %dma_wait3A_102 : memref<1x6x96xi32, #tpu.memory_space<vmem>> -> memref<6x96xi32, #tpu.memory_space<vmem>>
      %dma_wait3A_104 = arith.constant 0 : i32
      %dma_wait3A_105 = arith.constant 0 : i32
      %dma_wait3A_106 = tpu.memref_slice %arg3[%arg0, %arg1, %run_scoped3A, %dma_wait3A_104, %dma_wait3A_105] : memref<2x16x18x6x96xi32, #tpu.memory_space<hbm>> -> memref<1x1x1x6x96xi32, #tpu.memory_space<hbm>>
      %dma_wait3A_107 = tpu.memref_squeeze %dma_wait3A_106 : memref<1x1x1x6x96xi32, #tpu.memory_space<hbm>> -> memref<6x96xi32, #tpu.memory_space<hbm>>
      %dma_wait3A_108 = arith.constant 0 : i32
      %dma_wait3A_109 = arith.constant 0 : i32
      %dma_wait3A_110 = tpu.memref_slice %arg8[%run_scoped3A_1, %dma_wait3A_108, %dma_wait3A_109] : memref<2x6x96xi32, #tpu.memory_space<vmem>> -> memref<1x6x96xi32, #tpu.memory_space<vmem>>
      %dma_wait3A_111 = tpu.memref_squeeze %dma_wait3A_110 : memref<1x6x96xi32, #tpu.memory_space<vmem>> -> memref<6x96xi32, #tpu.memory_space<vmem>>
      %dma_wait3A_112 = arith.constant 0 : i32
      %dma_wait3A_113 = arith.constant 0 : i32
      %dma_wait3A_114 = tpu.memref_slice %arg3[%arg0, %arg1, %run_scoped3A, %dma_wait3A_112, %dma_wait3A_113] : memref<2x16x18x6x96xi32, #tpu.memory_space<hbm>> -> memref<1x1x1x6x96xi32, #tpu.memory_space<hbm>>
      %dma_wait3A_115 = tpu.memref_squeeze %dma_wait3A_114 : memref<1x1x1x6x96xi32, #tpu.memory_space<hbm>> -> memref<6x96xi32, #tpu.memory_space<hbm>>
      tpu.wait_dma2 semaphore(%run_scoped3A_84 : memref<!tpu.dma_semaphore, #tpu.memory_space<semaphore_mem>>) src(%dma_wait3A_115 : memref<6x96xi32, #tpu.memory_space<hbm>>) dst(%dma_wait3A_111 : memref<6x96xi32, #tpu.memory_space<vmem>>)
      tpu.yield
    }) : () -> ()
    %run_scoped3A_2 = arith.constant 0 : i32
    %run_scoped3A_3 = arith.constant 0 : i32
    "tpu.region"() ({
      %run_scoped3A_84 = tpu.sem_alloc : memref<!tpu.dma_semaphore, #tpu.memory_space<semaphore_mem>>
      %dma_start3A_85 = arith.constant 0 : i32
      %dma_start3A_86 = arith.constant 0 : i32
      %dma_start3A_87 = tpu.memref_slice %arg9[%run_scoped3A_3, %dma_start3A_85, %dma_start3A_86] : memref<2x6x96xi32, #tpu.memory_space<vmem>> -> memref<1x6x96xi32, #tpu.memory_space<vmem>>
      %dma_start3A_88 = tpu.memref_squeeze %dma_start3A_87 : memref<1x6x96xi32, #tpu.memory_space<vmem>> -> memref<6x96xi32, #tpu.memory_space<vmem>>
      %dma_start3A_89 = arith.constant 0 : i32
      %dma_start3A_90 = arith.constant 0 : i32
      %dma_start3A_91 = tpu.memref_slice %arg4[%arg0, %arg1, %run_scoped3A_2, %dma_start3A_89, %dma_start3A_90] : memref<2x16x18x6x96xi32, #tpu.memory_space<hbm>> -> memref<1x1x1x6x96xi32, #tpu.memory_space<hbm>>
      %dma_start3A_92 = tpu.memref_squeeze %dma_start3A_91 : memref<1x1x1x6x96xi32, #tpu.memory_space<hbm>> -> memref<6x96xi32, #tpu.memory_space<hbm>>
      %dma_start3A_93 = arith.constant 0 : i32
      %dma_start3A_94 = arith.constant 0 : i32
      %dma_start3A_95 = tpu.memref_slice %arg9[%run_scoped3A_3, %dma_start3A_93, %dma_start3A_94] : memref<2x6x96xi32, #tpu.memory_space<vmem>> -> memref<1x6x96xi32, #tpu.memory_space<vmem>>
      %dma_start3A_96 = tpu.memref_squeeze %dma_start3A_95 : memref<1x6x96xi32, #tpu.memory_space<vmem>> -> memref<6x96xi32, #tpu.memory_space<vmem>>
      %dma_start3A_97 = arith.constant 0 : i32
      %dma_start3A_98 = arith.constant 0 : i32
      %dma_start3A_99 = tpu.memref_slice %arg4[%arg0, %arg1, %run_scoped3A_2, %dma_start3A_97, %dma_start3A_98] : memref<2x16x18x6x96xi32, #tpu.memory_space<hbm>> -> memref<1x1x1x6x96xi32, #tpu.memory_space<hbm>>
      %dma_start3A_100 = tpu.memref_squeeze %dma_start3A_99 : memref<1x1x1x6x96xi32, #tpu.memory_space<hbm>> -> memref<6x96xi32, #tpu.memory_space<hbm>>
      tpu.enqueue_dma source(%dma_start3A_100 : memref<6x96xi32, #tpu.memory_space<hbm>>) target(%dma_start3A_96 : memref<6x96xi32, #tpu.memory_space<vmem>>) target_semaphore(%run_scoped3A_84 : memref<!tpu.dma_semaphore, #tpu.memory_space<semaphore_mem>>)
      %dma_wait3A = arith.constant 0 : i32
      %dma_wait3A_101 = arith.constant 0 : i32
      %dma_wait3A_102 = tpu.memref_slice %arg9[%run_scoped3A_3, %dma_wait3A, %dma_wait3A_101] : memref<2x6x96xi32, #tpu.memory_space<vmem>> -> memref<1x6x96xi32, #tpu.memory_space<vmem>>
      %dma_wait3A_103 = tpu.memref_squeeze %dma_wait3A_102 : memref<1x6x96xi32, #tpu.memory_space<vmem>> -> memref<6x96xi32, #tpu.memory_space<vmem>>
      %dma_wait3A_104 = arith.constant 0 : i32
      %dma_wait3A_105 = arith.constant 0 : i32
      %dma_wait3A_106 = tpu.memref_slice %arg4[%arg0, %arg1, %run_scoped3A_2, %dma_wait3A_104, %dma_wait3A_105] : memref<2x16x18x6x96xi32, #tpu.memory_space<hbm>> -> memref<1x1x1x6x96xi32, #tpu.memory_space<hbm>>
      %dma_wait3A_107 = tpu.memref_squeeze %dma_wait3A_106 : memref<1x1x1x6x96xi32, #tpu.memory_space<hbm>> -> memref<6x96xi32, #tpu.memory_space<hbm>>
      %dma_wait3A_108 = arith.constant 0 : i32
      %dma_wait3A_109 = arith.constant 0 : i32
      %dma_wait3A_110 = tpu.memref_slice %arg9[%run_scoped3A_3, %dma_wait3A_108, %dma_wait3A_109] : memref<2x6x96xi32, #tpu.memory_space<vmem>> -> memref<1x6x96xi32, #tpu.memory_space<vmem>>
      %dma_wait3A_111 = tpu.memref_squeeze %dma_wait3A_110 : memref<1x6x96xi32, #tpu.memory_space<vmem>> -> memref<6x96xi32, #tpu.memory_space<vmem>>
      %dma_wait3A_112 = arith.constant 0 : i32
      %dma_wait3A_113 = arith.constant 0 : i32
      %dma_wait3A_114 = tpu.memref_slice %arg4[%arg0, %arg1, %run_scoped3A_2, %dma_wait3A_112, %dma_wait3A_113] : memref<2x16x18x6x96xi32, #tpu.memory_space<hbm>> -> memref<1x1x1x6x96xi32, #tpu.memory_space<hbm>>
      %dma_wait3A_115 = tpu.memref_squeeze %dma_wait3A_114 : memref<1x1x1x6x96xi32, #tpu.memory_space<hbm>> -> memref<6x96xi32, #tpu.memory_space<hbm>>
      tpu.wait_dma2 semaphore(%run_scoped3A_84 : memref<!tpu.dma_semaphore, #tpu.memory_space<semaphore_mem>>) src(%dma_wait3A_115 : memref<6x96xi32, #tpu.memory_space<hbm>>) dst(%dma_wait3A_111 : memref<6x96xi32, #tpu.memory_space<vmem>>)
      tpu.yield
    }) : () -> ()
    %dma_start3A = arith.constant 1 : i32
    %dma_start3A_4 = arith.constant 1 : i32
    %dma_start3A_5 = arith.constant 0 : i32
    %dma_start3A_6 = arith.constant 0 : i32
    %dma_start3A_7 = tpu.memref_slice %arg8[%dma_start3A_4, %dma_start3A_5, %dma_start3A_6] : memref<2x6x96xi32, #tpu.memory_space<vmem>> -> memref<1x6x96xi32, #tpu.memory_space<vmem>>
    %dma_start3A_8 = tpu.memref_squeeze %dma_start3A_7 : memref<1x6x96xi32, #tpu.memory_space<vmem>> -> memref<6x96xi32, #tpu.memory_space<vmem>>
    %dma_start3A_9 = arith.constant 0 : i32
    %dma_start3A_10 = arith.constant 0 : i32
    %dma_start3A_11 = tpu.memref_slice %arg3[%arg0, %arg1, %dma_start3A, %dma_start3A_9, %dma_start3A_10] : memref<2x16x18x6x96xi32, #tpu.memory_space<hbm>> -> memref<1x1x1x6x96xi32, #tpu.memory_space<hbm>>
    %dma_start3A_12 = tpu.memref_squeeze %dma_start3A_11 : memref<1x1x1x6x96xi32, #tpu.memory_space<hbm>> -> memref<6x96xi32, #tpu.memory_space<hbm>>
    %dma_start3A_13 = arith.constant 0 : i32
    %dma_start3A_14 = arith.constant 0 : i32
    %dma_start3A_15 = tpu.memref_slice %arg8[%dma_start3A_4, %dma_start3A_13, %dma_start3A_14] : memref<2x6x96xi32, #tpu.memory_space<vmem>> -> memref<1x6x96xi32, #tpu.memory_space<vmem>>
    %dma_start3A_16 = tpu.memref_squeeze %dma_start3A_15 : memref<1x6x96xi32, #tpu.memory_space<vmem>> -> memref<6x96xi32, #tpu.memory_space<vmem>>
    %dma_start3A_17 = arith.constant 0 : i32
    %dma_start3A_18 = arith.constant 0 : i32
    %dma_start3A_19 = tpu.memref_slice %arg3[%arg0, %arg1, %dma_start3A, %dma_start3A_17, %dma_start3A_18] : memref<2x16x18x6x96xi32, #tpu.memory_space<hbm>> -> memref<1x1x1x6x96xi32, #tpu.memory_space<hbm>>
    %dma_start3A_20 = tpu.memref_squeeze %dma_start3A_19 : memref<1x1x1x6x96xi32, #tpu.memory_space<hbm>> -> memref<6x96xi32, #tpu.memory_space<hbm>>
    tpu.enqueue_dma source(%dma_start3A_20 : memref<6x96xi32, #tpu.memory_space<hbm>>) target(%dma_start3A_16 : memref<6x96xi32, #tpu.memory_space<vmem>>) target_semaphore(%arg14 : memref<!tpu.dma_semaphore, #tpu.memory_space<semaphore_mem>>)
    %dma_start3A_21 = arith.constant 1 : i32
    %dma_start3A_22 = arith.constant 1 : i32
    %dma_start3A_23 = arith.constant 0 : i32
    %dma_start3A_24 = arith.constant 0 : i32
    %dma_start3A_25 = tpu.memref_slice %arg9[%dma_start3A_22, %dma_start3A_23, %dma_start3A_24] : memref<2x6x96xi32, #tpu.memory_space<vmem>> -> memref<1x6x96xi32, #tpu.memory_space<vmem>>
    %dma_start3A_26 = tpu.memref_squeeze %dma_start3A_25 : memref<1x6x96xi32, #tpu.memory_space<vmem>> -> memref<6x96xi32, #tpu.memory_space<vmem>>
    %dma_start3A_27 = arith.constant 0 : i32
    %dma_start3A_28 = arith.constant 0 : i32
    %dma_start3A_29 = tpu.memref_slice %arg4[%arg0, %arg1, %dma_start3A_21, %dma_start3A_27, %dma_start3A_28] : memref<2x16x18x6x96xi32, #tpu.memory_space<hbm>> -> memref<1x1x1x6x96xi32, #tpu.memory_space<hbm>>
    %dma_start3A_30 = tpu.memref_squeeze %dma_start3A_29 : memref<1x1x1x6x96xi32, #tpu.memory_space<hbm>> -> memref<6x96xi32, #tpu.memory_space<hbm>>
    %dma_start3A_31 = arith.constant 0 : i32
    %dma_start3A_32 = arith.constant 0 : i32
    %dma_start3A_33 = tpu.memref_slice %arg9[%dma_start3A_22, %dma_start3A_31, %dma_start3A_32] : memref<2x6x96xi32, #tpu.memory_space<vmem>> -> memref<1x6x96xi32, #tpu.memory_space<vmem>>
    %dma_start3A_34 = tpu.memref_squeeze %dma_start3A_33 : memref<1x6x96xi32, #tpu.memory_space<vmem>> -> memref<6x96xi32, #tpu.memory_space<vmem>>
    %dma_start3A_35 = arith.constant 0 : i32
    %dma_start3A_36 = arith.constant 0 : i32
    %dma_start3A_37 = tpu.memref_slice %arg4[%arg0, %arg1, %dma_start3A_21, %dma_start3A_35, %dma_start3A_36] : memref<2x16x18x6x96xi32, #tpu.memory_space<hbm>> -> memref<1x1x1x6x96xi32, #tpu.memory_space<hbm>>
    %dma_start3A_38 = tpu.memref_squeeze %dma_start3A_37 : memref<1x1x1x6x96xi32, #tpu.memory_space<hbm>> -> memref<6x96xi32, #tpu.memory_space<hbm>>
    tpu.enqueue_dma source(%dma_start3A_38 : memref<6x96xi32, #tpu.memory_space<hbm>>) target(%dma_start3A_34 : memref<6x96xi32, #tpu.memory_space<vmem>>) target_semaphore(%arg14 : memref<!tpu.dma_semaphore, #tpu.memory_space<semaphore_mem>>)
    %barrier3A = arith.constant 0 : index
    tpu.barrier barrier_id(%barrier3A)
    %dma_start3A_39 = arith.constant 0 : i32
    %dma_start3A_40 = arith.constant 0 : i32
    %dma_start3A_41 = arith.constant 0 : i32
    %dma_start3A_42 = arith.constant 0 : i32
    %dma_start3A_43 = arith.constant 0 : i32
    %dma_start3A_44 = tpu.memref_slice %arg10[%dma_start3A_41, %dma_start3A_42, %dma_start3A_43] : memref<3x96x128xf32, #tpu.memory_space<vmem>> -> memref<1x96x128xf32, #tpu.memory_space<vmem>>
    %dma_start3A_45 = tpu.memref_squeeze %dma_start3A_44 : memref<1x96x128xf32, #tpu.memory_space<vmem>> -> memref<96x128xf32, #tpu.memory_space<vmem>>
    %dma_start3A_46 = arith.constant 0 : i32
    %dma_start3A_47 = tpu.memref_slice %arg8[%dma_start3A_39, %dma_start3A_40, %dma_start3A_46] : memref<2x6x96xi32, #tpu.memory_space<vmem>> -> memref<1x1x96xi32, #tpu.memory_space<vmem>>
    %dma_start3A_48 = tpu.memref_squeeze %dma_start3A_47 : memref<1x1x96xi32, #tpu.memory_space<vmem>> -> memref<96xi32, #tpu.memory_space<vmem>>
    %dma_start3A_49 = arith.constant 0 : i32
    %dma_start3A_50 = arith.constant 0 : i32
    %dma_start3A_51 = tpu.memref_slice %arg2[%dma_start3A_49, %dma_start3A_50] : memref<10240x128xf32, #tpu.memory_space<hbm>> -> memref<10240x128xf32, #tpu.memory_space<hbm>>
    tpu.enqueue_indirect_dma source(%dma_start3A_51 : memref<10240x128xf32, #tpu.memory_space<hbm>>) target(%dma_start3A_45 : memref<96x128xf32, #tpu.memory_space<vmem>>) offsets(%dma_start3A_48 : memref<96xi32, #tpu.memory_space<vmem>>) semaphore(%arg11 : memref<!tpu.dma_semaphore, #tpu.memory_space<semaphore_mem>>)
    %dma_start3A_52 = arith.constant 0 : i32
    %dma_start3A_53 = arith.constant 1 : i32
    %dma_start3A_54 = arith.constant 1 : i32
    %dma_start3A_55 = arith.constant 0 : i32
    %dma_start3A_56 = arith.constant 0 : i32
    %dma_start3A_57 = tpu.memref_slice %arg10[%dma_start3A_54, %dma_start3A_55, %dma_start3A_56] : memref<3x96x128xf32, #tpu.memory_space<vmem>> -> memref<1x96x128xf32, #tpu.memory_space<vmem>>
    %dma_start3A_58 = tpu.memref_squeeze %dma_start3A_57 : memref<1x96x128xf32, #tpu.memory_space<vmem>> -> memref<96x128xf32, #tpu.memory_space<vmem>>
    %dma_start3A_59 = arith.constant 0 : i32
    %dma_start3A_60 = tpu.memref_slice %arg8[%dma_start3A_52, %dma_start3A_53, %dma_start3A_59] : memref<2x6x96xi32, #tpu.memory_space<vmem>> -> memref<1x1x96xi32, #tpu.memory_space<vmem>>
    %dma_start3A_61 = tpu.memref_squeeze %dma_start3A_60 : memref<1x1x96xi32, #tpu.memory_space<vmem>> -> memref<96xi32, #tpu.memory_space<vmem>>
    %dma_start3A_62 = arith.constant 0 : i32
    %dma_start3A_63 = arith.constant 0 : i32
    %dma_start3A_64 = tpu.memref_slice %arg2[%dma_start3A_62, %dma_start3A_63] : memref<10240x128xf32, #tpu.memory_space<hbm>> -> memref<10240x128xf32, #tpu.memory_space<hbm>>
    tpu.enqueue_indirect_dma source(%dma_start3A_64 : memref<10240x128xf32, #tpu.memory_space<hbm>>) target(%dma_start3A_58 : memref<96x128xf32, #tpu.memory_space<vmem>>) offsets(%dma_start3A_61 : memref<96xi32, #tpu.memory_space<vmem>>) semaphore(%arg12 : memref<!tpu.dma_semaphore, #tpu.memory_space<semaphore_mem>>)
    %dma_start3A_65 = arith.constant 0 : i32
    %dma_start3A_66 = arith.constant 2 : i32
    %dma_start3A_67 = arith.constant 2 : i32
    %dma_start3A_68 = arith.constant 0 : i32
    %dma_start3A_69 = arith.constant 0 : i32
    %dma_start3A_70 = tpu.memref_slice %arg10[%dma_start3A_67, %dma_start3A_68, %dma_start3A_69] : memref<3x96x128xf32, #tpu.memory_space<vmem>> -> memref<1x96x128xf32, #tpu.memory_space<vmem>>
    %dma_start3A_71 = tpu.memref_squeeze %dma_start3A_70 : memref<1x96x128xf32, #tpu.memory_space<vmem>> -> memref<96x128xf32, #tpu.memory_space<vmem>>
    %dma_start3A_72 = arith.constant 0 : i32
    %dma_start3A_73 = tpu.memref_slice %arg8[%dma_start3A_65, %dma_start3A_66, %dma_start3A_72] : memref<2x6x96xi32, #tpu.memory_space<vmem>> -> memref<1x1x96xi32, #tpu.memory_space<vmem>>
    %dma_start3A_74 = tpu.memref_squeeze %dma_start3A_73 : memref<1x1x96xi32, #tpu.memory_space<vmem>> -> memref<96xi32, #tpu.memory_space<vmem>>
    %dma_start3A_75 = arith.constant 0 : i32
    %dma_start3A_76 = arith.constant 0 : i32
    %dma_start3A_77 = tpu.memref_slice %arg2[%dma_start3A_75, %dma_start3A_76] : memref<10240x128xf32, #tpu.memory_space<hbm>> -> memref<10240x128xf32, #tpu.memory_space<hbm>>
    tpu.enqueue_indirect_dma source(%dma_start3A_77 : memref<10240x128xf32, #tpu.memory_space<hbm>>) target(%dma_start3A_71 : memref<96x128xf32, #tpu.memory_space<vmem>>) offsets(%dma_start3A_74 : memref<96xi32, #tpu.memory_space<vmem>>) semaphore(%arg13 : memref<!tpu.dma_semaphore, #tpu.memory_space<semaphore_mem>>)
    %scan3A = arith.constant 0 : i32
    %scan3A_78 = arith.constant 0 : i32
    %scan3A_79 = arith.constant 18 : i32
    %scan3A_80 = arith.addi %scan3A_78, %scan3A_79 : i32
    %scan3A_81 = arith.constant 1 : i32
    scf.for %scan3A_84 = %scan3A_78 to %scan3A_80 step %scan3A_81  : i32 {
      %rem3A = arith.constant 2 : i32
      %rem3A_85 = arith.remsi %scan3A_84, %rem3A : i32
      %sub3A = arith.constant 1 : i32
      %sub3A_86 = arith.subi %sub3A, %rem3A_85 : i32
      %lt3A = arith.constant 17 : i32
      %lt3A_87 = arith.cmpi slt, %scan3A_84, %lt3A : i32
      %convert_element_type3A = arith.extui %lt3A_87 : i1 to i32
      %cond3A = arith.constant 0 : i32
      %cond3A_88 = arith.cmpi ne, %convert_element_type3A, %cond3A : i32
      scf.if %cond3A_88 {
        %add3A = arith.constant 1 : i32
        %add3A_228 = arith.addi %scan3A_84, %add3A : i32
        %dma_wait3A_229 = arith.constant 0 : i32
        %dma_wait3A_230 = arith.constant 0 : i32
        %dma_wait3A_231 = tpu.memref_slice %arg8[%sub3A_86, %dma_wait3A_229, %dma_wait3A_230] : memref<2x6x96xi32, #tpu.memory_space<vmem>> -> memref<1x6x96xi32, #tpu.memory_space<vmem>>
        %dma_wait3A_232 = tpu.memref_squeeze %dma_wait3A_231 : memref<1x6x96xi32, #tpu.memory_space<vmem>> -> memref<6x96xi32, #tpu.memory_space<vmem>>
        %dma_wait3A_233 = arith.constant 0 : i32
        %dma_wait3A_234 = arith.constant 0 : i32
        %dma_wait3A_235 = tpu.memref_slice %arg3[%arg0, %arg1, %add3A_228, %dma_wait3A_233, %dma_wait3A_234] : memref<2x16x18x6x96xi32, #tpu.memory_space<hbm>> -> memref<1x1x1x6x96xi32, #tpu.memory_space<hbm>>
        %dma_wait3A_236 = tpu.memref_squeeze %dma_wait3A_235 : memref<1x1x1x6x96xi32, #tpu.memory_space<hbm>> -> memref<6x96xi32, #tpu.memory_space<hbm>>
        %dma_wait3A_237 = arith.constant 0 : i32
        %dma_wait3A_238 = arith.constant 0 : i32
        %dma_wait3A_239 = tpu.memref_slice %arg8[%sub3A_86, %dma_wait3A_237, %dma_wait3A_238] : memref<2x6x96xi32, #tpu.memory_space<vmem>> -> memref<1x6x96xi32, #tpu.memory_space<vmem>>
        %dma_wait3A_240 = tpu.memref_squeeze %dma_wait3A_239 : memref<1x6x96xi32, #tpu.memory_space<vmem>> -> memref<6x96xi32, #tpu.memory_space<vmem>>
        %dma_wait3A_241 = arith.constant 0 : i32
        %dma_wait3A_242 = arith.constant 0 : i32
        %dma_wait3A_243 = tpu.memref_slice %arg3[%arg0, %arg1, %add3A_228, %dma_wait3A_241, %dma_wait3A_242] : memref<2x16x18x6x96xi32, #tpu.memory_space<hbm>> -> memref<1x1x1x6x96xi32, #tpu.memory_space<hbm>>
        %dma_wait3A_244 = tpu.memref_squeeze %dma_wait3A_243 : memref<1x1x1x6x96xi32, #tpu.memory_space<hbm>> -> memref<6x96xi32, #tpu.memory_space<hbm>>
        tpu.wait_dma2 semaphore(%arg14 : memref<!tpu.dma_semaphore, #tpu.memory_space<semaphore_mem>>) src(%dma_wait3A_244 : memref<6x96xi32, #tpu.memory_space<hbm>>) dst(%dma_wait3A_240 : memref<6x96xi32, #tpu.memory_space<vmem>>)
        %add3A_245 = arith.constant 1 : i32
        %add3A_246 = arith.addi %scan3A_84, %add3A_245 : i32
        %dma_wait3A_247 = arith.constant 0 : i32
        %dma_wait3A_248 = arith.constant 0 : i32
        %dma_wait3A_249 = tpu.memref_slice %arg9[%sub3A_86, %dma_wait3A_247, %dma_wait3A_248] : memref<2x6x96xi32, #tpu.memory_space<vmem>> -> memref<1x6x96xi32, #tpu.memory_space<vmem>>
        %dma_wait3A_250 = tpu.memref_squeeze %dma_wait3A_249 : memref<1x6x96xi32, #tpu.memory_space<vmem>> -> memref<6x96xi32, #tpu.memory_space<vmem>>
        %dma_wait3A_251 = arith.constant 0 : i32
        %dma_wait3A_252 = arith.constant 0 : i32
        %dma_wait3A_253 = tpu.memref_slice %arg4[%arg0, %arg1, %add3A_246, %dma_wait3A_251, %dma_wait3A_252] : memref<2x16x18x6x96xi32, #tpu.memory_space<hbm>> -> memref<1x1x1x6x96xi32, #tpu.memory_space<hbm>>
        %dma_wait3A_254 = tpu.memref_squeeze %dma_wait3A_253 : memref<1x1x1x6x96xi32, #tpu.memory_space<hbm>> -> memref<6x96xi32, #tpu.memory_space<hbm>>
        %dma_wait3A_255 = arith.constant 0 : i32
        %dma_wait3A_256 = arith.constant 0 : i32
        %dma_wait3A_257 = tpu.memref_slice %arg9[%sub3A_86, %dma_wait3A_255, %dma_wait3A_256] : memref<2x6x96xi32, #tpu.memory_space<vmem>> -> memref<1x6x96xi32, #tpu.memory_space<vmem>>
        %dma_wait3A_258 = tpu.memref_squeeze %dma_wait3A_257 : memref<1x6x96xi32, #tpu.memory_space<vmem>> -> memref<6x96xi32, #tpu.memory_space<vmem>>
        %dma_wait3A_259 = arith.constant 0 : i32
        %dma_wait3A_260 = arith.constant 0 : i32
        %dma_wait3A_261 = tpu.memref_slice %arg4[%arg0, %arg1, %add3A_246, %dma_wait3A_259, %dma_wait3A_260] : memref<2x16x18x6x96xi32, #tpu.memory_space<hbm>> -> memref<1x1x1x6x96xi32, #tpu.memory_space<hbm>>
        %dma_wait3A_262 = tpu.memref_squeeze %dma_wait3A_261 : memref<1x1x1x6x96xi32, #tpu.memory_space<hbm>> -> memref<6x96xi32, #tpu.memory_space<hbm>>
        tpu.wait_dma2 semaphore(%arg14 : memref<!tpu.dma_semaphore, #tpu.memory_space<semaphore_mem>>) src(%dma_wait3A_262 : memref<6x96xi32, #tpu.memory_space<hbm>>) dst(%dma_wait3A_258 : memref<6x96xi32, #tpu.memory_space<vmem>>)
      } else {
      }
      %dma_wait3A = arith.constant 0 : i32
      %dma_wait3A_89 = arith.constant 0 : i32
      %dma_wait3A_90 = arith.constant 0 : i32
      %dma_wait3A_91 = arith.constant 0 : i32
      %dma_wait3A_92 = tpu.memref_slice %arg10[%dma_wait3A_89, %dma_wait3A_90, %dma_wait3A_91] : memref<3x96x128xf32, #tpu.memory_space<vmem>> -> memref<1x96x128xf32, #tpu.memory_space<vmem>>
      %dma_wait3A_93 = tpu.memref_squeeze %dma_wait3A_92 : memref<1x96x128xf32, #tpu.memory_space<vmem>> -> memref<96x128xf32, #tpu.memory_space<vmem>>
      %dma_wait3A_94 = arith.constant 0 : i32
      %dma_wait3A_95 = tpu.memref_slice %arg8[%rem3A_85, %dma_wait3A, %dma_wait3A_94] : memref<2x6x96xi32, #tpu.memory_space<vmem>> -> memref<1x1x96xi32, #tpu.memory_space<vmem>>
      %dma_wait3A_96 = tpu.memref_squeeze %dma_wait3A_95 : memref<1x1x96xi32, #tpu.memory_space<vmem>> -> memref<96xi32, #tpu.memory_space<vmem>>
      %dma_wait3A_97 = arith.constant 0 : i32
      %dma_wait3A_98 = arith.constant 0 : i32
      %dma_wait3A_99 = tpu.memref_slice %arg2[%dma_wait3A_97, %dma_wait3A_98] : memref<10240x128xf32, #tpu.memory_space<hbm>> -> memref<10240x128xf32, #tpu.memory_space<hbm>>
      tpu.wait_indirect_dma semaphore(%arg11 : memref<!tpu.dma_semaphore, #tpu.memory_space<semaphore_mem>>) src(%dma_wait3A_99 : memref<10240x128xf32, #tpu.memory_space<hbm>>) dst(%dma_wait3A_93 : memref<96x128xf32, #tpu.memory_space<vmem>>)
      %run_scoped3A_100 = arith.constant 0 : i32
      %run_scoped3A_101 = arith.constant 0 : i32
      "tpu.region"() ({
        %run_scoped3A_228 = tpu.sem_alloc : memref<!tpu.dma_semaphore, #tpu.memory_space<semaphore_mem>>
        %dma_start3A_229 = arith.constant 0 : i32
        %dma_start3A_230 = arith.constant 0 : i32
        %dma_start3A_231 = tpu.memref_slice %arg10[%run_scoped3A_100, %dma_start3A_229, %dma_start3A_230] : memref<3x96x128xf32, #tpu.memory_space<vmem>> -> memref<1x96x128xf32, #tpu.memory_space<vmem>>
        %dma_start3A_232 = tpu.memref_squeeze %dma_start3A_231 : memref<1x96x128xf32, #tpu.memory_space<vmem>> -> memref<96x128xf32, #tpu.memory_space<vmem>>
        %dma_start3A_233 = arith.constant 0 : i32
        %dma_start3A_234 = tpu.memref_slice %arg9[%rem3A_85, %run_scoped3A_101, %dma_start3A_233] : memref<2x6x96xi32, #tpu.memory_space<vmem>> -> memref<1x1x96xi32, #tpu.memory_space<vmem>>
        %dma_start3A_235 = tpu.memref_squeeze %dma_start3A_234 : memref<1x1x96xi32, #tpu.memory_space<vmem>> -> memref<96xi32, #tpu.memory_space<vmem>>
        %dma_start3A_236 = arith.constant 0 : i32
        %dma_start3A_237 = arith.constant 0 : i32
        %dma_start3A_238 = tpu.memref_slice %arg7[%dma_start3A_236, %dma_start3A_237] : memref<10240x128xf32, #tpu.memory_space<vmem_shared>> -> memref<10240x128xf32, #tpu.memory_space<vmem_shared>>
        tpu.enqueue_indirect_dma source(%dma_start3A_232 : memref<96x128xf32, #tpu.memory_space<vmem>>) target(%dma_start3A_238 : memref<10240x128xf32, #tpu.memory_space<vmem_shared>>) offsets(%dma_start3A_235 : memref<96xi32, #tpu.memory_space<vmem>>) semaphore(%run_scoped3A_228 : memref<!tpu.dma_semaphore, #tpu.memory_space<semaphore_mem>>) {add = true}
        %dma_wait3A_239 = arith.constant 0 : i32
        %dma_wait3A_240 = arith.constant 0 : i32
        %dma_wait3A_241 = tpu.memref_slice %arg10[%run_scoped3A_100, %dma_wait3A_239, %dma_wait3A_240] : memref<3x96x128xf32, #tpu.memory_space<vmem>> -> memref<1x96x128xf32, #tpu.memory_space<vmem>>
        %dma_wait3A_242 = tpu.memref_squeeze %dma_wait3A_241 : memref<1x96x128xf32, #tpu.memory_space<vmem>> -> memref<96x128xf32, #tpu.memory_space<vmem>>
        %dma_wait3A_243 = arith.constant 0 : i32
        %dma_wait3A_244 = tpu.memref_slice %arg9[%rem3A_85, %run_scoped3A_101, %dma_wait3A_243] : memref<2x6x96xi32, #tpu.memory_space<vmem>> -> memref<1x1x96xi32, #tpu.memory_space<vmem>>
        %dma_wait3A_245 = tpu.memref_squeeze %dma_wait3A_244 : memref<1x1x96xi32, #tpu.memory_space<vmem>> -> memref<96xi32, #tpu.memory_space<vmem>>
        %dma_wait3A_246 = arith.constant 0 : i32
        %dma_wait3A_247 = arith.constant 0 : i32
        %dma_wait3A_248 = tpu.memref_slice %arg7[%dma_wait3A_246, %dma_wait3A_247] : memref<10240x128xf32, #tpu.memory_space<vmem_shared>> -> memref<10240x128xf32, #tpu.memory_space<vmem_shared>>
        tpu.wait_indirect_dma semaphore(%run_scoped3A_228 : memref<!tpu.dma_semaphore, #tpu.memory_space<semaphore_mem>>) src(%dma_wait3A_242 : memref<96x128xf32, #tpu.memory_space<vmem>>) dst(%dma_wait3A_248 : memref<10240x128xf32, #tpu.memory_space<vmem_shared>>)
        tpu.yield
      }) : () -> ()
      %dma_start3A_102 = arith.constant 3 : i32
      %dma_start3A_103 = arith.constant 0 : i32
      %dma_start3A_104 = arith.constant 0 : i32
      %dma_start3A_105 = arith.constant 0 : i32
      %dma_start3A_106 = tpu.memref_slice %arg10[%dma_start3A_103, %dma_start3A_104, %dma_start3A_105] : memref<3x96x128xf32, #tpu.memory_space<vmem>> -> memref<1x96x128xf32, #tpu.memory_space<vmem>>
      %dma_start3A_107 = tpu.memref_squeeze %dma_start3A_106 : memref<1x96x128xf32, #tpu.memory_space<vmem>> -> memref<96x128xf32, #tpu.memory_space<vmem>>
      %dma_start3A_108 = arith.constant 0 : i32
      %dma_start3A_109 = tpu.memref_slice %arg8[%rem3A_85, %dma_start3A_102, %dma_start3A_108] : memref<2x6x96xi32, #tpu.memory_space<vmem>> -> memref<1x1x96xi32, #tpu.memory_space<vmem>>
      %dma_start3A_110 = tpu.memref_squeeze %dma_start3A_109 : memref<1x1x96xi32, #tpu.memory_space<vmem>> -> memref<96xi32, #tpu.memory_space<vmem>>
      %dma_start3A_111 = arith.constant 0 : i32
      %dma_start3A_112 = arith.constant 0 : i32
      %dma_start3A_113 = tpu.memref_slice %arg2[%dma_start3A_111, %dma_start3A_112] : memref<10240x128xf32, #tpu.memory_space<hbm>> -> memref<10240x128xf32, #tpu.memory_space<hbm>>
      tpu.enqueue_indirect_dma source(%dma_start3A_113 : memref<10240x128xf32, #tpu.memory_space<hbm>>) target(%dma_start3A_107 : memref<96x128xf32, #tpu.memory_space<vmem>>) offsets(%dma_start3A_110 : memref<96xi32, #tpu.memory_space<vmem>>) semaphore(%arg11 : memref<!tpu.dma_semaphore, #tpu.memory_space<semaphore_mem>>)
      %dma_wait3A_114 = arith.constant 1 : i32
      %dma_wait3A_115 = arith.constant 1 : i32
      %dma_wait3A_116 = arith.constant 0 : i32
      %dma_wait3A_117 = arith.constant 0 : i32
      %dma_wait3A_118 = tpu.memref_slice %arg10[%dma_wait3A_115, %dma_wait3A_116, %dma_wait3A_117] : memref<3x96x128xf32, #tpu.memory_space<vmem>> -> memref<1x96x128xf32, #tpu.memory_space<vmem>>
      %dma_wait3A_119 = tpu.memref_squeeze %dma_wait3A_118 : memref<1x96x128xf32, #tpu.memory_space<vmem>> -> memref<96x128xf32, #tpu.memory_space<vmem>>
      %dma_wait3A_120 = arith.constant 0 : i32
      %dma_wait3A_121 = tpu.memref_slice %arg8[%rem3A_85, %dma_wait3A_114, %dma_wait3A_120] : memref<2x6x96xi32, #tpu.memory_space<vmem>> -> memref<1x1x96xi32, #tpu.memory_space<vmem>>
      %dma_wait3A_122 = tpu.memref_squeeze %dma_wait3A_121 : memref<1x1x96xi32, #tpu.memory_space<vmem>> -> memref<96xi32, #tpu.memory_space<vmem>>
      %dma_wait3A_123 = arith.constant 0 : i32
      %dma_wait3A_124 = arith.constant 0 : i32
      %dma_wait3A_125 = tpu.memref_slice %arg2[%dma_wait3A_123, %dma_wait3A_124] : memref<10240x128xf32, #tpu.memory_space<hbm>> -> memref<10240x128xf32, #tpu.memory_space<hbm>>
      tpu.wait_indirect_dma semaphore(%arg12 : memref<!tpu.dma_semaphore, #tpu.memory_space<semaphore_mem>>) src(%dma_wait3A_125 : memref<10240x128xf32, #tpu.memory_space<hbm>>) dst(%dma_wait3A_119 : memref<96x128xf32, #tpu.memory_space<vmem>>)
      %run_scoped3A_126 = arith.constant 1 : i32
      %run_scoped3A_127 = arith.constant 1 : i32
      "tpu.region"() ({
        %run_scoped3A_228 = tpu.sem_alloc : memref<!tpu.dma_semaphore, #tpu.memory_space<semaphore_mem>>
        %dma_start3A_229 = arith.constant 0 : i32
        %dma_start3A_230 = arith.constant 0 : i32
        %dma_start3A_231 = tpu.memref_slice %arg10[%run_scoped3A_126, %dma_start3A_229, %dma_start3A_230] : memref<3x96x128xf32, #tpu.memory_space<vmem>> -> memref<1x96x128xf32, #tpu.memory_space<vmem>>
        %dma_start3A_232 = tpu.memref_squeeze %dma_start3A_231 : memref<1x96x128xf32, #tpu.memory_space<vmem>> -> memref<96x128xf32, #tpu.memory_space<vmem>>
        %dma_start3A_233 = arith.constant 0 : i32
        %dma_start3A_234 = tpu.memref_slice %arg9[%rem3A_85, %run_scoped3A_127, %dma_start3A_233] : memref<2x6x96xi32, #tpu.memory_space<vmem>> -> memref<1x1x96xi32, #tpu.memory_space<vmem>>
        %dma_start3A_235 = tpu.memref_squeeze %dma_start3A_234 : memref<1x1x96xi32, #tpu.memory_space<vmem>> -> memref<96xi32, #tpu.memory_space<vmem>>
        %dma_start3A_236 = arith.constant 0 : i32
        %dma_start3A_237 = arith.constant 0 : i32
        %dma_start3A_238 = tpu.memref_slice %arg7[%dma_start3A_236, %dma_start3A_237] : memref<10240x128xf32, #tpu.memory_space<vmem_shared>> -> memref<10240x128xf32, #tpu.memory_space<vmem_shared>>
        tpu.enqueue_indirect_dma source(%dma_start3A_232 : memref<96x128xf32, #tpu.memory_space<vmem>>) target(%dma_start3A_238 : memref<10240x128xf32, #tpu.memory_space<vmem_shared>>) offsets(%dma_start3A_235 : memref<96xi32, #tpu.memory_space<vmem>>) semaphore(%run_scoped3A_228 : memref<!tpu.dma_semaphore, #tpu.memory_space<semaphore_mem>>) {add = true}
        %dma_wait3A_239 = arith.constant 0 : i32
        %dma_wait3A_240 = arith.constant 0 : i32
        %dma_wait3A_241 = tpu.memref_slice %arg10[%run_scoped3A_126, %dma_wait3A_239, %dma_wait3A_240] : memref<3x96x128xf32, #tpu.memory_space<vmem>> -> memref<1x96x128xf32, #tpu.memory_space<vmem>>
        %dma_wait3A_242 = tpu.memref_squeeze %dma_wait3A_241 : memref<1x96x128xf32, #tpu.memory_space<vmem>> -> memref<96x128xf32, #tpu.memory_space<vmem>>
        %dma_wait3A_243 = arith.constant 0 : i32
        %dma_wait3A_244 = tpu.memref_slice %arg9[%rem3A_85, %run_scoped3A_127, %dma_wait3A_243] : memref<2x6x96xi32, #tpu.memory_space<vmem>> -> memref<1x1x96xi32, #tpu.memory_space<vmem>>
        %dma_wait3A_245 = tpu.memref_squeeze %dma_wait3A_244 : memref<1x1x96xi32, #tpu.memory_space<vmem>> -> memref<96xi32, #tpu.memory_space<vmem>>
        %dma_wait3A_246 = arith.constant 0 : i32
        %dma_wait3A_247 = arith.constant 0 : i32
        %dma_wait3A_248 = tpu.memref_slice %arg7[%dma_wait3A_246, %dma_wait3A_247] : memref<10240x128xf32, #tpu.memory_space<vmem_shared>> -> memref<10240x128xf32, #tpu.memory_space<vmem_shared>>
        tpu.wait_indirect_dma semaphore(%run_scoped3A_228 : memref<!tpu.dma_semaphore, #tpu.memory_space<semaphore_mem>>) src(%dma_wait3A_242 : memref<96x128xf32, #tpu.memory_space<vmem>>) dst(%dma_wait3A_248 : memref<10240x128xf32, #tpu.memory_space<vmem_shared>>)
        tpu.yield
      }) : () -> ()
      %dma_start3A_128 = arith.constant 4 : i32
      %dma_start3A_129 = arith.constant 1 : i32
      %dma_start3A_130 = arith.constant 0 : i32
      %dma_start3A_131 = arith.constant 0 : i32
      %dma_start3A_132 = tpu.memref_slice %arg10[%dma_start3A_129, %dma_start3A_130, %dma_start3A_131] : memref<3x96x128xf32, #tpu.memory_space<vmem>> -> memref<1x96x128xf32, #tpu.memory_space<vmem>>
      %dma_start3A_133 = tpu.memref_squeeze %dma_start3A_132 : memref<1x96x128xf32, #tpu.memory_space<vmem>> -> memref<96x128xf32, #tpu.memory_space<vmem>>
      %dma_start3A_134 = arith.constant 0 : i32
      %dma_start3A_135 = tpu.memref_slice %arg8[%rem3A_85, %dma_start3A_128, %dma_start3A_134] : memref<2x6x96xi32, #tpu.memory_space<vmem>> -> memref<1x1x96xi32, #tpu.memory_space<vmem>>
      %dma_start3A_136 = tpu.memref_squeeze %dma_start3A_135 : memref<1x1x96xi32, #tpu.memory_space<vmem>> -> memref<96xi32, #tpu.memory_space<vmem>>
      %dma_start3A_137 = arith.constant 0 : i32
      %dma_start3A_138 = arith.constant 0 : i32
      %dma_start3A_139 = tpu.memref_slice %arg2[%dma_start3A_137, %dma_start3A_138] : memref<10240x128xf32, #tpu.memory_space<hbm>> -> memref<10240x128xf32, #tpu.memory_space<hbm>>
      tpu.enqueue_indirect_dma source(%dma_start3A_139 : memref<10240x128xf32, #tpu.memory_space<hbm>>) target(%dma_start3A_133 : memref<96x128xf32, #tpu.memory_space<vmem>>) offsets(%dma_start3A_136 : memref<96xi32, #tpu.memory_space<vmem>>) semaphore(%arg12 : memref<!tpu.dma_semaphore, #tpu.memory_space<semaphore_mem>>)
      %dma_wait3A_140 = arith.constant 2 : i32
      %dma_wait3A_141 = arith.constant 2 : i32
      %dma_wait3A_142 = arith.constant 0 : i32
      %dma_wait3A_143 = arith.constant 0 : i32
      %dma_wait3A_144 = tpu.memref_slice %arg10[%dma_wait3A_141, %dma_wait3A_142, %dma_wait3A_143] : memref<3x96x128xf32, #tpu.memory_space<vmem>> -> memref<1x96x128xf32, #tpu.memory_space<vmem>>
      %dma_wait3A_145 = tpu.memref_squeeze %dma_wait3A_144 : memref<1x96x128xf32, #tpu.memory_space<vmem>> -> memref<96x128xf32, #tpu.memory_space<vmem>>
      %dma_wait3A_146 = arith.constant 0 : i32
      %dma_wait3A_147 = tpu.memref_slice %arg8[%rem3A_85, %dma_wait3A_140, %dma_wait3A_146] : memref<2x6x96xi32, #tpu.memory_space<vmem>> -> memref<1x1x96xi32, #tpu.memory_space<vmem>>
      %dma_wait3A_148 = tpu.memref_squeeze %dma_wait3A_147 : memref<1x1x96xi32, #tpu.memory_space<vmem>> -> memref<96xi32, #tpu.memory_space<vmem>>
      %dma_wait3A_149 = arith.constant 0 : i32
      %dma_wait3A_150 = arith.constant 0 : i32
      %dma_wait3A_151 = tpu.memref_slice %arg2[%dma_wait3A_149, %dma_wait3A_150] : memref<10240x128xf32, #tpu.memory_space<hbm>> -> memref<10240x128xf32, #tpu.memory_space<hbm>>
      tpu.wait_indirect_dma semaphore(%arg13 : memref<!tpu.dma_semaphore, #tpu.memory_space<semaphore_mem>>) src(%dma_wait3A_151 : memref<10240x128xf32, #tpu.memory_space<hbm>>) dst(%dma_wait3A_145 : memref<96x128xf32, #tpu.memory_space<vmem>>)
      %run_scoped3A_152 = arith.constant 2 : i32
      %run_scoped3A_153 = arith.constant 2 : i32
      "tpu.region"() ({
        %run_scoped3A_228 = tpu.sem_alloc : memref<!tpu.dma_semaphore, #tpu.memory_space<semaphore_mem>>
        %dma_start3A_229 = arith.constant 0 : i32
        %dma_start3A_230 = arith.constant 0 : i32
        %dma_start3A_231 = tpu.memref_slice %arg10[%run_scoped3A_152, %dma_start3A_229, %dma_start3A_230] : memref<3x96x128xf32, #tpu.memory_space<vmem>> -> memref<1x96x128xf32, #tpu.memory_space<vmem>>
        %dma_start3A_232 = tpu.memref_squeeze %dma_start3A_231 : memref<1x96x128xf32, #tpu.memory_space<vmem>> -> memref<96x128xf32, #tpu.memory_space<vmem>>
        %dma_start3A_233 = arith.constant 0 : i32
        %dma_start3A_234 = tpu.memref_slice %arg9[%rem3A_85, %run_scoped3A_153, %dma_start3A_233] : memref<2x6x96xi32, #tpu.memory_space<vmem>> -> memref<1x1x96xi32, #tpu.memory_space<vmem>>
        %dma_start3A_235 = tpu.memref_squeeze %dma_start3A_234 : memref<1x1x96xi32, #tpu.memory_space<vmem>> -> memref<96xi32, #tpu.memory_space<vmem>>
        %dma_start3A_236 = arith.constant 0 : i32
        %dma_start3A_237 = arith.constant 0 : i32
        %dma_start3A_238 = tpu.memref_slice %arg7[%dma_start3A_236, %dma_start3A_237] : memref<10240x128xf32, #tpu.memory_space<vmem_shared>> -> memref<10240x128xf32, #tpu.memory_space<vmem_shared>>
        tpu.enqueue_indirect_dma source(%dma_start3A_232 : memref<96x128xf32, #tpu.memory_space<vmem>>) target(%dma_start3A_238 : memref<10240x128xf32, #tpu.memory_space<vmem_shared>>) offsets(%dma_start3A_235 : memref<96xi32, #tpu.memory_space<vmem>>) semaphore(%run_scoped3A_228 : memref<!tpu.dma_semaphore, #tpu.memory_space<semaphore_mem>>) {add = true}
        %dma_wait3A_239 = arith.constant 0 : i32
        %dma_wait3A_240 = arith.constant 0 : i32
        %dma_wait3A_241 = tpu.memref_slice %arg10[%run_scoped3A_152, %dma_wait3A_239, %dma_wait3A_240] : memref<3x96x128xf32, #tpu.memory_space<vmem>> -> memref<1x96x128xf32, #tpu.memory_space<vmem>>
        %dma_wait3A_242 = tpu.memref_squeeze %dma_wait3A_241 : memref<1x96x128xf32, #tpu.memory_space<vmem>> -> memref<96x128xf32, #tpu.memory_space<vmem>>
        %dma_wait3A_243 = arith.constant 0 : i32
        %dma_wait3A_244 = tpu.memref_slice %arg9[%rem3A_85, %run_scoped3A_153, %dma_wait3A_243] : memref<2x6x96xi32, #tpu.memory_space<vmem>> -> memref<1x1x96xi32, #tpu.memory_space<vmem>>
        %dma_wait3A_245 = tpu.memref_squeeze %dma_wait3A_244 : memref<1x1x96xi32, #tpu.memory_space<vmem>> -> memref<96xi32, #tpu.memory_space<vmem>>
        %dma_wait3A_246 = arith.constant 0 : i32
        %dma_wait3A_247 = arith.constant 0 : i32
        %dma_wait3A_248 = tpu.memref_slice %arg7[%dma_wait3A_246, %dma_wait3A_247] : memref<10240x128xf32, #tpu.memory_space<vmem_shared>> -> memref<10240x128xf32, #tpu.memory_space<vmem_shared>>
        tpu.wait_indirect_dma semaphore(%run_scoped3A_228 : memref<!tpu.dma_semaphore, #tpu.memory_space<semaphore_mem>>) src(%dma_wait3A_242 : memref<96x128xf32, #tpu.memory_space<vmem>>) dst(%dma_wait3A_248 : memref<10240x128xf32, #tpu.memory_space<vmem_shared>>)
        tpu.yield
      }) : () -> ()
      %dma_start3A_154 = arith.constant 5 : i32
      %dma_start3A_155 = arith.constant 2 : i32
      %dma_start3A_156 = arith.constant 0 : i32
      %dma_start3A_157 = arith.constant 0 : i32
      %dma_start3A_158 = tpu.memref_slice %arg10[%dma_start3A_155, %dma_start3A_156, %dma_start3A_157] : memref<3x96x128xf32, #tpu.memory_space<vmem>> -> memref<1x96x128xf32, #tpu.memory_space<vmem>>
      %dma_start3A_159 = tpu.memref_squeeze %dma_start3A_158 : memref<1x96x128xf32, #tpu.memory_space<vmem>> -> memref<96x128xf32, #tpu.memory_space<vmem>>
      %dma_start3A_160 = arith.constant 0 : i32
      %dma_start3A_161 = tpu.memref_slice %arg8[%rem3A_85, %dma_start3A_154, %dma_start3A_160] : memref<2x6x96xi32, #tpu.memory_space<vmem>> -> memref<1x1x96xi32, #tpu.memory_space<vmem>>
      %dma_start3A_162 = tpu.memref_squeeze %dma_start3A_161 : memref<1x1x96xi32, #tpu.memory_space<vmem>> -> memref<96xi32, #tpu.memory_space<vmem>>
      %dma_start3A_163 = arith.constant 0 : i32
      %dma_start3A_164 = arith.constant 0 : i32
      %dma_start3A_165 = tpu.memref_slice %arg2[%dma_start3A_163, %dma_start3A_164] : memref<10240x128xf32, #tpu.memory_space<hbm>> -> memref<10240x128xf32, #tpu.memory_space<hbm>>
      tpu.enqueue_indirect_dma source(%dma_start3A_165 : memref<10240x128xf32, #tpu.memory_space<hbm>>) target(%dma_start3A_159 : memref<96x128xf32, #tpu.memory_space<vmem>>) offsets(%dma_start3A_162 : memref<96xi32, #tpu.memory_space<vmem>>) semaphore(%arg13 : memref<!tpu.dma_semaphore, #tpu.memory_space<semaphore_mem>>)
      %dma_wait3A_166 = arith.constant 3 : i32
      %dma_wait3A_167 = arith.constant 0 : i32
      %dma_wait3A_168 = arith.constant 0 : i32
      %dma_wait3A_169 = arith.constant 0 : i32
      %dma_wait3A_170 = tpu.memref_slice %arg10[%dma_wait3A_167, %dma_wait3A_168, %dma_wait3A_169] : memref<3x96x128xf32, #tpu.memory_space<vmem>> -> memref<1x96x128xf32, #tpu.memory_space<vmem>>
      %dma_wait3A_171 = tpu.memref_squeeze %dma_wait3A_170 : memref<1x96x128xf32, #tpu.memory_space<vmem>> -> memref<96x128xf32, #tpu.memory_space<vmem>>
      %dma_wait3A_172 = arith.constant 0 : i32
      %dma_wait3A_173 = tpu.memref_slice %arg8[%rem3A_85, %dma_wait3A_166, %dma_wait3A_172] : memref<2x6x96xi32, #tpu.memory_space<vmem>> -> memref<1x1x96xi32, #tpu.memory_space<vmem>>
      %dma_wait3A_174 = tpu.memref_squeeze %dma_wait3A_173 : memref<1x1x96xi32, #tpu.memory_space<vmem>> -> memref<96xi32, #tpu.memory_space<vmem>>
      %dma_wait3A_175 = arith.constant 0 : i32
      %dma_wait3A_176 = arith.constant 0 : i32
      %dma_wait3A_177 = tpu.memref_slice %arg2[%dma_wait3A_175, %dma_wait3A_176] : memref<10240x128xf32, #tpu.memory_space<hbm>> -> memref<10240x128xf32, #tpu.memory_space<hbm>>
      tpu.wait_indirect_dma semaphore(%arg11 : memref<!tpu.dma_semaphore, #tpu.memory_space<semaphore_mem>>) src(%dma_wait3A_177 : memref<10240x128xf32, #tpu.memory_space<hbm>>) dst(%dma_wait3A_171 : memref<96x128xf32, #tpu.memory_space<vmem>>)
      %run_scoped3A_178 = arith.constant 0 : i32
      %run_scoped3A_179 = arith.constant 3 : i32
      "tpu.region"() ({
        %run_scoped3A_228 = tpu.sem_alloc : memref<!tpu.dma_semaphore, #tpu.memory_space<semaphore_mem>>
        %dma_start3A_229 = arith.constant 0 : i32
        %dma_start3A_230 = arith.constant 0 : i32
        %dma_start3A_231 = tpu.memref_slice %arg10[%run_scoped3A_178, %dma_start3A_229, %dma_start3A_230] : memref<3x96x128xf32, #tpu.memory_space<vmem>> -> memref<1x96x128xf32, #tpu.memory_space<vmem>>
        %dma_start3A_232 = tpu.memref_squeeze %dma_start3A_231 : memref<1x96x128xf32, #tpu.memory_space<vmem>> -> memref<96x128xf32, #tpu.memory_space<vmem>>
        %dma_start3A_233 = arith.constant 0 : i32
        %dma_start3A_234 = tpu.memref_slice %arg9[%rem3A_85, %run_scoped3A_179, %dma_start3A_233] : memref<2x6x96xi32, #tpu.memory_space<vmem>> -> memref<1x1x96xi32, #tpu.memory_space<vmem>>
        %dma_start3A_235 = tpu.memref_squeeze %dma_start3A_234 : memref<1x1x96xi32, #tpu.memory_space<vmem>> -> memref<96xi32, #tpu.memory_space<vmem>>
        %dma_start3A_236 = arith.constant 0 : i32
        %dma_start3A_237 = arith.constant 0 : i32
        %dma_start3A_238 = tpu.memref_slice %arg7[%dma_start3A_236, %dma_start3A_237] : memref<10240x128xf32, #tpu.memory_space<vmem_shared>> -> memref<10240x128xf32, #tpu.memory_space<vmem_shared>>
        tpu.enqueue_indirect_dma source(%dma_start3A_232 : memref<96x128xf32, #tpu.memory_space<vmem>>) target(%dma_start3A_238 : memref<10240x128xf32, #tpu.memory_space<vmem_shared>>) offsets(%dma_start3A_235 : memref<96xi32, #tpu.memory_space<vmem>>) semaphore(%run_scoped3A_228 : memref<!tpu.dma_semaphore, #tpu.memory_space<semaphore_mem>>) {add = true}
        %dma_wait3A_239 = arith.constant 0 : i32
        %dma_wait3A_240 = arith.constant 0 : i32
        %dma_wait3A_241 = tpu.memref_slice %arg10[%run_scoped3A_178, %dma_wait3A_239, %dma_wait3A_240] : memref<3x96x128xf32, #tpu.memory_space<vmem>> -> memref<1x96x128xf32, #tpu.memory_space<vmem>>
        %dma_wait3A_242 = tpu.memref_squeeze %dma_wait3A_241 : memref<1x96x128xf32, #tpu.memory_space<vmem>> -> memref<96x128xf32, #tpu.memory_space<vmem>>
        %dma_wait3A_243 = arith.constant 0 : i32
        %dma_wait3A_244 = tpu.memref_slice %arg9[%rem3A_85, %run_scoped3A_179, %dma_wait3A_243] : memref<2x6x96xi32, #tpu.memory_space<vmem>> -> memref<1x1x96xi32, #tpu.memory_space<vmem>>
        %dma_wait3A_245 = tpu.memref_squeeze %dma_wait3A_244 : memref<1x1x96xi32, #tpu.memory_space<vmem>> -> memref<96xi32, #tpu.memory_space<vmem>>
        %dma_wait3A_246 = arith.constant 0 : i32
        %dma_wait3A_247 = arith.constant 0 : i32
        %dma_wait3A_248 = tpu.memref_slice %arg7[%dma_wait3A_246, %dma_wait3A_247] : memref<10240x128xf32, #tpu.memory_space<vmem_shared>> -> memref<10240x128xf32, #tpu.memory_space<vmem_shared>>
        tpu.wait_indirect_dma semaphore(%run_scoped3A_228 : memref<!tpu.dma_semaphore, #tpu.memory_space<semaphore_mem>>) src(%dma_wait3A_242 : memref<96x128xf32, #tpu.memory_space<vmem>>) dst(%dma_wait3A_248 : memref<10240x128xf32, #tpu.memory_space<vmem_shared>>)
        tpu.yield
      }) : () -> ()
      %lt3A_180 = arith.constant 17 : i32
      %lt3A_181 = arith.cmpi slt, %scan3A_84, %lt3A_180 : i32
      %convert_element_type3A_182 = arith.extui %lt3A_181 : i1 to i32
      %cond3A_183 = arith.constant 0 : i32
      %cond3A_184 = arith.cmpi ne, %convert_element_type3A_182, %cond3A_183 : i32
      scf.if %cond3A_184 {
        %dma_start3A_228 = arith.constant 0 : i32
        %dma_start3A_229 = arith.constant 0 : i32
        %dma_start3A_230 = arith.constant 0 : i32
        %dma_start3A_231 = arith.constant 0 : i32
        %dma_start3A_232 = tpu.memref_slice %arg10[%dma_start3A_229, %dma_start3A_230, %dma_start3A_231] : memref<3x96x128xf32, #tpu.memory_space<vmem>> -> memref<1x96x128xf32, #tpu.memory_space<vmem>>
        %dma_start3A_233 = tpu.memref_squeeze %dma_start3A_232 : memref<1x96x128xf32, #tpu.memory_space<vmem>> -> memref<96x128xf32, #tpu.memory_space<vmem>>
        %dma_start3A_234 = arith.constant 0 : i32
        %dma_start3A_235 = tpu.memref_slice %arg8[%sub3A_86, %dma_start3A_228, %dma_start3A_234] : memref<2x6x96xi32, #tpu.memory_space<vmem>> -> memref<1x1x96xi32, #tpu.memory_space<vmem>>
        %dma_start3A_236 = tpu.memref_squeeze %dma_start3A_235 : memref<1x1x96xi32, #tpu.memory_space<vmem>> -> memref<96xi32, #tpu.memory_space<vmem>>
        %dma_start3A_237 = arith.constant 0 : i32
        %dma_start3A_238 = arith.constant 0 : i32
        %dma_start3A_239 = tpu.memref_slice %arg2[%dma_start3A_237, %dma_start3A_238] : memref<10240x128xf32, #tpu.memory_space<hbm>> -> memref<10240x128xf32, #tpu.memory_space<hbm>>
        tpu.enqueue_indirect_dma source(%dma_start3A_239 : memref<10240x128xf32, #tpu.memory_space<hbm>>) target(%dma_start3A_233 : memref<96x128xf32, #tpu.memory_space<vmem>>) offsets(%dma_start3A_236 : memref<96xi32, #tpu.memory_space<vmem>>) semaphore(%arg11 : memref<!tpu.dma_semaphore, #tpu.memory_space<semaphore_mem>>)
      } else {
      }
      %dma_wait3A_185 = arith.constant 4 : i32
      %dma_wait3A_186 = arith.constant 1 : i32
      %dma_wait3A_187 = arith.constant 0 : i32
      %dma_wait3A_188 = arith.constant 0 : i32
      %dma_wait3A_189 = tpu.memref_slice %arg10[%dma_wait3A_186, %dma_wait3A_187, %dma_wait3A_188] : memref<3x96x128xf32, #tpu.memory_space<vmem>> -> memref<1x96x128xf32, #tpu.memory_space<vmem>>
      %dma_wait3A_190 = tpu.memref_squeeze %dma_wait3A_189 : memref<1x96x128xf32, #tpu.memory_space<vmem>> -> memref<96x128xf32, #tpu.memory_space<vmem>>
      %dma_wait3A_191 = arith.constant 0 : i32
      %dma_wait3A_192 = tpu.memref_slice %arg8[%rem3A_85, %dma_wait3A_185, %dma_wait3A_191] : memref<2x6x96xi32, #tpu.memory_space<vmem>> -> memref<1x1x96xi32, #tpu.memory_space<vmem>>
      %dma_wait3A_193 = tpu.memref_squeeze %dma_wait3A_192 : memref<1x1x96xi32, #tpu.memory_space<vmem>> -> memref<96xi32, #tpu.memory_space<vmem>>
      %dma_wait3A_194 = arith.constant 0 : i32
      %dma_wait3A_195 = arith.constant 0 : i32
      %dma_wait3A_196 = tpu.memref_slice %arg2[%dma_wait3A_194, %dma_wait3A_195] : memref<10240x128xf32, #tpu.memory_space<hbm>> -> memref<10240x128xf32, #tpu.memory_space<hbm>>
      tpu.wait_indirect_dma semaphore(%arg12 : memref<!tpu.dma_semaphore, #tpu.memory_space<semaphore_mem>>) src(%dma_wait3A_196 : memref<10240x128xf32, #tpu.memory_space<hbm>>) dst(%dma_wait3A_190 : memref<96x128xf32, #tpu.memory_space<vmem>>)
      %run_scoped3A_197 = arith.constant 1 : i32
      %run_scoped3A_198 = arith.constant 4 : i32
      "tpu.region"() ({
        %run_scoped3A_228 = tpu.sem_alloc : memref<!tpu.dma_semaphore, #tpu.memory_space<semaphore_mem>>
        %dma_start3A_229 = arith.constant 0 : i32
        %dma_start3A_230 = arith.constant 0 : i32
        %dma_start3A_231 = tpu.memref_slice %arg10[%run_scoped3A_197, %dma_start3A_229, %dma_start3A_230] : memref<3x96x128xf32, #tpu.memory_space<vmem>> -> memref<1x96x128xf32, #tpu.memory_space<vmem>>
        %dma_start3A_232 = tpu.memref_squeeze %dma_start3A_231 : memref<1x96x128xf32, #tpu.memory_space<vmem>> -> memref<96x128xf32, #tpu.memory_space<vmem>>
        %dma_start3A_233 = arith.constant 0 : i32
        %dma_start3A_234 = tpu.memref_slice %arg9[%rem3A_85, %run_scoped3A_198, %dma_start3A_233] : memref<2x6x96xi32, #tpu.memory_space<vmem>> -> memref<1x1x96xi32, #tpu.memory_space<vmem>>
        %dma_start3A_235 = tpu.memref_squeeze %dma_start3A_234 : memref<1x1x96xi32, #tpu.memory_space<vmem>> -> memref<96xi32, #tpu.memory_space<vmem>>
        %dma_start3A_236 = arith.constant 0 : i32
        %dma_start3A_237 = arith.constant 0 : i32
        %dma_start3A_238 = tpu.memref_slice %arg7[%dma_start3A_236, %dma_start3A_237] : memref<10240x128xf32, #tpu.memory_space<vmem_shared>> -> memref<10240x128xf32, #tpu.memory_space<vmem_shared>>
        tpu.enqueue_indirect_dma source(%dma_start3A_232 : memref<96x128xf32, #tpu.memory_space<vmem>>) target(%dma_start3A_238 : memref<10240x128xf32, #tpu.memory_space<vmem_shared>>) offsets(%dma_start3A_235 : memref<96xi32, #tpu.memory_space<vmem>>) semaphore(%run_scoped3A_228 : memref<!tpu.dma_semaphore, #tpu.memory_space<semaphore_mem>>) {add = true}
        %dma_wait3A_239 = arith.constant 0 : i32
        %dma_wait3A_240 = arith.constant 0 : i32
        %dma_wait3A_241 = tpu.memref_slice %arg10[%run_scoped3A_197, %dma_wait3A_239, %dma_wait3A_240] : memref<3x96x128xf32, #tpu.memory_space<vmem>> -> memref<1x96x128xf32, #tpu.memory_space<vmem>>
        %dma_wait3A_242 = tpu.memref_squeeze %dma_wait3A_241 : memref<1x96x128xf32, #tpu.memory_space<vmem>> -> memref<96x128xf32, #tpu.memory_space<vmem>>
        %dma_wait3A_243 = arith.constant 0 : i32
        %dma_wait3A_244 = tpu.memref_slice %arg9[%rem3A_85, %run_scoped3A_198, %dma_wait3A_243] : memref<2x6x96xi32, #tpu.memory_space<vmem>> -> memref<1x1x96xi32, #tpu.memory_space<vmem>>
        %dma_wait3A_245 = tpu.memref_squeeze %dma_wait3A_244 : memref<1x1x96xi32, #tpu.memory_space<vmem>> -> memref<96xi32, #tpu.memory_space<vmem>>
        %dma_wait3A_246 = arith.constant 0 : i32
        %dma_wait3A_247 = arith.constant 0 : i32
        %dma_wait3A_248 = tpu.memref_slice %arg7[%dma_wait3A_246, %dma_wait3A_247] : memref<10240x128xf32, #tpu.memory_space<vmem_shared>> -> memref<10240x128xf32, #tpu.memory_space<vmem_shared>>
        tpu.wait_indirect_dma semaphore(%run_scoped3A_228 : memref<!tpu.dma_semaphore, #tpu.memory_space<semaphore_mem>>) src(%dma_wait3A_242 : memref<96x128xf32, #tpu.memory_space<vmem>>) dst(%dma_wait3A_248 : memref<10240x128xf32, #tpu.memory_space<vmem_shared>>)
        tpu.yield
      }) : () -> ()
      %lt3A_199 = arith.constant 17 : i32
      %lt3A_200 = arith.cmpi slt, %scan3A_84, %lt3A_199 : i32
      %convert_element_type3A_201 = arith.extui %lt3A_200 : i1 to i32
      %cond3A_202 = arith.constant 0 : i32
      %cond3A_203 = arith.cmpi ne, %convert_element_type3A_201, %cond3A_202 : i32
      scf.if %cond3A_203 {
        %dma_start3A_228 = arith.constant 1 : i32
        %dma_start3A_229 = arith.constant 1 : i32
        %dma_start3A_230 = arith.constant 0 : i32
        %dma_start3A_231 = arith.constant 0 : i32
        %dma_start3A_232 = tpu.memref_slice %arg10[%dma_start3A_229, %dma_start3A_230, %dma_start3A_231] : memref<3x96x128xf32, #tpu.memory_space<vmem>> -> memref<1x96x128xf32, #tpu.memory_space<vmem>>
        %dma_start3A_233 = tpu.memref_squeeze %dma_start3A_232 : memref<1x96x128xf32, #tpu.memory_space<vmem>> -> memref<96x128xf32, #tpu.memory_space<vmem>>
        %dma_start3A_234 = arith.constant 0 : i32
        %dma_start3A_235 = tpu.memref_slice %arg8[%sub3A_86, %dma_start3A_228, %dma_start3A_234] : memref<2x6x96xi32, #tpu.memory_space<vmem>> -> memref<1x1x96xi32, #tpu.memory_space<vmem>>
        %dma_start3A_236 = tpu.memref_squeeze %dma_start3A_235 : memref<1x1x96xi32, #tpu.memory_space<vmem>> -> memref<96xi32, #tpu.memory_space<vmem>>
        %dma_start3A_237 = arith.constant 0 : i32
        %dma_start3A_238 = arith.constant 0 : i32
        %dma_start3A_239 = tpu.memref_slice %arg2[%dma_start3A_237, %dma_start3A_238] : memref<10240x128xf32, #tpu.memory_space<hbm>> -> memref<10240x128xf32, #tpu.memory_space<hbm>>
        tpu.enqueue_indirect_dma source(%dma_start3A_239 : memref<10240x128xf32, #tpu.memory_space<hbm>>) target(%dma_start3A_233 : memref<96x128xf32, #tpu.memory_space<vmem>>) offsets(%dma_start3A_236 : memref<96xi32, #tpu.memory_space<vmem>>) semaphore(%arg12 : memref<!tpu.dma_semaphore, #tpu.memory_space<semaphore_mem>>)
      } else {
      }
      %dma_wait3A_204 = arith.constant 5 : i32
      %dma_wait3A_205 = arith.constant 2 : i32
      %dma_wait3A_206 = arith.constant 0 : i32
      %dma_wait3A_207 = arith.constant 0 : i32
      %dma_wait3A_208 = tpu.memref_slice %arg10[%dma_wait3A_205, %dma_wait3A_206, %dma_wait3A_207] : memref<3x96x128xf32, #tpu.memory_space<vmem>> -> memref<1x96x128xf32, #tpu.memory_space<vmem>>
      %dma_wait3A_209 = tpu.memref_squeeze %dma_wait3A_208 : memref<1x96x128xf32, #tpu.memory_space<vmem>> -> memref<96x128xf32, #tpu.memory_space<vmem>>
      %dma_wait3A_210 = arith.constant 0 : i32
      %dma_wait3A_211 = tpu.memref_slice %arg8[%rem3A_85, %dma_wait3A_204, %dma_wait3A_210] : memref<2x6x96xi32, #tpu.memory_space<vmem>> -> memref<1x1x96xi32, #tpu.memory_space<vmem>>
      %dma_wait3A_212 = tpu.memref_squeeze %dma_wait3A_211 : memref<1x1x96xi32, #tpu.memory_space<vmem>> -> memref<96xi32, #tpu.memory_space<vmem>>
      %dma_wait3A_213 = arith.constant 0 : i32
      %dma_wait3A_214 = arith.constant 0 : i32
      %dma_wait3A_215 = tpu.memref_slice %arg2[%dma_wait3A_213, %dma_wait3A_214] : memref<10240x128xf32, #tpu.memory_space<hbm>> -> memref<10240x128xf32, #tpu.memory_space<hbm>>
      tpu.wait_indirect_dma semaphore(%arg13 : memref<!tpu.dma_semaphore, #tpu.memory_space<semaphore_mem>>) src(%dma_wait3A_215 : memref<10240x128xf32, #tpu.memory_space<hbm>>) dst(%dma_wait3A_209 : memref<96x128xf32, #tpu.memory_space<vmem>>)
      %run_scoped3A_216 = arith.constant 2 : i32
      %run_scoped3A_217 = arith.constant 5 : i32
      "tpu.region"() ({
        %run_scoped3A_228 = tpu.sem_alloc : memref<!tpu.dma_semaphore, #tpu.memory_space<semaphore_mem>>
        %dma_start3A_229 = arith.constant 0 : i32
        %dma_start3A_230 = arith.constant 0 : i32
        %dma_start3A_231 = tpu.memref_slice %arg10[%run_scoped3A_216, %dma_start3A_229, %dma_start3A_230] : memref<3x96x128xf32, #tpu.memory_space<vmem>> -> memref<1x96x128xf32, #tpu.memory_space<vmem>>
        %dma_start3A_232 = tpu.memref_squeeze %dma_start3A_231 : memref<1x96x128xf32, #tpu.memory_space<vmem>> -> memref<96x128xf32, #tpu.memory_space<vmem>>
        %dma_start3A_233 = arith.constant 0 : i32
        %dma_start3A_234 = tpu.memref_slice %arg9[%rem3A_85, %run_scoped3A_217, %dma_start3A_233] : memref<2x6x96xi32, #tpu.memory_space<vmem>> -> memref<1x1x96xi32, #tpu.memory_space<vmem>>
        %dma_start3A_235 = tpu.memref_squeeze %dma_start3A_234 : memref<1x1x96xi32, #tpu.memory_space<vmem>> -> memref<96xi32, #tpu.memory_space<vmem>>
        %dma_start3A_236 = arith.constant 0 : i32
        %dma_start3A_237 = arith.constant 0 : i32
        %dma_start3A_238 = tpu.memref_slice %arg7[%dma_start3A_236, %dma_start3A_237] : memref<10240x128xf32, #tpu.memory_space<vmem_shared>> -> memref<10240x128xf32, #tpu.memory_space<vmem_shared>>
        tpu.enqueue_indirect_dma source(%dma_start3A_232 : memref<96x128xf32, #tpu.memory_space<vmem>>) target(%dma_start3A_238 : memref<10240x128xf32, #tpu.memory_space<vmem_shared>>) offsets(%dma_start3A_235 : memref<96xi32, #tpu.memory_space<vmem>>) semaphore(%run_scoped3A_228 : memref<!tpu.dma_semaphore, #tpu.memory_space<semaphore_mem>>) {add = true}
        %dma_wait3A_239 = arith.constant 0 : i32
        %dma_wait3A_240 = arith.constant 0 : i32
        %dma_wait3A_241 = tpu.memref_slice %arg10[%run_scoped3A_216, %dma_wait3A_239, %dma_wait3A_240] : memref<3x96x128xf32, #tpu.memory_space<vmem>> -> memref<1x96x128xf32, #tpu.memory_space<vmem>>
        %dma_wait3A_242 = tpu.memref_squeeze %dma_wait3A_241 : memref<1x96x128xf32, #tpu.memory_space<vmem>> -> memref<96x128xf32, #tpu.memory_space<vmem>>
        %dma_wait3A_243 = arith.constant 0 : i32
        %dma_wait3A_244 = tpu.memref_slice %arg9[%rem3A_85, %run_scoped3A_217, %dma_wait3A_243] : memref<2x6x96xi32, #tpu.memory_space<vmem>> -> memref<1x1x96xi32, #tpu.memory_space<vmem>>
        %dma_wait3A_245 = tpu.memref_squeeze %dma_wait3A_244 : memref<1x1x96xi32, #tpu.memory_space<vmem>> -> memref<96xi32, #tpu.memory_space<vmem>>
        %dma_wait3A_246 = arith.constant 0 : i32
        %dma_wait3A_247 = arith.constant 0 : i32
        %dma_wait3A_248 = tpu.memref_slice %arg7[%dma_wait3A_246, %dma_wait3A_247] : memref<10240x128xf32, #tpu.memory_space<vmem_shared>> -> memref<10240x128xf32, #tpu.memory_space<vmem_shared>>
        tpu.wait_indirect_dma semaphore(%run_scoped3A_228 : memref<!tpu.dma_semaphore, #tpu.memory_space<semaphore_mem>>) src(%dma_wait3A_242 : memref<96x128xf32, #tpu.memory_space<vmem>>) dst(%dma_wait3A_248 : memref<10240x128xf32, #tpu.memory_space<vmem_shared>>)
        tpu.yield
      }) : () -> ()
      %lt3A_218 = arith.constant 17 : i32
      %lt3A_219 = arith.cmpi slt, %scan3A_84, %lt3A_218 : i32
      %convert_element_type3A_220 = arith.extui %lt3A_219 : i1 to i32
      %cond3A_221 = arith.constant 0 : i32
      %cond3A_222 = arith.cmpi ne, %convert_element_type3A_220, %cond3A_221 : i32
      scf.if %cond3A_222 {
        %dma_start3A_228 = arith.constant 2 : i32
        %dma_start3A_229 = arith.constant 2 : i32
        %dma_start3A_230 = arith.constant 0 : i32
        %dma_start3A_231 = arith.constant 0 : i32
        %dma_start3A_232 = tpu.memref_slice %arg10[%dma_start3A_229, %dma_start3A_230, %dma_start3A_231] : memref<3x96x128xf32, #tpu.memory_space<vmem>> -> memref<1x96x128xf32, #tpu.memory_space<vmem>>
        %dma_start3A_233 = tpu.memref_squeeze %dma_start3A_232 : memref<1x96x128xf32, #tpu.memory_space<vmem>> -> memref<96x128xf32, #tpu.memory_space<vmem>>
        %dma_start3A_234 = arith.constant 0 : i32
        %dma_start3A_235 = tpu.memref_slice %arg8[%sub3A_86, %dma_start3A_228, %dma_start3A_234] : memref<2x6x96xi32, #tpu.memory_space<vmem>> -> memref<1x1x96xi32, #tpu.memory_space<vmem>>
        %dma_start3A_236 = tpu.memref_squeeze %dma_start3A_235 : memref<1x1x96xi32, #tpu.memory_space<vmem>> -> memref<96xi32, #tpu.memory_space<vmem>>
        %dma_start3A_237 = arith.constant 0 : i32
        %dma_start3A_238 = arith.constant 0 : i32
        %dma_start3A_239 = tpu.memref_slice %arg2[%dma_start3A_237, %dma_start3A_238] : memref<10240x128xf32, #tpu.memory_space<hbm>> -> memref<10240x128xf32, #tpu.memory_space<hbm>>
        tpu.enqueue_indirect_dma source(%dma_start3A_239 : memref<10240x128xf32, #tpu.memory_space<hbm>>) target(%dma_start3A_233 : memref<96x128xf32, #tpu.memory_space<vmem>>) offsets(%dma_start3A_236 : memref<96xi32, #tpu.memory_space<vmem>>) semaphore(%arg13 : memref<!tpu.dma_semaphore, #tpu.memory_space<semaphore_mem>>)
      } else {
      }
      %lt3A_223 = arith.constant 16 : i32
      %lt3A_224 = arith.cmpi slt, %scan3A_84, %lt3A_223 : i32
      %convert_element_type3A_225 = arith.extui %lt3A_224 : i1 to i32
      %cond3A_226 = arith.constant 0 : i32
      %cond3A_227 = arith.cmpi ne, %convert_element_type3A_225, %cond3A_226 : i32
      scf.if %cond3A_227 {
        %add3A = arith.constant 2 : i32
        %add3A_228 = arith.addi %scan3A_84, %add3A : i32
        %dma_start3A_229 = arith.constant 0 : i32
        %dma_start3A_230 = arith.constant 0 : i32
        %dma_start3A_231 = tpu.memref_slice %arg8[%rem3A_85, %dma_start3A_229, %dma_start3A_230] : memref<2x6x96xi32, #tpu.memory_space<vmem>> -> memref<1x6x96xi32, #tpu.memory_space<vmem>>
        %dma_start3A_232 = tpu.memref_squeeze %dma_start3A_231 : memref<1x6x96xi32, #tpu.memory_space<vmem>> -> memref<6x96xi32, #tpu.memory_space<vmem>>
        %dma_start3A_233 = arith.constant 0 : i32
        %dma_start3A_234 = arith.constant 0 : i32
        %dma_start3A_235 = tpu.memref_slice %arg3[%arg0, %arg1, %add3A_228, %dma_start3A_233, %dma_start3A_234] : memref<2x16x18x6x96xi32, #tpu.memory_space<hbm>> -> memref<1x1x1x6x96xi32, #tpu.memory_space<hbm>>
        %dma_start3A_236 = tpu.memref_squeeze %dma_start3A_235 : memref<1x1x1x6x96xi32, #tpu.memory_space<hbm>> -> memref<6x96xi32, #tpu.memory_space<hbm>>
        %dma_start3A_237 = arith.constant 0 : i32
        %dma_start3A_238 = arith.constant 0 : i32
        %dma_start3A_239 = tpu.memref_slice %arg8[%rem3A_85, %dma_start3A_237, %dma_start3A_238] : memref<2x6x96xi32, #tpu.memory_space<vmem>> -> memref<1x6x96xi32, #tpu.memory_space<vmem>>
        %dma_start3A_240 = tpu.memref_squeeze %dma_start3A_239 : memref<1x6x96xi32, #tpu.memory_space<vmem>> -> memref<6x96xi32, #tpu.memory_space<vmem>>
        %dma_start3A_241 = arith.constant 0 : i32
        %dma_start3A_242 = arith.constant 0 : i32
        %dma_start3A_243 = tpu.memref_slice %arg3[%arg0, %arg1, %add3A_228, %dma_start3A_241, %dma_start3A_242] : memref<2x16x18x6x96xi32, #tpu.memory_space<hbm>> -> memref<1x1x1x6x96xi32, #tpu.memory_space<hbm>>
        %dma_start3A_244 = tpu.memref_squeeze %dma_start3A_243 : memref<1x1x1x6x96xi32, #tpu.memory_space<hbm>> -> memref<6x96xi32, #tpu.memory_space<hbm>>
        tpu.enqueue_dma source(%dma_start3A_244 : memref<6x96xi32, #tpu.memory_space<hbm>>) target(%dma_start3A_240 : memref<6x96xi32, #tpu.memory_space<vmem>>) target_semaphore(%arg14 : memref<!tpu.dma_semaphore, #tpu.memory_space<semaphore_mem>>)
        %add3A_245 = arith.constant 2 : i32
        %add3A_246 = arith.addi %scan3A_84, %add3A_245 : i32
        %dma_start3A_247 = arith.constant 0 : i32
        %dma_start3A_248 = arith.constant 0 : i32
        %dma_start3A_249 = tpu.memref_slice %arg9[%rem3A_85, %dma_start3A_247, %dma_start3A_248] : memref<2x6x96xi32, #tpu.memory_space<vmem>> -> memref<1x6x96xi32, #tpu.memory_space<vmem>>
        %dma_start3A_250 = tpu.memref_squeeze %dma_start3A_249 : memref<1x6x96xi32, #tpu.memory_space<vmem>> -> memref<6x96xi32, #tpu.memory_space<vmem>>
        %dma_start3A_251 = arith.constant 0 : i32
        %dma_start3A_252 = arith.constant 0 : i32
        %dma_start3A_253 = tpu.memref_slice %arg4[%arg0, %arg1, %add3A_246, %dma_start3A_251, %dma_start3A_252] : memref<2x16x18x6x96xi32, #tpu.memory_space<hbm>> -> memref<1x1x1x6x96xi32, #tpu.memory_space<hbm>>
        %dma_start3A_254 = tpu.memref_squeeze %dma_start3A_253 : memref<1x1x1x6x96xi32, #tpu.memory_space<hbm>> -> memref<6x96xi32, #tpu.memory_space<hbm>>
        %dma_start3A_255 = arith.constant 0 : i32
        %dma_start3A_256 = arith.constant 0 : i32
        %dma_start3A_257 = tpu.memref_slice %arg9[%rem3A_85, %dma_start3A_255, %dma_start3A_256] : memref<2x6x96xi32, #tpu.memory_space<vmem>> -> memref<1x6x96xi32, #tpu.memory_space<vmem>>
        %dma_start3A_258 = tpu.memref_squeeze %dma_start3A_257 : memref<1x6x96xi32, #tpu.memory_space<vmem>> -> memref<6x96xi32, #tpu.memory_space<vmem>>
        %dma_start3A_259 = arith.constant 0 : i32
        %dma_start3A_260 = arith.constant 0 : i32
        %dma_start3A_261 = tpu.memref_slice %arg4[%arg0, %arg1, %add3A_246, %dma_start3A_259, %dma_start3A_260] : memref<2x16x18x6x96xi32, #tpu.memory_space<hbm>> -> memref<1x1x1x6x96xi32, #tpu.memory_space<hbm>>
        %dma_start3A_262 = tpu.memref_squeeze %dma_start3A_261 : memref<1x1x1x6x96xi32, #tpu.memory_space<hbm>> -> memref<6x96xi32, #tpu.memory_space<hbm>>
        tpu.enqueue_dma source(%dma_start3A_262 : memref<6x96xi32, #tpu.memory_space<hbm>>) target(%dma_start3A_258 : memref<6x96xi32, #tpu.memory_space<vmem>>) target_semaphore(%arg14 : memref<!tpu.dma_semaphore, #tpu.memory_space<semaphore_mem>>)
      } else {
      }
    }
    %scan3A_82 = arith.constant 18 : i32
    %barrier3A_83 = arith.constant 0 : index
    tpu.barrier barrier_id(%barrier3A_83)
    "tpu.region"() ({
      %run_scoped3A_84 = tpu.sem_alloc : memref<!tpu.dma_semaphore, #tpu.memory_space<semaphore_mem>>
      %dma_start3A_85 = arith.constant 0 : i32
      %dma_start3A_86 = tpu.memref_slice %arg6[%arg0, %mul3A_0, %dma_start3A_85] : memref<2x10240x128xf32, #tpu.memory_space<hbm>> -> memref<1x640x128xf32, #tpu.memory_space<hbm>>
      %dma_start3A_87 = tpu.memref_squeeze %dma_start3A_86 : memref<1x640x128xf32, #tpu.memory_space<hbm>> -> memref<640x128xf32, #tpu.memory_space<hbm>>
      %dma_start3A_88 = arith.constant 0 : i32
      %dma_start3A_89 = tpu.memref_slice %arg7[%mul3A_0, %dma_start3A_88] : memref<10240x128xf32, #tpu.memory_space<vmem_shared>> -> memref<640x128xf32, #tpu.memory_space<vmem_shared>>
      tpu.enqueue_dma source(%dma_start3A_89 : memref<640x128xf32, #tpu.memory_space<vmem_shared>>) target(%dma_start3A_87 : memref<640x128xf32, #tpu.memory_space<hbm>>) target_semaphore(%run_scoped3A_84 : memref<!tpu.dma_semaphore, #tpu.memory_space<semaphore_mem>>)
      %dma_wait3A = arith.constant 0 : i32
      %dma_wait3A_90 = tpu.memref_slice %arg6[%arg0, %mul3A_0, %dma_wait3A] : memref<2x10240x128xf32, #tpu.memory_space<hbm>> -> memref<1x640x128xf32, #tpu.memory_space<hbm>>
      %dma_wait3A_91 = tpu.memref_squeeze %dma_wait3A_90 : memref<1x640x128xf32, #tpu.memory_space<hbm>> -> memref<640x128xf32, #tpu.memory_space<hbm>>
      %dma_wait3A_92 = arith.constant 0 : i32
      %dma_wait3A_93 = tpu.memref_slice %arg7[%mul3A_0, %dma_wait3A_92] : memref<10240x128xf32, #tpu.memory_space<vmem_shared>> -> memref<640x128xf32, #tpu.memory_space<vmem_shared>>
      tpu.wait_dma2 semaphore(%run_scoped3A_84 : memref<!tpu.dma_semaphore, #tpu.memory_space<semaphore_mem>>) src(%dma_wait3A_93 : memref<640x128xf32, #tpu.memory_space<vmem_shared>>) dst(%dma_wait3A_91 : memref<640x128xf32, #tpu.memory_space<hbm>>)
      tpu.yield
    }) : () -> ()
    return
  }
}

#map = affine_map<(d0, d1) -> (0, 0)>
#map1 = affine_map<(d0, d1) -> (0, 0, 0, 0, 0)>
#map2 = affine_map<(d0, d1) -> (0, 0, 0)>
module attributes {stable_mosaic.version = 14 : i64} {
  func.func @_agg_body(%arg0: i32, %arg1: i32, %arg2: memref<10240x128xf32, #tpu.memory_space<hbm>>, %arg3: memref<2x16x18x6x96xi32, #tpu.memory_space<hbm>>, %arg4: memref<2x16x18x6x96xi32, #tpu.memory_space<hbm>>, %arg5: memref<640x128xf32, #tpu.memory_space<hbm>>, %arg6: memref<2x10240x128xf32, #tpu.memory_space<hbm>>, %arg7: memref<10240x128xf32, #tpu.memory_space<vmem_shared>>, %arg8: memref<2x6x96xi32, #tpu.memory_space<vmem>>, %arg9: memref<2x6x96xi32, #tpu.memory_space<vmem>>, %arg10: memref<3x96x128xf32, #tpu.memory_space<vmem>>, %arg11: memref<!tpu.dma_semaphore, #tpu.memory_space<semaphore_mem>>, %arg12: memref<!tpu.dma_semaphore, #tpu.memory_space<semaphore_mem>>, %arg13: memref<!tpu.dma_semaphore, #tpu.memory_space<semaphore_mem>>, %arg14: memref<!tpu.dma_semaphore, #tpu.memory_space<semaphore_mem>>) attributes {dimension_semantics = [#tpu.dimension_semantics<core_parallel>, #tpu.dimension_semantics<subcore_parallel>], iteration_bounds = array<i64: 2, 16>, scalar_prefetch = 0 : i64, scratch_operands = 8 : i64, tpu.core_type = #tpu.core_type<sc_vector_subcore>, window_params = [{transform_indices = #map}, {transform_indices = #map1}, {transform_indices = #map1}, {transform_indices = #map}, {transform_indices = #map2}]} {
    %mul3A = arith.constant 640 : i32
    %mul3A_0 = arith.muli %arg1, %mul3A : i32
    "tpu.region"() ({
      %run_scoped3A_84 = tpu.sem_alloc : memref<!tpu.dma_semaphore, #tpu.memory_space<semaphore_mem>>
      %dma_start3A_85 = arith.constant 0 : i32
      %dma_start3A_86 = tpu.memref_slice %arg7[%mul3A_0, %dma_start3A_85] : memref<10240x128xf32, #tpu.memory_space<vmem_shared>> -> memref<640x128xf32, #tpu.memory_space<vmem_shared>>
      tpu.enqueue_dma source(%arg5 : memref<640x128xf32, #tpu.memory_space<hbm>>) target(%dma_start3A_86 : memref<640x128xf32, #tpu.memory_space<vmem_shared>>) target_semaphore(%run_scoped3A_84 : memref<!tpu.dma_semaphore, #tpu.memory_space<semaphore_mem>>)
      %dma_wait3A = arith.constant 0 : i32
      %dma_wait3A_87 = tpu.memref_slice %arg7[%mul3A_0, %dma_wait3A] : memref<10240x128xf32, #tpu.memory_space<vmem_shared>> -> memref<640x128xf32, #tpu.memory_space<vmem_shared>>
      tpu.wait_dma2 semaphore(%run_scoped3A_84 : memref<!tpu.dma_semaphore, #tpu.memory_space<semaphore_mem>>) src(%arg5 : memref<640x128xf32, #tpu.memory_space<hbm>>) dst(%dma_wait3A_87 : memref<640x128xf32, #tpu.memory_space<vmem_shared>>)
      tpu.yield
    }) : () -> ()
    %run_scoped3A = arith.constant 0 : i32
    %run_scoped3A_1 = arith.constant 0 : i32
    "tpu.region"() ({
      %run_scoped3A_84 = tpu.sem_alloc : memref<!tpu.dma_semaphore, #tpu.memory_space<semaphore_mem>>
      %dma_start3A_85 = arith.constant 0 : i32
      %dma_start3A_86 = arith.constant 0 : i32
      %dma_start3A_87 = tpu.memref_slice %arg8[%run_scoped3A_1, %dma_start3A_85, %dma_start3A_86] : memref<2x6x96xi32, #tpu.memory_space<vmem>> -> memref<1x6x96xi32, #tpu.memory_space<vmem>>
      %dma_start3A_88 = tpu.memref_squeeze %dma_start3A_87 : memref<1x6x96xi32, #tpu.memory_space<vmem>> -> memref<6x96xi32, #tpu.memory_space<vmem>>
      %dma_start3A_89 = arith.constant 0 : i32
      %dma_start3A_90 = arith.constant 0 : i32
      %dma_start3A_91 = tpu.memref_slice %arg3[%arg0, %arg1, %run_scoped3A, %dma_start3A_89, %dma_start3A_90] : memref<2x16x18x6x96xi32, #tpu.memory_space<hbm>> -> memref<1x1x1x6x96xi32, #tpu.memory_space<hbm>>
      %dma_start3A_92 = tpu.memref_squeeze %dma_start3A_91 : memref<1x1x1x6x96xi32, #tpu.memory_space<hbm>> -> memref<6x96xi32, #tpu.memory_space<hbm>>
      %dma_start3A_93 = arith.constant 0 : i32
      %dma_start3A_94 = arith.constant 0 : i32
      %dma_start3A_95 = tpu.memref_slice %arg8[%run_scoped3A_1, %dma_start3A_93, %dma_start3A_94] : memref<2x6x96xi32, #tpu.memory_space<vmem>> -> memref<1x6x96xi32, #tpu.memory_space<vmem>>
      %dma_start3A_96 = tpu.memref_squeeze %dma_start3A_95 : memref<1x6x96xi32, #tpu.memory_space<vmem>> -> memref<6x96xi32, #tpu.memory_space<vmem>>
      %dma_start3A_97 = arith.constant 0 : i32
      %dma_start3A_98 = arith.constant 0 : i32
      %dma_start3A_99 = tpu.memref_slice %arg3[%arg0, %arg1, %run_scoped3A, %dma_start3A_97, %dma_start3A_98] : memref<2x16x18x6x96xi32, #tpu.memory_space<hbm>> -> memref<1x1x1x6x96xi32, #tpu.memory_space<hbm>>
      %dma_start3A_100 = tpu.memref_squeeze %dma_start3A_99 : memref<1x1x1x6x96xi32, #tpu.memory_space<hbm>> -> memref<6x96xi32, #tpu.memory_space<hbm>>
      tpu.enqueue_dma source(%dma_start3A_100 : memref<6x96xi32, #tpu.memory_space<hbm>>) target(%dma_start3A_96 : memref<6x96xi32, #tpu.memory_space<vmem>>) target_semaphore(%run_scoped3A_84 : memref<!tpu.dma_semaphore, #tpu.memory_space<semaphore_mem>>)
      %dma_wait3A = arith.constant 0 : i32
      %dma_wait3A_101 = arith.constant 0 : i32
      %dma_wait3A_102 = tpu.memref_slice %arg8[%run_scoped3A_1, %dma_wait3A, %dma_wait3A_101] : memref<2x6x96xi32, #tpu.memory_space<vmem>> -> memref<1x6x96xi32, #tpu.memory_space<vmem>>
      %dma_wait3A_103 = tpu.memref_squeeze %dma_wait3A_102 : memref<1x6x96xi32, #tpu.memory_space<vmem>> -> memref<6x96xi32, #tpu.memory_space<vmem>>
      %dma_wait3A_104 = arith.constant 0 : i32
      %dma_wait3A_105 = arith.constant 0 : i32
      %dma_wait3A_106 = tpu.memref_slice %arg3[%arg0, %arg1, %run_scoped3A, %dma_wait3A_104, %dma_wait3A_105] : memref<2x16x18x6x96xi32, #tpu.memory_space<hbm>> -> memref<1x1x1x6x96xi32, #tpu.memory_space<hbm>>
      %dma_wait3A_107 = tpu.memref_squeeze %dma_wait3A_106 : memref<1x1x1x6x96xi32, #tpu.memory_space<hbm>> -> memref<6x96xi32, #tpu.memory_space<hbm>>
      %dma_wait3A_108 = arith.constant 0 : i32
      %dma_wait3A_109 = arith.constant 0 : i32
      %dma_wait3A_110 = tpu.memref_slice %arg8[%run_scoped3A_1, %dma_wait3A_108, %dma_wait3A_109] : memref<2x6x96xi32, #tpu.memory_space<vmem>> -> memref<1x6x96xi32, #tpu.memory_space<vmem>>
      %dma_wait3A_111 = tpu.memref_squeeze %dma_wait3A_110 : memref<1x6x96xi32, #tpu.memory_space<vmem>> -> memref<6x96xi32, #tpu.memory_space<vmem>>
      %dma_wait3A_112 = arith.constant 0 : i32
      %dma_wait3A_113 = arith.constant 0 : i32
      %dma_wait3A_114 = tpu.memref_slice %arg3[%arg0, %arg1, %run_scoped3A, %dma_wait3A_112, %dma_wait3A_113] : memref<2x16x18x6x96xi32, #tpu.memory_space<hbm>> -> memref<1x1x1x6x96xi32, #tpu.memory_space<hbm>>
      %dma_wait3A_115 = tpu.memref_squeeze %dma_wait3A_114 : memref<1x1x1x6x96xi32, #tpu.memory_space<hbm>> -> memref<6x96xi32, #tpu.memory_space<hbm>>
      tpu.wait_dma2 semaphore(%run_scoped3A_84 : memref<!tpu.dma_semaphore, #tpu.memory_space<semaphore_mem>>) src(%dma_wait3A_115 : memref<6x96xi32, #tpu.memory_space<hbm>>) dst(%dma_wait3A_111 : memref<6x96xi32, #tpu.memory_space<vmem>>)
      tpu.yield
    }) : () -> ()
    %run_scoped3A_2 = arith.constant 0 : i32
    %run_scoped3A_3 = arith.constant 0 : i32
    "tpu.region"() ({
      %run_scoped3A_84 = tpu.sem_alloc : memref<!tpu.dma_semaphore, #tpu.memory_space<semaphore_mem>>
      %dma_start3A_85 = arith.constant 0 : i32
      %dma_start3A_86 = arith.constant 0 : i32
      %dma_start3A_87 = tpu.memref_slice %arg9[%run_scoped3A_3, %dma_start3A_85, %dma_start3A_86] : memref<2x6x96xi32, #tpu.memory_space<vmem>> -> memref<1x6x96xi32, #tpu.memory_space<vmem>>
      %dma_start3A_88 = tpu.memref_squeeze %dma_start3A_87 : memref<1x6x96xi32, #tpu.memory_space<vmem>> -> memref<6x96xi32, #tpu.memory_space<vmem>>
      %dma_start3A_89 = arith.constant 0 : i32
      %dma_start3A_90 = arith.constant 0 : i32
      %dma_start3A_91 = tpu.memref_slice %arg4[%arg0, %arg1, %run_scoped3A_2, %dma_start3A_89, %dma_start3A_90] : memref<2x16x18x6x96xi32, #tpu.memory_space<hbm>> -> memref<1x1x1x6x96xi32, #tpu.memory_space<hbm>>
      %dma_start3A_92 = tpu.memref_squeeze %dma_start3A_91 : memref<1x1x1x6x96xi32, #tpu.memory_space<hbm>> -> memref<6x96xi32, #tpu.memory_space<hbm>>
      %dma_start3A_93 = arith.constant 0 : i32
      %dma_start3A_94 = arith.constant 0 : i32
      %dma_start3A_95 = tpu.memref_slice %arg9[%run_scoped3A_3, %dma_start3A_93, %dma_start3A_94] : memref<2x6x96xi32, #tpu.memory_space<vmem>> -> memref<1x6x96xi32, #tpu.memory_space<vmem>>
      %dma_start3A_96 = tpu.memref_squeeze %dma_start3A_95 : memref<1x6x96xi32, #tpu.memory_space<vmem>> -> memref<6x96xi32, #tpu.memory_space<vmem>>
      %dma_start3A_97 = arith.constant 0 : i32
      %dma_start3A_98 = arith.constant 0 : i32
      %dma_start3A_99 = tpu.memref_slice %arg4[%arg0, %arg1, %run_scoped3A_2, %dma_start3A_97, %dma_start3A_98] : memref<2x16x18x6x96xi32, #tpu.memory_space<hbm>> -> memref<1x1x1x6x96xi32, #tpu.memory_space<hbm>>
      %dma_start3A_100 = tpu.memref_squeeze %dma_start3A_99 : memref<1x1x1x6x96xi32, #tpu.memory_space<hbm>> -> memref<6x96xi32, #tpu.memory_space<hbm>>
      tpu.enqueue_dma source(%dma_start3A_100 : memref<6x96xi32, #tpu.memory_space<hbm>>) target(%dma_start3A_96 : memref<6x96xi32, #tpu.memory_space<vmem>>) target_semaphore(%run_scoped3A_84 : memref<!tpu.dma_semaphore, #tpu.memory_space<semaphore_mem>>)
      %dma_wait3A = arith.constant 0 : i32
      %dma_wait3A_101 = arith.constant 0 : i32
      %dma_wait3A_102 = tpu.memref_slice %arg9[%run_scoped3A_3, %dma_wait3A, %dma_wait3A_101] : memref<2x6x96xi32, #tpu.memory_space<vmem>> -> memref<1x6x96xi32, #tpu.memory_space<vmem>>
      %dma_wait3A_103 = tpu.memref_squeeze %dma_wait3A_102 : memref<1x6x96xi32, #tpu.memory_space<vmem>> -> memref<6x96xi32, #tpu.memory_space<vmem>>
      %dma_wait3A_104 = arith.constant 0 : i32
      %dma_wait3A_105 = arith.constant 0 : i32
      %dma_wait3A_106 = tpu.memref_slice %arg4[%arg0, %arg1, %run_scoped3A_2, %dma_wait3A_104, %dma_wait3A_105] : memref<2x16x18x6x96xi32, #tpu.memory_space<hbm>> -> memref<1x1x1x6x96xi32, #tpu.memory_space<hbm>>
      %dma_wait3A_107 = tpu.memref_squeeze %dma_wait3A_106 : memref<1x1x1x6x96xi32, #tpu.memory_space<hbm>> -> memref<6x96xi32, #tpu.memory_space<hbm>>
      %dma_wait3A_108 = arith.constant 0 : i32
      %dma_wait3A_109 = arith.constant 0 : i32
      %dma_wait3A_110 = tpu.memref_slice %arg9[%run_scoped3A_3, %dma_wait3A_108, %dma_wait3A_109] : memref<2x6x96xi32, #tpu.memory_space<vmem>> -> memref<1x6x96xi32, #tpu.memory_space<vmem>>
      %dma_wait3A_111 = tpu.memref_squeeze %dma_wait3A_110 : memref<1x6x96xi32, #tpu.memory_space<vmem>> -> memref<6x96xi32, #tpu.memory_space<vmem>>
      %dma_wait3A_112 = arith.constant 0 : i32
      %dma_wait3A_113 = arith.constant 0 : i32
      %dma_wait3A_114 = tpu.memref_slice %arg4[%arg0, %arg1, %run_scoped3A_2, %dma_wait3A_112, %dma_wait3A_113] : memref<2x16x18x6x96xi32, #tpu.memory_space<hbm>> -> memref<1x1x1x6x96xi32, #tpu.memory_space<hbm>>
      %dma_wait3A_115 = tpu.memref_squeeze %dma_wait3A_114 : memref<1x1x1x6x96xi32, #tpu.memory_space<hbm>> -> memref<6x96xi32, #tpu.memory_space<hbm>>
      tpu.wait_dma2 semaphore(%run_scoped3A_84 : memref<!tpu.dma_semaphore, #tpu.memory_space<semaphore_mem>>) src(%dma_wait3A_115 : memref<6x96xi32, #tpu.memory_space<hbm>>) dst(%dma_wait3A_111 : memref<6x96xi32, #tpu.memory_space<vmem>>)
      tpu.yield
    }) : () -> ()
    %dma_start3A = arith.constant 1 : i32
    %dma_start3A_4 = arith.constant 1 : i32
    %dma_start3A_5 = arith.constant 0 : i32
    %dma_start3A_6 = arith.constant 0 : i32
    %dma_start3A_7 = tpu.memref_slice %arg8[%dma_start3A_4, %dma_start3A_5, %dma_start3A_6] : memref<2x6x96xi32, #tpu.memory_space<vmem>> -> memref<1x6x96xi32, #tpu.memory_space<vmem>>
    %dma_start3A_8 = tpu.memref_squeeze %dma_start3A_7 : memref<1x6x96xi32, #tpu.memory_space<vmem>> -> memref<6x96xi32, #tpu.memory_space<vmem>>
    %dma_start3A_9 = arith.constant 0 : i32
    %dma_start3A_10 = arith.constant 0 : i32
    %dma_start3A_11 = tpu.memref_slice %arg3[%arg0, %arg1, %dma_start3A, %dma_start3A_9, %dma_start3A_10] : memref<2x16x18x6x96xi32, #tpu.memory_space<hbm>> -> memref<1x1x1x6x96xi32, #tpu.memory_space<hbm>>
    %dma_start3A_12 = tpu.memref_squeeze %dma_start3A_11 : memref<1x1x1x6x96xi32, #tpu.memory_space<hbm>> -> memref<6x96xi32, #tpu.memory_space<hbm>>
    %dma_start3A_13 = arith.constant 0 : i32
    %dma_start3A_14 = arith.constant 0 : i32
    %dma_start3A_15 = tpu.memref_slice %arg8[%dma_start3A_4, %dma_start3A_13, %dma_start3A_14] : memref<2x6x96xi32, #tpu.memory_space<vmem>> -> memref<1x6x96xi32, #tpu.memory_space<vmem>>
    %dma_start3A_16 = tpu.memref_squeeze %dma_start3A_15 : memref<1x6x96xi32, #tpu.memory_space<vmem>> -> memref<6x96xi32, #tpu.memory_space<vmem>>
    %dma_start3A_17 = arith.constant 0 : i32
    %dma_start3A_18 = arith.constant 0 : i32
    %dma_start3A_19 = tpu.memref_slice %arg3[%arg0, %arg1, %dma_start3A, %dma_start3A_17, %dma_start3A_18] : memref<2x16x18x6x96xi32, #tpu.memory_space<hbm>> -> memref<1x1x1x6x96xi32, #tpu.memory_space<hbm>>
    %dma_start3A_20 = tpu.memref_squeeze %dma_start3A_19 : memref<1x1x1x6x96xi32, #tpu.memory_space<hbm>> -> memref<6x96xi32, #tpu.memory_space<hbm>>
    tpu.enqueue_dma source(%dma_start3A_20 : memref<6x96xi32, #tpu.memory_space<hbm>>) target(%dma_start3A_16 : memref<6x96xi32, #tpu.memory_space<vmem>>) target_semaphore(%arg14 : memref<!tpu.dma_semaphore, #tpu.memory_space<semaphore_mem>>)
    %dma_start3A_21 = arith.constant 1 : i32
    %dma_start3A_22 = arith.constant 1 : i32
    %dma_start3A_23 = arith.constant 0 : i32
    %dma_start3A_24 = arith.constant 0 : i32
    %dma_start3A_25 = tpu.memref_slice %arg9[%dma_start3A_22, %dma_start3A_23, %dma_start3A_24] : memref<2x6x96xi32, #tpu.memory_space<vmem>> -> memref<1x6x96xi32, #tpu.memory_space<vmem>>
    %dma_start3A_26 = tpu.memref_squeeze %dma_start3A_25 : memref<1x6x96xi32, #tpu.memory_space<vmem>> -> memref<6x96xi32, #tpu.memory_space<vmem>>
    %dma_start3A_27 = arith.constant 0 : i32
    %dma_start3A_28 = arith.constant 0 : i32
    %dma_start3A_29 = tpu.memref_slice %arg4[%arg0, %arg1, %dma_start3A_21, %dma_start3A_27, %dma_start3A_28] : memref<2x16x18x6x96xi32, #tpu.memory_space<hbm>> -> memref<1x1x1x6x96xi32, #tpu.memory_space<hbm>>
    %dma_start3A_30 = tpu.memref_squeeze %dma_start3A_29 : memref<1x1x1x6x96xi32, #tpu.memory_space<hbm>> -> memref<6x96xi32, #tpu.memory_space<hbm>>
    %dma_start3A_31 = arith.constant 0 : i32
    %dma_start3A_32 = arith.constant 0 : i32
    %dma_start3A_33 = tpu.memref_slice %arg9[%dma_start3A_22, %dma_start3A_31, %dma_start3A_32] : memref<2x6x96xi32, #tpu.memory_space<vmem>> -> memref<1x6x96xi32, #tpu.memory_space<vmem>>
    %dma_start3A_34 = tpu.memref_squeeze %dma_start3A_33 : memref<1x6x96xi32, #tpu.memory_space<vmem>> -> memref<6x96xi32, #tpu.memory_space<vmem>>
    %dma_start3A_35 = arith.constant 0 : i32
    %dma_start3A_36 = arith.constant 0 : i32
    %dma_start3A_37 = tpu.memref_slice %arg4[%arg0, %arg1, %dma_start3A_21, %dma_start3A_35, %dma_start3A_36] : memref<2x16x18x6x96xi32, #tpu.memory_space<hbm>> -> memref<1x1x1x6x96xi32, #tpu.memory_space<hbm>>
    %dma_start3A_38 = tpu.memref_squeeze %dma_start3A_37 : memref<1x1x1x6x96xi32, #tpu.memory_space<hbm>> -> memref<6x96xi32, #tpu.memory_space<hbm>>
    tpu.enqueue_dma source(%dma_start3A_38 : memref<6x96xi32, #tpu.memory_space<hbm>>) target(%dma_start3A_34 : memref<6x96xi32, #tpu.memory_space<vmem>>) target_semaphore(%arg14 : memref<!tpu.dma_semaphore, #tpu.memory_space<semaphore_mem>>)
    %barrier3A = arith.constant 0 : index
    tpu.barrier barrier_id(%barrier3A)
    %dma_start3A_39 = arith.constant 0 : i32
    %dma_start3A_40 = arith.constant 0 : i32
    %dma_start3A_41 = arith.constant 0 : i32
    %dma_start3A_42 = arith.constant 0 : i32
    %dma_start3A_43 = arith.constant 0 : i32
    %dma_start3A_44 = tpu.memref_slice %arg10[%dma_start3A_41, %dma_start3A_42, %dma_start3A_43] : memref<3x96x128xf32, #tpu.memory_space<vmem>> -> memref<1x96x128xf32, #tpu.memory_space<vmem>>
    %dma_start3A_45 = tpu.memref_squeeze %dma_start3A_44 : memref<1x96x128xf32, #tpu.memory_space<vmem>> -> memref<96x128xf32, #tpu.memory_space<vmem>>
    %dma_start3A_46 = arith.constant 0 : i32
    %dma_start3A_47 = tpu.memref_slice %arg8[%dma_start3A_39, %dma_start3A_40, %dma_start3A_46] : memref<2x6x96xi32, #tpu.memory_space<vmem>> -> memref<1x1x96xi32, #tpu.memory_space<vmem>>
    %dma_start3A_48 = tpu.memref_squeeze %dma_start3A_47 : memref<1x1x96xi32, #tpu.memory_space<vmem>> -> memref<96xi32, #tpu.memory_space<vmem>>
    %dma_start3A_49 = arith.constant 0 : i32
    %dma_start3A_50 = arith.constant 0 : i32
    %dma_start3A_51 = tpu.memref_slice %arg2[%dma_start3A_49, %dma_start3A_50] : memref<10240x128xf32, #tpu.memory_space<hbm>> -> memref<10240x128xf32, #tpu.memory_space<hbm>>
    tpu.enqueue_indirect_dma source(%dma_start3A_51 : memref<10240x128xf32, #tpu.memory_space<hbm>>) target(%dma_start3A_45 : memref<96x128xf32, #tpu.memory_space<vmem>>) offsets(%dma_start3A_48 : memref<96xi32, #tpu.memory_space<vmem>>) semaphore(%arg11 : memref<!tpu.dma_semaphore, #tpu.memory_space<semaphore_mem>>)
    %dma_start3A_52 = arith.constant 0 : i32
    %dma_start3A_53 = arith.constant 1 : i32
    %dma_start3A_54 = arith.constant 1 : i32
    %dma_start3A_55 = arith.constant 0 : i32
    %dma_start3A_56 = arith.constant 0 : i32
    %dma_start3A_57 = tpu.memref_slice %arg10[%dma_start3A_54, %dma_start3A_55, %dma_start3A_56] : memref<3x96x128xf32, #tpu.memory_space<vmem>> -> memref<1x96x128xf32, #tpu.memory_space<vmem>>
    %dma_start3A_58 = tpu.memref_squeeze %dma_start3A_57 : memref<1x96x128xf32, #tpu.memory_space<vmem>> -> memref<96x128xf32, #tpu.memory_space<vmem>>
    %dma_start3A_59 = arith.constant 0 : i32
    %dma_start3A_60 = tpu.memref_slice %arg8[%dma_start3A_52, %dma_start3A_53, %dma_start3A_59] : memref<2x6x96xi32, #tpu.memory_space<vmem>> -> memref<1x1x96xi32, #tpu.memory_space<vmem>>
    %dma_start3A_61 = tpu.memref_squeeze %dma_start3A_60 : memref<1x1x96xi32, #tpu.memory_space<vmem>> -> memref<96xi32, #tpu.memory_space<vmem>>
    %dma_start3A_62 = arith.constant 0 : i32
    %dma_start3A_63 = arith.constant 0 : i32
    %dma_start3A_64 = tpu.memref_slice %arg2[%dma_start3A_62, %dma_start3A_63] : memref<10240x128xf32, #tpu.memory_space<hbm>> -> memref<10240x128xf32, #tpu.memory_space<hbm>>
    tpu.enqueue_indirect_dma source(%dma_start3A_64 : memref<10240x128xf32, #tpu.memory_space<hbm>>) target(%dma_start3A_58 : memref<96x128xf32, #tpu.memory_space<vmem>>) offsets(%dma_start3A_61 : memref<96xi32, #tpu.memory_space<vmem>>) semaphore(%arg12 : memref<!tpu.dma_semaphore, #tpu.memory_space<semaphore_mem>>)
    %dma_start3A_65 = arith.constant 0 : i32
    %dma_start3A_66 = arith.constant 2 : i32
    %dma_start3A_67 = arith.constant 2 : i32
    %dma_start3A_68 = arith.constant 0 : i32
    %dma_start3A_69 = arith.constant 0 : i32
    %dma_start3A_70 = tpu.memref_slice %arg10[%dma_start3A_67, %dma_start3A_68, %dma_start3A_69] : memref<3x96x128xf32, #tpu.memory_space<vmem>> -> memref<1x96x128xf32, #tpu.memory_space<vmem>>
    %dma_start3A_71 = tpu.memref_squeeze %dma_start3A_70 : memref<1x96x128xf32, #tpu.memory_space<vmem>> -> memref<96x128xf32, #tpu.memory_space<vmem>>
    %dma_start3A_72 = arith.constant 0 : i32
    %dma_start3A_73 = tpu.memref_slice %arg8[%dma_start3A_65, %dma_start3A_66, %dma_start3A_72] : memref<2x6x96xi32, #tpu.memory_space<vmem>> -> memref<1x1x96xi32, #tpu.memory_space<vmem>>
    %dma_start3A_74 = tpu.memref_squeeze %dma_start3A_73 : memref<1x1x96xi32, #tpu.memory_space<vmem>> -> memref<96xi32, #tpu.memory_space<vmem>>
    %dma_start3A_75 = arith.constant 0 : i32
    %dma_start3A_76 = arith.constant 0 : i32
    %dma_start3A_77 = tpu.memref_slice %arg2[%dma_start3A_75, %dma_start3A_76] : memref<10240x128xf32, #tpu.memory_space<hbm>> -> memref<10240x128xf32, #tpu.memory_space<hbm>>
    tpu.enqueue_indirect_dma source(%dma_start3A_77 : memref<10240x128xf32, #tpu.memory_space<hbm>>) target(%dma_start3A_71 : memref<96x128xf32, #tpu.memory_space<vmem>>) offsets(%dma_start3A_74 : memref<96xi32, #tpu.memory_space<vmem>>) semaphore(%arg13 : memref<!tpu.dma_semaphore, #tpu.memory_space<semaphore_mem>>)
    %scan3A = arith.constant 0 : i32
    %scan3A_78 = arith.constant 0 : i32
    %scan3A_79 = arith.constant 18 : i32
    %scan3A_80 = arith.addi %scan3A_78, %scan3A_79 : i32
    %scan3A_81 = arith.constant 1 : i32
    scf.for %scan3A_84 = %scan3A_78 to %scan3A_80 step %scan3A_81  : i32 {
      %rem3A = arith.constant 2 : i32
      %rem3A_85 = arith.remsi %scan3A_84, %rem3A : i32
      %sub3A = arith.constant 1 : i32
      %sub3A_86 = arith.subi %sub3A, %rem3A_85 : i32
      %lt3A = arith.constant 17 : i32
      %lt3A_87 = arith.cmpi slt, %scan3A_84, %lt3A : i32
      %convert_element_type3A = arith.extui %lt3A_87 : i1 to i32
      %cond3A = arith.constant 0 : i32
      %cond3A_88 = arith.cmpi ne, %convert_element_type3A, %cond3A : i32
      scf.if %cond3A_88 {
        %add3A = arith.constant 1 : i32
        %add3A_228 = arith.addi %scan3A_84, %add3A : i32
        %dma_wait3A_229 = arith.constant 0 : i32
        %dma_wait3A_230 = arith.constant 0 : i32
        %dma_wait3A_231 = tpu.memref_slice %arg8[%sub3A_86, %dma_wait3A_229, %dma_wait3A_230] : memref<2x6x96xi32, #tpu.memory_space<vmem>> -> memref<1x6x96xi32, #tpu.memory_space<vmem>>
        %dma_wait3A_232 = tpu.memref_squeeze %dma_wait3A_231 : memref<1x6x96xi32, #tpu.memory_space<vmem>> -> memref<6x96xi32, #tpu.memory_space<vmem>>
        %dma_wait3A_233 = arith.constant 0 : i32
        %dma_wait3A_234 = arith.constant 0 : i32
        %dma_wait3A_235 = tpu.memref_slice %arg3[%arg0, %arg1, %add3A_228, %dma_wait3A_233, %dma_wait3A_234] : memref<2x16x18x6x96xi32, #tpu.memory_space<hbm>> -> memref<1x1x1x6x96xi32, #tpu.memory_space<hbm>>
        %dma_wait3A_236 = tpu.memref_squeeze %dma_wait3A_235 : memref<1x1x1x6x96xi32, #tpu.memory_space<hbm>> -> memref<6x96xi32, #tpu.memory_space<hbm>>
        %dma_wait3A_237 = arith.constant 0 : i32
        %dma_wait3A_238 = arith.constant 0 : i32
        %dma_wait3A_239 = tpu.memref_slice %arg8[%sub3A_86, %dma_wait3A_237, %dma_wait3A_238] : memref<2x6x96xi32, #tpu.memory_space<vmem>> -> memref<1x6x96xi32, #tpu.memory_space<vmem>>
        %dma_wait3A_240 = tpu.memref_squeeze %dma_wait3A_239 : memref<1x6x96xi32, #tpu.memory_space<vmem>> -> memref<6x96xi32, #tpu.memory_space<vmem>>
        %dma_wait3A_241 = arith.constant 0 : i32
        %dma_wait3A_242 = arith.constant 0 : i32
        %dma_wait3A_243 = tpu.memref_slice %arg3[%arg0, %arg1, %add3A_228, %dma_wait3A_241, %dma_wait3A_242] : memref<2x16x18x6x96xi32, #tpu.memory_space<hbm>> -> memref<1x1x1x6x96xi32, #tpu.memory_space<hbm>>
        %dma_wait3A_244 = tpu.memref_squeeze %dma_wait3A_243 : memref<1x1x1x6x96xi32, #tpu.memory_space<hbm>> -> memref<6x96xi32, #tpu.memory_space<hbm>>
        tpu.wait_dma2 semaphore(%arg14 : memref<!tpu.dma_semaphore, #tpu.memory_space<semaphore_mem>>) src(%dma_wait3A_244 : memref<6x96xi32, #tpu.memory_space<hbm>>) dst(%dma_wait3A_240 : memref<6x96xi32, #tpu.memory_space<vmem>>)
        %add3A_245 = arith.constant 1 : i32
        %add3A_246 = arith.addi %scan3A_84, %add3A_245 : i32
        %dma_wait3A_247 = arith.constant 0 : i32
        %dma_wait3A_248 = arith.constant 0 : i32
        %dma_wait3A_249 = tpu.memref_slice %arg9[%sub3A_86, %dma_wait3A_247, %dma_wait3A_248] : memref<2x6x96xi32, #tpu.memory_space<vmem>> -> memref<1x6x96xi32, #tpu.memory_space<vmem>>
        %dma_wait3A_250 = tpu.memref_squeeze %dma_wait3A_249 : memref<1x6x96xi32, #tpu.memory_space<vmem>> -> memref<6x96xi32, #tpu.memory_space<vmem>>
        %dma_wait3A_251 = arith.constant 0 : i32
        %dma_wait3A_252 = arith.constant 0 : i32
        %dma_wait3A_253 = tpu.memref_slice %arg4[%arg0, %arg1, %add3A_246, %dma_wait3A_251, %dma_wait3A_252] : memref<2x16x18x6x96xi32, #tpu.memory_space<hbm>> -> memref<1x1x1x6x96xi32, #tpu.memory_space<hbm>>
        %dma_wait3A_254 = tpu.memref_squeeze %dma_wait3A_253 : memref<1x1x1x6x96xi32, #tpu.memory_space<hbm>> -> memref<6x96xi32, #tpu.memory_space<hbm>>
        %dma_wait3A_255 = arith.constant 0 : i32
        %dma_wait3A_256 = arith.constant 0 : i32
        %dma_wait3A_257 = tpu.memref_slice %arg9[%sub3A_86, %dma_wait3A_255, %dma_wait3A_256] : memref<2x6x96xi32, #tpu.memory_space<vmem>> -> memref<1x6x96xi32, #tpu.memory_space<vmem>>
        %dma_wait3A_258 = tpu.memref_squeeze %dma_wait3A_257 : memref<1x6x96xi32, #tpu.memory_space<vmem>> -> memref<6x96xi32, #tpu.memory_space<vmem>>
        %dma_wait3A_259 = arith.constant 0 : i32
        %dma_wait3A_260 = arith.constant 0 : i32
        %dma_wait3A_261 = tpu.memref_slice %arg4[%arg0, %arg1, %add3A_246, %dma_wait3A_259, %dma_wait3A_260] : memref<2x16x18x6x96xi32, #tpu.memory_space<hbm>> -> memref<1x1x1x6x96xi32, #tpu.memory_space<hbm>>
        %dma_wait3A_262 = tpu.memref_squeeze %dma_wait3A_261 : memref<1x1x1x6x96xi32, #tpu.memory_space<hbm>> -> memref<6x96xi32, #tpu.memory_space<hbm>>
        tpu.wait_dma2 semaphore(%arg14 : memref<!tpu.dma_semaphore, #tpu.memory_space<semaphore_mem>>) src(%dma_wait3A_262 : memref<6x96xi32, #tpu.memory_space<hbm>>) dst(%dma_wait3A_258 : memref<6x96xi32, #tpu.memory_space<vmem>>)
      } else {
      }
      %dma_wait3A = arith.constant 0 : i32
      %dma_wait3A_89 = arith.constant 0 : i32
      %dma_wait3A_90 = arith.constant 0 : i32
      %dma_wait3A_91 = arith.constant 0 : i32
      %dma_wait3A_92 = tpu.memref_slice %arg10[%dma_wait3A_89, %dma_wait3A_90, %dma_wait3A_91] : memref<3x96x128xf32, #tpu.memory_space<vmem>> -> memref<1x96x128xf32, #tpu.memory_space<vmem>>
      %dma_wait3A_93 = tpu.memref_squeeze %dma_wait3A_92 : memref<1x96x128xf32, #tpu.memory_space<vmem>> -> memref<96x128xf32, #tpu.memory_space<vmem>>
      %dma_wait3A_94 = arith.constant 0 : i32
      %dma_wait3A_95 = tpu.memref_slice %arg8[%rem3A_85, %dma_wait3A, %dma_wait3A_94] : memref<2x6x96xi32, #tpu.memory_space<vmem>> -> memref<1x1x96xi32, #tpu.memory_space<vmem>>
      %dma_wait3A_96 = tpu.memref_squeeze %dma_wait3A_95 : memref<1x1x96xi32, #tpu.memory_space<vmem>> -> memref<96xi32, #tpu.memory_space<vmem>>
      %dma_wait3A_97 = arith.constant 0 : i32
      %dma_wait3A_98 = arith.constant 0 : i32
      %dma_wait3A_99 = tpu.memref_slice %arg2[%dma_wait3A_97, %dma_wait3A_98] : memref<10240x128xf32, #tpu.memory_space<hbm>> -> memref<10240x128xf32, #tpu.memory_space<hbm>>
      tpu.wait_indirect_dma semaphore(%arg11 : memref<!tpu.dma_semaphore, #tpu.memory_space<semaphore_mem>>) src(%dma_wait3A_99 : memref<10240x128xf32, #tpu.memory_space<hbm>>) dst(%dma_wait3A_93 : memref<96x128xf32, #tpu.memory_space<vmem>>)
      %run_scoped3A_100 = arith.constant 0 : i32
      %run_scoped3A_101 = arith.constant 0 : i32
      "tpu.region"() ({
        %run_scoped3A_228 = tpu.sem_alloc : memref<!tpu.dma_semaphore, #tpu.memory_space<semaphore_mem>>
        %dma_start3A_229 = arith.constant 0 : i32
        %dma_start3A_230 = arith.constant 0 : i32
        %dma_start3A_231 = tpu.memref_slice %arg10[%run_scoped3A_100, %dma_start3A_229, %dma_start3A_230] : memref<3x96x128xf32, #tpu.memory_space<vmem>> -> memref<1x96x128xf32, #tpu.memory_space<vmem>>
        %dma_start3A_232 = tpu.memref_squeeze %dma_start3A_231 : memref<1x96x128xf32, #tpu.memory_space<vmem>> -> memref<96x128xf32, #tpu.memory_space<vmem>>
        %dma_start3A_233 = arith.constant 0 : i32
        %dma_start3A_234 = tpu.memref_slice %arg9[%rem3A_85, %run_scoped3A_101, %dma_start3A_233] : memref<2x6x96xi32, #tpu.memory_space<vmem>> -> memref<1x1x96xi32, #tpu.memory_space<vmem>>
        %dma_start3A_235 = tpu.memref_squeeze %dma_start3A_234 : memref<1x1x96xi32, #tpu.memory_space<vmem>> -> memref<96xi32, #tpu.memory_space<vmem>>
        %dma_start3A_236 = arith.constant 0 : i32
        %dma_start3A_237 = arith.constant 0 : i32
        %dma_start3A_238 = tpu.memref_slice %arg7[%dma_start3A_236, %dma_start3A_237] : memref<10240x128xf32, #tpu.memory_space<vmem_shared>> -> memref<10240x128xf32, #tpu.memory_space<vmem_shared>>
        tpu.enqueue_indirect_dma source(%dma_start3A_232 : memref<96x128xf32, #tpu.memory_space<vmem>>) target(%dma_start3A_238 : memref<10240x128xf32, #tpu.memory_space<vmem_shared>>) offsets(%dma_start3A_235 : memref<96xi32, #tpu.memory_space<vmem>>) semaphore(%run_scoped3A_228 : memref<!tpu.dma_semaphore, #tpu.memory_space<semaphore_mem>>) {add = true}
        %dma_wait3A_239 = arith.constant 0 : i32
        %dma_wait3A_240 = arith.constant 0 : i32
        %dma_wait3A_241 = tpu.memref_slice %arg10[%run_scoped3A_100, %dma_wait3A_239, %dma_wait3A_240] : memref<3x96x128xf32, #tpu.memory_space<vmem>> -> memref<1x96x128xf32, #tpu.memory_space<vmem>>
        %dma_wait3A_242 = tpu.memref_squeeze %dma_wait3A_241 : memref<1x96x128xf32, #tpu.memory_space<vmem>> -> memref<96x128xf32, #tpu.memory_space<vmem>>
        %dma_wait3A_243 = arith.constant 0 : i32
        %dma_wait3A_244 = tpu.memref_slice %arg9[%rem3A_85, %run_scoped3A_101, %dma_wait3A_243] : memref<2x6x96xi32, #tpu.memory_space<vmem>> -> memref<1x1x96xi32, #tpu.memory_space<vmem>>
        %dma_wait3A_245 = tpu.memref_squeeze %dma_wait3A_244 : memref<1x1x96xi32, #tpu.memory_space<vmem>> -> memref<96xi32, #tpu.memory_space<vmem>>
        %dma_wait3A_246 = arith.constant 0 : i32
        %dma_wait3A_247 = arith.constant 0 : i32
        %dma_wait3A_248 = tpu.memref_slice %arg7[%dma_wait3A_246, %dma_wait3A_247] : memref<10240x128xf32, #tpu.memory_space<vmem_shared>> -> memref<10240x128xf32, #tpu.memory_space<vmem_shared>>
        tpu.wait_indirect_dma semaphore(%run_scoped3A_228 : memref<!tpu.dma_semaphore, #tpu.memory_space<semaphore_mem>>) src(%dma_wait3A_242 : memref<96x128xf32, #tpu.memory_space<vmem>>) dst(%dma_wait3A_248 : memref<10240x128xf32, #tpu.memory_space<vmem_shared>>)
        tpu.yield
      }) : () -> ()
      %dma_start3A_102 = arith.constant 3 : i32
      %dma_start3A_103 = arith.constant 0 : i32
      %dma_start3A_104 = arith.constant 0 : i32
      %dma_start3A_105 = arith.constant 0 : i32
      %dma_start3A_106 = tpu.memref_slice %arg10[%dma_start3A_103, %dma_start3A_104, %dma_start3A_105] : memref<3x96x128xf32, #tpu.memory_space<vmem>> -> memref<1x96x128xf32, #tpu.memory_space<vmem>>
      %dma_start3A_107 = tpu.memref_squeeze %dma_start3A_106 : memref<1x96x128xf32, #tpu.memory_space<vmem>> -> memref<96x128xf32, #tpu.memory_space<vmem>>
      %dma_start3A_108 = arith.constant 0 : i32
      %dma_start3A_109 = tpu.memref_slice %arg8[%rem3A_85, %dma_start3A_102, %dma_start3A_108] : memref<2x6x96xi32, #tpu.memory_space<vmem>> -> memref<1x1x96xi32, #tpu.memory_space<vmem>>
      %dma_start3A_110 = tpu.memref_squeeze %dma_start3A_109 : memref<1x1x96xi32, #tpu.memory_space<vmem>> -> memref<96xi32, #tpu.memory_space<vmem>>
      %dma_start3A_111 = arith.constant 0 : i32
      %dma_start3A_112 = arith.constant 0 : i32
      %dma_start3A_113 = tpu.memref_slice %arg2[%dma_start3A_111, %dma_start3A_112] : memref<10240x128xf32, #tpu.memory_space<hbm>> -> memref<10240x128xf32, #tpu.memory_space<hbm>>
      tpu.enqueue_indirect_dma source(%dma_start3A_113 : memref<10240x128xf32, #tpu.memory_space<hbm>>) target(%dma_start3A_107 : memref<96x128xf32, #tpu.memory_space<vmem>>) offsets(%dma_start3A_110 : memref<96xi32, #tpu.memory_space<vmem>>) semaphore(%arg11 : memref<!tpu.dma_semaphore, #tpu.memory_space<semaphore_mem>>)
      %dma_wait3A_114 = arith.constant 1 : i32
      %dma_wait3A_115 = arith.constant 1 : i32
      %dma_wait3A_116 = arith.constant 0 : i32
      %dma_wait3A_117 = arith.constant 0 : i32
      %dma_wait3A_118 = tpu.memref_slice %arg10[%dma_wait3A_115, %dma_wait3A_116, %dma_wait3A_117] : memref<3x96x128xf32, #tpu.memory_space<vmem>> -> memref<1x96x128xf32, #tpu.memory_space<vmem>>
      %dma_wait3A_119 = tpu.memref_squeeze %dma_wait3A_118 : memref<1x96x128xf32, #tpu.memory_space<vmem>> -> memref<96x128xf32, #tpu.memory_space<vmem>>
      %dma_wait3A_120 = arith.constant 0 : i32
      %dma_wait3A_121 = tpu.memref_slice %arg8[%rem3A_85, %dma_wait3A_114, %dma_wait3A_120] : memref<2x6x96xi32, #tpu.memory_space<vmem>> -> memref<1x1x96xi32, #tpu.memory_space<vmem>>
      %dma_wait3A_122 = tpu.memref_squeeze %dma_wait3A_121 : memref<1x1x96xi32, #tpu.memory_space<vmem>> -> memref<96xi32, #tpu.memory_space<vmem>>
      %dma_wait3A_123 = arith.constant 0 : i32
      %dma_wait3A_124 = arith.constant 0 : i32
      %dma_wait3A_125 = tpu.memref_slice %arg2[%dma_wait3A_123, %dma_wait3A_124] : memref<10240x128xf32, #tpu.memory_space<hbm>> -> memref<10240x128xf32, #tpu.memory_space<hbm>>
      tpu.wait_indirect_dma semaphore(%arg12 : memref<!tpu.dma_semaphore, #tpu.memory_space<semaphore_mem>>) src(%dma_wait3A_125 : memref<10240x128xf32, #tpu.memory_space<hbm>>) dst(%dma_wait3A_119 : memref<96x128xf32, #tpu.memory_space<vmem>>)
      %run_scoped3A_126 = arith.constant 1 : i32
      %run_scoped3A_127 = arith.constant 1 : i32
      "tpu.region"() ({
        %run_scoped3A_228 = tpu.sem_alloc : memref<!tpu.dma_semaphore, #tpu.memory_space<semaphore_mem>>
        %dma_start3A_229 = arith.constant 0 : i32
        %dma_start3A_230 = arith.constant 0 : i32
        %dma_start3A_231 = tpu.memref_slice %arg10[%run_scoped3A_126, %dma_start3A_229, %dma_start3A_230] : memref<3x96x128xf32, #tpu.memory_space<vmem>> -> memref<1x96x128xf32, #tpu.memory_space<vmem>>
        %dma_start3A_232 = tpu.memref_squeeze %dma_start3A_231 : memref<1x96x128xf32, #tpu.memory_space<vmem>> -> memref<96x128xf32, #tpu.memory_space<vmem>>
        %dma_start3A_233 = arith.constant 0 : i32
        %dma_start3A_234 = tpu.memref_slice %arg9[%rem3A_85, %run_scoped3A_127, %dma_start3A_233] : memref<2x6x96xi32, #tpu.memory_space<vmem>> -> memref<1x1x96xi32, #tpu.memory_space<vmem>>
        %dma_start3A_235 = tpu.memref_squeeze %dma_start3A_234 : memref<1x1x96xi32, #tpu.memory_space<vmem>> -> memref<96xi32, #tpu.memory_space<vmem>>
        %dma_start3A_236 = arith.constant 0 : i32
        %dma_start3A_237 = arith.constant 0 : i32
        %dma_start3A_238 = tpu.memref_slice %arg7[%dma_start3A_236, %dma_start3A_237] : memref<10240x128xf32, #tpu.memory_space<vmem_shared>> -> memref<10240x128xf32, #tpu.memory_space<vmem_shared>>
        tpu.enqueue_indirect_dma source(%dma_start3A_232 : memref<96x128xf32, #tpu.memory_space<vmem>>) target(%dma_start3A_238 : memref<10240x128xf32, #tpu.memory_space<vmem_shared>>) offsets(%dma_start3A_235 : memref<96xi32, #tpu.memory_space<vmem>>) semaphore(%run_scoped3A_228 : memref<!tpu.dma_semaphore, #tpu.memory_space<semaphore_mem>>) {add = true}
        %dma_wait3A_239 = arith.constant 0 : i32
        %dma_wait3A_240 = arith.constant 0 : i32
        %dma_wait3A_241 = tpu.memref_slice %arg10[%run_scoped3A_126, %dma_wait3A_239, %dma_wait3A_240] : memref<3x96x128xf32, #tpu.memory_space<vmem>> -> memref<1x96x128xf32, #tpu.memory_space<vmem>>
        %dma_wait3A_242 = tpu.memref_squeeze %dma_wait3A_241 : memref<1x96x128xf32, #tpu.memory_space<vmem>> -> memref<96x128xf32, #tpu.memory_space<vmem>>
        %dma_wait3A_243 = arith.constant 0 : i32
        %dma_wait3A_244 = tpu.memref_slice %arg9[%rem3A_85, %run_scoped3A_127, %dma_wait3A_243] : memref<2x6x96xi32, #tpu.memory_space<vmem>> -> memref<1x1x96xi32, #tpu.memory_space<vmem>>
        %dma_wait3A_245 = tpu.memref_squeeze %dma_wait3A_244 : memref<1x1x96xi32, #tpu.memory_space<vmem>> -> memref<96xi32, #tpu.memory_space<vmem>>
        %dma_wait3A_246 = arith.constant 0 : i32
        %dma_wait3A_247 = arith.constant 0 : i32
        %dma_wait3A_248 = tpu.memref_slice %arg7[%dma_wait3A_246, %dma_wait3A_247] : memref<10240x128xf32, #tpu.memory_space<vmem_shared>> -> memref<10240x128xf32, #tpu.memory_space<vmem_shared>>
        tpu.wait_indirect_dma semaphore(%run_scoped3A_228 : memref<!tpu.dma_semaphore, #tpu.memory_space<semaphore_mem>>) src(%dma_wait3A_242 : memref<96x128xf32, #tpu.memory_space<vmem>>) dst(%dma_wait3A_248 : memref<10240x128xf32, #tpu.memory_space<vmem_shared>>)
        tpu.yield
      }) : () -> ()
      %dma_start3A_128 = arith.constant 4 : i32
      %dma_start3A_129 = arith.constant 1 : i32
      %dma_start3A_130 = arith.constant 0 : i32
      %dma_start3A_131 = arith.constant 0 : i32
      %dma_start3A_132 = tpu.memref_slice %arg10[%dma_start3A_129, %dma_start3A_130, %dma_start3A_131] : memref<3x96x128xf32, #tpu.memory_space<vmem>> -> memref<1x96x128xf32, #tpu.memory_space<vmem>>
      %dma_start3A_133 = tpu.memref_squeeze %dma_start3A_132 : memref<1x96x128xf32, #tpu.memory_space<vmem>> -> memref<96x128xf32, #tpu.memory_space<vmem>>
      %dma_start3A_134 = arith.constant 0 : i32
      %dma_start3A_135 = tpu.memref_slice %arg8[%rem3A_85, %dma_start3A_128, %dma_start3A_134] : memref<2x6x96xi32, #tpu.memory_space<vmem>> -> memref<1x1x96xi32, #tpu.memory_space<vmem>>
      %dma_start3A_136 = tpu.memref_squeeze %dma_start3A_135 : memref<1x1x96xi32, #tpu.memory_space<vmem>> -> memref<96xi32, #tpu.memory_space<vmem>>
      %dma_start3A_137 = arith.constant 0 : i32
      %dma_start3A_138 = arith.constant 0 : i32
      %dma_start3A_139 = tpu.memref_slice %arg2[%dma_start3A_137, %dma_start3A_138] : memref<10240x128xf32, #tpu.memory_space<hbm>> -> memref<10240x128xf32, #tpu.memory_space<hbm>>
      tpu.enqueue_indirect_dma source(%dma_start3A_139 : memref<10240x128xf32, #tpu.memory_space<hbm>>) target(%dma_start3A_133 : memref<96x128xf32, #tpu.memory_space<vmem>>) offsets(%dma_start3A_136 : memref<96xi32, #tpu.memory_space<vmem>>) semaphore(%arg12 : memref<!tpu.dma_semaphore, #tpu.memory_space<semaphore_mem>>)
      %dma_wait3A_140 = arith.constant 2 : i32
      %dma_wait3A_141 = arith.constant 2 : i32
      %dma_wait3A_142 = arith.constant 0 : i32
      %dma_wait3A_143 = arith.constant 0 : i32
      %dma_wait3A_144 = tpu.memref_slice %arg10[%dma_wait3A_141, %dma_wait3A_142, %dma_wait3A_143] : memref<3x96x128xf32, #tpu.memory_space<vmem>> -> memref<1x96x128xf32, #tpu.memory_space<vmem>>
      %dma_wait3A_145 = tpu.memref_squeeze %dma_wait3A_144 : memref<1x96x128xf32, #tpu.memory_space<vmem>> -> memref<96x128xf32, #tpu.memory_space<vmem>>
      %dma_wait3A_146 = arith.constant 0 : i32
      %dma_wait3A_147 = tpu.memref_slice %arg8[%rem3A_85, %dma_wait3A_140, %dma_wait3A_146] : memref<2x6x96xi32, #tpu.memory_space<vmem>> -> memref<1x1x96xi32, #tpu.memory_space<vmem>>
      %dma_wait3A_148 = tpu.memref_squeeze %dma_wait3A_147 : memref<1x1x96xi32, #tpu.memory_space<vmem>> -> memref<96xi32, #tpu.memory_space<vmem>>
      %dma_wait3A_149 = arith.constant 0 : i32
      %dma_wait3A_150 = arith.constant 0 : i32
      %dma_wait3A_151 = tpu.memref_slice %arg2[%dma_wait3A_149, %dma_wait3A_150] : memref<10240x128xf32, #tpu.memory_space<hbm>> -> memref<10240x128xf32, #tpu.memory_space<hbm>>
      tpu.wait_indirect_dma semaphore(%arg13 : memref<!tpu.dma_semaphore, #tpu.memory_space<semaphore_mem>>) src(%dma_wait3A_151 : memref<10240x128xf32, #tpu.memory_space<hbm>>) dst(%dma_wait3A_145 : memref<96x128xf32, #tpu.memory_space<vmem>>)
      %run_scoped3A_152 = arith.constant 2 : i32
      %run_scoped3A_153 = arith.constant 2 : i32
      "tpu.region"() ({
        %run_scoped3A_228 = tpu.sem_alloc : memref<!tpu.dma_semaphore, #tpu.memory_space<semaphore_mem>>
        %dma_start3A_229 = arith.constant 0 : i32
        %dma_start3A_230 = arith.constant 0 : i32
        %dma_start3A_231 = tpu.memref_slice %arg10[%run_scoped3A_152, %dma_start3A_229, %dma_start3A_230] : memref<3x96x128xf32, #tpu.memory_space<vmem>> -> memref<1x96x128xf32, #tpu.memory_space<vmem>>
        %dma_start3A_232 = tpu.memref_squeeze %dma_start3A_231 : memref<1x96x128xf32, #tpu.memory_space<vmem>> -> memref<96x128xf32, #tpu.memory_space<vmem>>
        %dma_start3A_233 = arith.constant 0 : i32
        %dma_start3A_234 = tpu.memref_slice %arg9[%rem3A_85, %run_scoped3A_153, %dma_start3A_233] : memref<2x6x96xi32, #tpu.memory_space<vmem>> -> memref<1x1x96xi32, #tpu.memory_space<vmem>>
        %dma_start3A_235 = tpu.memref_squeeze %dma_start3A_234 : memref<1x1x96xi32, #tpu.memory_space<vmem>> -> memref<96xi32, #tpu.memory_space<vmem>>
        %dma_start3A_236 = arith.constant 0 : i32
        %dma_start3A_237 = arith.constant 0 : i32
        %dma_start3A_238 = tpu.memref_slice %arg7[%dma_start3A_236, %dma_start3A_237] : memref<10240x128xf32, #tpu.memory_space<vmem_shared>> -> memref<10240x128xf32, #tpu.memory_space<vmem_shared>>
        tpu.enqueue_indirect_dma source(%dma_start3A_232 : memref<96x128xf32, #tpu.memory_space<vmem>>) target(%dma_start3A_238 : memref<10240x128xf32, #tpu.memory_space<vmem_shared>>) offsets(%dma_start3A_235 : memref<96xi32, #tpu.memory_space<vmem>>) semaphore(%run_scoped3A_228 : memref<!tpu.dma_semaphore, #tpu.memory_space<semaphore_mem>>) {add = true}
        %dma_wait3A_239 = arith.constant 0 : i32
        %dma_wait3A_240 = arith.constant 0 : i32
        %dma_wait3A_241 = tpu.memref_slice %arg10[%run_scoped3A_152, %dma_wait3A_239, %dma_wait3A_240] : memref<3x96x128xf32, #tpu.memory_space<vmem>> -> memref<1x96x128xf32, #tpu.memory_space<vmem>>
        %dma_wait3A_242 = tpu.memref_squeeze %dma_wait3A_241 : memref<1x96x128xf32, #tpu.memory_space<vmem>> -> memref<96x128xf32, #tpu.memory_space<vmem>>
        %dma_wait3A_243 = arith.constant 0 : i32
        %dma_wait3A_244 = tpu.memref_slice %arg9[%rem3A_85, %run_scoped3A_153, %dma_wait3A_243] : memref<2x6x96xi32, #tpu.memory_space<vmem>> -> memref<1x1x96xi32, #tpu.memory_space<vmem>>
        %dma_wait3A_245 = tpu.memref_squeeze %dma_wait3A_244 : memref<1x1x96xi32, #tpu.memory_space<vmem>> -> memref<96xi32, #tpu.memory_space<vmem>>
        %dma_wait3A_246 = arith.constant 0 : i32
        %dma_wait3A_247 = arith.constant 0 : i32
        %dma_wait3A_248 = tpu.memref_slice %arg7[%dma_wait3A_246, %dma_wait3A_247] : memref<10240x128xf32, #tpu.memory_space<vmem_shared>> -> memref<10240x128xf32, #tpu.memory_space<vmem_shared>>
        tpu.wait_indirect_dma semaphore(%run_scoped3A_228 : memref<!tpu.dma_semaphore, #tpu.memory_space<semaphore_mem>>) src(%dma_wait3A_242 : memref<96x128xf32, #tpu.memory_space<vmem>>) dst(%dma_wait3A_248 : memref<10240x128xf32, #tpu.memory_space<vmem_shared>>)
        tpu.yield
      }) : () -> ()
      %dma_start3A_154 = arith.constant 5 : i32
      %dma_start3A_155 = arith.constant 2 : i32
      %dma_start3A_156 = arith.constant 0 : i32
      %dma_start3A_157 = arith.constant 0 : i32
      %dma_start3A_158 = tpu.memref_slice %arg10[%dma_start3A_155, %dma_start3A_156, %dma_start3A_157] : memref<3x96x128xf32, #tpu.memory_space<vmem>> -> memref<1x96x128xf32, #tpu.memory_space<vmem>>
      %dma_start3A_159 = tpu.memref_squeeze %dma_start3A_158 : memref<1x96x128xf32, #tpu.memory_space<vmem>> -> memref<96x128xf32, #tpu.memory_space<vmem>>
      %dma_start3A_160 = arith.constant 0 : i32
      %dma_start3A_161 = tpu.memref_slice %arg8[%rem3A_85, %dma_start3A_154, %dma_start3A_160] : memref<2x6x96xi32, #tpu.memory_space<vmem>> -> memref<1x1x96xi32, #tpu.memory_space<vmem>>
      %dma_start3A_162 = tpu.memref_squeeze %dma_start3A_161 : memref<1x1x96xi32, #tpu.memory_space<vmem>> -> memref<96xi32, #tpu.memory_space<vmem>>
      %dma_start3A_163 = arith.constant 0 : i32
      %dma_start3A_164 = arith.constant 0 : i32
      %dma_start3A_165 = tpu.memref_slice %arg2[%dma_start3A_163, %dma_start3A_164] : memref<10240x128xf32, #tpu.memory_space<hbm>> -> memref<10240x128xf32, #tpu.memory_space<hbm>>
      tpu.enqueue_indirect_dma source(%dma_start3A_165 : memref<10240x128xf32, #tpu.memory_space<hbm>>) target(%dma_start3A_159 : memref<96x128xf32, #tpu.memory_space<vmem>>) offsets(%dma_start3A_162 : memref<96xi32, #tpu.memory_space<vmem>>) semaphore(%arg13 : memref<!tpu.dma_semaphore, #tpu.memory_space<semaphore_mem>>)
      %dma_wait3A_166 = arith.constant 3 : i32
      %dma_wait3A_167 = arith.constant 0 : i32
      %dma_wait3A_168 = arith.constant 0 : i32
      %dma_wait3A_169 = arith.constant 0 : i32
      %dma_wait3A_170 = tpu.memref_slice %arg10[%dma_wait3A_167, %dma_wait3A_168, %dma_wait3A_169] : memref<3x96x128xf32, #tpu.memory_space<vmem>> -> memref<1x96x128xf32, #tpu.memory_space<vmem>>
      %dma_wait3A_171 = tpu.memref_squeeze %dma_wait3A_170 : memref<1x96x128xf32, #tpu.memory_space<vmem>> -> memref<96x128xf32, #tpu.memory_space<vmem>>
      %dma_wait3A_172 = arith.constant 0 : i32
      %dma_wait3A_173 = tpu.memref_slice %arg8[%rem3A_85, %dma_wait3A_166, %dma_wait3A_172] : memref<2x6x96xi32, #tpu.memory_space<vmem>> -> memref<1x1x96xi32, #tpu.memory_space<vmem>>
      %dma_wait3A_174 = tpu.memref_squeeze %dma_wait3A_173 : memref<1x1x96xi32, #tpu.memory_space<vmem>> -> memref<96xi32, #tpu.memory_space<vmem>>
      %dma_wait3A_175 = arith.constant 0 : i32
      %dma_wait3A_176 = arith.constant 0 : i32
      %dma_wait3A_177 = tpu.memref_slice %arg2[%dma_wait3A_175, %dma_wait3A_176] : memref<10240x128xf32, #tpu.memory_space<hbm>> -> memref<10240x128xf32, #tpu.memory_space<hbm>>
      tpu.wait_indirect_dma semaphore(%arg11 : memref<!tpu.dma_semaphore, #tpu.memory_space<semaphore_mem>>) src(%dma_wait3A_177 : memref<10240x128xf32, #tpu.memory_space<hbm>>) dst(%dma_wait3A_171 : memref<96x128xf32, #tpu.memory_space<vmem>>)
      %run_scoped3A_178 = arith.constant 0 : i32
      %run_scoped3A_179 = arith.constant 3 : i32
      "tpu.region"() ({
        %run_scoped3A_228 = tpu.sem_alloc : memref<!tpu.dma_semaphore, #tpu.memory_space<semaphore_mem>>
        %dma_start3A_229 = arith.constant 0 : i32
        %dma_start3A_230 = arith.constant 0 : i32
        %dma_start3A_231 = tpu.memref_slice %arg10[%run_scoped3A_178, %dma_start3A_229, %dma_start3A_230] : memref<3x96x128xf32, #tpu.memory_space<vmem>> -> memref<1x96x128xf32, #tpu.memory_space<vmem>>
        %dma_start3A_232 = tpu.memref_squeeze %dma_start3A_231 : memref<1x96x128xf32, #tpu.memory_space<vmem>> -> memref<96x128xf32, #tpu.memory_space<vmem>>
        %dma_start3A_233 = arith.constant 0 : i32
        %dma_start3A_234 = tpu.memref_slice %arg9[%rem3A_85, %run_scoped3A_179, %dma_start3A_233] : memref<2x6x96xi32, #tpu.memory_space<vmem>> -> memref<1x1x96xi32, #tpu.memory_space<vmem>>
        %dma_start3A_235 = tpu.memref_squeeze %dma_start3A_234 : memref<1x1x96xi32, #tpu.memory_space<vmem>> -> memref<96xi32, #tpu.memory_space<vmem>>
        %dma_start3A_236 = arith.constant 0 : i32
        %dma_start3A_237 = arith.constant 0 : i32
        %dma_start3A_238 = tpu.memref_slice %arg7[%dma_start3A_236, %dma_start3A_237] : memref<10240x128xf32, #tpu.memory_space<vmem_shared>> -> memref<10240x128xf32, #tpu.memory_space<vmem_shared>>
        tpu.enqueue_indirect_dma source(%dma_start3A_232 : memref<96x128xf32, #tpu.memory_space<vmem>>) target(%dma_start3A_238 : memref<10240x128xf32, #tpu.memory_space<vmem_shared>>) offsets(%dma_start3A_235 : memref<96xi32, #tpu.memory_space<vmem>>) semaphore(%run_scoped3A_228 : memref<!tpu.dma_semaphore, #tpu.memory_space<semaphore_mem>>) {add = true}
        %dma_wait3A_239 = arith.constant 0 : i32
        %dma_wait3A_240 = arith.constant 0 : i32
        %dma_wait3A_241 = tpu.memref_slice %arg10[%run_scoped3A_178, %dma_wait3A_239, %dma_wait3A_240] : memref<3x96x128xf32, #tpu.memory_space<vmem>> -> memref<1x96x128xf32, #tpu.memory_space<vmem>>
        %dma_wait3A_242 = tpu.memref_squeeze %dma_wait3A_241 : memref<1x96x128xf32, #tpu.memory_space<vmem>> -> memref<96x128xf32, #tpu.memory_space<vmem>>
        %dma_wait3A_243 = arith.constant 0 : i32
        %dma_wait3A_244 = tpu.memref_slice %arg9[%rem3A_85, %run_scoped3A_179, %dma_wait3A_243] : memref<2x6x96xi32, #tpu.memory_space<vmem>> -> memref<1x1x96xi32, #tpu.memory_space<vmem>>
        %dma_wait3A_245 = tpu.memref_squeeze %dma_wait3A_244 : memref<1x1x96xi32, #tpu.memory_space<vmem>> -> memref<96xi32, #tpu.memory_space<vmem>>
        %dma_wait3A_246 = arith.constant 0 : i32
        %dma_wait3A_247 = arith.constant 0 : i32
        %dma_wait3A_248 = tpu.memref_slice %arg7[%dma_wait3A_246, %dma_wait3A_247] : memref<10240x128xf32, #tpu.memory_space<vmem_shared>> -> memref<10240x128xf32, #tpu.memory_space<vmem_shared>>
        tpu.wait_indirect_dma semaphore(%run_scoped3A_228 : memref<!tpu.dma_semaphore, #tpu.memory_space<semaphore_mem>>) src(%dma_wait3A_242 : memref<96x128xf32, #tpu.memory_space<vmem>>) dst(%dma_wait3A_248 : memref<10240x128xf32, #tpu.memory_space<vmem_shared>>)
        tpu.yield
      }) : () -> ()
      %lt3A_180 = arith.constant 17 : i32
      %lt3A_181 = arith.cmpi slt, %scan3A_84, %lt3A_180 : i32
      %convert_element_type3A_182 = arith.extui %lt3A_181 : i1 to i32
      %cond3A_183 = arith.constant 0 : i32
      %cond3A_184 = arith.cmpi ne, %convert_element_type3A_182, %cond3A_183 : i32
      scf.if %cond3A_184 {
        %dma_start3A_228 = arith.constant 0 : i32
        %dma_start3A_229 = arith.constant 0 : i32
        %dma_start3A_230 = arith.constant 0 : i32
        %dma_start3A_231 = arith.constant 0 : i32
        %dma_start3A_232 = tpu.memref_slice %arg10[%dma_start3A_229, %dma_start3A_230, %dma_start3A_231] : memref<3x96x128xf32, #tpu.memory_space<vmem>> -> memref<1x96x128xf32, #tpu.memory_space<vmem>>
        %dma_start3A_233 = tpu.memref_squeeze %dma_start3A_232 : memref<1x96x128xf32, #tpu.memory_space<vmem>> -> memref<96x128xf32, #tpu.memory_space<vmem>>
        %dma_start3A_234 = arith.constant 0 : i32
        %dma_start3A_235 = tpu.memref_slice %arg8[%sub3A_86, %dma_start3A_228, %dma_start3A_234] : memref<2x6x96xi32, #tpu.memory_space<vmem>> -> memref<1x1x96xi32, #tpu.memory_space<vmem>>
        %dma_start3A_236 = tpu.memref_squeeze %dma_start3A_235 : memref<1x1x96xi32, #tpu.memory_space<vmem>> -> memref<96xi32, #tpu.memory_space<vmem>>
        %dma_start3A_237 = arith.constant 0 : i32
        %dma_start3A_238 = arith.constant 0 : i32
        %dma_start3A_239 = tpu.memref_slice %arg2[%dma_start3A_237, %dma_start3A_238] : memref<10240x128xf32, #tpu.memory_space<hbm>> -> memref<10240x128xf32, #tpu.memory_space<hbm>>
        tpu.enqueue_indirect_dma source(%dma_start3A_239 : memref<10240x128xf32, #tpu.memory_space<hbm>>) target(%dma_start3A_233 : memref<96x128xf32, #tpu.memory_space<vmem>>) offsets(%dma_start3A_236 : memref<96xi32, #tpu.memory_space<vmem>>) semaphore(%arg11 : memref<!tpu.dma_semaphore, #tpu.memory_space<semaphore_mem>>)
      } else {
      }
      %dma_wait3A_185 = arith.constant 4 : i32
      %dma_wait3A_186 = arith.constant 1 : i32
      %dma_wait3A_187 = arith.constant 0 : i32
      %dma_wait3A_188 = arith.constant 0 : i32
      %dma_wait3A_189 = tpu.memref_slice %arg10[%dma_wait3A_186, %dma_wait3A_187, %dma_wait3A_188] : memref<3x96x128xf32, #tpu.memory_space<vmem>> -> memref<1x96x128xf32, #tpu.memory_space<vmem>>
      %dma_wait3A_190 = tpu.memref_squeeze %dma_wait3A_189 : memref<1x96x128xf32, #tpu.memory_space<vmem>> -> memref<96x128xf32, #tpu.memory_space<vmem>>
      %dma_wait3A_191 = arith.constant 0 : i32
      %dma_wait3A_192 = tpu.memref_slice %arg8[%rem3A_85, %dma_wait3A_185, %dma_wait3A_191] : memref<2x6x96xi32, #tpu.memory_space<vmem>> -> memref<1x1x96xi32, #tpu.memory_space<vmem>>
      %dma_wait3A_193 = tpu.memref_squeeze %dma_wait3A_192 : memref<1x1x96xi32, #tpu.memory_space<vmem>> -> memref<96xi32, #tpu.memory_space<vmem>>
      %dma_wait3A_194 = arith.constant 0 : i32
      %dma_wait3A_195 = arith.constant 0 : i32
      %dma_wait3A_196 = tpu.memref_slice %arg2[%dma_wait3A_194, %dma_wait3A_195] : memref<10240x128xf32, #tpu.memory_space<hbm>> -> memref<10240x128xf32, #tpu.memory_space<hbm>>
      tpu.wait_indirect_dma semaphore(%arg12 : memref<!tpu.dma_semaphore, #tpu.memory_space<semaphore_mem>>) src(%dma_wait3A_196 : memref<10240x128xf32, #tpu.memory_space<hbm>>) dst(%dma_wait3A_190 : memref<96x128xf32, #tpu.memory_space<vmem>>)
      %run_scoped3A_197 = arith.constant 1 : i32
      %run_scoped3A_198 = arith.constant 4 : i32
      "tpu.region"() ({
        %run_scoped3A_228 = tpu.sem_alloc : memref<!tpu.dma_semaphore, #tpu.memory_space<semaphore_mem>>
        %dma_start3A_229 = arith.constant 0 : i32
        %dma_start3A_230 = arith.constant 0 : i32
        %dma_start3A_231 = tpu.memref_slice %arg10[%run_scoped3A_197, %dma_start3A_229, %dma_start3A_230] : memref<3x96x128xf32, #tpu.memory_space<vmem>> -> memref<1x96x128xf32, #tpu.memory_space<vmem>>
        %dma_start3A_232 = tpu.memref_squeeze %dma_start3A_231 : memref<1x96x128xf32, #tpu.memory_space<vmem>> -> memref<96x128xf32, #tpu.memory_space<vmem>>
        %dma_start3A_233 = arith.constant 0 : i32
        %dma_start3A_234 = tpu.memref_slice %arg9[%rem3A_85, %run_scoped3A_198, %dma_start3A_233] : memref<2x6x96xi32, #tpu.memory_space<vmem>> -> memref<1x1x96xi32, #tpu.memory_space<vmem>>
        %dma_start3A_235 = tpu.memref_squeeze %dma_start3A_234 : memref<1x1x96xi32, #tpu.memory_space<vmem>> -> memref<96xi32, #tpu.memory_space<vmem>>
        %dma_start3A_236 = arith.constant 0 : i32
        %dma_start3A_237 = arith.constant 0 : i32
        %dma_start3A_238 = tpu.memref_slice %arg7[%dma_start3A_236, %dma_start3A_237] : memref<10240x128xf32, #tpu.memory_space<vmem_shared>> -> memref<10240x128xf32, #tpu.memory_space<vmem_shared>>
        tpu.enqueue_indirect_dma source(%dma_start3A_232 : memref<96x128xf32, #tpu.memory_space<vmem>>) target(%dma_start3A_238 : memref<10240x128xf32, #tpu.memory_space<vmem_shared>>) offsets(%dma_start3A_235 : memref<96xi32, #tpu.memory_space<vmem>>) semaphore(%run_scoped3A_228 : memref<!tpu.dma_semaphore, #tpu.memory_space<semaphore_mem>>) {add = true}
        %dma_wait3A_239 = arith.constant 0 : i32
        %dma_wait3A_240 = arith.constant 0 : i32
        %dma_wait3A_241 = tpu.memref_slice %arg10[%run_scoped3A_197, %dma_wait3A_239, %dma_wait3A_240] : memref<3x96x128xf32, #tpu.memory_space<vmem>> -> memref<1x96x128xf32, #tpu.memory_space<vmem>>
        %dma_wait3A_242 = tpu.memref_squeeze %dma_wait3A_241 : memref<1x96x128xf32, #tpu.memory_space<vmem>> -> memref<96x128xf32, #tpu.memory_space<vmem>>
        %dma_wait3A_243 = arith.constant 0 : i32
        %dma_wait3A_244 = tpu.memref_slice %arg9[%rem3A_85, %run_scoped3A_198, %dma_wait3A_243] : memref<2x6x96xi32, #tpu.memory_space<vmem>> -> memref<1x1x96xi32, #tpu.memory_space<vmem>>
        %dma_wait3A_245 = tpu.memref_squeeze %dma_wait3A_244 : memref<1x1x96xi32, #tpu.memory_space<vmem>> -> memref<96xi32, #tpu.memory_space<vmem>>
        %dma_wait3A_246 = arith.constant 0 : i32
        %dma_wait3A_247 = arith.constant 0 : i32
        %dma_wait3A_248 = tpu.memref_slice %arg7[%dma_wait3A_246, %dma_wait3A_247] : memref<10240x128xf32, #tpu.memory_space<vmem_shared>> -> memref<10240x128xf32, #tpu.memory_space<vmem_shared>>
        tpu.wait_indirect_dma semaphore(%run_scoped3A_228 : memref<!tpu.dma_semaphore, #tpu.memory_space<semaphore_mem>>) src(%dma_wait3A_242 : memref<96x128xf32, #tpu.memory_space<vmem>>) dst(%dma_wait3A_248 : memref<10240x128xf32, #tpu.memory_space<vmem_shared>>)
        tpu.yield
      }) : () -> ()
      %lt3A_199 = arith.constant 17 : i32
      %lt3A_200 = arith.cmpi slt, %scan3A_84, %lt3A_199 : i32
      %convert_element_type3A_201 = arith.extui %lt3A_200 : i1 to i32
      %cond3A_202 = arith.constant 0 : i32
      %cond3A_203 = arith.cmpi ne, %convert_element_type3A_201, %cond3A_202 : i32
      scf.if %cond3A_203 {
        %dma_start3A_228 = arith.constant 1 : i32
        %dma_start3A_229 = arith.constant 1 : i32
        %dma_start3A_230 = arith.constant 0 : i32
        %dma_start3A_231 = arith.constant 0 : i32
        %dma_start3A_232 = tpu.memref_slice %arg10[%dma_start3A_229, %dma_start3A_230, %dma_start3A_231] : memref<3x96x128xf32, #tpu.memory_space<vmem>> -> memref<1x96x128xf32, #tpu.memory_space<vmem>>
        %dma_start3A_233 = tpu.memref_squeeze %dma_start3A_232 : memref<1x96x128xf32, #tpu.memory_space<vmem>> -> memref<96x128xf32, #tpu.memory_space<vmem>>
        %dma_start3A_234 = arith.constant 0 : i32
        %dma_start3A_235 = tpu.memref_slice %arg8[%sub3A_86, %dma_start3A_228, %dma_start3A_234] : memref<2x6x96xi32, #tpu.memory_space<vmem>> -> memref<1x1x96xi32, #tpu.memory_space<vmem>>
        %dma_start3A_236 = tpu.memref_squeeze %dma_start3A_235 : memref<1x1x96xi32, #tpu.memory_space<vmem>> -> memref<96xi32, #tpu.memory_space<vmem>>
        %dma_start3A_237 = arith.constant 0 : i32
        %dma_start3A_238 = arith.constant 0 : i32
        %dma_start3A_239 = tpu.memref_slice %arg2[%dma_start3A_237, %dma_start3A_238] : memref<10240x128xf32, #tpu.memory_space<hbm>> -> memref<10240x128xf32, #tpu.memory_space<hbm>>
        tpu.enqueue_indirect_dma source(%dma_start3A_239 : memref<10240x128xf32, #tpu.memory_space<hbm>>) target(%dma_start3A_233 : memref<96x128xf32, #tpu.memory_space<vmem>>) offsets(%dma_start3A_236 : memref<96xi32, #tpu.memory_space<vmem>>) semaphore(%arg12 : memref<!tpu.dma_semaphore, #tpu.memory_space<semaphore_mem>>)
      } else {
      }
      %dma_wait3A_204 = arith.constant 5 : i32
      %dma_wait3A_205 = arith.constant 2 : i32
      %dma_wait3A_206 = arith.constant 0 : i32
      %dma_wait3A_207 = arith.constant 0 : i32
      %dma_wait3A_208 = tpu.memref_slice %arg10[%dma_wait3A_205, %dma_wait3A_206, %dma_wait3A_207] : memref<3x96x128xf32, #tpu.memory_space<vmem>> -> memref<1x96x128xf32, #tpu.memory_space<vmem>>
      %dma_wait3A_209 = tpu.memref_squeeze %dma_wait3A_208 : memref<1x96x128xf32, #tpu.memory_space<vmem>> -> memref<96x128xf32, #tpu.memory_space<vmem>>
      %dma_wait3A_210 = arith.constant 0 : i32
      %dma_wait3A_211 = tpu.memref_slice %arg8[%rem3A_85, %dma_wait3A_204, %dma_wait3A_210] : memref<2x6x96xi32, #tpu.memory_space<vmem>> -> memref<1x1x96xi32, #tpu.memory_space<vmem>>
      %dma_wait3A_212 = tpu.memref_squeeze %dma_wait3A_211 : memref<1x1x96xi32, #tpu.memory_space<vmem>> -> memref<96xi32, #tpu.memory_space<vmem>>
      %dma_wait3A_213 = arith.constant 0 : i32
      %dma_wait3A_214 = arith.constant 0 : i32
      %dma_wait3A_215 = tpu.memref_slice %arg2[%dma_wait3A_213, %dma_wait3A_214] : memref<10240x128xf32, #tpu.memory_space<hbm>> -> memref<10240x128xf32, #tpu.memory_space<hbm>>
      tpu.wait_indirect_dma semaphore(%arg13 : memref<!tpu.dma_semaphore, #tpu.memory_space<semaphore_mem>>) src(%dma_wait3A_215 : memref<10240x128xf32, #tpu.memory_space<hbm>>) dst(%dma_wait3A_209 : memref<96x128xf32, #tpu.memory_space<vmem>>)
      %run_scoped3A_216 = arith.constant 2 : i32
      %run_scoped3A_217 = arith.constant 5 : i32
      "tpu.region"() ({
        %run_scoped3A_228 = tpu.sem_alloc : memref<!tpu.dma_semaphore, #tpu.memory_space<semaphore_mem>>
        %dma_start3A_229 = arith.constant 0 : i32
        %dma_start3A_230 = arith.constant 0 : i32
        %dma_start3A_231 = tpu.memref_slice %arg10[%run_scoped3A_216, %dma_start3A_229, %dma_start3A_230] : memref<3x96x128xf32, #tpu.memory_space<vmem>> -> memref<1x96x128xf32, #tpu.memory_space<vmem>>
        %dma_start3A_232 = tpu.memref_squeeze %dma_start3A_231 : memref<1x96x128xf32, #tpu.memory_space<vmem>> -> memref<96x128xf32, #tpu.memory_space<vmem>>
        %dma_start3A_233 = arith.constant 0 : i32
        %dma_start3A_234 = tpu.memref_slice %arg9[%rem3A_85, %run_scoped3A_217, %dma_start3A_233] : memref<2x6x96xi32, #tpu.memory_space<vmem>> -> memref<1x1x96xi32, #tpu.memory_space<vmem>>
        %dma_start3A_235 = tpu.memref_squeeze %dma_start3A_234 : memref<1x1x96xi32, #tpu.memory_space<vmem>> -> memref<96xi32, #tpu.memory_space<vmem>>
        %dma_start3A_236 = arith.constant 0 : i32
        %dma_start3A_237 = arith.constant 0 : i32
        %dma_start3A_238 = tpu.memref_slice %arg7[%dma_start3A_236, %dma_start3A_237] : memref<10240x128xf32, #tpu.memory_space<vmem_shared>> -> memref<10240x128xf32, #tpu.memory_space<vmem_shared>>
        tpu.enqueue_indirect_dma source(%dma_start3A_232 : memref<96x128xf32, #tpu.memory_space<vmem>>) target(%dma_start3A_238 : memref<10240x128xf32, #tpu.memory_space<vmem_shared>>) offsets(%dma_start3A_235 : memref<96xi32, #tpu.memory_space<vmem>>) semaphore(%run_scoped3A_228 : memref<!tpu.dma_semaphore, #tpu.memory_space<semaphore_mem>>) {add = true}
        %dma_wait3A_239 = arith.constant 0 : i32
        %dma_wait3A_240 = arith.constant 0 : i32
        %dma_wait3A_241 = tpu.memref_slice %arg10[%run_scoped3A_216, %dma_wait3A_239, %dma_wait3A_240] : memref<3x96x128xf32, #tpu.memory_space<vmem>> -> memref<1x96x128xf32, #tpu.memory_space<vmem>>
        %dma_wait3A_242 = tpu.memref_squeeze %dma_wait3A_241 : memref<1x96x128xf32, #tpu.memory_space<vmem>> -> memref<96x128xf32, #tpu.memory_space<vmem>>
        %dma_wait3A_243 = arith.constant 0 : i32
        %dma_wait3A_244 = tpu.memref_slice %arg9[%rem3A_85, %run_scoped3A_217, %dma_wait3A_243] : memref<2x6x96xi32, #tpu.memory_space<vmem>> -> memref<1x1x96xi32, #tpu.memory_space<vmem>>
        %dma_wait3A_245 = tpu.memref_squeeze %dma_wait3A_244 : memref<1x1x96xi32, #tpu.memory_space<vmem>> -> memref<96xi32, #tpu.memory_space<vmem>>
        %dma_wait3A_246 = arith.constant 0 : i32
        %dma_wait3A_247 = arith.constant 0 : i32
        %dma_wait3A_248 = tpu.memref_slice %arg7[%dma_wait3A_246, %dma_wait3A_247] : memref<10240x128xf32, #tpu.memory_space<vmem_shared>> -> memref<10240x128xf32, #tpu.memory_space<vmem_shared>>
        tpu.wait_indirect_dma semaphore(%run_scoped3A_228 : memref<!tpu.dma_semaphore, #tpu.memory_space<semaphore_mem>>) src(%dma_wait3A_242 : memref<96x128xf32, #tpu.memory_space<vmem>>) dst(%dma_wait3A_248 : memref<10240x128xf32, #tpu.memory_space<vmem_shared>>)
        tpu.yield
      }) : () -> ()
      %lt3A_218 = arith.constant 17 : i32
      %lt3A_219 = arith.cmpi slt, %scan3A_84, %lt3A_218 : i32
      %convert_element_type3A_220 = arith.extui %lt3A_219 : i1 to i32
      %cond3A_221 = arith.constant 0 : i32
      %cond3A_222 = arith.cmpi ne, %convert_element_type3A_220, %cond3A_221 : i32
      scf.if %cond3A_222 {
        %dma_start3A_228 = arith.constant 2 : i32
        %dma_start3A_229 = arith.constant 2 : i32
        %dma_start3A_230 = arith.constant 0 : i32
        %dma_start3A_231 = arith.constant 0 : i32
        %dma_start3A_232 = tpu.memref_slice %arg10[%dma_start3A_229, %dma_start3A_230, %dma_start3A_231] : memref<3x96x128xf32, #tpu.memory_space<vmem>> -> memref<1x96x128xf32, #tpu.memory_space<vmem>>
        %dma_start3A_233 = tpu.memref_squeeze %dma_start3A_232 : memref<1x96x128xf32, #tpu.memory_space<vmem>> -> memref<96x128xf32, #tpu.memory_space<vmem>>
        %dma_start3A_234 = arith.constant 0 : i32
        %dma_start3A_235 = tpu.memref_slice %arg8[%sub3A_86, %dma_start3A_228, %dma_start3A_234] : memref<2x6x96xi32, #tpu.memory_space<vmem>> -> memref<1x1x96xi32, #tpu.memory_space<vmem>>
        %dma_start3A_236 = tpu.memref_squeeze %dma_start3A_235 : memref<1x1x96xi32, #tpu.memory_space<vmem>> -> memref<96xi32, #tpu.memory_space<vmem>>
        %dma_start3A_237 = arith.constant 0 : i32
        %dma_start3A_238 = arith.constant 0 : i32
        %dma_start3A_239 = tpu.memref_slice %arg2[%dma_start3A_237, %dma_start3A_238] : memref<10240x128xf32, #tpu.memory_space<hbm>> -> memref<10240x128xf32, #tpu.memory_space<hbm>>
        tpu.enqueue_indirect_dma source(%dma_start3A_239 : memref<10240x128xf32, #tpu.memory_space<hbm>>) target(%dma_start3A_233 : memref<96x128xf32, #tpu.memory_space<vmem>>) offsets(%dma_start3A_236 : memref<96xi32, #tpu.memory_space<vmem>>) semaphore(%arg13 : memref<!tpu.dma_semaphore, #tpu.memory_space<semaphore_mem>>)
      } else {
      }
      %lt3A_223 = arith.constant 16 : i32
      %lt3A_224 = arith.cmpi slt, %scan3A_84, %lt3A_223 : i32
      %convert_element_type3A_225 = arith.extui %lt3A_224 : i1 to i32
      %cond3A_226 = arith.constant 0 : i32
      %cond3A_227 = arith.cmpi ne, %convert_element_type3A_225, %cond3A_226 : i32
      scf.if %cond3A_227 {
        %add3A = arith.constant 2 : i32
        %add3A_228 = arith.addi %scan3A_84, %add3A : i32
        %dma_start3A_229 = arith.constant 0 : i32
        %dma_start3A_230 = arith.constant 0 : i32
        %dma_start3A_231 = tpu.memref_slice %arg8[%rem3A_85, %dma_start3A_229, %dma_start3A_230] : memref<2x6x96xi32, #tpu.memory_space<vmem>> -> memref<1x6x96xi32, #tpu.memory_space<vmem>>
        %dma_start3A_232 = tpu.memref_squeeze %dma_start3A_231 : memref<1x6x96xi32, #tpu.memory_space<vmem>> -> memref<6x96xi32, #tpu.memory_space<vmem>>
        %dma_start3A_233 = arith.constant 0 : i32
        %dma_start3A_234 = arith.constant 0 : i32
        %dma_start3A_235 = tpu.memref_slice %arg3[%arg0, %arg1, %add3A_228, %dma_start3A_233, %dma_start3A_234] : memref<2x16x18x6x96xi32, #tpu.memory_space<hbm>> -> memref<1x1x1x6x96xi32, #tpu.memory_space<hbm>>
        %dma_start3A_236 = tpu.memref_squeeze %dma_start3A_235 : memref<1x1x1x6x96xi32, #tpu.memory_space<hbm>> -> memref<6x96xi32, #tpu.memory_space<hbm>>
        %dma_start3A_237 = arith.constant 0 : i32
        %dma_start3A_238 = arith.constant 0 : i32
        %dma_start3A_239 = tpu.memref_slice %arg8[%rem3A_85, %dma_start3A_237, %dma_start3A_238] : memref<2x6x96xi32, #tpu.memory_space<vmem>> -> memref<1x6x96xi32, #tpu.memory_space<vmem>>
        %dma_start3A_240 = tpu.memref_squeeze %dma_start3A_239 : memref<1x6x96xi32, #tpu.memory_space<vmem>> -> memref<6x96xi32, #tpu.memory_space<vmem>>
        %dma_start3A_241 = arith.constant 0 : i32
        %dma_start3A_242 = arith.constant 0 : i32
        %dma_start3A_243 = tpu.memref_slice %arg3[%arg0, %arg1, %add3A_228, %dma_start3A_241, %dma_start3A_242] : memref<2x16x18x6x96xi32, #tpu.memory_space<hbm>> -> memref<1x1x1x6x96xi32, #tpu.memory_space<hbm>>
        %dma_start3A_244 = tpu.memref_squeeze %dma_start3A_243 : memref<1x1x1x6x96xi32, #tpu.memory_space<hbm>> -> memref<6x96xi32, #tpu.memory_space<hbm>>
        tpu.enqueue_dma source(%dma_start3A_244 : memref<6x96xi32, #tpu.memory_space<hbm>>) target(%dma_start3A_240 : memref<6x96xi32, #tpu.memory_space<vmem>>) target_semaphore(%arg14 : memref<!tpu.dma_semaphore, #tpu.memory_space<semaphore_mem>>)
        %add3A_245 = arith.constant 2 : i32
        %add3A_246 = arith.addi %scan3A_84, %add3A_245 : i32
        %dma_start3A_247 = arith.constant 0 : i32
        %dma_start3A_248 = arith.constant 0 : i32
        %dma_start3A_249 = tpu.memref_slice %arg9[%rem3A_85, %dma_start3A_247, %dma_start3A_248] : memref<2x6x96xi32, #tpu.memory_space<vmem>> -> memref<1x6x96xi32, #tpu.memory_space<vmem>>
        %dma_start3A_250 = tpu.memref_squeeze %dma_start3A_249 : memref<1x6x96xi32, #tpu.memory_space<vmem>> -> memref<6x96xi32, #tpu.memory_space<vmem>>
        %dma_start3A_251 = arith.constant 0 : i32
        %dma_start3A_252 = arith.constant 0 : i32
        %dma_start3A_253 = tpu.memref_slice %arg4[%arg0, %arg1, %add3A_246, %dma_start3A_251, %dma_start3A_252] : memref<2x16x18x6x96xi32, #tpu.memory_space<hbm>> -> memref<1x1x1x6x96xi32, #tpu.memory_space<hbm>>
        %dma_start3A_254 = tpu.memref_squeeze %dma_start3A_253 : memref<1x1x1x6x96xi32, #tpu.memory_space<hbm>> -> memref<6x96xi32, #tpu.memory_space<hbm>>
        %dma_start3A_255 = arith.constant 0 : i32
        %dma_start3A_256 = arith.constant 0 : i32
        %dma_start3A_257 = tpu.memref_slice %arg9[%rem3A_85, %dma_start3A_255, %dma_start3A_256] : memref<2x6x96xi32, #tpu.memory_space<vmem>> -> memref<1x6x96xi32, #tpu.memory_space<vmem>>
        %dma_start3A_258 = tpu.memref_squeeze %dma_start3A_257 : memref<1x6x96xi32, #tpu.memory_space<vmem>> -> memref<6x96xi32, #tpu.memory_space<vmem>>
        %dma_start3A_259 = arith.constant 0 : i32
        %dma_start3A_260 = arith.constant 0 : i32
        %dma_start3A_261 = tpu.memref_slice %arg4[%arg0, %arg1, %add3A_246, %dma_start3A_259, %dma_start3A_260] : memref<2x16x18x6x96xi32, #tpu.memory_space<hbm>> -> memref<1x1x1x6x96xi32, #tpu.memory_space<hbm>>
        %dma_start3A_262 = tpu.memref_squeeze %dma_start3A_261 : memref<1x1x1x6x96xi32, #tpu.memory_space<hbm>> -> memref<6x96xi32, #tpu.memory_space<hbm>>
        tpu.enqueue_dma source(%dma_start3A_262 : memref<6x96xi32, #tpu.memory_space<hbm>>) target(%dma_start3A_258 : memref<6x96xi32, #tpu.memory_space<vmem>>) target_semaphore(%arg14 : memref<!tpu.dma_semaphore, #tpu.memory_space<semaphore_mem>>)
      } else {
      }
    }
    %scan3A_82 = arith.constant 18 : i32
    %barrier3A_83 = arith.constant 0 : index
    tpu.barrier barrier_id(%barrier3A_83)
    "tpu.region"() ({
      %run_scoped3A_84 = tpu.sem_alloc : memref<!tpu.dma_semaphore, #tpu.memory_space<semaphore_mem>>
      %dma_start3A_85 = arith.constant 0 : i32
      %dma_start3A_86 = tpu.memref_slice %arg6[%arg0, %mul3A_0, %dma_start3A_85] : memref<2x10240x128xf32, #tpu.memory_space<hbm>> -> memref<1x640x128xf32, #tpu.memory_space<hbm>>
      %dma_start3A_87 = tpu.memref_squeeze %dma_start3A_86 : memref<1x640x128xf32, #tpu.memory_space<hbm>> -> memref<640x128xf32, #tpu.memory_space<hbm>>
      %dma_start3A_88 = arith.constant 0 : i32
      %dma_start3A_89 = tpu.memref_slice %arg7[%mul3A_0, %dma_start3A_88] : memref<10240x128xf32, #tpu.memory_space<vmem_shared>> -> memref<640x128xf32, #tpu.memory_space<vmem_shared>>
      tpu.enqueue_dma source(%dma_start3A_89 : memref<640x128xf32, #tpu.memory_space<vmem_shared>>) target(%dma_start3A_87 : memref<640x128xf32, #tpu.memory_space<hbm>>) target_semaphore(%run_scoped3A_84 : memref<!tpu.dma_semaphore, #tpu.memory_space<semaphore_mem>>)
      %dma_wait3A = arith.constant 0 : i32
      %dma_wait3A_90 = tpu.memref_slice %arg6[%arg0, %mul3A_0, %dma_wait3A] : memref<2x10240x128xf32, #tpu.memory_space<hbm>> -> memref<1x640x128xf32, #tpu.memory_space<hbm>>
      %dma_wait3A_91 = tpu.memref_squeeze %dma_wait3A_90 : memref<1x640x128xf32, #tpu.memory_space<hbm>> -> memref<640x128xf32, #tpu.memory_space<hbm>>
      %dma_wait3A_92 = arith.constant 0 : i32
      %dma_wait3A_93 = tpu.memref_slice %arg7[%mul3A_0, %dma_wait3A_92] : memref<10240x128xf32, #tpu.memory_space<vmem_shared>> -> memref<640x128xf32, #tpu.memory_space<vmem_shared>>
      tpu.wait_dma2 semaphore(%run_scoped3A_84 : memref<!tpu.dma_semaphore, #tpu.memory_space<semaphore_mem>>) src(%dma_wait3A_93 : memref<640x128xf32, #tpu.memory_space<vmem_shared>>) dst(%dma_wait3A_91 : memref<640x128xf32, #tpu.memory_space<hbm>>)
      tpu.yield
    }) : () -> ()
    return
  }
}

module attributes {stable_mosaic.version = 14 : i64} {
  func.func @_tc0_body(%arg0: i32, %arg1: memref<2x1024x16xf32, #tpu.memory_space<vmem>>, %arg2: memref<1024x128xf32, #tpu.memory_space<vmem>>, %arg3: memref<1024x1xf32, #tpu.memory_space<vmem>>, %arg4: memref<1024x128xf32, #tpu.memory_space<vmem>>) attributes {dimension_semantics = [#tpu.dimension_semantics<arbitrary>], iteration_bounds = array<i64: 10>, scalar_prefetch = 0 : i64, scratch_operands = 0 : i64, tpu.core_type = #tpu.core_type<tc>, window_params = [{transform_indices = @transform_0, window_bounds = array<i64: 2, 1024, 16>}, {transform_indices = @transform_1, window_bounds = array<i64: 1024, 128>}, {transform_indices = @transform_2, window_bounds = array<i64: 1024, 1>}, {transform_indices = @transform_3, window_bounds = array<i64: 1024, 128>}]} {
    %get3A = arith.constant 0 : index
    %get3A_0 = arith.constant 0 : index
    %get3A_1 = arith.constant 0 : index
    %get3A_2 = vector.load %arg1[%get3A, %get3A_0, %get3A_1] : memref<2x1024x16xf32, #tpu.memory_space<vmem>>, vector<1x1024x1xf32>
    %get3A_3 = vector.shape_cast %get3A_2 : vector<1x1024x1xf32> to vector<1024x1xf32>
    %get3A_4 = arith.constant 1 : index
    %get3A_5 = arith.constant 0 : index
    %get3A_6 = arith.constant 0 : index
    %get3A_7 = vector.load %arg1[%get3A_4, %get3A_5, %get3A_6] : memref<2x1024x16xf32, #tpu.memory_space<vmem>>, vector<1x1024x1xf32>
    %get3A_8 = vector.shape_cast %get3A_7 : vector<1x1024x1xf32> to vector<1024x1xf32>
    %add3A = arith.addf %get3A_3, %get3A_8 : vector<1024x1xf32>
    %add3A_9 = arith.constant 1.000000e+00 : f32
    %add3A_10 = vector.broadcast %add3A_9 : f32 to vector<1024x1xf32>
    %add3A_11 = arith.addf %add3A, %add3A_10 : vector<1024x1xf32>
    %rsqrt3A = math.rsqrt %add3A_11 : vector<1024x1xf32>
    %swap3A = arith.constant 0 : index
    %swap3A_12 = arith.constant 0 : index
    %swap3A_13 = vector.load %arg3[%swap3A, %swap3A_12] : memref<1024x1xf32, #tpu.memory_space<vmem>>, vector<1024x1xf32>
    tpu.vector_store %arg3[%swap3A, %swap3A_12], %rsqrt3A {strides = array<i32>} : memref<1024x1xf32, #tpu.memory_space<vmem>>, vector<1024x1xf32>,
    %iota3A = tpu.iota {dimensions = array<i32: 0>} : vector<1024x1xi32>
    %mul3A = arith.constant 1024 : i32
    %mul3A_14 = arith.muli %arg0, %mul3A : i32
    %add3A_15 = vector.broadcast %mul3A_14 : i32 to vector<1024x1xi32>
    %add3A_16 = arith.addi %iota3A, %add3A_15 : vector<1024x1xi32>
    %lt3A = arith.constant 10000 : i32
    %lt3A_17 = vector.broadcast %lt3A : i32 to vector<1024x1xi32>
    %lt3A_18 = arith.cmpi slt, %add3A_16, %lt3A_17 : vector<1024x1xi32>
    %get3A_19 = arith.constant 0 : index
    %get3A_20 = arith.constant 0 : index
    %get3A_21 = vector.load %arg2[%get3A_19, %get3A_20] : memref<1024x128xf32, #tpu.memory_space<vmem>>, vector<1024x128xf32>
    %mul3A_22 = vector.broadcast %rsqrt3A : vector<1024x1xf32> to vector<1024x128xf32>
    %mul3A_23 = arith.mulf %get3A_21, %mul3A_22 : vector<1024x128xf32>
    %jit3A = arith.constant 0.000000e+00 : f32
    %broadcast_in_dim3A = vector.shape_cast %lt3A_18 : vector<1024x1xi1> to vector<1024x1xi1>
    %broadcast_in_dim3A_24 = vector.broadcast %broadcast_in_dim3A : vector<1024x1xi1> to vector<1024x128xi1>
    %broadcast_in_dim3A_25 = vector.broadcast %jit3A : f32 to vector<1024x128xf32>
    %select_n3A = arith.select %broadcast_in_dim3A_24, %mul3A_23, %broadcast_in_dim3A_25 : vector<1024x128xi1>, vector<1024x128xf32>
    %swap3A_26 = arith.constant 0 : index
    %swap3A_27 = arith.constant 0 : index
    %swap3A_28 = vector.load %arg4[%swap3A_26, %swap3A_27] : memref<1024x128xf32, #tpu.memory_space<vmem>>, vector<1024x128xf32>
    tpu.vector_store %arg4[%swap3A_26, %swap3A_27], %select_n3A {strides = array<i32>} : memref<1024x128xf32, #tpu.memory_space<vmem>>, vector<1024x128xf32>,
    return
  }
  func.func @transform_0(%arg0: i32) -> (i32, i32, i32) {
    %c0_i32 = arith.constant 0 : i32
    %c0_i32_0 = arith.constant 0 : i32
    %c0_i32_1 = arith.constant 0 : i32
    return %c0_i32, %arg0, %c0_i32_0 : i32, i32, i32
  }
  func.func @transform_1(%arg0: i32) -> (i32, i32) {
    %c0_i32 = arith.constant 0 : i32
    %c0_i32_0 = arith.constant 0 : i32
    return %arg0, %c0_i32 : i32, i32
  }
  func.func @transform_2(%arg0: i32) -> (i32, i32) {
    %c0_i32 = arith.constant 0 : i32
    %c0_i32_0 = arith.constant 0 : i32
    return %arg0, %c0_i32 : i32, i32
  }
  func.func @transform_3(%arg0: i32) -> (i32, i32) {
    %c0_i32 = arith.constant 0 : i32
    %c0_i32_0 = arith.constant 0 : i32
    return %arg0, %c0_i32 : i32, i32
  }
}

module attributes {stable_mosaic.version = 14 : i64} {
  func.func @_layer_body(%arg0: i32, %arg1: memref<2x1024x128xf32, #tpu.memory_space<vmem>>, %arg2: memref<1024x128xf32, #tpu.memory_space<vmem>>, %arg3: memref<1024x128xf32, #tpu.memory_space<vmem>>, %arg4: memref<1024x1xf32, #tpu.memory_space<vmem>>, %arg5: memref<128x128xf32, #tpu.memory_space<vmem>>, %arg6: memref<1x128xf32, #tpu.memory_space<vmem>>, %arg7: memref<1x128xf32, #tpu.memory_space<vmem>>, %arg8: memref<1x128xf32, #tpu.memory_space<vmem>>, %arg9: memref<1024x128xf32, #tpu.memory_space<vmem>>, %arg10: memref<1024x128xf32, #tpu.memory_space<vmem>>) attributes {dimension_semantics = [#tpu.dimension_semantics<arbitrary>], iteration_bounds = array<i64: 10>, scalar_prefetch = 0 : i64, scratch_operands = 0 : i64, tpu.core_type = #tpu.core_type<tc>, window_params = [{transform_indices = @transform_0, window_bounds = array<i64: 2, 1024, 128>}, {transform_indices = @transform_1, window_bounds = array<i64: 1024, 128>}, {transform_indices = @transform_2, window_bounds = array<i64: 1024, 128>}, {transform_indices = @transform_3, window_bounds = array<i64: 1024, 1>}, {pipeline_mode = #tpu.pipeline_mode<synchronous>, transform_indices = @transform_4, window_bounds = array<i64: 128, 128>}, {pipeline_mode = #tpu.pipeline_mode<synchronous>, transform_indices = @transform_5, window_bounds = array<i64: 1, 128>}, {pipeline_mode = #tpu.pipeline_mode<synchronous>, transform_indices = @transform_6, window_bounds = array<i64: 1, 128>}, {pipeline_mode = #tpu.pipeline_mode<synchronous>, transform_indices = @transform_7, window_bounds = array<i64: 1, 128>}, {transform_indices = @transform_8, window_bounds = array<i64: 1024, 128>}, {transform_indices = @transform_9, window_bounds = array<i64: 1024, 128>}]} {
    %get3A = arith.constant 0 : index
    %get3A_0 = arith.constant 0 : index
    %get3A_1 = vector.load %arg4[%get3A, %get3A_0] : memref<1024x1xf32, #tpu.memory_space<vmem>>, vector<1024x1xf32>
    %get3A_2 = arith.constant 0 : index
    %get3A_3 = arith.constant 0 : index
    %get3A_4 = arith.constant 0 : index
    %get3A_5 = vector.load %arg1[%get3A_2, %get3A_3, %get3A_4] : memref<2x1024x128xf32, #tpu.memory_space<vmem>>, vector<1x1024x128xf32>
    %get3A_6 = vector.shape_cast %get3A_5 : vector<1x1024x128xf32> to vector<1024x128xf32>
    %get3A_7 = arith.constant 1 : index
    %get3A_8 = arith.constant 0 : index
    %get3A_9 = arith.constant 0 : index
    %get3A_10 = vector.load %arg1[%get3A_7, %get3A_8, %get3A_9] : memref<2x1024x128xf32, #tpu.memory_space<vmem>>, vector<1x1024x128xf32>
    %get3A_11 = vector.shape_cast %get3A_10 : vector<1x1024x128xf32> to vector<1024x128xf32>
    %add3A = arith.addf %get3A_6, %get3A_11 : vector<1024x128xf32>
    %get3A_12 = arith.constant 0 : index
    %get3A_13 = arith.constant 0 : index
    %get3A_14 = vector.load %arg2[%get3A_12, %get3A_13] : memref<1024x128xf32, #tpu.memory_space<vmem>>, vector<1024x128xf32>
    %add3A_15 = arith.addf %add3A, %get3A_14 : vector<1024x128xf32>
    %mul3A = vector.broadcast %get3A_1 : vector<1024x1xf32> to vector<1024x128xf32>
    %mul3A_16 = arith.mulf %add3A_15, %mul3A : vector<1024x128xf32>
    %get3A_17 = arith.constant 0 : index
    %get3A_18 = arith.constant 0 : index
    %get3A_19 = vector.load %arg5[%get3A_17, %get3A_18] : memref<128x128xf32, #tpu.memory_space<vmem>>, vector<128x128xf32>
    %dot_general3A = arith.constant dense<0.000000e+00> : vector<1024x128xf32>
    %dot_general3A_20 = tpu.matmul %mul3A_16, %get3A_19, %dot_general3A {dimension_numbers = #tpu.dot_dimension_numbers<[1], [0], [0], [1], [0, 0, 1, 1], [], []>, transpose_lhs_hint = false} : vector<1024x128xf32>, vector<128x128xf32>, vector<1024x128xf32> -> vector<1024x128xf32>
    %get3A_21 = arith.constant 0 : index
    %get3A_22 = arith.constant 0 : index
    %get3A_23 = vector.load %arg6[%get3A_21, %get3A_22] : memref<1x128xf32, #tpu.memory_space<vmem>>, vector<1x128xf32>
    %add3A_24 = vector.broadcast %get3A_23 : vector<1x128xf32> to vector<1024x128xf32>
    %add3A_25 = arith.addf %dot_general3A_20, %add3A_24 : vector<1024x128xf32>
    %max3A = arith.constant 0.000000e+00 : f32
    %max3A_26 = vector.broadcast %max3A : f32 to vector<1024x128xf32>
    %max3A_27 = arith.maximumf %add3A_25, %max3A_26 : vector<1024x128xf32>
    %reduce_sum3A = arith.constant dense<0.000000e+00> : vector<1024xf32>
    %reduce_sum3A_28 = vector.multi_reduction <add>, %max3A_27, %reduce_sum3A [1] : vector<1024x128xf32> to vector<1024xf32>
    %broadcast_in_dim3A = vector.shape_cast %reduce_sum3A_28 : vector<1024xf32> to vector<1024x1xf32>
    %div3A = arith.constant 1.280000e+02 : f32
    %div3A_29 = vector.broadcast %div3A : f32 to vector<1024x1xf32>
    %div3A_30 = arith.divf %broadcast_in_dim3A, %div3A_29 : vector<1024x1xf32>
    %sub3A = vector.broadcast %div3A_30 : vector<1024x1xf32> to vector<1024x128xf32>
    %sub3A_31 = arith.subf %max3A_27, %sub3A : vector<1024x128xf32>
    %integer_pow3A = arith.mulf %sub3A_31, %sub3A_31 : vector<1024x128xf32>
    %reduce_sum3A_32 = arith.constant dense<0.000000e+00> : vector<1024xf32>
    %reduce_sum3A_33 = vector.multi_reduction <add>, %integer_pow3A, %reduce_sum3A_32 [1] : vector<1024x128xf32> to vector<1024xf32>
    %broadcast_in_dim3A_34 = vector.shape_cast %reduce_sum3A_33 : vector<1024xf32> to vector<1024x1xf32>
    %div3A_35 = arith.constant 1.280000e+02 : f32
    %div3A_36 = vector.broadcast %div3A_35 : f32 to vector<1024x1xf32>
    %div3A_37 = arith.divf %broadcast_in_dim3A_34, %div3A_36 : vector<1024x1xf32>
    %sub3A_38 = vector.broadcast %div3A_30 : vector<1024x1xf32> to vector<1024x128xf32>
    %sub3A_39 = arith.subf %max3A_27, %sub3A_38 : vector<1024x128xf32>
    %add3A_40 = arith.constant 9.99999974E-6 : f32
    %add3A_41 = vector.broadcast %add3A_40 : f32 to vector<1024x1xf32>
    %add3A_42 = arith.addf %div3A_37, %add3A_41 : vector<1024x1xf32>
    %rsqrt3A = math.rsqrt %add3A_42 : vector<1024x1xf32>
    %mul3A_43 = vector.broadcast %rsqrt3A : vector<1024x1xf32> to vector<1024x128xf32>
    %mul3A_44 = arith.mulf %sub3A_39, %mul3A_43 : vector<1024x128xf32>
    %get3A_45 = arith.constant 0 : index
    %get3A_46 = arith.constant 0 : index
    %get3A_47 = vector.load %arg7[%get3A_45, %get3A_46] : memref<1x128xf32, #tpu.memory_space<vmem>>, vector<1x128xf32>
    %mul3A_48 = vector.broadcast %get3A_47 : vector<1x128xf32> to vector<1024x128xf32>
    %mul3A_49 = arith.mulf %mul3A_44, %mul3A_48 : vector<1024x128xf32>
    %get3A_50 = arith.constant 0 : index
    %get3A_51 = arith.constant 0 : index
    %get3A_52 = vector.load %arg8[%get3A_50, %get3A_51] : memref<1x128xf32, #tpu.memory_space<vmem>>, vector<1x128xf32>
    %add3A_53 = vector.broadcast %get3A_52 : vector<1x128xf32> to vector<1024x128xf32>
    %add3A_54 = arith.addf %mul3A_49, %add3A_53 : vector<1024x128xf32>
    %get3A_55 = arith.constant 0 : index
    %get3A_56 = arith.constant 0 : index
    %get3A_57 = vector.load %arg3[%get3A_55, %get3A_56] : memref<1024x128xf32, #tpu.memory_space<vmem>>, vector<1024x128xf32>
    %add3A_58 = arith.addf %add3A_54, %get3A_57 : vector<1024x128xf32>
    %swap3A = arith.constant 0 : index
    %swap3A_59 = arith.constant 0 : index
    %swap3A_60 = vector.load %arg9[%swap3A, %swap3A_59] : memref<1024x128xf32, #tpu.memory_space<vmem>>, vector<1024x128xf32>
    tpu.vector_store %arg9[%swap3A, %swap3A_59], %add3A_58 {strides = array<i32>} : memref<1024x128xf32, #tpu.memory_space<vmem>>, vector<1024x128xf32>,
    %iota3A = tpu.iota {dimensions = array<i32: 0>} : vector<1024x1xi32>
    %mul3A_61 = arith.constant 1024 : i32
    %mul3A_62 = arith.muli %arg0, %mul3A_61 : i32
    %add3A_63 = vector.broadcast %mul3A_62 : i32 to vector<1024x1xi32>
    %add3A_64 = arith.addi %iota3A, %add3A_63 : vector<1024x1xi32>
    %lt3A = arith.constant 10000 : i32
    %lt3A_65 = vector.broadcast %lt3A : i32 to vector<1024x1xi32>
    %lt3A_66 = arith.cmpi slt, %add3A_64, %lt3A_65 : vector<1024x1xi32>
    %mul3A_67 = vector.broadcast %get3A_1 : vector<1024x1xf32> to vector<1024x128xf32>
    %mul3A_68 = arith.mulf %add3A_58, %mul3A_67 : vector<1024x128xf32>
    %jit3A = arith.constant 0.000000e+00 : f32
    %broadcast_in_dim3A_69 = vector.shape_cast %lt3A_66 : vector<1024x1xi1> to vector<1024x1xi1>
    %broadcast_in_dim3A_70 = vector.broadcast %broadcast_in_dim3A_69 : vector<1024x1xi1> to vector<1024x128xi1>
    %broadcast_in_dim3A_71 = vector.broadcast %jit3A : f32 to vector<1024x128xf32>
    %select_n3A = arith.select %broadcast_in_dim3A_70, %mul3A_68, %broadcast_in_dim3A_71 : vector<1024x128xi1>, vector<1024x128xf32>
    %swap3A_72 = arith.constant 0 : index
    %swap3A_73 = arith.constant 0 : index
    %swap3A_74 = vector.load %arg10[%swap3A_72, %swap3A_73] : memref<1024x128xf32, #tpu.memory_space<vmem>>, vector<1024x128xf32>
    tpu.vector_store %arg10[%swap3A_72, %swap3A_73], %select_n3A {strides = array<i32>} : memref<1024x128xf32, #tpu.memory_space<vmem>>, vector<1024x128xf32>,
    return
  }
  func.func @transform_0(%arg0: i32) -> (i32, i32, i32) {
    %c0_i32 = arith.constant 0 : i32
    %c0_i32_0 = arith.constant 0 : i32
    %c0_i32_1 = arith.constant 0 : i32
    return %c0_i32, %arg0, %c0_i32_0 : i32, i32, i32
  }
  func.func @transform_1(%arg0: i32) -> (i32, i32) {
    %c0_i32 = arith.constant 0 : i32
    %c0_i32_0 = arith.constant 0 : i32
    return %arg0, %c0_i32 : i32, i32
  }
  func.func @transform_2(%arg0: i32) -> (i32, i32) {
    %c0_i32 = arith.constant 0 : i32
    %c0_i32_0 = arith.constant 0 : i32
    return %arg0, %c0_i32 : i32, i32
  }
  func.func @transform_3(%arg0: i32) -> (i32, i32) {
    %c0_i32 = arith.constant 0 : i32
    %c0_i32_0 = arith.constant 0 : i32
    return %arg0, %c0_i32 : i32, i32
  }
  func.func @transform_4(%arg0: i32) -> (i32, i32) {
    %c0_i32 = arith.constant 0 : i32
    %c0_i32_0 = arith.constant 0 : i32
    %c0_i32_1 = arith.constant 0 : i32
    return %c0_i32, %c0_i32_0 : i32, i32
  }
  func.func @transform_5(%arg0: i32) -> (i32, i32) {
    %c0_i32 = arith.constant 0 : i32
    %c0_i32_0 = arith.constant 0 : i32
    %c0_i32_1 = arith.constant 0 : i32
    return %c0_i32, %c0_i32_0 : i32, i32
  }
  func.func @transform_6(%arg0: i32) -> (i32, i32) {
    %c0_i32 = arith.constant 0 : i32
    %c0_i32_0 = arith.constant 0 : i32
    %c0_i32_1 = arith.constant 0 : i32
    return %c0_i32, %c0_i32_0 : i32, i32
  }
  func.func @transform_7(%arg0: i32) -> (i32, i32) {
    %c0_i32 = arith.constant 0 : i32
    %c0_i32_0 = arith.constant 0 : i32
    %c0_i32_1 = arith.constant 0 : i32
    return %c0_i32, %c0_i32_0 : i32, i32
  }
  func.func @transform_8(%arg0: i32) -> (i32, i32) {
    %c0_i32 = arith.constant 0 : i32
    %c0_i32_0 = arith.constant 0 : i32
    return %arg0, %c0_i32 : i32, i32
  }
  func.func @transform_9(%arg0: i32) -> (i32, i32) {
    %c0_i32 = arith.constant 0 : i32
    %c0_i32_0 = arith.constant 0 : i32
    return %arg0, %c0_i32 : i32, i32
  }
}

module attributes {stable_mosaic.version = 14 : i64} {
  func.func @_layer_body(%arg0: i32, %arg1: memref<2x1024x128xf32, #tpu.memory_space<vmem>>, %arg2: memref<1024x128xf32, #tpu.memory_space<vmem>>, %arg3: memref<1024x128xf32, #tpu.memory_space<vmem>>, %arg4: memref<1024x1xf32, #tpu.memory_space<vmem>>, %arg5: memref<128x128xf32, #tpu.memory_space<vmem>>, %arg6: memref<1x128xf32, #tpu.memory_space<vmem>>, %arg7: memref<1x128xf32, #tpu.memory_space<vmem>>, %arg8: memref<1x128xf32, #tpu.memory_space<vmem>>, %arg9: memref<1024x128xf32, #tpu.memory_space<vmem>>, %arg10: memref<1024x128xf32, #tpu.memory_space<vmem>>) attributes {dimension_semantics = [#tpu.dimension_semantics<arbitrary>], iteration_bounds = array<i64: 10>, scalar_prefetch = 0 : i64, scratch_operands = 0 : i64, tpu.core_type = #tpu.core_type<tc>, window_params = [{transform_indices = @transform_0, window_bounds = array<i64: 2, 1024, 128>}, {transform_indices = @transform_1, window_bounds = array<i64: 1024, 128>}, {transform_indices = @transform_2, window_bounds = array<i64: 1024, 128>}, {transform_indices = @transform_3, window_bounds = array<i64: 1024, 1>}, {pipeline_mode = #tpu.pipeline_mode<synchronous>, transform_indices = @transform_4, window_bounds = array<i64: 128, 128>}, {pipeline_mode = #tpu.pipeline_mode<synchronous>, transform_indices = @transform_5, window_bounds = array<i64: 1, 128>}, {pipeline_mode = #tpu.pipeline_mode<synchronous>, transform_indices = @transform_6, window_bounds = array<i64: 1, 128>}, {pipeline_mode = #tpu.pipeline_mode<synchronous>, transform_indices = @transform_7, window_bounds = array<i64: 1, 128>}, {transform_indices = @transform_8, window_bounds = array<i64: 1024, 128>}, {transform_indices = @transform_9, window_bounds = array<i64: 1024, 128>}]} {
    %get3A = arith.constant 0 : index
    %get3A_0 = arith.constant 0 : index
    %get3A_1 = vector.load %arg4[%get3A, %get3A_0] : memref<1024x1xf32, #tpu.memory_space<vmem>>, vector<1024x1xf32>
    %get3A_2 = arith.constant 0 : index
    %get3A_3 = arith.constant 0 : index
    %get3A_4 = arith.constant 0 : index
    %get3A_5 = vector.load %arg1[%get3A_2, %get3A_3, %get3A_4] : memref<2x1024x128xf32, #tpu.memory_space<vmem>>, vector<1x1024x128xf32>
    %get3A_6 = vector.shape_cast %get3A_5 : vector<1x1024x128xf32> to vector<1024x128xf32>
    %get3A_7 = arith.constant 1 : index
    %get3A_8 = arith.constant 0 : index
    %get3A_9 = arith.constant 0 : index
    %get3A_10 = vector.load %arg1[%get3A_7, %get3A_8, %get3A_9] : memref<2x1024x128xf32, #tpu.memory_space<vmem>>, vector<1x1024x128xf32>
    %get3A_11 = vector.shape_cast %get3A_10 : vector<1x1024x128xf32> to vector<1024x128xf32>
    %add3A = arith.addf %get3A_6, %get3A_11 : vector<1024x128xf32>
    %get3A_12 = arith.constant 0 : index
    %get3A_13 = arith.constant 0 : index
    %get3A_14 = vector.load %arg2[%get3A_12, %get3A_13] : memref<1024x128xf32, #tpu.memory_space<vmem>>, vector<1024x128xf32>
    %add3A_15 = arith.addf %add3A, %get3A_14 : vector<1024x128xf32>
    %mul3A = vector.broadcast %get3A_1 : vector<1024x1xf32> to vector<1024x128xf32>
    %mul3A_16 = arith.mulf %add3A_15, %mul3A : vector<1024x128xf32>
    %get3A_17 = arith.constant 0 : index
    %get3A_18 = arith.constant 0 : index
    %get3A_19 = vector.load %arg5[%get3A_17, %get3A_18] : memref<128x128xf32, #tpu.memory_space<vmem>>, vector<128x128xf32>
    %dot_general3A = arith.constant dense<0.000000e+00> : vector<1024x128xf32>
    %dot_general3A_20 = tpu.matmul %mul3A_16, %get3A_19, %dot_general3A {dimension_numbers = #tpu.dot_dimension_numbers<[1], [0], [0], [1], [0, 0, 1, 1], [], []>, transpose_lhs_hint = false} : vector<1024x128xf32>, vector<128x128xf32>, vector<1024x128xf32> -> vector<1024x128xf32>
    %get3A_21 = arith.constant 0 : index
    %get3A_22 = arith.constant 0 : index
    %get3A_23 = vector.load %arg6[%get3A_21, %get3A_22] : memref<1x128xf32, #tpu.memory_space<vmem>>, vector<1x128xf32>
    %add3A_24 = vector.broadcast %get3A_23 : vector<1x128xf32> to vector<1024x128xf32>
    %add3A_25 = arith.addf %dot_general3A_20, %add3A_24 : vector<1024x128xf32>
    %max3A = arith.constant 0.000000e+00 : f32
    %max3A_26 = vector.broadcast %max3A : f32 to vector<1024x128xf32>
    %max3A_27 = arith.maximumf %add3A_25, %max3A_26 : vector<1024x128xf32>
    %reduce_sum3A = arith.constant dense<0.000000e+00> : vector<1024xf32>
    %reduce_sum3A_28 = vector.multi_reduction <add>, %max3A_27, %reduce_sum3A [1] : vector<1024x128xf32> to vector<1024xf32>
    %broadcast_in_dim3A = vector.shape_cast %reduce_sum3A_28 : vector<1024xf32> to vector<1024x1xf32>
    %div3A = arith.constant 1.280000e+02 : f32
    %div3A_29 = vector.broadcast %div3A : f32 to vector<1024x1xf32>
    %div3A_30 = arith.divf %broadcast_in_dim3A, %div3A_29 : vector<1024x1xf32>
    %sub3A = vector.broadcast %div3A_30 : vector<1024x1xf32> to vector<1024x128xf32>
    %sub3A_31 = arith.subf %max3A_27, %sub3A : vector<1024x128xf32>
    %integer_pow3A = arith.mulf %sub3A_31, %sub3A_31 : vector<1024x128xf32>
    %reduce_sum3A_32 = arith.constant dense<0.000000e+00> : vector<1024xf32>
    %reduce_sum3A_33 = vector.multi_reduction <add>, %integer_pow3A, %reduce_sum3A_32 [1] : vector<1024x128xf32> to vector<1024xf32>
    %broadcast_in_dim3A_34 = vector.shape_cast %reduce_sum3A_33 : vector<1024xf32> to vector<1024x1xf32>
    %div3A_35 = arith.constant 1.280000e+02 : f32
    %div3A_36 = vector.broadcast %div3A_35 : f32 to vector<1024x1xf32>
    %div3A_37 = arith.divf %broadcast_in_dim3A_34, %div3A_36 : vector<1024x1xf32>
    %sub3A_38 = vector.broadcast %div3A_30 : vector<1024x1xf32> to vector<1024x128xf32>
    %sub3A_39 = arith.subf %max3A_27, %sub3A_38 : vector<1024x128xf32>
    %add3A_40 = arith.constant 9.99999974E-6 : f32
    %add3A_41 = vector.broadcast %add3A_40 : f32 to vector<1024x1xf32>
    %add3A_42 = arith.addf %div3A_37, %add3A_41 : vector<1024x1xf32>
    %rsqrt3A = math.rsqrt %add3A_42 : vector<1024x1xf32>
    %mul3A_43 = vector.broadcast %rsqrt3A : vector<1024x1xf32> to vector<1024x128xf32>
    %mul3A_44 = arith.mulf %sub3A_39, %mul3A_43 : vector<1024x128xf32>
    %get3A_45 = arith.constant 0 : index
    %get3A_46 = arith.constant 0 : index
    %get3A_47 = vector.load %arg7[%get3A_45, %get3A_46] : memref<1x128xf32, #tpu.memory_space<vmem>>, vector<1x128xf32>
    %mul3A_48 = vector.broadcast %get3A_47 : vector<1x128xf32> to vector<1024x128xf32>
    %mul3A_49 = arith.mulf %mul3A_44, %mul3A_48 : vector<1024x128xf32>
    %get3A_50 = arith.constant 0 : index
    %get3A_51 = arith.constant 0 : index
    %get3A_52 = vector.load %arg8[%get3A_50, %get3A_51] : memref<1x128xf32, #tpu.memory_space<vmem>>, vector<1x128xf32>
    %add3A_53 = vector.broadcast %get3A_52 : vector<1x128xf32> to vector<1024x128xf32>
    %add3A_54 = arith.addf %mul3A_49, %add3A_53 : vector<1024x128xf32>
    %get3A_55 = arith.constant 0 : index
    %get3A_56 = arith.constant 0 : index
    %get3A_57 = vector.load %arg3[%get3A_55, %get3A_56] : memref<1024x128xf32, #tpu.memory_space<vmem>>, vector<1024x128xf32>
    %add3A_58 = arith.addf %add3A_54, %get3A_57 : vector<1024x128xf32>
    %swap3A = arith.constant 0 : index
    %swap3A_59 = arith.constant 0 : index
    %swap3A_60 = vector.load %arg9[%swap3A, %swap3A_59] : memref<1024x128xf32, #tpu.memory_space<vmem>>, vector<1024x128xf32>
    tpu.vector_store %arg9[%swap3A, %swap3A_59], %add3A_58 {strides = array<i32>} : memref<1024x128xf32, #tpu.memory_space<vmem>>, vector<1024x128xf32>,
    %iota3A = tpu.iota {dimensions = array<i32: 0>} : vector<1024x1xi32>
    %mul3A_61 = arith.constant 1024 : i32
    %mul3A_62 = arith.muli %arg0, %mul3A_61 : i32
    %add3A_63 = vector.broadcast %mul3A_62 : i32 to vector<1024x1xi32>
    %add3A_64 = arith.addi %iota3A, %add3A_63 : vector<1024x1xi32>
    %lt3A = arith.constant 10000 : i32
    %lt3A_65 = vector.broadcast %lt3A : i32 to vector<1024x1xi32>
    %lt3A_66 = arith.cmpi slt, %add3A_64, %lt3A_65 : vector<1024x1xi32>
    %mul3A_67 = vector.broadcast %get3A_1 : vector<1024x1xf32> to vector<1024x128xf32>
    %mul3A_68 = arith.mulf %add3A_58, %mul3A_67 : vector<1024x128xf32>
    %jit3A = arith.constant 0.000000e+00 : f32
    %broadcast_in_dim3A_69 = vector.shape_cast %lt3A_66 : vector<1024x1xi1> to vector<1024x1xi1>
    %broadcast_in_dim3A_70 = vector.broadcast %broadcast_in_dim3A_69 : vector<1024x1xi1> to vector<1024x128xi1>
    %broadcast_in_dim3A_71 = vector.broadcast %jit3A : f32 to vector<1024x128xf32>
    %select_n3A = arith.select %broadcast_in_dim3A_70, %mul3A_68, %broadcast_in_dim3A_71 : vector<1024x128xi1>, vector<1024x128xf32>
    %swap3A_72 = arith.constant 0 : index
    %swap3A_73 = arith.constant 0 : index
    %swap3A_74 = vector.load %arg10[%swap3A_72, %swap3A_73] : memref<1024x128xf32, #tpu.memory_space<vmem>>, vector<1024x128xf32>
    tpu.vector_store %arg10[%swap3A_72, %swap3A_73], %select_n3A {strides = array<i32>} : memref<1024x128xf32, #tpu.memory_space<vmem>>, vector<1024x128xf32>,
    return
  }
  func.func @transform_0(%arg0: i32) -> (i32, i32, i32) {
    %c0_i32 = arith.constant 0 : i32
    %c0_i32_0 = arith.constant 0 : i32
    %c0_i32_1 = arith.constant 0 : i32
    return %c0_i32, %arg0, %c0_i32_0 : i32, i32, i32
  }
  func.func @transform_1(%arg0: i32) -> (i32, i32) {
    %c0_i32 = arith.constant 0 : i32
    %c0_i32_0 = arith.constant 0 : i32
    return %arg0, %c0_i32 : i32, i32
  }
  func.func @transform_2(%arg0: i32) -> (i32, i32) {
    %c0_i32 = arith.constant 0 : i32
    %c0_i32_0 = arith.constant 0 : i32
    return %arg0, %c0_i32 : i32, i32
  }
  func.func @transform_3(%arg0: i32) -> (i32, i32) {
    %c0_i32 = arith.constant 0 : i32
    %c0_i32_0 = arith.constant 0 : i32
    return %arg0, %c0_i32 : i32, i32
  }
  func.func @transform_4(%arg0: i32) -> (i32, i32) {
    %c0_i32 = arith.constant 0 : i32
    %c0_i32_0 = arith.constant 0 : i32
    %c0_i32_1 = arith.constant 0 : i32
    return %c0_i32, %c0_i32_0 : i32, i32
  }
  func.func @transform_5(%arg0: i32) -> (i32, i32) {
    %c0_i32 = arith.constant 0 : i32
    %c0_i32_0 = arith.constant 0 : i32
    %c0_i32_1 = arith.constant 0 : i32
    return %c0_i32, %c0_i32_0 : i32, i32
  }
  func.func @transform_6(%arg0: i32) -> (i32, i32) {
    %c0_i32 = arith.constant 0 : i32
    %c0_i32_0 = arith.constant 0 : i32
    %c0_i32_1 = arith.constant 0 : i32
    return %c0_i32, %c0_i32_0 : i32, i32
  }
  func.func @transform_7(%arg0: i32) -> (i32, i32) {
    %c0_i32 = arith.constant 0 : i32
    %c0_i32_0 = arith.constant 0 : i32
    %c0_i32_1 = arith.constant 0 : i32
    return %c0_i32, %c0_i32_0 : i32, i32
  }
  func.func @transform_8(%arg0: i32) -> (i32, i32) {
    %c0_i32 = arith.constant 0 : i32
    %c0_i32_0 = arith.constant 0 : i32
    return %arg0, %c0_i32 : i32, i32
  }
  func.func @transform_9(%arg0: i32) -> (i32, i32) {
    %c0_i32 = arith.constant 0 : i32
    %c0_i32_0 = arith.constant 0 : i32
    return %arg0, %c0_i32 : i32, i32
  }
}

module attributes {stable_mosaic.version = 14 : i64} {
  func.func @_final_body(%arg0: i32, %arg1: memref<2x1024x128xf32, #tpu.memory_space<vmem>>, %arg2: memref<1024x128xf32, #tpu.memory_space<vmem>>, %arg3: memref<1024x1xf32, #tpu.memory_space<vmem>>, %arg4: memref<128x1xf32, #tpu.memory_space<vmem>>, %arg5: memref<1x1xf32, #tpu.memory_space<vmem>>, %arg6: memref<1024x1xf32, #tpu.memory_space<vmem>>) attributes {dimension_semantics = [#tpu.dimension_semantics<arbitrary>], iteration_bounds = array<i64: 10>, scalar_prefetch = 0 : i64, scratch_operands = 0 : i64, tpu.core_type = #tpu.core_type<tc>, window_params = [{transform_indices = @transform_0, window_bounds = array<i64: 2, 1024, 128>}, {transform_indices = @transform_1, window_bounds = array<i64: 1024, 128>}, {transform_indices = @transform_2, window_bounds = array<i64: 1024, 1>}, {pipeline_mode = #tpu.pipeline_mode<synchronous>, transform_indices = @transform_3, window_bounds = array<i64: 128, 1>}, {pipeline_mode = #tpu.pipeline_mode<synchronous>, transform_indices = @transform_4, window_bounds = array<i64: 1, 1>}, {transform_indices = @transform_5, window_bounds = array<i64: 1024, 1>}]} {
    %get3A = arith.constant 0 : index
    %get3A_0 = arith.constant 0 : index
    %get3A_1 = arith.constant 0 : index
    %get3A_2 = vector.load %arg1[%get3A, %get3A_0, %get3A_1] : memref<2x1024x128xf32, #tpu.memory_space<vmem>>, vector<1x1024x128xf32>
    %get3A_3 = vector.shape_cast %get3A_2 : vector<1x1024x128xf32> to vector<1024x128xf32>
    %get3A_4 = arith.constant 1 : index
    %get3A_5 = arith.constant 0 : index
    %get3A_6 = arith.constant 0 : index
    %get3A_7 = vector.load %arg1[%get3A_4, %get3A_5, %get3A_6] : memref<2x1024x128xf32, #tpu.memory_space<vmem>>, vector<1x1024x128xf32>
    %get3A_8 = vector.shape_cast %get3A_7 : vector<1x1024x128xf32> to vector<1024x128xf32>
    %add3A = arith.addf %get3A_3, %get3A_8 : vector<1024x128xf32>
    %get3A_9 = arith.constant 0 : index
    %get3A_10 = arith.constant 0 : index
    %get3A_11 = vector.load %arg2[%get3A_9, %get3A_10] : memref<1024x128xf32, #tpu.memory_space<vmem>>, vector<1024x128xf32>
    %add3A_12 = arith.addf %add3A, %get3A_11 : vector<1024x128xf32>
    %get3A_13 = arith.constant 0 : index
    %get3A_14 = arith.constant 0 : index
    %get3A_15 = vector.load %arg3[%get3A_13, %get3A_14] : memref<1024x1xf32, #tpu.memory_space<vmem>>, vector<1024x1xf32>
    %mul3A = vector.broadcast %get3A_15 : vector<1024x1xf32> to vector<1024x128xf32>
    %mul3A_16 = arith.mulf %add3A_12, %mul3A : vector<1024x128xf32>
    %get3A_17 = arith.constant 0 : index
    %get3A_18 = arith.constant 0 : index
    %get3A_19 = vector.load %arg4[%get3A_17, %get3A_18] : memref<128x1xf32, #tpu.memory_space<vmem>>, vector<128x1xf32>
    %dot_general3A = arith.constant dense<0.000000e+00> : vector<1024x1xf32>
    %dot_general3A_20 = tpu.matmul %mul3A_16, %get3A_19, %dot_general3A {dimension_numbers = #tpu.dot_dimension_numbers<[1], [0], [0], [1], [0, 0, 1, 1], [], []>, transpose_lhs_hint = false} : vector<1024x128xf32>, vector<128x1xf32>, vector<1024x1xf32> -> vector<1024x1xf32>
    %get3A_21 = arith.constant 0 : index
    %get3A_22 = arith.constant 0 : index
    %get3A_23 = vector.load %arg5[%get3A_21, %get3A_22] : memref<1x1xf32, #tpu.memory_space<vmem>>, vector<1x1xf32>
    %add3A_24 = vector.broadcast %get3A_23 : vector<1x1xf32> to vector<1024x1xf32>
    %add3A_25 = arith.addf %dot_general3A_20, %add3A_24 : vector<1024x1xf32>
    %swap3A = arith.constant 0 : index
    %swap3A_26 = arith.constant 0 : index
    %swap3A_27 = vector.load %arg6[%swap3A, %swap3A_26] : memref<1024x1xf32, #tpu.memory_space<vmem>>, vector<1024x1xf32>
    tpu.vector_store %arg6[%swap3A, %swap3A_26], %add3A_25 {strides = array<i32>} : memref<1024x1xf32, #tpu.memory_space<vmem>>, vector<1024x1xf32>,
    return
  }
  func.func @transform_0(%arg0: i32) -> (i32, i32, i32) {
    %c0_i32 = arith.constant 0 : i32
    %c0_i32_0 = arith.constant 0 : i32
    %c0_i32_1 = arith.constant 0 : i32
    return %c0_i32, %arg0, %c0_i32_0 : i32, i32, i32
  }
  func.func @transform_1(%arg0: i32) -> (i32, i32) {
    %c0_i32 = arith.constant 0 : i32
    %c0_i32_0 = arith.constant 0 : i32
    return %arg0, %c0_i32 : i32, i32
  }
  func.func @transform_2(%arg0: i32) -> (i32, i32) {
    %c0_i32 = arith.constant 0 : i32
    %c0_i32_0 = arith.constant 0 : i32
    return %arg0, %c0_i32 : i32, i32
  }
  func.func @transform_3(%arg0: i32) -> (i32, i32) {
    %c0_i32 = arith.constant 0 : i32
    %c0_i32_0 = arith.constant 0 : i32
    %c0_i32_1 = arith.constant 0 : i32
    return %c0_i32, %c0_i32_0 : i32, i32
  }
  func.func @transform_4(%arg0: i32) -> (i32, i32) {
    %c0_i32 = arith.constant 0 : i32
    %c0_i32_0 = arith.constant 0 : i32
    %c0_i32_1 = arith.constant 0 : i32
    return %c0_i32, %c0_i32_0 : i32, i32
  }
  func.func @transform_5(%arg0: i32) -> (i32, i32) {
    %c0_i32 = arith.constant 0 : i32
    %c0_i32_0 = arith.constant 0 : i32
    return %arg0, %c0_i32 : i32, i32
  }
}

</mosaic_0001>

<sc_bundles>
// kernel: kernel.10.cloned.1.call-start
scs
__scs_entry_jumppad:
0x0: {  	(pc) =	sbr.rel $0x88, $3  }
0x1: {  	(tag) =	ssettag $0x0;
	lr =	simm.s32 $0x1  }
0x2: {  	[smem:$0x3F95] =	sst lr;
	_ =	strace $0xD0000000  }
0x3: {  	_ = 	snop  }
0x4: {  	_ = 	snop  }
0x5: {  	_ = 	snop  }
0x6: {  	_ = 	snop  }
0x7: {  	_ = 	snop  }
__scs_overlays_trampoline_lowered:
0x8: {  	[smem:$0x3FA4] =	sst s0  }
0x9: {  	[smem:$0x3FA5] =	sst s1  }
0xa: {  	[smem:$0x3FA6] =	sst s2  }
0xb: {  	[smem:$0x3FA7] =	sst s3  }
0xc: {  	[smem:$0x3FA8] =	sst s4  }
0xd: {  	[smem:$0x3FA9] =	sst s5  }
0xe: {  	[smem:$0x3FAA] =	sst s6  }
0xf: {  	[smem:$0x3FAB] =	sst s7  }
0x10: {  	[smem:$0x3FAC] =	sst s8  }
0x11: {  	[smem:$0x3FAD] =	sst s9;
	s0 =	simm.s32 @!p0 $0x0  }
0x12: {  	s1 =	sld [smem:$0x3F93];
	s0 =	simm.s32 @p0 $0x1  }
0x13: {  	[smem:$0x3FAE] =	sst s0;
	s0 =	simm.s32 @!p1 $0x0  }
0x14: {  	s2 =	sld [smem:$0x3F92];
	s0 =	simm.s32 @p1 $0x1  }
0x15: {  	[smem:$0x3FAF] =	sst s0;
	s0 =	simm.s32 @!p2 $0x0  }
0x16: {  	s3 =	sld [smem:$0x3FDB];
	s0 =	simm.s32 @p2 $0x1  }
0x17: {  	s4 =	simm.s32 $0x1BF5;
	[smem:$0x3FB1] =	sst s0  }
0x18: {  	s0 =	sld [smem:$0x3F94];
	_ =	swait.ge [sflag:s4], $0x0  }
0x19: {  	s7 =	sld [smem:$0x3F95]  }
0x1a: {  	s8 =	sadd.s32 $0xFFFFE003, lr  }
0x1b: {  	s9 =	sadd.s32 $0xFFFFFEF7, lr;
	s5 =	simm.s32 $0xFFFFFFFF;
	p2 =	slt.u32 s8, $0xFFFFF086  }
0x1c: {  	p1 =	slt.u32 s9, $0xF7A;
	s5 =	simm.s32 @!p2 $0x0  }
0x1d: {  	s5 =	simm.s32 @p1 $0x1;
	p0 =	seq.s32 s7, s2  }
0x1e: {  	s7 =	smul.u32 @!p0 $0xF7A, s2;
	p2 =	seq.s32 @!p0 s5, $0x0  }
0x1f: {  	s9 =	smul.u32 $0xF7A, s1;
	s8 =	simm.s32 @!p0 $0x1BF5;
	p2 =	por !p2, p0  }
0x20: {  	[sflag:s8] =	ssyncset.s32 @!p0 $0xFFFFF086;
	s6 =	sadd.s32 @!p0 s3, s7;
	s7 =	simm.s32 @!p0 $0x108  }
0x21: {  	s3 =	sadd.s32 s3, s9;
	s6 =	sadd.s32 @!p0 $0x88, s6;
	s7 =	simm.s32 @p2 $0x1082  }
0x22: {  	[simem:s7], [sflag:s8] =	dma.local @!p0 [hbm:s6], $0xF7A  }
0x23: {  	s9 =	sor.u32 $0xD0000000, s2;
	s6 =	simm.s32 $0x108;
	_ =	swait.ge @!p0 [sflag:s8], $0x0  }
0x24: {  	s3 =	sadd.s32 $0x88, s3;
	s6 =	simm.s32 @!p1 $0x1082;
	[sflag:s4] =	ssyncset.s32 $0xFFFFF086  }
0x25: {  	[simem:s6], [sflag:s4] =	dma.local [hbm:s3], $0xF7A  }
0x26: {  	[smem:$0x3F95] =	sst s1;
	(tag) =	ssettag s2;
	_ =	strace s9  }
0x27: {  	s1 =	sld [smem:$0x3FA5]  }
0x28: {  	s2 =	sld [smem:$0x3FA6]  }
0x29: {  	s4 =	sld [smem:$0x3FA8]  }
0x2a: {  	p0 =	seq.s32 s5, $0x0;
	s5 =	sld [smem:$0x3FA9]  }
0x2b: {  	s6 =	sld [smem:$0x3FAA]  }
0x2c: {  	s7 =	sld [smem:$0x3FAB]  }
0x2d: {  	s3 =	simm.s32 $0x108;
	s8 =	sld [smem:$0x3FAC]  }
0x2e: {  	s3 =	simm.s32 @!p0 $0x1082;
	s9 =	sld [smem:$0x3FAD]  }
0x2f: {  	lr =	sadd.s32 s0, s3;
	s0 =	sld [smem:$0x3FA4]  }
0x30: {  	s3 =	sld [smem:$0x3FA7]  }
0x31: {  	[smem:$0x3FB0] =	sst s10  }
0x32: {  	s10 =	sld [smem:$0x3FAE];
	_ =	sdelay $0x3  }
0x33: {  	p0 =	seq.s32 s10, $0x1;
	s10 =	sld [smem:$0x3FB0];
	_ =	sdelay $0x3  }
0x34: {  	[smem:$0x3FB0] =	sst s10  }
0x35: {  	s10 =	sld [smem:$0x3FAF];
	_ =	sdelay $0x3  }
0x36: {  	p1 =	seq.s32 s10, $0x1;
	s10 =	sld [smem:$0x3FB0];
	_ =	sdelay $0x3  }
0x37: {  	[smem:$0x3FB0] =	sst s10  }
0x38: {  	s10 =	sld [smem:$0x3FB1]  }
0x39: {  	_ = 	snop;
	(pc) =	sbr.ind lr, $3  }
0x3a: {  	_ = 	snop  }
0x3b: {  	_ = 	snop  }
0x3c: {  	p2 =	seq.s32 s10, $0x1;
	s10 =	sld [smem:$0x3FB0]  }
0x3d: {  	_ =	shalt  }
0x3e: {  	_ =	shalt  }
0x3f: {  	_ =	shalt  }
0x40: {  	_ =	shalt  }
0x41: {  	_ =	shalt  }
0x42: {  	_ =	shalt  }
0x43: {  	_ =	shalt  }
0x44: {  	_ =	shalt  }
0x45: {  	_ =	shalt  }
0x46: {  	_ =	shalt  }
0x47: {  	_ =	shalt  }
0x48: {  	_ =	shalt  }
0x49: {  	_ =	shalt  }
0x4a: {  	_ =	shalt  }
0x4b: {  	_ =	shalt  }
0x4c: {  	_ =	shalt  }
0x4d: {  	_ =	shalt  }
0x4e: {  	_ =	shalt  }
0x4f: {  	_ =	shalt  }
0x50: {  	_ =	shalt  }
0x51: {  	_ =	shalt  }
0x52: {  	_ =	shalt  }
0x53: {  	_ =	shalt  }
0x54: {  	_ =	shalt  }
0x55: {  	_ =	shalt  }
0x56: {  	_ =	shalt  }
0x57: {  	_ =	shalt  }
0x58: {  	_ =	shalt  }
0x59: {  	_ =	shalt  }
0x5a: {  	_ =	shalt  }
0x5b: {  	_ =	shalt  }
0x5c: {  	_ =	shalt  }
0x5d: {  	_ =	shalt  }
0x5e: {  	_ =	shalt  }
0x5f: {  	_ =	shalt  }
0x60: {  	_ =	shalt  }
0x61: {  	_ =	shalt  }
0x62: {  	_ =	shalt  }
0x63: {  	_ =	shalt  }
0x64: {  	_ =	shalt  }
0x65: {  	_ =	shalt  }
0x66: {  	_ =	shalt  }
0x67: {  	_ =	shalt  }
0x68: {  	_ =	shalt  }
0x69: {  	_ =	shalt  }
0x6a: {  	_ =	shalt  }
0x6b: {  	_ =	shalt  }
0x6c: {  	_ =	shalt  }
0x6d: {  	_ =	shalt  }
0x6e: {  	_ =	shalt  }
0x6f: {  	_ =	shalt  }
0x70: {  	_ =	shalt  }
0x71: {  	_ =	shalt  }
0x72: {  	_ =	shalt  }
0x73: {  	_ =	shalt  }
0x74: {  	_ =	shalt  }
0x75: {  	_ =	shalt  }
0x76: {  	_ =	shalt  }
0x77: {  	_ =	shalt  }
0x78: {  	_ =	shalt  }
0x79: {  	_ =	shalt  }
0x7a: {  	_ =	shalt  }
0x7b: {  	_ =	shalt  }
0x7c: {  	_ =	shalt  }
0x7d: {  	_ =	shalt  }
0x7e: {  	_ =	shalt  }
0x7f: {  	_ =	shalt  }
0x80: {  	_ =	shalt  }
0x81: {  	_ =	shalt  }
0x82: {  	_ =	shalt  }
0x83: {  	_ =	shalt  }
0x84: {  	_ =	shalt  }
0x85: {  	_ =	shalt  }
0x86: {  	_ =	shalt  }
0x87: {  	_ =	shalt  }
.Lfunc_end0:
.L_simem_size_0:
called_computation_lowered:
.L_overlay_start_0:
0x88: {  	s2 =	sld [smem:$0x3FD9]  }
0x89: {  	s3 =	sld [smem:$0x3FFE];
	_ =	sdelay $0x1  }
0x8a: {  	s1 =	srdreg.scid  }
0x8b: {  	s0 =	sand.u32 $0x1, s1  }
0x8c: {  	s17 =	sshll.u32 s0, $0xA;
	s2 =	sadd.s32 s3, s2  }
0x8d: {  	s2 =	sadd.s32 s2, s17  }
0x8e: {  	[smem:$0x3FBC] =	sst s2  }
0x8f: {  	_ = 	snop  }
0x90: {  	s2 =	sld [smem:$0x3FD0];
	(tm) =	ssettm $0x1  }
0x91: {  	s18 =	sld [smem:$0x3FFB];
	_ =	sdelay $0x3  }
0x92: {  	_ =	strace s18  }
0x93: {  	s3 =	sld [smem:$0x3FFC];
	_ =	sdelay $0x3  }
0x94: {  	_ =	strace s3  }
0x95: {  	s3 =	sld [smem:$0x3FFD];
	_ =	sdelay $0x3  }
0x96: {  	_ =	strace s3  }
0x97: {  	_ =	strace $0x8FFFFFFF  }
0x98: {  	s19 =	sld [smem:$0x3FDB];
	_ =	sdelay $0x1  }
0x99: {  	s4 =	simm.s32 $_scs_section_size  }
0x9a: {  	s5 =	simm.s32 $_size__tile_overlayer_lowered;
	s6 =	simm.s32 $_tile_overlayer_lowered  }
0x9b: {  	s22 =	simm.s32 $0x1BFF;
	s21 =	sshll.u32 s6, $0x1;
	s3 =	sadd.s32 s4, s19  }
0x9c: {  	s7 =	simm.s32 $0x0;
	s20 =	sshll.u32 s5, $0x1;
	s5 =	sadd.s32 s21, s3  }
0x9d: {  	[timem:s7], [sflag:s22] =	dma.local [hbm:s5], s20  }
0x9e: {  	_ =	swait.ge [sflag:s22], s20  }
0x9f: {  	s4 =	ssub.s32 $0x0, s20;
	[sflag:s22] =	ssyncset.done $0x0  }
0xa0: {  	[sflag:s22] =	ssyncadd.s32 s4;
	_ =	sdelay $0x1  }
0xa1: {  	s23 =	simm.s32 $0x1B8B  }
0xa2: {  	_ =	swait.ge [sflag:s23], $0x1  }
0xa3: {  	[sflag:s23] =	ssyncset.done $0x0  }
0xa4: {  	s25 =	simm.s32 $0x1B8E;
	s24 =	sld [smem:$0x3FFE];
	[sflag:s23] =	ssyncadd.s32 $0xFFFFFFFF  }
0xa5: {  	s26 =	simm.s32 $execute0_lowered;
	[smem:$0x3FD2] =	sst s25  }
0xa6: {  	s5 =	sshll.u32 s26, $0x1;
	_ =	strace $0x80000046;
	[dreg:$0x1] =	wrdreg $0xFFFFFFFF  }
0xa7: {  	s28 =	simm.s32 $_size_execute0_lowered;
	s3 =	sadd.s32 s3, s5;
	[dreg:$0x0] =	wrdreg $0x0  }
0xa8: {  	s5 =	sshll.u32 s28, $0x1;
	[dreg:$0x2] =	wrdreg s3  }
0xa9: {  	[dreg:$0x3] =	wrdreg s5  }
0xaa: {  	[dreg:$0x4] =	wrdreg $0xC0  }
0xab: {  	_ =	task [dreg:s7], $0x5FFFF  }
0xac: {  	[dreg:$0x1] =	wrdreg $0xFFFFFFFF  }
0xad: {  	[dreg:$0x0] =	wrdreg $0x60  }
0xae: {  	[dreg:$0x2] =	wrdreg s24  }
0xaf: {  	[dreg:$0x3] =	wrdreg s2  }
0xb0: {  	[dreg:$0x4] =	wrdreg $0x0  }
0xb1: {  	[dreg:$0x5] =	wrdreg $0x9  }
0xb2: {  	_ =	task.clear_ibuf [dreg:s7], $0x6FFFF;
	_ =	strace $0x90000046  }
0xb3: {  	s29 =	simm.s32 $0x9;
	_ =	strace $0x80000048  }
0xb4: {  	_ =	swait.ge [sflag:s29], $0x1  }
0xb5: {  	[sflag:s29] =	ssyncadd.s32 $0xFFFFFFFF  }
0xb6: {  	_ =	strace $0x90000048  }
0xb7: {  	_ =	sfence  }
0xb8: {  	s30 =	sld [smem:$0x0];
	_ =	sdelay $0x2  }
0xb9: {  	s31 =	sshll.u32 s1, $0xD;
	s1 =	sshrl.u32 s1, $0x2  }
0xba: {  	s3 =	sand.u32 $0x4000, s31;
	s1 =	sadd.s32 s1, s30  }
0xbb: {  	s0 =	sor.u32 s3, s0;
	s1 =	sshll.u32 s1, $0x11  }
0xbc: {  	s0 =	sor.u32 s1, s0  }
0xbd: {  	s0 =	sadd.s32 $0x8F2B, s0  }
0xbe: {  	[sflag:s0] =	ssyncadd.remote.s32 $0x1  }
0xbf: {  	_ =	sfence.sel $0xFFFF  }
0xc0: {  	[dreg:$0x0] =	wrdreg $0xFFFFFFFF;
	(pc) =	sbr.abs _section_cstart, $3  }
0xc1: {  	[dreg:$0x1] =	wrdreg $0xFFFFFFFF  }
0xc2: {  	_ =	task.clear_ibuf [dreg:s7], $0x2FFFF;
	_ =	strace $0x9FFFFFFF  }
0xc3: {  	(tm) =	ssettm $0x7FFFFFFF  }
tec
execute0_lowered:
.L_overlay_start_1:
0x0: {  	(tag) =	ssettag $0x1  }
0x1: {  	s6 =	rddreg [dreg:$0x0]  }
0x2: {  	s0 =	srdreg.scid;
	s2 =	rddreg [dreg:$0x1]  }
0x3: {  	s3 =	rddreg [dreg:$0x2];
	s7 =	sand.u32 $0x1, s0  }
0x4: {  	s0 =	stileid.u32;
	s5 =	smul.u32 $0x28800, s7  }
0x5: {  	s1 =	rddreg [dreg:$0x3];
	s8 =	smul.u32 $0x2880, s0  }
0x6: {  	s4 =	simm.s32 $0x0;
	s14 =	simm.s32 $0x60;
	s9 =	smul.u32 $0x2800, s0  }
0x7: {  	s15 =	simm.s32 $0x0;
	[smem:$0x7FF] =	sst s4;
	s30 =	smul.u32 $0x28000, s7  }
0x8: {  	_ =	strace $0x80000047;
	s7 =	ssub.s32 $0x2, s7;
	s11 =	sshll.u32 s0, $0x6  }
0x9: {  	s31 =	sshrl.u32 s7, $0x1;
	s5 =	sadd.s32 s8, s5;
	s8 =	sadd.s32 s9, s30  }
0xa: {  	s12 =	ssub.s32 s7, s31;
	s13 =	sadd.s32 s9, s3;
	s5 =	sshrl.u32 s5, $0x3  }
0xb: {  	s8 =	sshrl.u32 s8, $0x3;
	s9 =	smax.u32 s12, $0x1;
	s12 =	simm.s32 $0x2800  }
0xc: {  	s10 =	sadd.s32 s5, s6;
	s5 =	sadd.s32 $0xDC00, s6;
	s8 =	sadd.s32 s8, s6  }
0xd: {  	s6 =	sor.u32 $0x1C01, s11;
	s11 =	simm.s32 $0x1;
	s7 =	sadd.s32 $0x3A00, s10  }
0xe: {  	s8 =	sadd.s32 $0xE200, s8;
	s10 =	sshrl.u32 s13, $0x3;
	s13 =	simm.s32 $0x5080  }
.LBB2_1:
0xf: {  	[spmem:s10], [sflag:s6] =	dma.local [hbm:s5], $0x500  }
0x10: {  	_ =	swait.ge [sflag:s11], $0x500  }
0x11: {  	[sflag:s11] =	ssyncset.done $0x0  }
0x12: {  	[sflag:s11] =	ssyncadd.s32 $0xFFFFFB00  }
0x13: {  	[tilespmem:s12], [sflag:$0x1] =	stream.linear.gather [hbm4b:s7+s4], $0x2880, $0x38;
	[tilespmem:$0x5680] =	vst v63  }
0x14: {  	_ =	swait.ge [sflag:s11], $0x2880  }
0x15: {  	[sflag:s11] =	ssyncset.done $0x0  }
0x16: {  	[sflag:s11] =	ssyncadd.s32 $0xFFFFD780  }
0x17: {  	[tilespmem:s13], [sflag:$0x1] =	stream.linear.gather [hbm4b:s2+s4], $0x600, $0x38;
	[tilespmem:$0x5680] =	vst v63  }
0x18: {  	_ =	swait.ge [sflag:s11], $0x600  }
0x19: {  	[sflag:s11] =	ssyncset.done $0x0  }
0x1a: {  	[sflag:s11] =	ssyncadd.s32 $0xFFFFFA00  }
0x1b: {  	s16 =	simm.s32 $0x2800;
	[bflag:$0x0] =	sbarrier.arrive $0xFFFF  }
0x1c: {  	[spmem:s3] =	stream.indirect.scatter.add.f32 [tilespmem:s13], [sflag:$0x1], $0x10, s16, s14, $0xb8;
	[tilespmem:$0x5680] =	vst v63  }
0x1d: {  	s16 =	simm.s32 $0x180;
	_ =	swait.ge [sflag:s11], $0x600  }
.LBB2_2:
0x1e: {  	s17 =	sshra.s32 s16, $0x2;
	[sflag:s11] =	ssyncset.done $0x0;
	p0 =	sne.s32 s16, $0xA080  }
.Ltmp0:
0x1f: {  	s17 =	sadd.s32 $0x2800, s17;
	[sflag:s11] =	ssyncadd.s32 $0xFFFFFA00;
	(pc) =	sbr.rel @p0 .LBB2_2-.Ltmp0, $3  }
0x20: {  	[spmem:s3] =	stream.indirect.scatter.add.f32 [tilespmem:s13], [sflag:$0x1], $0x10, s17, s14, $0xb8;
	[tilespmem:$0x5680] =	vst v63  }
0x21: {  	s16 =	sadd.s32 $0x180, s16;
	_ =	sdelay $0x1  }
0x22: {  	_ =	swait.ge [sflag:s11], $0x600  }
0x23: {  	[sflag:s11] =	ssyncset.done $0x0;
	s15 =	sadd.s32 $0x1, s15  }
0x24: {  	[sflag:s11] =	ssyncadd.s32 $0xFFFFFA00;
	p0 =	sne.s32 s15, s9  }
.Ltmp1:
0x25: {  	[bflag:$0x0] =	sbarrier.arrive $0xFFFF;
	(pc) =	sbr.rel @p0 .LBB2_1-.Ltmp1, $4  }
0x26: {  	[hbm:s8], [sflag:s6] =	dma.local [spmem:s10], $0x500  }
0x27: {  	_ =	swait.ge [sflag:s11], $0x500  }
0x28: {  	[sflag:s11] =	ssyncset.done $0x0  }
0x29: {  	[sflag:s11] =	ssyncadd.s32 $0xFFFFFB00  }
0x2a: {  	_ =	sfence.sel $0x180000  }
0x2b: {  	[bflag:$0x0] =	sbarrier.arrive $0xFFFF  }
0x2c: {  	p0 =	sne.s32 s0, $0x0;
	_ =	strace $0x90000047  }
0x2d: {  	s0 =	sadd.s32 @!p0 $0x100000, s1;
	[bflag:$0x2] =	sbarrier.arrive $0xFFFF  }
0x2e: {  	[sflag:s0] =	ssyncadd.tile.s32 @!p0 $0x1;
	_ =	shalt  }
.Lfunc_end2:
_tile_overlayer_lowered:
.L_overlay_start_2:
0x2f: {  	(tag) =	ssettag $0x2  }
0x30: {  	s0 =	rddreg [dreg:$0x0];
	s2 =	stileid.u32  }
0x31: {  	s1 =	rddreg [dreg:$0x1];
	p0 =	sne.s32 s2, $0x0  }
0x32: {  	s3 =	rddreg [dreg:$0x2];
	[bflag:$0x3] =	sbarrier.arrive $0xFFFF;
	s2 =	simm.s32 @!p0 $0x1C01  }
0x33: {  	[timem:s3], [sflag:s2] =	dma.local @!p0 [hbm:s0], s1  }
0x34: {  	s0 =	simm.s32 @!p0 $0x1  }
0x35: {  	_ =	swait.ge @!p0 [sflag:s0], s1  }
0x36: {  	s1 =	ssub.s32 @!p0 $0x0, s1;
	[sflag:s0] =	ssyncset.done @!p0 $0x0  }
0x37: {  	[sflag:s0] =	ssyncadd.s32 @!p0 s1  }
0x38: {  	[bflag:$0x3] =	sbarrier.arrive $0xFFFF  }
0x39: {  	_ =	shalt  }

// kernel: kernel.13.cloned.1.call-start
scs
__scs_entry_jumppad:
0x0: {  	(pc) =	sbr.rel $0x88, $3  }
0x1: {  	(tag) =	ssettag $0x0;
	lr =	simm.s32 $0x1  }
0x2: {  	[smem:$0x3F95] =	sst lr;
	_ =	strace $0xD0000000  }
0x3: {  	_ = 	snop  }
0x4: {  	_ = 	snop  }
0x5: {  	_ = 	snop  }
0x6: {  	_ = 	snop  }
0x7: {  	_ = 	snop  }
__scs_overlays_trampoline_lowered:
0x8: {  	[smem:$0x3FA4] =	sst s0  }
0x9: {  	[smem:$0x3FA5] =	sst s1  }
0xa: {  	[smem:$0x3FA6] =	sst s2  }
0xb: {  	[smem:$0x3FA7] =	sst s3  }
0xc: {  	[smem:$0x3FA8] =	sst s4  }
0xd: {  	[smem:$0x3FA9] =	sst s5  }
0xe: {  	[smem:$0x3FAA] =	sst s6  }
0xf: {  	[smem:$0x3FAB] =	sst s7  }
0x10: {  	[smem:$0x3FAC] =	sst s8  }
0x11: {  	[smem:$0x3FAD] =	sst s9;
	s0 =	simm.s32 @!p0 $0x0  }
0x12: {  	s1 =	sld [smem:$0x3F93];
	s0 =	simm.s32 @p0 $0x1  }
0x13: {  	[smem:$0x3FAE] =	sst s0;
	s0 =	simm.s32 @!p1 $0x0  }
0x14: {  	s2 =	sld [smem:$0x3F92];
	s0 =	simm.s32 @p1 $0x1  }
0x15: {  	[smem:$0x3FAF] =	sst s0;
	s0 =	simm.s32 @!p2 $0x0  }
0x16: {  	s3 =	sld [smem:$0x3FDB];
	s0 =	simm.s32 @p2 $0x1  }
0x17: {  	s4 =	simm.s32 $0x1BF5;
	[smem:$0x3FB1] =	sst s0  }
0x18: {  	s0 =	sld [smem:$0x3F94];
	_ =	swait.ge [sflag:s4], $0x0  }
0x19: {  	s7 =	sld [smem:$0x3F95]  }
0x1a: {  	s8 =	sadd.s32 $0xFFFFE003, lr  }
0x1b: {  	s9 =	sadd.s32 $0xFFFFFEF7, lr;
	s5 =	simm.s32 $0xFFFFFFFF;
	p2 =	slt.u32 s8, $0xFFFFF086  }
0x1c: {  	p1 =	slt.u32 s9, $0xF7A;
	s5 =	simm.s32 @!p2 $0x0  }
0x1d: {  	s5 =	simm.s32 @p1 $0x1;
	p0 =	seq.s32 s7, s2  }
0x1e: {  	s7 =	smul.u32 @!p0 $0xF7A, s2;
	p2 =	seq.s32 @!p0 s5, $0x0  }
0x1f: {  	s9 =	smul.u32 $0xF7A, s1;
	s8 =	simm.s32 @!p0 $0x1BF5;
	p2 =	por !p2, p0  }
0x20: {  	[sflag:s8] =	ssyncset.s32 @!p0 $0xFFFFF086;
	s6 =	sadd.s32 @!p0 s3, s7;
	s7 =	simm.s32 @!p0 $0x108  }
0x21: {  	s3 =	sadd.s32 s3, s9;
	s6 =	sadd.s32 @!p0 $0x88, s6;
	s7 =	simm.s32 @p2 $0x1082  }
0x22: {  	[simem:s7], [sflag:s8] =	dma.local @!p0 [hbm:s6], $0xF7A  }
0x23: {  	s9 =	sor.u32 $0xD0000000, s2;
	s6 =	simm.s32 $0x108;
	_ =	swait.ge @!p0 [sflag:s8], $0x0  }
0x24: {  	s3 =	sadd.s32 $0x88, s3;
	s6 =	simm.s32 @!p1 $0x1082;
	[sflag:s4] =	ssyncset.s32 $0xFFFFF086  }
0x25: {  	[simem:s6], [sflag:s4] =	dma.local [hbm:s3], $0xF7A  }
0x26: {  	[smem:$0x3F95] =	sst s1;
	(tag) =	ssettag s2;
	_ =	strace s9  }
0x27: {  	s1 =	sld [smem:$0x3FA5]  }
0x28: {  	s2 =	sld [smem:$0x3FA6]  }
0x29: {  	s4 =	sld [smem:$0x3FA8]  }
0x2a: {  	p0 =	seq.s32 s5, $0x0;
	s5 =	sld [smem:$0x3FA9]  }
0x2b: {  	s6 =	sld [smem:$0x3FAA]  }
0x2c: {  	s7 =	sld [smem:$0x3FAB]  }
0x2d: {  	s3 =	simm.s32 $0x108;
	s8 =	sld [smem:$0x3FAC]  }
0x2e: {  	s3 =	simm.s32 @!p0 $0x1082;
	s9 =	sld [smem:$0x3FAD]  }
0x2f: {  	lr =	sadd.s32 s0, s3;
	s0 =	sld [smem:$0x3FA4]  }
0x30: {  	s3 =	sld [smem:$0x3FA7]  }
0x31: {  	[smem:$0x3FB0] =	sst s10  }
0x32: {  	s10 =	sld [smem:$0x3FAE];
	_ =	sdelay $0x3  }
0x33: {  	p0 =	seq.s32 s10, $0x1;
	s10 =	sld [smem:$0x3FB0];
	_ =	sdelay $0x3  }
0x34: {  	[smem:$0x3FB0] =	sst s10  }
0x35: {  	s10 =	sld [smem:$0x3FAF];
	_ =	sdelay $0x3  }
0x36: {  	p1 =	seq.s32 s10, $0x1;
	s10 =	sld [smem:$0x3FB0];
	_ =	sdelay $0x3  }
0x37: {  	[smem:$0x3FB0] =	sst s10  }
0x38: {  	s10 =	sld [smem:$0x3FB1]  }
0x39: {  	_ = 	snop;
	(pc) =	sbr.ind lr, $3  }
0x3a: {  	_ = 	snop  }
0x3b: {  	_ = 	snop  }
0x3c: {  	p2 =	seq.s32 s10, $0x1;
	s10 =	sld [smem:$0x3FB0]  }
0x3d: {  	_ =	shalt  }
0x3e: {  	_ =	shalt  }
0x3f: {  	_ =	shalt  }
0x40: {  	_ =	shalt  }
0x41: {  	_ =	shalt  }
0x42: {  	_ =	shalt  }
0x43: {  	_ =	shalt  }
0x44: {  	_ =	shalt  }
0x45: {  	_ =	shalt  }
0x46: {  	_ =	shalt  }
0x47: {  	_ =	shalt  }
0x48: {  	_ =	shalt  }
0x49: {  	_ =	shalt  }
0x4a: {  	_ =	shalt  }
0x4b: {  	_ =	shalt  }
0x4c: {  	_ =	shalt  }
0x4d: {  	_ =	shalt  }
0x4e: {  	_ =	shalt  }
0x4f: {  	_ =	shalt  }
0x50: {  	_ =	shalt  }
0x51: {  	_ =	shalt  }
0x52: {  	_ =	shalt  }
0x53: {  	_ =	shalt  }
0x54: {  	_ =	shalt  }
0x55: {  	_ =	shalt  }
0x56: {  	_ =	shalt  }
0x57: {  	_ =	shalt  }
0x58: {  	_ =	shalt  }
0x59: {  	_ =	shalt  }
0x5a: {  	_ =	shalt  }
0x5b: {  	_ =	shalt  }
0x5c: {  	_ =	shalt  }
0x5d: {  	_ =	shalt  }
0x5e: {  	_ =	shalt  }
0x5f: {  	_ =	shalt  }
0x60: {  	_ =	shalt  }
0x61: {  	_ =	shalt  }
0x62: {  	_ =	shalt  }
0x63: {  	_ =	shalt  }
0x64: {  	_ =	shalt  }
0x65: {  	_ =	shalt  }
0x66: {  	_ =	shalt  }
0x67: {  	_ =	shalt  }
0x68: {  	_ =	shalt  }
0x69: {  	_ =	shalt  }
0x6a: {  	_ =	shalt  }
0x6b: {  	_ =	shalt  }
0x6c: {  	_ =	shalt  }
0x6d: {  	_ =	shalt  }
0x6e: {  	_ =	shalt  }
0x6f: {  	_ =	shalt  }
0x70: {  	_ =	shalt  }
0x71: {  	_ =	shalt  }
0x72: {  	_ =	shalt  }
0x73: {  	_ =	shalt  }
0x74: {  	_ =	shalt  }
0x75: {  	_ =	shalt  }
0x76: {  	_ =	shalt  }
0x77: {  	_ =	shalt  }
0x78: {  	_ =	shalt  }
0x79: {  	_ =	shalt  }
0x7a: {  	_ =	shalt  }
0x7b: {  	_ =	shalt  }
0x7c: {  	_ =	shalt  }
0x7d: {  	_ =	shalt  }
0x7e: {  	_ =	shalt  }
0x7f: {  	_ =	shalt  }
0x80: {  	_ =	shalt  }
0x81: {  	_ =	shalt  }
0x82: {  	_ =	shalt  }
0x83: {  	_ =	shalt  }
0x84: {  	_ =	shalt  }
0x85: {  	_ =	shalt  }
0x86: {  	_ =	shalt  }
0x87: {  	_ =	shalt  }
.Lfunc_end0:
.L_simem_size_0:
called_computation.1_lowered:
.L_overlay_start_0:
0x88: {  	s2 =	sld [smem:$0x3FD9]  }
0x89: {  	s3 =	sld [smem:$0x3FFE];
	_ =	sdelay $0x1  }
0x8a: {  	s1 =	srdreg.scid  }
0x8b: {  	s0 =	sand.u32 $0x1, s1  }
0x8c: {  	s16 =	sshll.u32 s0, $0xA;
	s2 =	sadd.s32 s3, s2  }
0x8d: {  	s2 =	sadd.s32 s2, s16  }
0x8e: {  	[smem:$0x3FBC] =	sst s2  }
0x8f: {  	_ = 	snop  }
0x90: {  	(tm) =	ssettm $0x1  }
0x91: {  	s17 =	sld [smem:$0x3FFB];
	_ =	sdelay $0x3  }
0x92: {  	_ =	strace s17  }
0x93: {  	s2 =	sld [smem:$0x3FFC];
	_ =	sdelay $0x3  }
0x94: {  	_ =	strace s2  }
0x95: {  	s2 =	sld [smem:$0x3FFD];
	_ =	sdelay $0x3  }
0x96: {  	_ =	strace s2  }
0x97: {  	_ =	strace $0x8FFFFFFF  }
0x98: {  	s18 =	sld [smem:$0x3FDB];
	_ =	sdelay $0x1  }
0x99: {  	s19 =	simm.s32 $_scs_section_size  }
0x9a: {  	s4 =	simm.s32 $_size__tile_overlayer_lowered;
	s5 =	simm.s32 $_tile_overlayer_lowered  }
0x9b: {  	s22 =	simm.s32 $0x1BFF;
	s21 =	sshll.u32 s5, $0x1;
	s2 =	sadd.s32 s19, s18  }
0x9c: {  	s6 =	simm.s32 $0x0;
	s20 =	sshll.u32 s4, $0x1;
	s4 =	sadd.s32 s21, s2  }
0x9d: {  	[timem:s6], [sflag:s22] =	dma.local [hbm:s4], s20  }
0x9e: {  	_ =	swait.ge [sflag:s22], s20  }
0x9f: {  	s3 =	ssub.s32 $0x0, s20;
	[sflag:s22] =	ssyncset.done $0x0  }
0xa0: {  	[sflag:s22] =	ssyncadd.s32 s3;
	_ =	sdelay $0x1  }
0xa1: {  	s23 =	simm.s32 $0x1B8B  }
0xa2: {  	_ =	swait.ge [sflag:s23], $0x1  }
0xa3: {  	[sflag:s23] =	ssyncset.done $0x0  }
0xa4: {  	s25 =	simm.s32 $0x1B8E;
	s24 =	sld [smem:$0x3FFE];
	[sflag:s23] =	ssyncadd.s32 $0xFFFFFFFF  }
0xa5: {  	s26 =	simm.s32 $execute0_lowered;
	[smem:$0x3FD2] =	sst s25  }
0xa6: {  	s4 =	sshll.u32 s26, $0x1;
	_ =	strace $0x80000049;
	[dreg:$0x1] =	wrdreg $0xFFFFFFFF  }
0xa7: {  	s28 =	simm.s32 $_size_execute0_lowered;
	s2 =	sadd.s32 s2, s4;
	[dreg:$0x0] =	wrdreg $0x0  }
0xa8: {  	s4 =	sshll.u32 s28, $0x1;
	[dreg:$0x2] =	wrdreg s2  }
0xa9: {  	[dreg:$0x3] =	wrdreg s4  }
0xaa: {  	[dreg:$0x4] =	wrdreg $0xC0  }
0xab: {  	_ =	task [dreg:s6], $0x5FFFF  }
0xac: {  	[dreg:$0x1] =	wrdreg $0xFFFFFFFF  }
0xad: {  	[dreg:$0x0] =	wrdreg $0x60  }
0xae: {  	[dreg:$0x2] =	wrdreg s24  }
0xaf: {  	[dreg:$0x3] =	wrdreg $0x0  }
0xb0: {  	[dreg:$0x4] =	wrdreg $0x9  }
0xb1: {  	_ =	task.clear_ibuf [dreg:s6], $0x5FFFF;
	_ =	strace $0x90000049  }
0xb2: {  	s29 =	simm.s32 $0x9;
	_ =	strace $0x8000004B  }
0xb3: {  	_ =	swait.ge [sflag:s29], $0x1  }
0xb4: {  	[sflag:s29] =	ssyncadd.s32 $0xFFFFFFFF  }
0xb5: {  	_ =	strace $0x9000004B  }
0xb6: {  	_ =	sfence  }
0xb7: {  	s30 =	sld [smem:$0x0];
	_ =	sdelay $0x2  }
0xb8: {  	s31 =	sshll.u32 s1, $0xD;
	s1 =	sshrl.u32 s1, $0x2  }
0xb9: {  	s3 =	sand.u32 $0x4000, s31;
	s1 =	sadd.s32 s1, s30  }
0xba: {  	s0 =	sor.u32 s3, s0;
	s1 =	sshll.u32 s1, $0x11  }
0xbb: {  	s0 =	sor.u32 s1, s0  }
0xbc: {  	s0 =	sadd.s32 $0x8F2B, s0  }
0xbd: {  	[sflag:s0] =	ssyncadd.remote.s32 $0x1  }
0xbe: {  	_ =	sfence.sel $0xFFFF  }
0xbf: {  	[dreg:$0x0] =	wrdreg $0xFFFFFFFF;
	(pc) =	sbr.abs _section_cstart, $3  }
0xc0: {  	[dreg:$0x1] =	wrdreg $0xFFFFFFFF  }
0xc1: {  	_ =	task.clear_ibuf [dreg:s6], $0x2FFFF;
	_ =	strace $0x9FFFFFFF  }
0xc2: {  	(tm) =	ssettm $0x7FFFFFFF  }
0xc3: {  	_ =	shalt  }
tec
execute0_lowered:
.L_overlay_start_1:
0x0: {  	(tag) =	ssettag $0x1  }
0x1: {  	s0 =	rddreg [dreg:$0x0]  }
0x2: {  	s1 =	rddreg [dreg:$0x1];
	s3 =	simm.s32 $0x0  }
0x3: {  	s2 =	srdreg.scid;
	s11 =	stileid.u32;
	s16 =	simm.s32 $0x5  }
0x4: {  	s17 =	simm.s32 $0x14000;
	s28 =	simm.s32 $0x1;
	s29 =	simm.s32 $0x2  }
0x5: {  	s30 =	simm.s32 $0x3;
	s31 =	simm.s32 $0x0;
	[smem:$0x7FF] =	sst s3  }
0x6: {  	s2 =	sand.u32 $0x1, s2;
	s4 =	sadd.s32 $0x3C200, s0;
	s6 =	smul.u32 $0x14000, s11  }
0x7: {  	s13 =	sadd.s32 $0x2A200, s0;
	s14 =	sadd.s32 $0x18200, s0;
	s7 =	smul.u32 $0x50000, s11  }
0x8: {  	s10 =	smul.u32 $0x4800, s11;
	s19 =	sadd.s32 $0x3A00, s0;
	s21 =	sshll.u32 s11, $0x6  }
0x9: {  	s5 =	smul.u32 $0x140000, s2;
	_ =	strace $0x8000004A;
	s18 =	ssub.s32 $0x2, s2  }
0xa: {  	s2 =	smul.u32 $0x48000, s2;
	[dreg:$0x3] =	wrdreg s19;
	s9 =	sshrl.u32 s18, $0x1  }
0xb: {  	s20 =	sshrl.u32 s7, $0x2;
	s5 =	sadd.s32 s6, s5;
	s12 =	ssub.s32 s18, s9  }
0xc: {  	s2 =	sadd.s32 s10, s2;
	s15 =	sadd.s32 s20, s1;
	s6 =	sor.u32 $0x1C05, s21  }
0xd: {  	s21 =	simm.s32 $0x60;
	s8 =	sshrl.u32 s5, $0x3;
	s22 =	sshrl.u32 s2, $0x3  }
0xe: {  	s2 =	sadd.s32 $0x800, s2;
	s12 =	smax.u32 s12, $0x1;
	s15 =	sshrl.u32 s15, $0x3  }
0xf: {  	s0 =	sadd.s32 s8, s0;
	s23 =	sadd.s32 s13, s22;
	s24 =	sadd.s32 s14, s22  }
0x10: {  	s25 =	sor.u32 $0x80, s22;
	s26 =	sshrl.u32 s2, $0x3;
	[dreg:$0x4] =	wrdreg s23  }
0x11: {  	s22 =	simm.s32 $0x15000;
	[dreg:$0x5] =	wrdreg s24;
	s9 =	sadd.s32 s13, s25  }
0x12: {  	s10 =	sadd.s32 s14, s25;
	s11 =	sadd.s32 $0x64200, s0;
	s2 =	sadd.s32 s26, s14  }
0x13: {  	s0 =	sadd.s32 s26, s13;
	s24 =	simm.s32 $0x18000;
	s26 =	simm.s32 $0x1B000  }
.LBB2_1:
0x14: {  	s5 =	rddreg [dreg:$0x3]  }
0x15: {  	[spmem:s15], [sflag:s6] =	dma.local [hbm:s5], $0x2800  }
0x16: {  	_ =	swait.ge [sflag:s16], $0x2800  }
0x17: {  	[sflag:s16] =	ssyncset.done $0x0  }
0x18: {  	s14 =	rddreg [dreg:$0x4];
	[sflag:s16] =	ssyncadd.s32 $0xFFFFD800  }
0x19: {  	[tilespmem:s17], [sflag:$0x5] =	stream.linear.gather [hbm4b:s14+s3], $0x300, $0x38;
	[tilespmem:$0x1E000] =	vst v63  }
0x1a: {  	_ =	swait.ge [sflag:s16], $0x300  }
0x1b: {  	[sflag:s16] =	ssyncset.done $0x0  }
0x1c: {  	s7 =	simm.s32 $0x14800;
	s18 =	rddreg [dreg:$0x5];
	[sflag:s16] =	ssyncadd.s32 $0xFFFFFD00  }
0x1d: {  	[tilespmem:s7], [sflag:$0x5] =	stream.linear.gather [hbm4b:s18+s3], $0x300, $0x38;
	[tilespmem:$0x1E000] =	vst v63  }
0x1e: {  	_ =	swait.ge [sflag:s16], $0x300  }
0x1f: {  	[sflag:s16] =	ssyncset.done $0x0  }
0x20: {  	s19 =	simm.s32 $0x14400;
	[sflag:s16] =	ssyncadd.s32 $0xFFFFFD00  }
0x21: {  	[tilespmem:s19], [sflag:$0x4] =	stream.linear.gather [hbm4b:s9+s3], $0x300, $0x38;
	[tilespmem:$0x1E000] =	vst v63  }
0x22: {  	s20 =	simm.s32 $0x14C00  }
0x23: {  	[tilespmem:s20], [sflag:$0x4] =	stream.linear.gather [hbm4b:s10+s3], $0x300, $0x38;
	[tilespmem:$0x1E000] =	vst v63  }
0x24: {  	[bflag:$0x0] =	sbarrier.arrive $0xFFFF  }
0x25: {  	[tilespmem:s22], [sflag:$0x1] =	stream.indirect.gather [hbm4b:s4+s21], $0x80, s17, s21, $0xb8;
	[tilespmem:$0x1E000] =	vst v63  }
0x26: {  	s23 =	simm.s32 $0x14080;
	s25 =	simm.s32 $0x14100  }
0x27: {  	[tilespmem:s24], [sflag:$0x2] =	stream.indirect.gather [hbm4b:s4+s21], $0x80, s23, s21, $0xb8;
	[tilespmem:$0x1E000] =	vst v63  }
0x28: {  	s13 =	smov.u32 s2;
	s14 =	smov.u32 s0;
	s18 =	simm.s32 $0x0  }
0x29: {  	[tilespmem:s26], [sflag:$0x3] =	stream.indirect.gather [hbm4b:s4+s21], $0x80, s25, s21, $0xb8;
	[tilespmem:$0x1E000] =	vst v63  }
.LBB2_2:
0x2a: {  	p0 =	seq.s32 s18, $0x11  }
0x2b: {  	s19 =	simm.s32 @!p0 $0x4  }
0x2c: {  	_ =	swait.ge @!p0 [sflag:s19], $0x300  }
0x2d: {  	[sflag:s19] =	ssyncset.done @!p0 $0x0  }
0x2e: {  	[sflag:s19] =	ssyncadd.s32 @!p0 $0xFFFFFD00  }
0x2f: {  	_ =	swait.ge @!p0 [sflag:s19], $0x300  }
0x30: {  	[sflag:s19] =	ssyncset.done @!p0 $0x0  }
0x31: {  	[sflag:s19] =	ssyncadd.s32 @!p0 $0xFFFFFD00  }
0x32: {  	s23 =	sand.u32 $0x1, s18;
	_ =	swait.ge [sflag:s28], $0x3000  }
0x33: {  	s20 =	sshll.u32 s23, $0xA;
	[sflag:s28] =	ssyncset.done $0x0  }
0x34: {  	s19 =	sor.u32 $0x14800, s20;
	[sflag:s28] =	ssyncadd.s32 $0xFFFFD000  }
0x35: {  	[spmem:s1] =	stream.indirect.scatter.add.f32 [tilespmem:s22], [sflag:$0x5], $0x80, s19, s21, $0xb8;
	[tilespmem:$0x1E000] =	vst v63  }
0x36: {  	_ =	swait.ge [sflag:s16], $0x3000  }
0x37: {  	[sflag:s16] =	ssyncset.done $0x0  }
0x38: {  	s25 =	sor.u32 $0x14180, s20;
	[sflag:s16] =	ssyncadd.s32 $0xFFFFD000  }
0x39: {  	[tilespmem:s22], [sflag:$0x1] =	stream.indirect.gather [hbm4b:s4+s21], $0x80, s25, s21, $0xb8;
	[tilespmem:$0x1E000] =	vst v63  }
0x3a: {  	_ =	swait.ge [sflag:s29], $0x3000  }
0x3b: {  	[sflag:s29] =	ssyncset.done $0x0  }
0x3c: {  	s7 =	sor.u32 $0x14880, s20;
	[sflag:s29] =	ssyncadd.s32 $0xFFFFD000  }
0x3d: {  	[spmem:s1] =	stream.indirect.scatter.add.f32 [tilespmem:s24], [sflag:$0x5], $0x80, s7, s21, $0xb8;
	[tilespmem:$0x1E000] =	vst v63  }
0x3e: {  	_ =	swait.ge [sflag:s16], $0x3000  }
0x3f: {  	[sflag:s16] =	ssyncset.done $0x0  }
0x40: {  	s8 =	sor.u32 $0x14200, s20;
	[sflag:s16] =	ssyncadd.s32 $0xFFFFD000  }
0x41: {  	[tilespmem:s24], [sflag:$0x2] =	stream.indirect.gather [hbm4b:s4+s21], $0x80, s8, s21, $0xb8;
	[tilespmem:$0x1E000] =	vst v63  }
0x42: {  	_ =	swait.ge [sflag:s30], $0x3000  }
0x43: {  	[sflag:s30] =	ssyncset.done $0x0  }
0x44: {  	s5 =	sor.u32 $0x14900, s20;
	[sflag:s30] =	ssyncadd.s32 $0xFFFFD000  }
0x45: {  	[spmem:s1] =	stream.indirect.scatter.add.f32 [tilespmem:s26], [sflag:$0x5], $0x80, s5, s21, $0xb8;
	[tilespmem:$0x1E000] =	vst v63  }
0x46: {  	_ =	swait.ge [sflag:s16], $0x3000  }
0x47: {  	[sflag:s16] =	ssyncset.done $0x0  }
0x48: {  	s7 =	sor.u32 $0x14280, s20;
	[sflag:s16] =	ssyncadd.s32 $0xFFFFD000  }
0x49: {  	[tilespmem:s26], [sflag:$0x3] =	stream.indirect.gather [hbm4b:s4+s21], $0x80, s7, s21, $0xb8;
	[tilespmem:$0x1E000] =	vst v63  }
0x4a: {  	_ =	swait.ge [sflag:s28], $0x3000  }
0x4b: {  	[sflag:s28] =	ssyncset.done $0x0  }
0x4c: {  	s8 =	sor.u32 $0x14980, s20;
	[sflag:s28] =	ssyncadd.s32 $0xFFFFD000  }
0x4d: {  	[spmem:s1] =	stream.indirect.scatter.add.f32 [tilespmem:s22], [sflag:$0x5], $0x80, s8, s21, $0xb8;
	[tilespmem:$0x1E000] =	vst v63  }
0x4e: {  	_ =	swait.ge [sflag:s16], $0x3000  }
0x4f: {  	[sflag:s16] =	ssyncset.done $0x0  }
0x50: {  	s25 =	simm.s32 @p0 $0x2;
	[sflag:s16] =	ssyncadd.s32 $0xFFFFD000  }
0x51: {  	_ =	swait.ge @p0 [sflag:s25], $0x3000  }
0x52: {  	s5 =	sor.u32 $0x200, s20;
	s7 =	simm.s32 @p0 $0x60;
	[sflag:s25] =	ssyncset.done @p0 $0x0  }
0x53: {  	s8 =	simm.s32 @p0 $0x18000;
	[sflag:s25] =	ssyncadd.s32 @p0 $0xFFFFD000;
	s25 =	sor.u32 @p0 $0x14800, s5  }
0x54: {  	[spmem:s1] =	stream.indirect.scatter.add.f32 @p0 [tilespmem:s8], [sflag:$0x5], $0x80, s25, s7, $0xb8;
	[tilespmem:$0x1E000] =	vst v63  }
0x55: {  	s7 =	simm.s32 @p0 $0x5  }
0x56: {  	_ =	swait.ge @p0 [sflag:s7], $0x3000  }
0x57: {  	s8 =	sxor.u32 $0x1, s23;
	[sflag:s7] =	ssyncset.done @p0 $0x0  }
0x58: {  	[sflag:s7] =	ssyncadd.s32 @p0 $0xFFFFD000;
	s7 =	sshll.u32 @!p0 s8, $0xA  }
0x59: {  	s23 =	simm.s32 @!p0 $0x60;
	s25 =	simm.s32 @!p0 $0x15000;
	s8 =	sor.u32 @!p0 $0x14000, s7  }
0x5a: {  	[tilespmem:s25], [sflag:$0x1] =	stream.indirect.gather @!p0 [hbm4b:s4+s23], $0x80, s8, s23, $0xb8;
	[tilespmem:$0x1E000] =	vst v63  }
0x5b: {  	s8 =	simm.s32 @!p0 $0x2  }
0x5c: {  	_ =	swait.ge @!p0 [sflag:s8], $0x3000  }
0x5d: {  	[sflag:s8] =	ssyncset.done @!p0 $0x0  }
0x5e: {  	s5 =	sor.u32 @!p0 $0x14800, s5;
	[sflag:s8] =	ssyncadd.s32 @!p0 $0xFFFFD000;
	s8 =	simm.s32 @!p0 $0x18000  }
0x5f: {  	[spmem:s1] =	stream.indirect.scatter.add.f32 @!p0 [tilespmem:s8], [sflag:$0x5], $0x80, s5, s23, $0xb8;
	[tilespmem:$0x1E000] =	vst v63  }
0x60: {  	s5 =	simm.s32 @!p0 $0x5  }
0x61: {  	_ =	swait.ge @!p0 [sflag:s5], $0x3000  }
0x62: {  	[sflag:s5] =	ssyncset.done @!p0 $0x0  }
0x63: {  	[sflag:s5] =	ssyncadd.s32 @!p0 $0xFFFFD000;
	s5 =	sor.u32 @!p0 $0x14080, s7  }
0x64: {  	[tilespmem:s8], [sflag:$0x2] =	stream.indirect.gather @!p0 [hbm4b:s4+s23], $0x80, s5, s23, $0xb8;
	[tilespmem:$0x1E000] =	vst v63  }
0x65: {  	_ =	swait.ge [sflag:s30], $0x3000  }
0x66: {  	s25 =	sor.u32 $0x280, s20;
	[sflag:s30] =	ssyncset.done $0x0  }
0x67: {  	s5 =	sor.u32 $0x14800, s25;
	[sflag:s30] =	ssyncadd.s32 $0xFFFFD000  }
0x68: {  	[spmem:s1] =	stream.indirect.scatter.add.f32 [tilespmem:s26], [sflag:$0x5], $0x80, s5, s21, $0xb8;
	[tilespmem:$0x1E000] =	vst v63  }
0x69: {  	p1 =	sgt.u32 @!p0 s18, $0xF;
	_ =	swait.ge [sflag:s16], $0x3000  }
0x6a: {  	p1 =	por p1, p0;
	[sflag:s16] =	ssyncset.done $0x0  }
0x6b: {  	s5 =	sor.u32 @!p0 $0x14100, s7;
	s7 =	simm.s32 @!p0 $0x1B000;
	[sflag:s16] =	ssyncadd.s32 $0xFFFFD000  }
0x6c: {  	[tilespmem:s7], [sflag:$0x3] =	stream.indirect.gather @!p0 [hbm4b:s4+s23], $0x80, s5, s23, $0xb8;
	[tilespmem:$0x1E000] =	vst v63  }
0x6d: {  	s5 =	sor.u32 @!p1 $0x14000, s20;
	s7 =	simm.s32 @!p1 $0x0  }
0x6e: {  	[tilespmem:s5], [sflag:$0x4] =	stream.linear.gather @!p1 [hbm4b:s14+s7], $0x300, $0x38;
	[tilespmem:$0x1E000] =	vst v63  }
0x6f: {  	s18 =	sadd.s32 @!p0 $0x1, s18  }
0x70: {  	[tilespmem:s19], [sflag:$0x4] =	stream.linear.gather @!p1 [hbm4b:s13+s7], $0x300, $0x38;
	[tilespmem:$0x1E000] =	vst v63  }
0x71: {  	p1 =	sne.s32 @!p0 s18, $0x12  }
0x72: {  	p1 =	por p0, !p1  }
.Ltmp0:
0x73: {  	_ = 	snop;
	(pc) =	sbr.rel @!p1 .LBB2_2-.Ltmp0, $2  }
0x74: {  	_ =	sdelay $0x2  }
0x75: {  	s14 =	sadd.s32 @!p0 $0x80, s14;
	s13 =	sadd.s32 @!p0 $0x80, s13  }
0x76: {  	s31 =	sadd.s32 $0x1, s31  }
0x77: {  	p0 =	sne.s32 s31, s12  }
.Ltmp1:
0x78: {  	[bflag:$0x0] =	sbarrier.arrive $0xFFFF;
	(pc) =	sbr.rel @p0 .LBB2_1-.Ltmp1, $4  }
0x79: {  	[hbm:s11], [sflag:s6] =	dma.local [spmem:s15], $0x2800  }
0x7a: {  	_ =	swait.ge [sflag:s16], $0x2800  }
0x7b: {  	[sflag:s16] =	ssyncset.done $0x0  }
0x7c: {  	[sflag:s16] =	ssyncadd.s32 $0xFFFFD800  }
0x7d: {  	_ =	sfence.sel $0x180000  }
0x7e: {  	[bflag:$0x0] =	sbarrier.arrive $0xFFFF  }
0x7f: {  	_ =	strace $0x9000004A  }
0x80: {  	s0 =	stileid.u32;
	[bflag:$0x2] =	sbarrier.arrive $0xFFFF  }
0x81: {  	p0 =	sne.s32 s0, $0x0;
	s0 =	rddreg [dreg:$0x2]  }
0x82: {  	s0 =	sadd.s32 @!p0 $0x100000, s0  }
0x83: {  	[sflag:s0] =	ssyncadd.tile.s32 @!p0 $0x1;
	_ =	shalt  }
.Lfunc_end2:
_tile_overlayer_lowered:
.L_overlay_start_2:
0x84: {  	(tag) =	ssettag $0x2  }
0x85: {  	s0 =	rddreg [dreg:$0x0];
	s2 =	stileid.u32  }
0x86: {  	s1 =	rddreg [dreg:$0x1];
	p0 =	sne.s32 s2, $0x0  }
0x87: {  	s3 =	rddreg [dreg:$0x2];
	[bflag:$0x3] =	sbarrier.arrive $0xFFFF;
	s2 =	simm.s32 @!p0 $0x1C05  }
0x88: {  	[timem:s3], [sflag:s2] =	dma.local @!p0 [hbm:s0], s1  }
0x89: {  	s0 =	simm.s32 @!p0 $0x5  }
0x8a: {  	_ =	swait.ge @!p0 [sflag:s0], s1  }
0x8b: {  	s1 =	ssub.s32 @!p0 $0x0, s1;
	[sflag:s0] =	ssyncset.done @!p0 $0x0  }
0x8c: {  	[sflag:s0] =	ssyncadd.s32 @!p0 s1  }
0x8d: {  	[bflag:$0x3] =	sbarrier.arrive $0xFFFF  }
0x8e: {  	_ =	shalt  }

// kernel: kernel.16.cloned.1.call-start
scs
__scs_entry_jumppad:
0x0: {  	(pc) =	sbr.rel $0x88, $3  }
0x1: {  	(tag) =	ssettag $0x0;
	lr =	simm.s32 $0x1  }
0x2: {  	[smem:$0x3F95] =	sst lr;
	_ =	strace $0xD0000000  }
0x3: {  	_ = 	snop  }
0x4: {  	_ = 	snop  }
0x5: {  	_ = 	snop  }
0x6: {  	_ = 	snop  }
0x7: {  	_ = 	snop  }
__scs_overlays_trampoline_lowered:
0x8: {  	[smem:$0x3FA4] =	sst s0  }
0x9: {  	[smem:$0x3FA5] =	sst s1  }
0xa: {  	[smem:$0x3FA6] =	sst s2  }
0xb: {  	[smem:$0x3FA7] =	sst s3  }
0xc: {  	[smem:$0x3FA8] =	sst s4  }
0xd: {  	[smem:$0x3FA9] =	sst s5  }
0xe: {  	[smem:$0x3FAA] =	sst s6  }
0xf: {  	[smem:$0x3FAB] =	sst s7  }
0x10: {  	[smem:$0x3FAC] =	sst s8  }
0x11: {  	[smem:$0x3FAD] =	sst s9;
	s0 =	simm.s32 @!p0 $0x0  }
0x12: {  	s1 =	sld [smem:$0x3F93];
	s0 =	simm.s32 @p0 $0x1  }
0x13: {  	[smem:$0x3FAE] =	sst s0;
	s0 =	simm.s32 @!p1 $0x0  }
0x14: {  	s2 =	sld [smem:$0x3F92];
	s0 =	simm.s32 @p1 $0x1  }
0x15: {  	[smem:$0x3FAF] =	sst s0;
	s0 =	simm.s32 @!p2 $0x0  }
0x16: {  	s3 =	sld [smem:$0x3FDB];
	s0 =	simm.s32 @p2 $0x1  }
0x17: {  	s4 =	simm.s32 $0x1BF5;
	[smem:$0x3FB1] =	sst s0  }
0x18: {  	s0 =	sld [smem:$0x3F94];
	_ =	swait.ge [sflag:s4], $0x0  }
0x19: {  	s7 =	sld [smem:$0x3F95]  }
0x1a: {  	s8 =	sadd.s32 $0xFFFFE003, lr  }
0x1b: {  	s9 =	sadd.s32 $0xFFFFFEF7, lr;
	s5 =	simm.s32 $0xFFFFFFFF;
	p2 =	slt.u32 s8, $0xFFFFF086  }
0x1c: {  	p1 =	slt.u32 s9, $0xF7A;
	s5 =	simm.s32 @!p2 $0x0  }
0x1d: {  	s5 =	simm.s32 @p1 $0x1;
	p0 =	seq.s32 s7, s2  }
0x1e: {  	s7 =	smul.u32 @!p0 $0xF7A, s2;
	p2 =	seq.s32 @!p0 s5, $0x0  }
0x1f: {  	s9 =	smul.u32 $0xF7A, s1;
	s8 =	simm.s32 @!p0 $0x1BF5;
	p2 =	por !p2, p0  }
0x20: {  	[sflag:s8] =	ssyncset.s32 @!p0 $0xFFFFF086;
	s6 =	sadd.s32 @!p0 s3, s7;
	s7 =	simm.s32 @!p0 $0x108  }
0x21: {  	s3 =	sadd.s32 s3, s9;
	s6 =	sadd.s32 @!p0 $0x88, s6;
	s7 =	simm.s32 @p2 $0x1082  }
0x22: {  	[simem:s7], [sflag:s8] =	dma.local @!p0 [hbm:s6], $0xF7A  }
0x23: {  	s9 =	sor.u32 $0xD0000000, s2;
	s6 =	simm.s32 $0x108;
	_ =	swait.ge @!p0 [sflag:s8], $0x0  }
0x24: {  	s3 =	sadd.s32 $0x88, s3;
	s6 =	simm.s32 @!p1 $0x1082;
	[sflag:s4] =	ssyncset.s32 $0xFFFFF086  }
0x25: {  	[simem:s6], [sflag:s4] =	dma.local [hbm:s3], $0xF7A  }
0x26: {  	[smem:$0x3F95] =	sst s1;
	(tag) =	ssettag s2;
	_ =	strace s9  }
0x27: {  	s1 =	sld [smem:$0x3FA5]  }
0x28: {  	s2 =	sld [smem:$0x3FA6]  }
0x29: {  	s4 =	sld [smem:$0x3FA8]  }
0x2a: {  	p0 =	seq.s32 s5, $0x0;
	s5 =	sld [smem:$0x3FA9]  }
0x2b: {  	s6 =	sld [smem:$0x3FAA]  }
0x2c: {  	s7 =	sld [smem:$0x3FAB]  }
0x2d: {  	s3 =	simm.s32 $0x108;
	s8 =	sld [smem:$0x3FAC]  }
0x2e: {  	s3 =	simm.s32 @!p0 $0x1082;
	s9 =	sld [smem:$0x3FAD]  }
0x2f: {  	lr =	sadd.s32 s0, s3;
	s0 =	sld [smem:$0x3FA4]  }
0x30: {  	s3 =	sld [smem:$0x3FA7]  }
0x31: {  	[smem:$0x3FB0] =	sst s10  }
0x32: {  	s10 =	sld [smem:$0x3FAE];
	_ =	sdelay $0x3  }
0x33: {  	p0 =	seq.s32 s10, $0x1;
	s10 =	sld [smem:$0x3FB0];
	_ =	sdelay $0x3  }
0x34: {  	[smem:$0x3FB0] =	sst s10  }
0x35: {  	s10 =	sld [smem:$0x3FAF];
	_ =	sdelay $0x3  }
0x36: {  	p1 =	seq.s32 s10, $0x1;
	s10 =	sld [smem:$0x3FB0];
	_ =	sdelay $0x3  }
0x37: {  	[smem:$0x3FB0] =	sst s10  }
0x38: {  	s10 =	sld [smem:$0x3FB1]  }
0x39: {  	_ = 	snop;
	(pc) =	sbr.ind lr, $3  }
0x3a: {  	_ = 	snop  }
0x3b: {  	_ = 	snop  }
0x3c: {  	p2 =	seq.s32 s10, $0x1;
	s10 =	sld [smem:$0x3FB0]  }
0x3d: {  	_ =	shalt  }
0x3e: {  	_ =	shalt  }
0x3f: {  	_ =	shalt  }
0x40: {  	_ =	shalt  }
0x41: {  	_ =	shalt  }
0x42: {  	_ =	shalt  }
0x43: {  	_ =	shalt  }
0x44: {  	_ =	shalt  }
0x45: {  	_ =	shalt  }
0x46: {  	_ =	shalt  }
0x47: {  	_ =	shalt  }
0x48: {  	_ =	shalt  }
0x49: {  	_ =	shalt  }
0x4a: {  	_ =	shalt  }
0x4b: {  	_ =	shalt  }
0x4c: {  	_ =	shalt  }
0x4d: {  	_ =	shalt  }
0x4e: {  	_ =	shalt  }
0x4f: {  	_ =	shalt  }
0x50: {  	_ =	shalt  }
0x51: {  	_ =	shalt  }
0x52: {  	_ =	shalt  }
0x53: {  	_ =	shalt  }
0x54: {  	_ =	shalt  }
0x55: {  	_ =	shalt  }
0x56: {  	_ =	shalt  }
0x57: {  	_ =	shalt  }
0x58: {  	_ =	shalt  }
0x59: {  	_ =	shalt  }
0x5a: {  	_ =	shalt  }
0x5b: {  	_ =	shalt  }
0x5c: {  	_ =	shalt  }
0x5d: {  	_ =	shalt  }
0x5e: {  	_ =	shalt  }
0x5f: {  	_ =	shalt  }
0x60: {  	_ =	shalt  }
0x61: {  	_ =	shalt  }
0x62: {  	_ =	shalt  }
0x63: {  	_ =	shalt  }
0x64: {  	_ =	shalt  }
0x65: {  	_ =	shalt  }
0x66: {  	_ =	shalt  }
0x67: {  	_ =	shalt  }
0x68: {  	_ =	shalt  }
0x69: {  	_ =	shalt  }
0x6a: {  	_ =	shalt  }
0x6b: {  	_ =	shalt  }
0x6c: {  	_ =	shalt  }
0x6d: {  	_ =	shalt  }
0x6e: {  	_ =	shalt  }
0x6f: {  	_ =	shalt  }
0x70: {  	_ =	shalt  }
0x71: {  	_ =	shalt  }
0x72: {  	_ =	shalt  }
0x73: {  	_ =	shalt  }
0x74: {  	_ =	shalt  }
0x75: {  	_ =	shalt  }
0x76: {  	_ =	shalt  }
0x77: {  	_ =	shalt  }
0x78: {  	_ =	shalt  }
0x79: {  	_ =	shalt  }
0x7a: {  	_ =	shalt  }
0x7b: {  	_ =	shalt  }
0x7c: {  	_ =	shalt  }
0x7d: {  	_ =	shalt  }
0x7e: {  	_ =	shalt  }
0x7f: {  	_ =	shalt  }
0x80: {  	_ =	shalt  }
0x81: {  	_ =	shalt  }
0x82: {  	_ =	shalt  }
0x83: {  	_ =	shalt  }
0x84: {  	_ =	shalt  }
0x85: {  	_ =	shalt  }
0x86: {  	_ =	shalt  }
0x87: {  	_ =	shalt  }
.Lfunc_end0:
.L_simem_size_0:
called_computation.2_lowered:
.L_overlay_start_0:
0x88: {  	s2 =	sld [smem:$0x3FD9]  }
0x89: {  	s3 =	sld [smem:$0x3FFE];
	_ =	sdelay $0x1  }
0x8a: {  	s1 =	srdreg.scid  }
0x8b: {  	s0 =	sand.u32 $0x1, s1  }
0x8c: {  	s16 =	sshll.u32 s0, $0xA;
	s2 =	sadd.s32 s3, s2  }
0x8d: {  	s2 =	sadd.s32 s2, s16  }
0x8e: {  	[smem:$0x3FBC] =	sst s2  }
0x8f: {  	_ = 	snop  }
0x90: {  	(tm) =	ssettm $0x1  }
0x91: {  	s17 =	sld [smem:$0x3FFB];
	_ =	sdelay $0x3  }
0x92: {  	_ =	strace s17  }
0x93: {  	s2 =	sld [smem:$0x3FFC];
	_ =	sdelay $0x3  }
0x94: {  	_ =	strace s2  }
0x95: {  	s2 =	sld [smem:$0x3FFD];
	_ =	sdelay $0x3  }
0x96: {  	_ =	strace s2  }
0x97: {  	_ =	strace $0x8FFFFFFF  }
0x98: {  	s18 =	sld [smem:$0x3FDB];
	_ =	sdelay $0x1  }
0x99: {  	s19 =	simm.s32 $_scs_section_size  }
0x9a: {  	s4 =	simm.s32 $_size__tile_overlayer_lowered;
	s5 =	simm.s32 $_tile_overlayer_lowered  }
0x9b: {  	s22 =	simm.s32 $0x1BFF;
	s21 =	sshll.u32 s5, $0x1;
	s2 =	sadd.s32 s19, s18  }
0x9c: {  	s6 =	simm.s32 $0x0;
	s20 =	sshll.u32 s4, $0x1;
	s4 =	sadd.s32 s21, s2  }
0x9d: {  	[timem:s6], [sflag:s22] =	dma.local [hbm:s4], s20  }
0x9e: {  	_ =	swait.ge [sflag:s22], s20  }
0x9f: {  	s3 =	ssub.s32 $0x0, s20;
	[sflag:s22] =	ssyncset.done $0x0  }
0xa0: {  	[sflag:s22] =	ssyncadd.s32 s3;
	_ =	sdelay $0x1  }
0xa1: {  	s23 =	simm.s32 $0x1B8B  }
0xa2: {  	_ =	swait.ge [sflag:s23], $0x1  }
0xa3: {  	[sflag:s23] =	ssyncset.done $0x0  }
0xa4: {  	s25 =	simm.s32 $0x1B8E;
	s24 =	sld [smem:$0x3FFE];
	[sflag:s23] =	ssyncadd.s32 $0xFFFFFFFF  }
0xa5: {  	s26 =	simm.s32 $execute0_lowered;
	[smem:$0x3FD2] =	sst s25  }
0xa6: {  	s4 =	sshll.u32 s26, $0x1;
	_ =	strace $0x8000004C;
	[dreg:$0x1] =	wrdreg $0xFFFFFFFF  }
0xa7: {  	s28 =	simm.s32 $_size_execute0_lowered;
	s2 =	sadd.s32 s2, s4;
	[dreg:$0x0] =	wrdreg $0x0  }
0xa8: {  	s4 =	sshll.u32 s28, $0x1;
	[dreg:$0x2] =	wrdreg s2  }
0xa9: {  	[dreg:$0x3] =	wrdreg s4  }
0xaa: {  	[dreg:$0x4] =	wrdreg $0xC0  }
0xab: {  	_ =	task [dreg:s6], $0x5FFFF  }
0xac: {  	[dreg:$0x1] =	wrdreg $0xFFFFFFFF  }
0xad: {  	[dreg:$0x0] =	wrdreg $0x60  }
0xae: {  	[dreg:$0x2] =	wrdreg s24  }
0xaf: {  	[dreg:$0x3] =	wrdreg $0x0  }
0xb0: {  	[dreg:$0x4] =	wrdreg $0x9  }
0xb1: {  	_ =	task.clear_ibuf [dreg:s6], $0x5FFFF;
	_ =	strace $0x9000004C  }
0xb2: {  	s29 =	simm.s32 $0x9;
	_ =	strace $0x8000004E  }
0xb3: {  	_ =	swait.ge [sflag:s29], $0x1  }
0xb4: {  	[sflag:s29] =	ssyncadd.s32 $0xFFFFFFFF  }
0xb5: {  	_ =	strace $0x9000004E  }
0xb6: {  	_ =	sfence  }
0xb7: {  	s30 =	sld [smem:$0x0];
	_ =	sdelay $0x2  }
0xb8: {  	s31 =	sshll.u32 s1, $0xD;
	s1 =	sshrl.u32 s1, $0x2  }
0xb9: {  	s3 =	sand.u32 $0x4000, s31;
	s1 =	sadd.s32 s1, s30  }
0xba: {  	s0 =	sor.u32 s3, s0;
	s1 =	sshll.u32 s1, $0x11  }
0xbb: {  	s0 =	sor.u32 s1, s0  }
0xbc: {  	s0 =	sadd.s32 $0x8F2B, s0  }
0xbd: {  	[sflag:s0] =	ssyncadd.remote.s32 $0x1  }
0xbe: {  	_ =	sfence.sel $0xFFFF  }
0xbf: {  	[dreg:$0x0] =	wrdreg $0xFFFFFFFF;
	(pc) =	sbr.abs _section_cstart, $3  }
0xc0: {  	[dreg:$0x1] =	wrdreg $0xFFFFFFFF  }
0xc1: {  	_ =	task.clear_ibuf [dreg:s6], $0x2FFFF;
	_ =	strace $0x9FFFFFFF  }
0xc2: {  	(tm) =	ssettm $0x7FFFFFFF  }
0xc3: {  	_ =	shalt  }
tec
execute0_lowered:
.L_overlay_start_1:
0x0: {  	(tag) =	ssettag $0x1  }
0x1: {  	s0 =	rddreg [dreg:$0x0]  }
0x2: {  	s1 =	rddreg [dreg:$0x1];
	s3 =	simm.s32 $0x0  }
0x3: {  	s2 =	srdreg.scid;
	s11 =	stileid.u32;
	s16 =	simm.s32 $0x5  }
0x4: {  	s17 =	simm.s32 $0x14000;
	s28 =	simm.s32 $0x1;
	s29 =	simm.s32 $0x2  }
0x5: {  	s30 =	simm.s32 $0x3;
	s31 =	simm.s32 $0x0;
	[smem:$0x7FF] =	sst s3  }
0x6: {  	s2 =	sand.u32 $0x1, s2;
	s4 =	sadd.s32 $0x3C200, s0;
	s6 =	smul.u32 $0x14000, s11  }
0x7: {  	s13 =	sadd.s32 $0x2A200, s0;
	s14 =	sadd.s32 $0x18200, s0;
	s7 =	smul.u32 $0x50000, s11  }
0x8: {  	s10 =	smul.u32 $0x4800, s11;
	s19 =	sadd.s32 $0x3A00, s0;
	s21 =	sshll.u32 s11, $0x6  }
0x9: {  	s5 =	smul.u32 $0x140000, s2;
	_ =	strace $0x8000004D;
	s18 =	ssub.s32 $0x2, s2  }
0xa: {  	s2 =	smul.u32 $0x48000, s2;
	[dreg:$0x3] =	wrdreg s19;
	s9 =	sshrl.u32 s18, $0x1  }
0xb: {  	s20 =	sshrl.u32 s7, $0x2;
	s5 =	sadd.s32 s6, s5;
	s12 =	ssub.s32 s18, s9  }
0xc: {  	s2 =	sadd.s32 s10, s2;
	s15 =	sadd.s32 s20, s1;
	s6 =	sor.u32 $0x1C05, s21  }
0xd: {  	s21 =	simm.s32 $0x60;
	s8 =	sshrl.u32 s5, $0x3;
	s22 =	sshrl.u32 s2, $0x3  }
0xe: {  	s2 =	sadd.s32 $0x800, s2;
	s12 =	smax.u32 s12, $0x1;
	s15 =	sshrl.u32 s15, $0x3  }
0xf: {  	s0 =	sadd.s32 s8, s0;
	s23 =	sadd.s32 s13, s22;
	s24 =	sadd.s32 s14, s22  }
0x10: {  	s25 =	sor.u32 $0x80, s22;
	s26 =	sshrl.u32 s2, $0x3;
	[dreg:$0x4] =	wrdreg s23  }
0x11: {  	s22 =	simm.s32 $0x15000;
	[dreg:$0x5] =	wrdreg s24;
	s9 =	sadd.s32 s13, s25  }
0x12: {  	s10 =	sadd.s32 s14, s25;
	s11 =	sadd.s32 $0x64200, s0;
	s2 =	sadd.s32 s26, s14  }
0x13: {  	s0 =	sadd.s32 s26, s13;
	s24 =	simm.s32 $0x18000;
	s26 =	simm.s32 $0x1B000  }
.LBB2_1:
0x14: {  	s5 =	rddreg [dreg:$0x3]  }
0x15: {  	[spmem:s15], [sflag:s6] =	dma.local [hbm:s5], $0x2800  }
0x16: {  	_ =	swait.ge [sflag:s16], $0x2800  }
0x17: {  	[sflag:s16] =	ssyncset.done $0x0  }
0x18: {  	s14 =	rddreg [dreg:$0x4];
	[sflag:s16] =	ssyncadd.s32 $0xFFFFD800  }
0x19: {  	[tilespmem:s17], [sflag:$0x5] =	stream.linear.gather [hbm4b:s14+s3], $0x300, $0x38;
	[tilespmem:$0x1E000] =	vst v63  }
0x1a: {  	_ =	swait.ge [sflag:s16], $0x300  }
0x1b: {  	[sflag:s16] =	ssyncset.done $0x0  }
0x1c: {  	s7 =	simm.s32 $0x14800;
	s18 =	rddreg [dreg:$0x5];
	[sflag:s16] =	ssyncadd.s32 $0xFFFFFD00  }
0x1d: {  	[tilespmem:s7], [sflag:$0x5] =	stream.linear.gather [hbm4b:s18+s3], $0x300, $0x38;
	[tilespmem:$0x1E000] =	vst v63  }
0x1e: {  	_ =	swait.ge [sflag:s16], $0x300  }
0x1f: {  	[sflag:s16] =	ssyncset.done $0x0  }
0x20: {  	s19 =	simm.s32 $0x14400;
	[sflag:s16] =	ssyncadd.s32 $0xFFFFFD00  }
0x21: {  	[tilespmem:s19], [sflag:$0x4] =	stream.linear.gather [hbm4b:s9+s3], $0x300, $0x38;
	[tilespmem:$0x1E000] =	vst v63  }
0x22: {  	s20 =	simm.s32 $0x14C00  }
0x23: {  	[tilespmem:s20], [sflag:$0x4] =	stream.linear.gather [hbm4b:s10+s3], $0x300, $0x38;
	[tilespmem:$0x1E000] =	vst v63  }
0x24: {  	[bflag:$0x0] =	sbarrier.arrive $0xFFFF  }
0x25: {  	[tilespmem:s22], [sflag:$0x1] =	stream.indirect.gather [hbm4b:s4+s21], $0x80, s17, s21, $0xb8;
	[tilespmem:$0x1E000] =	vst v63  }
0x26: {  	s23 =	simm.s32 $0x14080;
	s25 =	simm.s32 $0x14100  }
0x27: {  	[tilespmem:s24], [sflag:$0x2] =	stream.indirect.gather [hbm4b:s4+s21], $0x80, s23, s21, $0xb8;
	[tilespmem:$0x1E000] =	vst v63  }
0x28: {  	s13 =	smov.u32 s2;
	s14 =	smov.u32 s0;
	s18 =	simm.s32 $0x0  }
0x29: {  	[tilespmem:s26], [sflag:$0x3] =	stream.indirect.gather [hbm4b:s4+s21], $0x80, s25, s21, $0xb8;
	[tilespmem:$0x1E000] =	vst v63  }
.LBB2_2:
0x2a: {  	p0 =	seq.s32 s18, $0x11  }
0x2b: {  	s19 =	simm.s32 @!p0 $0x4  }
0x2c: {  	_ =	swait.ge @!p0 [sflag:s19], $0x300  }
0x2d: {  	[sflag:s19] =	ssyncset.done @!p0 $0x0  }
0x2e: {  	[sflag:s19] =	ssyncadd.s32 @!p0 $0xFFFFFD00  }
0x2f: {  	_ =	swait.ge @!p0 [sflag:s19], $0x300  }
0x30: {  	[sflag:s19] =	ssyncset.done @!p0 $0x0  }
0x31: {  	[sflag:s19] =	ssyncadd.s32 @!p0 $0xFFFFFD00  }
0x32: {  	s23 =	sand.u32 $0x1, s18;
	_ =	swait.ge [sflag:s28], $0x3000  }
0x33: {  	s20 =	sshll.u32 s23, $0xA;
	[sflag:s28] =	ssyncset.done $0x0  }
0x34: {  	s19 =	sor.u32 $0x14800, s20;
	[sflag:s28] =	ssyncadd.s32 $0xFFFFD000  }
0x35: {  	[spmem:s1] =	stream.indirect.scatter.add.f32 [tilespmem:s22], [sflag:$0x5], $0x80, s19, s21, $0xb8;
	[tilespmem:$0x1E000] =	vst v63  }
0x36: {  	_ =	swait.ge [sflag:s16], $0x3000  }
0x37: {  	[sflag:s16] =	ssyncset.done $0x0  }
0x38: {  	s25 =	sor.u32 $0x14180, s20;
	[sflag:s16] =	ssyncadd.s32 $0xFFFFD000  }
0x39: {  	[tilespmem:s22], [sflag:$0x1] =	stream.indirect.gather [hbm4b:s4+s21], $0x80, s25, s21, $0xb8;
	[tilespmem:$0x1E000] =	vst v63  }
0x3a: {  	_ =	swait.ge [sflag:s29], $0x3000  }
0x3b: {  	[sflag:s29] =	ssyncset.done $0x0  }
0x3c: {  	s7 =	sor.u32 $0x14880, s20;
	[sflag:s29] =	ssyncadd.s32 $0xFFFFD000  }
0x3d: {  	[spmem:s1] =	stream.indirect.scatter.add.f32 [tilespmem:s24], [sflag:$0x5], $0x80, s7, s21, $0xb8;
	[tilespmem:$0x1E000] =	vst v63  }
0x3e: {  	_ =	swait.ge [sflag:s16], $0x3000  }
0x3f: {  	[sflag:s16] =	ssyncset.done $0x0  }
0x40: {  	s8 =	sor.u32 $0x14200, s20;
	[sflag:s16] =	ssyncadd.s32 $0xFFFFD000  }
0x41: {  	[tilespmem:s24], [sflag:$0x2] =	stream.indirect.gather [hbm4b:s4+s21], $0x80, s8, s21, $0xb8;
	[tilespmem:$0x1E000] =	vst v63  }
0x42: {  	_ =	swait.ge [sflag:s30], $0x3000  }
0x43: {  	[sflag:s30] =	ssyncset.done $0x0  }
0x44: {  	s5 =	sor.u32 $0x14900, s20;
	[sflag:s30] =	ssyncadd.s32 $0xFFFFD000  }
0x45: {  	[spmem:s1] =	stream.indirect.scatter.add.f32 [tilespmem:s26], [sflag:$0x5], $0x80, s5, s21, $0xb8;
	[tilespmem:$0x1E000] =	vst v63  }
0x46: {  	_ =	swait.ge [sflag:s16], $0x3000  }
0x47: {  	[sflag:s16] =	ssyncset.done $0x0  }
0x48: {  	s7 =	sor.u32 $0x14280, s20;
	[sflag:s16] =	ssyncadd.s32 $0xFFFFD000  }
0x49: {  	[tilespmem:s26], [sflag:$0x3] =	stream.indirect.gather [hbm4b:s4+s21], $0x80, s7, s21, $0xb8;
	[tilespmem:$0x1E000] =	vst v63  }
0x4a: {  	_ =	swait.ge [sflag:s28], $0x3000  }
0x4b: {  	[sflag:s28] =	ssyncset.done $0x0  }
0x4c: {  	s8 =	sor.u32 $0x14980, s20;
	[sflag:s28] =	ssyncadd.s32 $0xFFFFD000  }
0x4d: {  	[spmem:s1] =	stream.indirect.scatter.add.f32 [tilespmem:s22], [sflag:$0x5], $0x80, s8, s21, $0xb8;
	[tilespmem:$0x1E000] =	vst v63  }
0x4e: {  	_ =	swait.ge [sflag:s16], $0x3000  }
0x4f: {  	[sflag:s16] =	ssyncset.done $0x0  }
0x50: {  	s25 =	simm.s32 @p0 $0x2;
	[sflag:s16] =	ssyncadd.s32 $0xFFFFD000  }
0x51: {  	_ =	swait.ge @p0 [sflag:s25], $0x3000  }
0x52: {  	s5 =	sor.u32 $0x200, s20;
	s7 =	simm.s32 @p0 $0x60;
	[sflag:s25] =	ssyncset.done @p0 $0x0  }
0x53: {  	s8 =	simm.s32 @p0 $0x18000;
	[sflag:s25] =	ssyncadd.s32 @p0 $0xFFFFD000;
	s25 =	sor.u32 @p0 $0x14800, s5  }
0x54: {  	[spmem:s1] =	stream.indirect.scatter.add.f32 @p0 [tilespmem:s8], [sflag:$0x5], $0x80, s25, s7, $0xb8;
	[tilespmem:$0x1E000] =	vst v63  }
0x55: {  	s7 =	simm.s32 @p0 $0x5  }
0x56: {  	_ =	swait.ge @p0 [sflag:s7], $0x3000  }
0x57: {  	s8 =	sxor.u32 $0x1, s23;
	[sflag:s7] =	ssyncset.done @p0 $0x0  }
0x58: {  	[sflag:s7] =	ssyncadd.s32 @p0 $0xFFFFD000;
	s7 =	sshll.u32 @!p0 s8, $0xA  }
0x59: {  	s23 =	simm.s32 @!p0 $0x60;
	s25 =	simm.s32 @!p0 $0x15000;
	s8 =	sor.u32 @!p0 $0x14000, s7  }
0x5a: {  	[tilespmem:s25], [sflag:$0x1] =	stream.indirect.gather @!p0 [hbm4b:s4+s23], $0x80, s8, s23, $0xb8;
	[tilespmem:$0x1E000] =	vst v63  }
0x5b: {  	s8 =	simm.s32 @!p0 $0x2  }
0x5c: {  	_ =	swait.ge @!p0 [sflag:s8], $0x3000  }
0x5d: {  	[sflag:s8] =	ssyncset.done @!p0 $0x0  }
0x5e: {  	s5 =	sor.u32 @!p0 $0x14800, s5;
	[sflag:s8] =	ssyncadd.s32 @!p0 $0xFFFFD000;
	s8 =	simm.s32 @!p0 $0x18000  }
0x5f: {  	[spmem:s1] =	stream.indirect.scatter.add.f32 @!p0 [tilespmem:s8], [sflag:$0x5], $0x80, s5, s23, $0xb8;
	[tilespmem:$0x1E000] =	vst v63  }
0x60: {  	s5 =	simm.s32 @!p0 $0x5  }
0x61: {  	_ =	swait.ge @!p0 [sflag:s5], $0x3000  }
0x62: {  	[sflag:s5] =	ssyncset.done @!p0 $0x0  }
0x63: {  	[sflag:s5] =	ssyncadd.s32 @!p0 $0xFFFFD000;
	s5 =	sor.u32 @!p0 $0x14080, s7  }
0x64: {  	[tilespmem:s8], [sflag:$0x2] =	stream.indirect.gather @!p0 [hbm4b:s4+s23], $0x80, s5, s23, $0xb8;
	[tilespmem:$0x1E000] =	vst v63  }
0x65: {  	_ =	swait.ge [sflag:s30], $0x3000  }
0x66: {  	s25 =	sor.u32 $0x280, s20;
	[sflag:s30] =	ssyncset.done $0x0  }
0x67: {  	s5 =	sor.u32 $0x14800, s25;
	[sflag:s30] =	ssyncadd.s32 $0xFFFFD000  }
0x68: {  	[spmem:s1] =	stream.indirect.scatter.add.f32 [tilespmem:s26], [sflag:$0x5], $0x80, s5, s21, $0xb8;
	[tilespmem:$0x1E000] =	vst v63  }
0x69: {  	p1 =	sgt.u32 @!p0 s18, $0xF;
	_ =	swait.ge [sflag:s16], $0x3000  }
0x6a: {  	p1 =	por p1, p0;
	[sflag:s16] =	ssyncset.done $0x0  }
0x6b: {  	s5 =	sor.u32 @!p0 $0x14100, s7;
	s7 =	simm.s32 @!p0 $0x1B000;
	[sflag:s16] =	ssyncadd.s32 $0xFFFFD000  }
0x6c: {  	[tilespmem:s7], [sflag:$0x3] =	stream.indirect.gather @!p0 [hbm4b:s4+s23], $0x80, s5, s23, $0xb8;
	[tilespmem:$0x1E000] =	vst v63  }
0x6d: {  	s5 =	sor.u32 @!p1 $0x14000, s20;
	s7 =	simm.s32 @!p1 $0x0  }
0x6e: {  	[tilespmem:s5], [sflag:$0x4] =	stream.linear.gather @!p1 [hbm4b:s14+s7], $0x300, $0x38;
	[tilespmem:$0x1E000] =	vst v63  }
0x6f: {  	s18 =	sadd.s32 @!p0 $0x1, s18  }
0x70: {  	[tilespmem:s19], [sflag:$0x4] =	stream.linear.gather @!p1 [hbm4b:s13+s7], $0x300, $0x38;
	[tilespmem:$0x1E000] =	vst v63  }
0x71: {  	p1 =	sne.s32 @!p0 s18, $0x12  }
0x72: {  	p1 =	por p0, !p1  }
.Ltmp0:
0x73: {  	_ = 	snop;
	(pc) =	sbr.rel @!p1 .LBB2_2-.Ltmp0, $2  }
0x74: {  	_ =	sdelay $0x2  }
0x75: {  	s14 =	sadd.s32 @!p0 $0x80, s14;
	s13 =	sadd.s32 @!p0 $0x80, s13  }
0x76: {  	s31 =	sadd.s32 $0x1, s31  }
0x77: {  	p0 =	sne.s32 s31, s12  }
.Ltmp1:
0x78: {  	[bflag:$0x0] =	sbarrier.arrive $0xFFFF;
	(pc) =	sbr.rel @p0 .LBB2_1-.Ltmp1, $4  }
0x79: {  	[hbm:s11], [sflag:s6] =	dma.local [spmem:s15], $0x2800  }
0x7a: {  	_ =	swait.ge [sflag:s16], $0x2800  }
0x7b: {  	[sflag:s16] =	ssyncset.done $0x0  }
0x7c: {  	[sflag:s16] =	ssyncadd.s32 $0xFFFFD800  }
0x7d: {  	_ =	sfence.sel $0x180000  }
0x7e: {  	[bflag:$0x0] =	sbarrier.arrive $0xFFFF  }
0x7f: {  	_ =	strace $0x9000004D  }
0x80: {  	s0 =	stileid.u32;
	[bflag:$0x2] =	sbarrier.arrive $0xFFFF  }
0x81: {  	p0 =	sne.s32 s0, $0x0;
	s0 =	rddreg [dreg:$0x2]  }
0x82: {  	s0 =	sadd.s32 @!p0 $0x100000, s0  }
0x83: {  	[sflag:s0] =	ssyncadd.tile.s32 @!p0 $0x1;
	_ =	shalt  }
.Lfunc_end2:
_tile_overlayer_lowered:
.L_overlay_start_2:
0x84: {  	(tag) =	ssettag $0x2  }
0x85: {  	s0 =	rddreg [dreg:$0x0];
	s2 =	stileid.u32  }
0x86: {  	s1 =	rddreg [dreg:$0x1];
	p0 =	sne.s32 s2, $0x0  }
0x87: {  	s3 =	rddreg [dreg:$0x2];
	[bflag:$0x3] =	sbarrier.arrive $0xFFFF;
	s2 =	simm.s32 @!p0 $0x1C05  }
0x88: {  	[timem:s3], [sflag:s2] =	dma.local @!p0 [hbm:s0], s1  }
0x89: {  	s0 =	simm.s32 @!p0 $0x5  }
0x8a: {  	_ =	swait.ge @!p0 [sflag:s0], s1  }
0x8b: {  	s1 =	ssub.s32 @!p0 $0x0, s1;
	[sflag:s0] =	ssyncset.done @!p0 $0x0  }
0x8c: {  	[sflag:s0] =	ssyncadd.s32 @!p0 s1  }
0x8d: {  	[bflag:$0x3] =	sbarrier.arrive $0xFFFF  }
0x8e: {  	_ =	shalt  }

// kernel: kernel.19.cloned.1.call-start
scs
__scs_entry_jumppad:
0x0: {  	(pc) =	sbr.rel $0x88, $3  }
0x1: {  	(tag) =	ssettag $0x0;
	lr =	simm.s32 $0x1  }
0x2: {  	[smem:$0x3F95] =	sst lr;
	_ =	strace $0xD0000000  }
0x3: {  	_ = 	snop  }
0x4: {  	_ = 	snop  }
0x5: {  	_ = 	snop  }
0x6: {  	_ = 	snop  }
0x7: {  	_ = 	snop  }
__scs_overlays_trampoline_lowered:
0x8: {  	[smem:$0x3FA4] =	sst s0  }
0x9: {  	[smem:$0x3FA5] =	sst s1  }
0xa: {  	[smem:$0x3FA6] =	sst s2  }
0xb: {  	[smem:$0x3FA7] =	sst s3  }
0xc: {  	[smem:$0x3FA8] =	sst s4  }
0xd: {  	[smem:$0x3FA9] =	sst s5  }
0xe: {  	[smem:$0x3FAA] =	sst s6  }
0xf: {  	[smem:$0x3FAB] =	sst s7  }
0x10: {  	[smem:$0x3FAC] =	sst s8  }
0x11: {  	[smem:$0x3FAD] =	sst s9;
	s0 =	simm.s32 @!p0 $0x0  }
0x12: {  	s1 =	sld [smem:$0x3F93];
	s0 =	simm.s32 @p0 $0x1  }
0x13: {  	[smem:$0x3FAE] =	sst s0;
	s0 =	simm.s32 @!p1 $0x0  }
0x14: {  	s2 =	sld [smem:$0x3F92];
	s0 =	simm.s32 @p1 $0x1  }
0x15: {  	[smem:$0x3FAF] =	sst s0;
	s0 =	simm.s32 @!p2 $0x0  }
0x16: {  	s3 =	sld [smem:$0x3FDB];
	s0 =	simm.s32 @p2 $0x1  }
0x17: {  	s4 =	simm.s32 $0x1BF5;
	[smem:$0x3FB1] =	sst s0  }
0x18: {  	s0 =	sld [smem:$0x3F94];
	_ =	swait.ge [sflag:s4], $0x0  }
0x19: {  	s7 =	sld [smem:$0x3F95]  }
0x1a: {  	s8 =	sadd.s32 $0xFFFFE003, lr  }
0x1b: {  	s9 =	sadd.s32 $0xFFFFFEF7, lr;
	s5 =	simm.s32 $0xFFFFFFFF;
	p2 =	slt.u32 s8, $0xFFFFF086  }
0x1c: {  	p1 =	slt.u32 s9, $0xF7A;
	s5 =	simm.s32 @!p2 $0x0  }
0x1d: {  	s5 =	simm.s32 @p1 $0x1;
	p0 =	seq.s32 s7, s2  }
0x1e: {  	s7 =	smul.u32 @!p0 $0xF7A, s2;
	p2 =	seq.s32 @!p0 s5, $0x0  }
0x1f: {  	s9 =	smul.u32 $0xF7A, s1;
	s8 =	simm.s32 @!p0 $0x1BF5;
	p2 =	por !p2, p0  }
0x20: {  	[sflag:s8] =	ssyncset.s32 @!p0 $0xFFFFF086;
	s6 =	sadd.s32 @!p0 s3, s7;
	s7 =	simm.s32 @!p0 $0x108  }
0x21: {  	s3 =	sadd.s32 s3, s9;
	s6 =	sadd.s32 @!p0 $0x88, s6;
	s7 =	simm.s32 @p2 $0x1082  }
0x22: {  	[simem:s7], [sflag:s8] =	dma.local @!p0 [hbm:s6], $0xF7A  }
0x23: {  	s9 =	sor.u32 $0xD0000000, s2;
	s6 =	simm.s32 $0x108;
	_ =	swait.ge @!p0 [sflag:s8], $0x0  }
0x24: {  	s3 =	sadd.s32 $0x88, s3;
	s6 =	simm.s32 @!p1 $0x1082;
	[sflag:s4] =	ssyncset.s32 $0xFFFFF086  }
0x25: {  	[simem:s6], [sflag:s4] =	dma.local [hbm:s3], $0xF7A  }
0x26: {  	[smem:$0x3F95] =	sst s1;
	(tag) =	ssettag s2;
	_ =	strace s9  }
0x27: {  	s1 =	sld [smem:$0x3FA5]  }
0x28: {  	s2 =	sld [smem:$0x3FA6]  }
0x29: {  	s4 =	sld [smem:$0x3FA8]  }
0x2a: {  	p0 =	seq.s32 s5, $0x0;
	s5 =	sld [smem:$0x3FA9]  }
0x2b: {  	s6 =	sld [smem:$0x3FAA]  }
0x2c: {  	s7 =	sld [smem:$0x3FAB]  }
0x2d: {  	s3 =	simm.s32 $0x108;
	s8 =	sld [smem:$0x3FAC]  }
0x2e: {  	s3 =	simm.s32 @!p0 $0x1082;
	s9 =	sld [smem:$0x3FAD]  }
0x2f: {  	lr =	sadd.s32 s0, s3;
	s0 =	sld [smem:$0x3FA4]  }
0x30: {  	s3 =	sld [smem:$0x3FA7]  }
0x31: {  	[smem:$0x3FB0] =	sst s10  }
0x32: {  	s10 =	sld [smem:$0x3FAE];
	_ =	sdelay $0x3  }
0x33: {  	p0 =	seq.s32 s10, $0x1;
	s10 =	sld [smem:$0x3FB0];
	_ =	sdelay $0x3  }
0x34: {  	[smem:$0x3FB0] =	sst s10  }
0x35: {  	s10 =	sld [smem:$0x3FAF];
	_ =	sdelay $0x3  }
0x36: {  	p1 =	seq.s32 s10, $0x1;
	s10 =	sld [smem:$0x3FB0];
	_ =	sdelay $0x3  }
0x37: {  	[smem:$0x3FB0] =	sst s10  }
0x38: {  	s10 =	sld [smem:$0x3FB1]  }
0x39: {  	_ = 	snop;
	(pc) =	sbr.ind lr, $3  }
0x3a: {  	_ = 	snop  }
0x3b: {  	_ = 	snop  }
0x3c: {  	p2 =	seq.s32 s10, $0x1;
	s10 =	sld [smem:$0x3FB0]  }
0x3d: {  	_ =	shalt  }
0x3e: {  	_ =	shalt  }
0x3f: {  	_ =	shalt  }
0x40: {  	_ =	shalt  }
0x41: {  	_ =	shalt  }
0x42: {  	_ =	shalt  }
0x43: {  	_ =	shalt  }
0x44: {  	_ =	shalt  }
0x45: {  	_ =	shalt  }
0x46: {  	_ =	shalt  }
0x47: {  	_ =	shalt  }
0x48: {  	_ =	shalt  }
0x49: {  	_ =	shalt  }
0x4a: {  	_ =	shalt  }
0x4b: {  	_ =	shalt  }
0x4c: {  	_ =	shalt  }
0x4d: {  	_ =	shalt  }
0x4e: {  	_ =	shalt  }
0x4f: {  	_ =	shalt  }
0x50: {  	_ =	shalt  }
0x51: {  	_ =	shalt  }
0x52: {  	_ =	shalt  }
0x53: {  	_ =	shalt  }
0x54: {  	_ =	shalt  }
0x55: {  	_ =	shalt  }
0x56: {  	_ =	shalt  }
0x57: {  	_ =	shalt  }
0x58: {  	_ =	shalt  }
0x59: {  	_ =	shalt  }
0x5a: {  	_ =	shalt  }
0x5b: {  	_ =	shalt  }
0x5c: {  	_ =	shalt  }
0x5d: {  	_ =	shalt  }
0x5e: {  	_ =	shalt  }
0x5f: {  	_ =	shalt  }
0x60: {  	_ =	shalt  }
0x61: {  	_ =	shalt  }
0x62: {  	_ =	shalt  }
0x63: {  	_ =	shalt  }
0x64: {  	_ =	shalt  }
0x65: {  	_ =	shalt  }
0x66: {  	_ =	shalt  }
0x67: {  	_ =	shalt  }
0x68: {  	_ =	shalt  }
0x69: {  	_ =	shalt  }
0x6a: {  	_ =	shalt  }
0x6b: {  	_ =	shalt  }
0x6c: {  	_ =	shalt  }
0x6d: {  	_ =	shalt  }
0x6e: {  	_ =	shalt  }
0x6f: {  	_ =	shalt  }
0x70: {  	_ =	shalt  }
0x71: {  	_ =	shalt  }
0x72: {  	_ =	shalt  }
0x73: {  	_ =	shalt  }
0x74: {  	_ =	shalt  }
0x75: {  	_ =	shalt  }
0x76: {  	_ =	shalt  }
0x77: {  	_ =	shalt  }
0x78: {  	_ =	shalt  }
0x79: {  	_ =	shalt  }
0x7a: {  	_ =	shalt  }
0x7b: {  	_ =	shalt  }
0x7c: {  	_ =	shalt  }
0x7d: {  	_ =	shalt  }
0x7e: {  	_ =	shalt  }
0x7f: {  	_ =	shalt  }
0x80: {  	_ =	shalt  }
0x81: {  	_ =	shalt  }
0x82: {  	_ =	shalt  }
0x83: {  	_ =	shalt  }
0x84: {  	_ =	shalt  }
0x85: {  	_ =	shalt  }
0x86: {  	_ =	shalt  }
0x87: {  	_ =	shalt  }
.Lfunc_end0:
.L_simem_size_0:
called_computation.3_lowered:
.L_overlay_start_0:
0x88: {  	s2 =	sld [smem:$0x3FD9]  }
0x89: {  	s3 =	sld [smem:$0x3FFE];
	_ =	sdelay $0x1  }
0x8a: {  	s1 =	srdreg.scid  }
0x8b: {  	s0 =	sand.u32 $0x1, s1  }
0x8c: {  	s16 =	sshll.u32 s0, $0xA;
	s2 =	sadd.s32 s3, s2  }
0x8d: {  	s2 =	sadd.s32 s2, s16  }
0x8e: {  	[smem:$0x3FBC] =	sst s2  }
0x8f: {  	_ = 	snop  }
0x90: {  	(tm) =	ssettm $0x1  }
0x91: {  	s17 =	sld [smem:$0x3FFB];
	_ =	sdelay $0x3  }
0x92: {  	_ =	strace s17  }
0x93: {  	s2 =	sld [smem:$0x3FFC];
	_ =	sdelay $0x3  }
0x94: {  	_ =	strace s2  }
0x95: {  	s2 =	sld [smem:$0x3FFD];
	_ =	sdelay $0x3  }
0x96: {  	_ =	strace s2  }
0x97: {  	_ =	strace $0x8FFFFFFF  }
0x98: {  	s18 =	sld [smem:$0x3FDB];
	_ =	sdelay $0x1  }
0x99: {  	s19 =	simm.s32 $_scs_section_size  }
0x9a: {  	s4 =	simm.s32 $_size__tile_overlayer_lowered;
	s5 =	simm.s32 $_tile_overlayer_lowered  }
0x9b: {  	s22 =	simm.s32 $0x1BFF;
	s21 =	sshll.u32 s5, $0x1;
	s2 =	sadd.s32 s19, s18  }
0x9c: {  	s6 =	simm.s32 $0x0;
	s20 =	sshll.u32 s4, $0x1;
	s4 =	sadd.s32 s21, s2  }
0x9d: {  	[timem:s6], [sflag:s22] =	dma.local [hbm:s4], s20  }
0x9e: {  	_ =	swait.ge [sflag:s22], s20  }
0x9f: {  	s3 =	ssub.s32 $0x0, s20;
	[sflag:s22] =	ssyncset.done $0x0  }
0xa0: {  	[sflag:s22] =	ssyncadd.s32 s3;
	_ =	sdelay $0x1  }
0xa1: {  	s23 =	simm.s32 $0x1B8B  }
0xa2: {  	_ =	swait.ge [sflag:s23], $0x1  }
0xa3: {  	[sflag:s23] =	ssyncset.done $0x0  }
0xa4: {  	s25 =	simm.s32 $0x1B8E;
	s24 =	sld [smem:$0x3FFE];
	[sflag:s23] =	ssyncadd.s32 $0xFFFFFFFF  }
0xa5: {  	s26 =	simm.s32 $execute0_lowered;
	[smem:$0x3FD2] =	sst s25  }
0xa6: {  	s4 =	sshll.u32 s26, $0x1;
	_ =	strace $0x8000004F;
	[dreg:$0x1] =	wrdreg $0xFFFFFFFF  }
0xa7: {  	s28 =	simm.s32 $_size_execute0_lowered;
	s2 =	sadd.s32 s2, s4;
	[dreg:$0x0] =	wrdreg $0x0  }
0xa8: {  	s4 =	sshll.u32 s28, $0x1;
	[dreg:$0x2] =	wrdreg s2  }
0xa9: {  	[dreg:$0x3] =	wrdreg s4  }
0xaa: {  	[dreg:$0x4] =	wrdreg $0xC0  }
0xab: {  	_ =	task [dreg:s6], $0x5FFFF  }
0xac: {  	[dreg:$0x1] =	wrdreg $0xFFFFFFFF  }
0xad: {  	[dreg:$0x0] =	wrdreg $0x60  }
0xae: {  	[dreg:$0x2] =	wrdreg s24  }
0xaf: {  	[dreg:$0x3] =	wrdreg $0x0  }
0xb0: {  	[dreg:$0x4] =	wrdreg $0x9  }
0xb1: {  	_ =	task.clear_ibuf [dreg:s6], $0x5FFFF;
	_ =	strace $0x9000004F  }
0xb2: {  	s29 =	simm.s32 $0x9;
	_ =	strace $0x80000051  }
0xb3: {  	_ =	swait.ge [sflag:s29], $0x1  }
0xb4: {  	[sflag:s29] =	ssyncadd.s32 $0xFFFFFFFF  }
0xb5: {  	_ =	strace $0x90000051  }
0xb6: {  	_ =	sfence  }
0xb7: {  	s30 =	sld [smem:$0x0];
	_ =	sdelay $0x2  }
0xb8: {  	s31 =	sshll.u32 s1, $0xD;
	s1 =	sshrl.u32 s1, $0x2  }
0xb9: {  	s3 =	sand.u32 $0x4000, s31;
	s1 =	sadd.s32 s1, s30  }
0xba: {  	s0 =	sor.u32 s3, s0;
	s1 =	sshll.u32 s1, $0x11  }
0xbb: {  	s0 =	sor.u32 s1, s0  }
0xbc: {  	s0 =	sadd.s32 $0x8F2B, s0  }
0xbd: {  	[sflag:s0] =	ssyncadd.remote.s32 $0x1  }
0xbe: {  	_ =	sfence.sel $0xFFFF  }
0xbf: {  	[dreg:$0x0] =	wrdreg $0xFFFFFFFF;
	(pc) =	sbr.abs _section_cstart, $3  }
0xc0: {  	[dreg:$0x1] =	wrdreg $0xFFFFFFFF  }
0xc1: {  	_ =	task.clear_ibuf [dreg:s6], $0x2FFFF;
	_ =	strace $0x9FFFFFFF  }
0xc2: {  	(tm) =	ssettm $0x7FFFFFFF  }
0xc3: {  	_ =	shalt  }
tec
execute0_lowered:
.L_overlay_start_1:
0x0: {  	(tag) =	ssettag $0x1  }
0x1: {  	s0 =	rddreg [dreg:$0x0]  }
0x2: {  	s1 =	rddreg [dreg:$0x1];
	s3 =	simm.s32 $0x0  }
0x3: {  	s2 =	srdreg.scid;
	s11 =	stileid.u32;
	s16 =	simm.s32 $0x5  }
0x4: {  	s17 =	simm.s32 $0x14000;
	s28 =	simm.s32 $0x1;
	s29 =	simm.s32 $0x2  }
0x5: {  	s30 =	simm.s32 $0x3;
	s31 =	simm.s32 $0x0;
	[smem:$0x7FF] =	sst s3  }
0x6: {  	s2 =	sand.u32 $0x1, s2;
	s4 =	sadd.s32 $0x3C200, s0;
	s6 =	smul.u32 $0x14000, s11  }
0x7: {  	s13 =	sadd.s32 $0x2A200, s0;
	s14 =	sadd.s32 $0x18200, s0;
	s7 =	smul.u32 $0x50000, s11  }
0x8: {  	s10 =	smul.u32 $0x4800, s11;
	s19 =	sadd.s32 $0x3A00, s0;
	s21 =	sshll.u32 s11, $0x6  }
0x9: {  	s5 =	smul.u32 $0x140000, s2;
	_ =	strace $0x80000050;
	s18 =	ssub.s32 $0x2, s2  }
0xa: {  	s2 =	smul.u32 $0x48000, s2;
	[dreg:$0x3] =	wrdreg s19;
	s9 =	sshrl.u32 s18, $0x1  }
0xb: {  	s20 =	sshrl.u32 s7, $0x2;
	s5 =	sadd.s32 s6, s5;
	s12 =	ssub.s32 s18, s9  }
0xc: {  	s2 =	sadd.s32 s10, s2;
	s15 =	sadd.s32 s20, s1;
	s6 =	sor.u32 $0x1C05, s21  }
0xd: {  	s21 =	simm.s32 $0x60;
	s8 =	sshrl.u32 s5, $0x3;
	s22 =	sshrl.u32 s2, $0x3  }
0xe: {  	s2 =	sadd.s32 $0x800, s2;
	s12 =	smax.u32 s12, $0x1;
	s15 =	sshrl.u32 s15, $0x3  }
0xf: {  	s0 =	sadd.s32 s8, s0;
	s23 =	sadd.s32 s13, s22;
	s24 =	sadd.s32 s14, s22  }
0x10: {  	s25 =	sor.u32 $0x80, s22;
	s26 =	sshrl.u32 s2, $0x3;
	[dreg:$0x4] =	wrdreg s23  }
0x11: {  	s22 =	simm.s32 $0x15000;
	[dreg:$0x5] =	wrdreg s24;
	s9 =	sadd.s32 s13, s25  }
0x12: {  	s10 =	sadd.s32 s14, s25;
	s11 =	sadd.s32 $0x64200, s0;
	s2 =	sadd.s32 s26, s14  }
0x13: {  	s0 =	sadd.s32 s26, s13;
	s24 =	simm.s32 $0x18000;
	s26 =	simm.s32 $0x1B000  }
.LBB2_1:
0x14: {  	s5 =	rddreg [dreg:$0x3]  }
0x15: {  	[spmem:s15], [sflag:s6] =	dma.local [hbm:s5], $0x2800  }
0x16: {  	_ =	swait.ge [sflag:s16], $0x2800  }
0x17: {  	[sflag:s16] =	ssyncset.done $0x0  }
0x18: {  	s14 =	rddreg [dreg:$0x4];
	[sflag:s16] =	ssyncadd.s32 $0xFFFFD800  }
0x19: {  	[tilespmem:s17], [sflag:$0x5] =	stream.linear.gather [hbm4b:s14+s3], $0x300, $0x38;
	[tilespmem:$0x1E000] =	vst v63  }
0x1a: {  	_ =	swait.ge [sflag:s16], $0x300  }
0x1b: {  	[sflag:s16] =	ssyncset.done $0x0  }
0x1c: {  	s7 =	simm.s32 $0x14800;
	s18 =	rddreg [dreg:$0x5];
	[sflag:s16] =	ssyncadd.s32 $0xFFFFFD00  }
0x1d: {  	[tilespmem:s7], [sflag:$0x5] =	stream.linear.gather [hbm4b:s18+s3], $0x300, $0x38;
	[tilespmem:$0x1E000] =	vst v63  }
0x1e: {  	_ =	swait.ge [sflag:s16], $0x300  }
0x1f: {  	[sflag:s16] =	ssyncset.done $0x0  }
0x20: {  	s19 =	simm.s32 $0x14400;
	[sflag:s16] =	ssyncadd.s32 $0xFFFFFD00  }
0x21: {  	[tilespmem:s19], [sflag:$0x4] =	stream.linear.gather [hbm4b:s9+s3], $0x300, $0x38;
	[tilespmem:$0x1E000] =	vst v63  }
0x22: {  	s20 =	simm.s32 $0x14C00  }
0x23: {  	[tilespmem:s20], [sflag:$0x4] =	stream.linear.gather [hbm4b:s10+s3], $0x300, $0x38;
	[tilespmem:$0x1E000] =	vst v63  }
0x24: {  	[bflag:$0x0] =	sbarrier.arrive $0xFFFF  }
0x25: {  	[tilespmem:s22], [sflag:$0x1] =	stream.indirect.gather [hbm4b:s4+s21], $0x80, s17, s21, $0xb8;
	[tilespmem:$0x1E000] =	vst v63  }
0x26: {  	s23 =	simm.s32 $0x14080;
	s25 =	simm.s32 $0x14100  }
0x27: {  	[tilespmem:s24], [sflag:$0x2] =	stream.indirect.gather [hbm4b:s4+s21], $0x80, s23, s21, $0xb8;
	[tilespmem:$0x1E000] =	vst v63  }
0x28: {  	s13 =	smov.u32 s2;
	s14 =	smov.u32 s0;
	s18 =	simm.s32 $0x0  }
0x29: {  	[tilespmem:s26], [sflag:$0x3] =	stream.indirect.gather [hbm4b:s4+s21], $0x80, s25, s21, $0xb8;
	[tilespmem:$0x1E000] =	vst v63  }
.LBB2_2:
0x2a: {  	p0 =	seq.s32 s18, $0x11  }
0x2b: {  	s19 =	simm.s32 @!p0 $0x4  }
0x2c: {  	_ =	swait.ge @!p0 [sflag:s19], $0x300  }
0x2d: {  	[sflag:s19] =	ssyncset.done @!p0 $0x0  }
0x2e: {  	[sflag:s19] =	ssyncadd.s32 @!p0 $0xFFFFFD00  }
0x2f: {  	_ =	swait.ge @!p0 [sflag:s19], $0x300  }
0x30: {  	[sflag:s19] =	ssyncset.done @!p0 $0x0  }
0x31: {  	[sflag:s19] =	ssyncadd.s32 @!p0 $0xFFFFFD00  }
0x32: {  	s23 =	sand.u32 $0x1, s18;
	_ =	swait.ge [sflag:s28], $0x3000  }
0x33: {  	s20 =	sshll.u32 s23, $0xA;
	[sflag:s28] =	ssyncset.done $0x0  }
0x34: {  	s19 =	sor.u32 $0x14800, s20;
	[sflag:s28] =	ssyncadd.s32 $0xFFFFD000  }
0x35: {  	[spmem:s1] =	stream.indirect.scatter.add.f32 [tilespmem:s22], [sflag:$0x5], $0x80, s19, s21, $0xb8;
	[tilespmem:$0x1E000] =	vst v63  }
0x36: {  	_ =	swait.ge [sflag:s16], $0x3000  }
0x37: {  	[sflag:s16] =	ssyncset.done $0x0  }
0x38: {  	s25 =	sor.u32 $0x14180, s20;
	[sflag:s16] =	ssyncadd.s32 $0xFFFFD000  }
0x39: {  	[tilespmem:s22], [sflag:$0x1] =	stream.indirect.gather [hbm4b:s4+s21], $0x80, s25, s21, $0xb8;
	[tilespmem:$0x1E000] =	vst v63  }
0x3a: {  	_ =	swait.ge [sflag:s29], $0x3000  }
0x3b: {  	[sflag:s29] =	ssyncset.done $0x0  }
0x3c: {  	s7 =	sor.u32 $0x14880, s20;
	[sflag:s29] =	ssyncadd.s32 $0xFFFFD000  }
0x3d: {  	[spmem:s1] =	stream.indirect.scatter.add.f32 [tilespmem:s24], [sflag:$0x5], $0x80, s7, s21, $0xb8;
	[tilespmem:$0x1E000] =	vst v63  }
0x3e: {  	_ =	swait.ge [sflag:s16], $0x3000  }
0x3f: {  	[sflag:s16] =	ssyncset.done $0x0  }
0x40: {  	s8 =	sor.u32 $0x14200, s20;
	[sflag:s16] =	ssyncadd.s32 $0xFFFFD000  }
0x41: {  	[tilespmem:s24], [sflag:$0x2] =	stream.indirect.gather [hbm4b:s4+s21], $0x80, s8, s21, $0xb8;
	[tilespmem:$0x1E000] =	vst v63  }
0x42: {  	_ =	swait.ge [sflag:s30], $0x3000  }
0x43: {  	[sflag:s30] =	ssyncset.done $0x0  }
0x44: {  	s5 =	sor.u32 $0x14900, s20;
	[sflag:s30] =	ssyncadd.s32 $0xFFFFD000  }
0x45: {  	[spmem:s1] =	stream.indirect.scatter.add.f32 [tilespmem:s26], [sflag:$0x5], $0x80, s5, s21, $0xb8;
	[tilespmem:$0x1E000] =	vst v63  }
0x46: {  	_ =	swait.ge [sflag:s16], $0x3000  }
0x47: {  	[sflag:s16] =	ssyncset.done $0x0  }
0x48: {  	s7 =	sor.u32 $0x14280, s20;
	[sflag:s16] =	ssyncadd.s32 $0xFFFFD000  }
0x49: {  	[tilespmem:s26], [sflag:$0x3] =	stream.indirect.gather [hbm4b:s4+s21], $0x80, s7, s21, $0xb8;
	[tilespmem:$0x1E000] =	vst v63  }
0x4a: {  	_ =	swait.ge [sflag:s28], $0x3000  }
0x4b: {  	[sflag:s28] =	ssyncset.done $0x0  }
0x4c: {  	s8 =	sor.u32 $0x14980, s20;
	[sflag:s28] =	ssyncadd.s32 $0xFFFFD000  }
0x4d: {  	[spmem:s1] =	stream.indirect.scatter.add.f32 [tilespmem:s22], [sflag:$0x5], $0x80, s8, s21, $0xb8;
	[tilespmem:$0x1E000] =	vst v63  }
0x4e: {  	_ =	swait.ge [sflag:s16], $0x3000  }
0x4f: {  	[sflag:s16] =	ssyncset.done $0x0  }
0x50: {  	s25 =	simm.s32 @p0 $0x2;
	[sflag:s16] =	ssyncadd.s32 $0xFFFFD000  }
0x51: {  	_ =	swait.ge @p0 [sflag:s25], $0x3000  }
0x52: {  	s5 =	sor.u32 $0x200, s20;
	s7 =	simm.s32 @p0 $0x60;
	[sflag:s25] =	ssyncset.done @p0 $0x0  }
0x53: {  	s8 =	simm.s32 @p0 $0x18000;
	[sflag:s25] =	ssyncadd.s32 @p0 $0xFFFFD000;
	s25 =	sor.u32 @p0 $0x14800, s5  }
0x54: {  	[spmem:s1] =	stream.indirect.scatter.add.f32 @p0 [tilespmem:s8], [sflag:$0x5], $0x80, s25, s7, $0xb8;
	[tilespmem:$0x1E000] =	vst v63  }
0x55: {  	s7 =	simm.s32 @p0 $0x5  }
0x56: {  	_ =	swait.ge @p0 [sflag:s7], $0x3000  }
0x57: {  	s8 =	sxor.u32 $0x1, s23;
	[sflag:s7] =	ssyncset.done @p0 $0x0  }
0x58: {  	[sflag:s7] =	ssyncadd.s32 @p0 $0xFFFFD000;
	s7 =	sshll.u32 @!p0 s8, $0xA  }
0x59: {  	s23 =	simm.s32 @!p0 $0x60;
	s25 =	simm.s32 @!p0 $0x15000;
	s8 =	sor.u32 @!p0 $0x14000, s7  }
0x5a: {  	[tilespmem:s25], [sflag:$0x1] =	stream.indirect.gather @!p0 [hbm4b:s4+s23], $0x80, s8, s23, $0xb8;
	[tilespmem:$0x1E000] =	vst v63  }
0x5b: {  	s8 =	simm.s32 @!p0 $0x2  }
0x5c: {  	_ =	swait.ge @!p0 [sflag:s8], $0x3000  }
0x5d: {  	[sflag:s8] =	ssyncset.done @!p0 $0x0  }
0x5e: {  	s5 =	sor.u32 @!p0 $0x14800, s5;
	[sflag:s8] =	ssyncadd.s32 @!p0 $0xFFFFD000;
	s8 =	simm.s32 @!p0 $0x18000  }
0x5f: {  	[spmem:s1] =	stream.indirect.scatter.add.f32 @!p0 [tilespmem:s8], [sflag:$0x5], $0x80, s5, s23, $0xb8;
	[tilespmem:$0x1E000] =	vst v63  }
0x60: {  	s5 =	simm.s32 @!p0 $0x5  }
0x61: {  	_ =	swait.ge @!p0 [sflag:s5], $0x3000  }
0x62: {  	[sflag:s5] =	ssyncset.done @!p0 $0x0  }
0x63: {  	[sflag:s5] =	ssyncadd.s32 @!p0 $0xFFFFD000;
	s5 =	sor.u32 @!p0 $0x14080, s7  }
0x64: {  	[tilespmem:s8], [sflag:$0x2] =	stream.indirect.gather @!p0 [hbm4b:s4+s23], $0x80, s5, s23, $0xb8;
	[tilespmem:$0x1E000] =	vst v63  }
0x65: {  	_ =	swait.ge [sflag:s30], $0x3000  }
0x66: {  	s25 =	sor.u32 $0x280, s20;
	[sflag:s30] =	ssyncset.done $0x0  }
0x67: {  	s5 =	sor.u32 $0x14800, s25;
	[sflag:s30] =	ssyncadd.s32 $0xFFFFD000  }
0x68: {  	[spmem:s1] =	stream.indirect.scatter.add.f32 [tilespmem:s26], [sflag:$0x5], $0x80, s5, s21, $0xb8;
	[tilespmem:$0x1E000] =	vst v63  }
0x69: {  	p1 =	sgt.u32 @!p0 s18, $0xF;
	_ =	swait.ge [sflag:s16], $0x3000  }
0x6a: {  	p1 =	por p1, p0;
	[sflag:s16] =	ssyncset.done $0x0  }
0x6b: {  	s5 =	sor.u32 @!p0 $0x14100, s7;
	s7 =	simm.s32 @!p0 $0x1B000;
	[sflag:s16] =	ssyncadd.s32 $0xFFFFD000  }
0x6c: {  	[tilespmem:s7], [sflag:$0x3] =	stream.indirect.gather @!p0 [hbm4b:s4+s23], $0x80, s5, s23, $0xb8;
	[tilespmem:$0x1E000] =	vst v63  }
0x6d: {  	s5 =	sor.u32 @!p1 $0x14000, s20;
	s7 =	simm.s32 @!p1 $0x0  }
0x6e: {  	[tilespmem:s5], [sflag:$0x4] =	stream.linear.gather @!p1 [hbm4b:s14+s7], $0x300, $0x38;
	[tilespmem:$0x1E000] =	vst v63  }
0x6f: {  	s18 =	sadd.s32 @!p0 $0x1, s18  }
0x70: {  	[tilespmem:s19], [sflag:$0x4] =	stream.linear.gather @!p1 [hbm4b:s13+s7], $0x300, $0x38;
	[tilespmem:$0x1E000] =	vst v63  }
0x71: {  	p1 =	sne.s32 @!p0 s18, $0x12  }
0x72: {  	p1 =	por p0, !p1  }
.Ltmp0:
0x73: {  	_ = 	snop;
	(pc) =	sbr.rel @!p1 .LBB2_2-.Ltmp0, $2  }
0x74: {  	_ =	sdelay $0x2  }
0x75: {  	s14 =	sadd.s32 @!p0 $0x80, s14;
	s13 =	sadd.s32 @!p0 $0x80, s13  }
0x76: {  	s31 =	sadd.s32 $0x1, s31  }
0x77: {  	p0 =	sne.s32 s31, s12  }
.Ltmp1:
0x78: {  	[bflag:$0x0] =	sbarrier.arrive $0xFFFF;
	(pc) =	sbr.rel @p0 .LBB2_1-.Ltmp1, $4  }
0x79: {  	[hbm:s11], [sflag:s6] =	dma.local [spmem:s15], $0x2800  }
0x7a: {  	_ =	swait.ge [sflag:s16], $0x2800  }
0x7b: {  	[sflag:s16] =	ssyncset.done $0x0  }
0x7c: {  	[sflag:s16] =	ssyncadd.s32 $0xFFFFD800  }
0x7d: {  	_ =	sfence.sel $0x180000  }
0x7e: {  	[bflag:$0x0] =	sbarrier.arrive $0xFFFF  }
0x7f: {  	_ =	strace $0x90000050  }
0x80: {  	s0 =	stileid.u32;
	[bflag:$0x2] =	sbarrier.arrive $0xFFFF  }
0x81: {  	p0 =	sne.s32 s0, $0x0;
	s0 =	rddreg [dreg:$0x2]  }
0x82: {  	s0 =	sadd.s32 @!p0 $0x100000, s0  }
0x83: {  	[sflag:s0] =	ssyncadd.tile.s32 @!p0 $0x1;
	_ =	shalt  }
.Lfunc_end2:
_tile_overlayer_lowered:
.L_overlay_start_2:
0x84: {  	(tag) =	ssettag $0x2  }
0x85: {  	s0 =	rddreg [dreg:$0x0];
	s2 =	stileid.u32  }
0x86: {  	s1 =	rddreg [dreg:$0x1];
	p0 =	sne.s32 s2, $0x0  }
0x87: {  	s3 =	rddreg [dreg:$0x2];
	[bflag:$0x3] =	sbarrier.arrive $0xFFFF;
	s2 =	simm.s32 @!p0 $0x1C05  }
0x88: {  	[timem:s3], [sflag:s2] =	dma.local @!p0 [hbm:s0], s1  }
0x89: {  	s0 =	simm.s32 @!p0 $0x5  }
0x8a: {  	_ =	swait.ge @!p0 [sflag:s0], s1  }
0x8b: {  	s1 =	ssub.s32 @!p0 $0x0, s1;
	[sflag:s0] =	ssyncset.done @!p0 $0x0  }
0x8c: {  	[sflag:s0] =	ssyncadd.s32 @!p0 s1  }
0x8d: {  	[bflag:$0x3] =	sbarrier.arrive $0xFFFF  }
0x8e: {  	_ =	shalt  }

</sc_bundles>
